<compile_context>
chip_gen: v7x
topology: tpu7x:2x2x1
jax: 0.10.2.dev20260603
libtpu: 0.0.44.dev20260713+nightly
codegen_flags: <defaults>
</compile_context>

<pallas_src>
import functools

import jax
import jax.numpy as jnp
from jax import lax
from jax.experimental import pallas as pl
from jax.experimental.pallas import tpu as pltpu
from jax.experimental.pallas import tpu_sc as plsc

_NC = 2
_NS = 16
_NW = _NC * _NS
_L = 16

_GB = 20480


def _rne_bf16_bits(x):
    b = lax.bitcast_convert_type(x, jnp.int32)
    r = b + 0x7FFF + (lax.shift_right_logical(b, 16) & 1)
    return lax.shift_right_logical(r, 16)


def _packrows(s):
    rows = [
        _rne_bf16_bits(s[:, 512 * j:512 * j + 256])
        | (_rne_bf16_bits(s[:, 512 * j + 256:512 * j + 512]) << 16)
        for j in range(s.shape[1] // 512)
    ]
    return jnp.concatenate(rows, axis=0)


def _encode_body(ax_ref, px_ref, wa_ref, ba_ref, wp_ref, bp_ref, ws_ref,
                 bs_ref, oa_ref, op_ref):
    d = ax_ref.shape[0]
    va = [sum(ws_ref[0, k] * wa_ref[k, i] for k in range(d))
          for i in range(d)]
    vp = [sum(ws_ref[0, d + k] * wp_ref[k, i] for k in range(d))
          for i in range(d)]
    cc = (bs_ref[0]
          + sum(ws_ref[0, k] * ba_ref[k] for k in range(d))
          + sum(ws_ref[0, d + k] * bp_ref[k] for k in range(d)))
    xa = ax_ref[...]
    xp = px_ref[...]
    asum = sum(va[i] * xa[i:i + 1, :] for i in range(d))
    oa_ref[...] = _packrows(asum)
    psum = sum(vp[i] * xp[i:i + 1, :] for i in range(d)) + cc
    op_ref[...] = _packrows(psum)


def _encode(axt, pxt, w_a, b_a, w_p, b_p, w_s, b_s):
    d, na = axt.shape
    npp = pxt.shape[1]
    grid = -(-max(na, npp) // _GB)
    nba = -(-na // _GB) - 1
    nbp = -(-npp // _GB) - 1
    orows = _GB // 512

    smem = pl.BlockSpec(memory_space=pltpu.SMEM)
    return pl.pallas_call(
        _encode_body,
        grid=(grid,),
        out_shape=[
            jax.ShapeDtypeStruct((orows * grid, 256), jnp.int32),
            jax.ShapeDtypeStruct((orows * grid, 256), jnp.int32),
        ],
        in_specs=[
            pl.BlockSpec((d, _GB), lambda g: (0, jnp.minimum(g, nba))),
            pl.BlockSpec((d, _GB), lambda g: (0, jnp.minimum(g, nbp))),
            smem, smem, smem, smem, smem, smem,
        ],
        out_specs=[
            pl.BlockSpec((orows, 256), lambda g: (g, 0)),
            pl.BlockSpec((orows, 256), lambda g: (g, 0)),
        ],
    )(axt, pxt, w_a, b_a, w_p, b_p, w_s, b_s)


_CROWS = 32
_KE = _CROWS * 128


def _make_edge_kernel(rows_total, ta_rows, tp_rows):
    rows8 = rows_total // 8
    base8 = rows8 // _NW
    extra8 = rows8 - base8 * _NW
    chunks = -(-(base8 + 1) * 8 // _CROWS)
    mesh = plsc.VectorSubcoreMesh(
        core_axis_name="c", subcore_axis_name="s",
        num_cores=_NC, num_subcores=_NS)

    @functools.partial(
        pl.kernel,
        out_type=jax.ShapeDtypeStruct((rows_total, 128), jnp.float32),
        mesh=mesh,
        compiler_params=pltpu.CompilerParams(
            needs_layout_passes=False, use_tc_tiling_on_sc=True),
        scratch_types=[
            pltpu.VMEM((ta_rows, 256), jnp.int32),
            pltpu.VMEM((tp_rows, 256), jnp.int32),
            pltpu.VMEM((2, _CROWS, 128), jnp.int32),
            pltpu.VMEM((2, _CROWS, 128), jnp.int32),
            pltpu.VMEM((2, _CROWS, 128), jnp.float32),
            pltpu.SemaphoreType.DMA,
            pltpu.SemaphoreType.DMA,
            pltpu.SemaphoreType.DMA,
            pltpu.SemaphoreType.DMA,
        ],
    )
    def edge_kernel(sa_hbm, sp_hbm, src_hbm, dst_hbm, out_hbm,
                    sa_v, sp_v, src_v, dst_v, out_v,
                    s_in0, s_in1, s_out0, s_out1):
        s_in = (s_in0, s_in1)
        s_out = (s_out0, s_out1)
        wid = lax.axis_index("s") * _NC + lax.axis_index("c")
        row_lo = (wid * base8 + jnp.minimum(wid, extra8)) * 8
        n_rows = (base8 + jnp.where(wid < extra8, 1, 0)) * 8
        last_off = row_lo + n_rows - _CROWS

        def off_of(c):
            return pl.multiple_of(
                jnp.minimum(row_lo + c * _CROWS, last_off), 8)

        def start_in(c, b):
            off = off_of(c)
            pltpu.async_copy(src_hbm.at[pl.ds(off, _CROWS), :],
                             src_v.at[b], s_in[b])
            pltpu.async_copy(dst_hbm.at[pl.ds(off, _CROWS), :],
                             dst_v.at[b], s_in[b])

        def wait_in(c, b):
            off = off_of(c)
            pltpu.make_async_copy(src_hbm.at[pl.ds(off, _CROWS), :],
                                  src_v.at[b], s_in[b]).wait()
            pltpu.make_async_copy(dst_hbm.at[pl.ds(off, _CROWS), :],
                                  dst_v.at[b], s_in[b]).wait()

        def wait_out(c, b):
            off = off_of(c)
            pltpu.make_async_copy(out_v.at[b],
                                  out_hbm.at[pl.ds(off, _CROWS), :],
                                  s_out[b]).wait()

        pltpu.sync_copy(sa_hbm, sa_v)
        pltpu.sync_copy(sp_hbm, sp_v)
        start_in(0, 0)
        start_in(1, 1)

        def pair(cc, carry):
            for b in (0, 1):
                c = cc * 2 + b

                @pl.when(c < chunks)
                def _():
                    wait_in(c, b)

                    @pl.when(c >= 2)
                    def _():
                        wait_out(c - 2, b)

                    @plsc.parallel_loop(0, _CROWS, unroll=1)
                    def _(r):
                        for j in range(8):
                            sl = pl.ds(j * _L, _L)
                            s = src_v[b, r, sl]
                            d = dst_v[b, r, sl]
                            ws = plsc.load_gather(sa_v, [s >> 9, s & 255])
                            wd = plsc.load_gather(sp_v, [d >> 9, d & 255])
                            fs = plsc.bitcast(
                                lax.shift_right_logical(
                                    ws, (s & 256) >> 4) << 16, jnp.float32)
                            fd = plsc.bitcast(
                                lax.shift_right_logical(
                                    wd, (d & 256) >> 4) << 16, jnp.float32)
                            out_v[b, r, sl] = fs + fd
                    pltpu.async_copy(out_v.at[b],
                                     out_hbm.at[pl.ds(off_of(c), _CROWS), :],
                                     s_out[b])

                    @pl.when(c + 2 < chunks)
                    def _():
                        start_in(c + 2, b)
            return carry

        lax.fori_loop(0, (chunks + 1) // 2, pair, 0)
        wait_out(chunks - 1, (chunks - 1) % 2)
        wait_out(chunks - 2, (chunks - 2) % 2)

    return edge_kernel


def kernel(author_x, paper_x, src_index, dst_index,
           W_author, b_author, W_paper, b_paper, W_scorer, b_scorer):
    e = src_index.shape[0]

    sa_pk, sp_pk = _encode(author_x.T, paper_x.T, W_author, b_author,
                           W_paper, b_paper, W_scorer, b_scorer)

    src = src_index.astype(jnp.int32)
    dst = dst_index.astype(jnp.int32)
    min_e = _KE * _NW
    e_pad = -(-max(e, min_e) // 1024) * 1024
    if e_pad != e:
        pad = e_pad - e
        src = jnp.concatenate([src, jnp.zeros((pad,), jnp.int32)])
        dst = jnp.concatenate([dst, jnp.zeros((pad,), jnp.int32)])
    rows = e_pad // 128

    edge_kernel = _make_edge_kernel(rows, sa_pk.shape[0], sp_pk.shape[0])
    out2 = edge_kernel(sa_pk, sp_pk,
                       src.reshape(rows, 128), dst.reshape(rows, 128))
    out = out2.reshape(e_pad)
    return out[:e] if e_pad != e else out

# --- scband reference (transcript-rebuilt; emitter-appended) ---
"""Pipeline reference for scband-tiny-mixed-hetero-link-predictor-40776419508772 (READ-ONLY COPY).

The authoritative reference and input builder live on the scoring server;
editing this copy changes nothing except your own understanding.
"""

import jax, jax.numpy as jnp
import numpy as np

N_AUTHOR = 100000
N_PAPER = 100000
E = 6400000
D = 4

def setup_inputs(seed: int = 0) -> dict:
    key = jax.random.key(seed)
    ks = jax.random.split(key, 10)
    author_x = jax.random.normal(ks[0], (N_AUTHOR, D), dtype=jnp.float32)
    paper_x = jax.random.normal(ks[1], (N_PAPER, D), dtype=jnp.float32)
    src_index = jax.random.randint(ks[2], (E,), 0, N_AUTHOR)
    dst_index = jax.random.randint(ks[3], (E,), 0, N_PAPER)
    # learned params (match nn.Linear: y = x @ W.T + b)
    W_author = jax.random.normal(ks[4], (D, D), dtype=jnp.float32) * 0.5
    b_author = jax.random.normal(ks[5], (D,), dtype=jnp.float32) * 0.1
    W_paper = jax.random.normal(ks[6], (D, D), dtype=jnp.float32) * 0.5
    b_paper = jax.random.normal(ks[7], (D,), dtype=jnp.float32) * 0.1
    W_scorer = jax.random.normal(ks[8], (1, 2 * D), dtype=jnp.float32) * 0.3
    b_scorer = jax.random.normal(ks[9], (1,), dtype=jnp.float32) * 0.1
    return {
        "author_x": author_x,
        "paper_x": paper_x,
        "src_index": src_index,
        "dst_index": dst_index,
        "W_author": W_author,
        "b_author": b_author,
        "W_paper": W_paper,
        "b_paper": b_paper,
        "W_scorer": W_scorer,
        "b_scorer": b_scorer,
    }

def reference(author_x, paper_x, src_index, dst_index, W_author, b_author, W_paper, b_paper, W_scorer, b_scorer):
    # encoders (per-node-type linear layers)
    a = author_x @ W_author.T + b_author
    p = paper_x @ W_paper.T + b_paper
    # homogeneous fast path (batch.edge_types is None): gather src/dst reps
    src_x = jnp.take(a, src_index, axis=0)
    dst_x = jnp.take(p, dst_index, axis=0)
    feats = jnp.concatenate([src_x, dst_x], axis=-1)
    logits = feats @ W_scorer.T + b_scorer
    return jnp.squeeze(logits, axis=-1)

if __name__ == "__main__":
    import jax
    _d = setup_inputs()
    print(jax.jit(kernel)(*tuple(_d.values())))

</pallas_src>

<mosaic_0001>
#map = affine_map<(d0, d1) -> (0, 0)>
module attributes {stable_mosaic.version = 14 : i64} {
  func.func @edge_kernel(%arg0: i32, %arg1: i32, %arg2: memref<200x256xi32, #tpu.memory_space<hbm>>, %arg3: memref<200x256xi32, #tpu.memory_space<hbm>>, %arg4: memref<50000x128xi32, #tpu.memory_space<hbm>>, %arg5: memref<50000x128xi32, #tpu.memory_space<hbm>>, %arg6: memref<50000x128xf32, #tpu.memory_space<hbm>>, %arg7: memref<200x256xi32, #tpu.memory_space<vmem>>, %arg8: memref<200x256xi32, #tpu.memory_space<vmem>>, %arg9: memref<2x32x128xi32, #tpu.memory_space<vmem>>, %arg10: memref<2x32x128xi32, #tpu.memory_space<vmem>>, %arg11: memref<2x32x128xf32, #tpu.memory_space<vmem>>, %arg12: memref<!tpu.dma_semaphore, #tpu.memory_space<semaphore_mem>>, %arg13: memref<!tpu.dma_semaphore, #tpu.memory_space<semaphore_mem>>, %arg14: memref<!tpu.dma_semaphore, #tpu.memory_space<semaphore_mem>>, %arg15: memref<!tpu.dma_semaphore, #tpu.memory_space<semaphore_mem>>) attributes {dimension_semantics = [#tpu.dimension_semantics<core_parallel>, #tpu.dimension_semantics<subcore_parallel>], iteration_bounds = array<i64: 2, 16>, scalar_prefetch = 0 : i64, scratch_operands = 9 : i64, tpu.core_type = #tpu.core_type<sc_vector_subcore>, window_params = [{transform_indices = #map}, {transform_indices = #map}, {transform_indices = #map}, {transform_indices = #map}, {transform_indices = #map}]} {
    %mul3A = arith.constant 2 : i32
    %mul3A_0 = arith.muli %arg1, %mul3A : i32
    %add3A = arith.addi %mul3A_0, %arg0 : i32
    %mul3A_1 = arith.constant 195 : i32
    %mul3A_2 = arith.muli %add3A, %mul3A_1 : i32
    %min3A = arith.constant 10 : i32
    %min3A_3 = arith.minsi %add3A, %min3A : i32
    %add3A_4 = arith.addi %mul3A_2, %min3A_3 : i32
    %mul3A_5 = arith.constant 8 : i32
    %mul3A_6 = arith.muli %add3A_4, %mul3A_5 : i32
    %lt3A = arith.constant 10 : i32
    %lt3A_7 = arith.cmpi slt, %add3A, %lt3A : i32
    %jit3A = arith.constant 1 : i32
    %jit3A_8 = arith.constant 0 : i32
    %select_n3A = arith.select %lt3A_7, %jit3A, %jit3A_8 : i32
    %add3A_9 = arith.constant 195 : i32
    %add3A_10 = arith.addi %add3A_9, %select_n3A : i32
    %mul3A_11 = arith.constant 8 : i32
    %mul3A_12 = arith.muli %add3A_10, %mul3A_11 : i32
    %add3A_13 = arith.addi %mul3A_6, %mul3A_12 : i32
    %sub3A = arith.constant 32 : i32
    %sub3A_14 = arith.subi %add3A_13, %sub3A : i32
    "tpu.region"() ({
      %run_scoped3A = tpu.sem_alloc : memref<!tpu.dma_semaphore, #tpu.memory_space<semaphore_mem>>
      tpu.enqueue_dma source(%arg2 : memref<200x256xi32, #tpu.memory_space<hbm>>) target(%arg7 : memref<200x256xi32, #tpu.memory_space<vmem>>) target_semaphore(%run_scoped3A : memref<!tpu.dma_semaphore, #tpu.memory_space<semaphore_mem>>)
      tpu.wait_dma2 semaphore(%run_scoped3A : memref<!tpu.dma_semaphore, #tpu.memory_space<semaphore_mem>>) src(%arg2 : memref<200x256xi32, #tpu.memory_space<hbm>>) dst(%arg7 : memref<200x256xi32, #tpu.memory_space<vmem>>)
      tpu.yield
    }) : () -> ()
    "tpu.region"() ({
      %run_scoped3A = tpu.sem_alloc : memref<!tpu.dma_semaphore, #tpu.memory_space<semaphore_mem>>
      tpu.enqueue_dma source(%arg3 : memref<200x256xi32, #tpu.memory_space<hbm>>) target(%arg8 : memref<200x256xi32, #tpu.memory_space<vmem>>) target_semaphore(%run_scoped3A : memref<!tpu.dma_semaphore, #tpu.memory_space<semaphore_mem>>)
      tpu.wait_dma2 semaphore(%run_scoped3A : memref<!tpu.dma_semaphore, #tpu.memory_space<semaphore_mem>>) src(%arg3 : memref<200x256xi32, #tpu.memory_space<hbm>>) dst(%arg8 : memref<200x256xi32, #tpu.memory_space<vmem>>)
      tpu.yield
    }) : () -> ()
    %add3A_15 = arith.constant 0 : i32
    %add3A_16 = arith.addi %mul3A_6, %add3A_15 : i32
    %min3A_17 = arith.minsi %add3A_16, %sub3A_14 : i32
    %multiple_of3A = tpu.assume_multiple %min3A_17, 8 : i32
    %dma_start3A = arith.constant 0 : i32
    %dma_start3A_18 = arith.constant 0 : i32
    %dma_start3A_19 = arith.constant 0 : i32
    %dma_start3A_20 = tpu.memref_slice %arg9[%dma_start3A, %dma_start3A_18, %dma_start3A_19] : memref<2x32x128xi32, #tpu.memory_space<vmem>> -> memref<1x32x128xi32, #tpu.memory_space<vmem>>
    %dma_start3A_21 = tpu.memref_squeeze %dma_start3A_20 : memref<1x32x128xi32, #tpu.memory_space<vmem>> -> memref<32x128xi32, #tpu.memory_space<vmem>>
    %dma_start3A_22 = arith.constant 0 : i32
    %dma_start3A_23 = tpu.memref_slice %arg4[%multiple_of3A, %dma_start3A_22] : memref<50000x128xi32, #tpu.memory_space<hbm>> -> memref<32x128xi32, #tpu.memory_space<hbm>>
    %dma_start3A_24 = arith.constant 0 : i32
    %dma_start3A_25 = arith.constant 0 : i32
    %dma_start3A_26 = tpu.memref_slice %arg9[%dma_start3A, %dma_start3A_24, %dma_start3A_25] : memref<2x32x128xi32, #tpu.memory_space<vmem>> -> memref<1x32x128xi32, #tpu.memory_space<vmem>>
    %dma_start3A_27 = tpu.memref_squeeze %dma_start3A_26 : memref<1x32x128xi32, #tpu.memory_space<vmem>> -> memref<32x128xi32, #tpu.memory_space<vmem>>
    %dma_start3A_28 = arith.constant 0 : i32
    %dma_start3A_29 = tpu.memref_slice %arg4[%multiple_of3A, %dma_start3A_28] : memref<50000x128xi32, #tpu.memory_space<hbm>> -> memref<32x128xi32, #tpu.memory_space<hbm>>
    tpu.enqueue_dma source(%dma_start3A_29 : memref<32x128xi32, #tpu.memory_space<hbm>>) target(%dma_start3A_27 : memref<32x128xi32, #tpu.memory_space<vmem>>) target_semaphore(%arg12 : memref<!tpu.dma_semaphore, #tpu.memory_space<semaphore_mem>>)
    %dma_start3A_30 = arith.constant 0 : i32
    %dma_start3A_31 = arith.constant 0 : i32
    %dma_start3A_32 = arith.constant 0 : i32
    %dma_start3A_33 = tpu.memref_slice %arg10[%dma_start3A_30, %dma_start3A_31, %dma_start3A_32] : memref<2x32x128xi32, #tpu.memory_space<vmem>> -> memref<1x32x128xi32, #tpu.memory_space<vmem>>
    %dma_start3A_34 = tpu.memref_squeeze %dma_start3A_33 : memref<1x32x128xi32, #tpu.memory_space<vmem>> -> memref<32x128xi32, #tpu.memory_space<vmem>>
    %dma_start3A_35 = arith.constant 0 : i32
    %dma_start3A_36 = tpu.memref_slice %arg5[%multiple_of3A, %dma_start3A_35] : memref<50000x128xi32, #tpu.memory_space<hbm>> -> memref<32x128xi32, #tpu.memory_space<hbm>>
    %dma_start3A_37 = arith.constant 0 : i32
    %dma_start3A_38 = arith.constant 0 : i32
    %dma_start3A_39 = tpu.memref_slice %arg10[%dma_start3A_30, %dma_start3A_37, %dma_start3A_38] : memref<2x32x128xi32, #tpu.memory_space<vmem>> -> memref<1x32x128xi32, #tpu.memory_space<vmem>>
    %dma_start3A_40 = tpu.memref_squeeze %dma_start3A_39 : memref<1x32x128xi32, #tpu.memory_space<vmem>> -> memref<32x128xi32, #tpu.memory_space<vmem>>
    %dma_start3A_41 = arith.constant 0 : i32
    %dma_start3A_42 = tpu.memref_slice %arg5[%multiple_of3A, %dma_start3A_41] : memref<50000x128xi32, #tpu.memory_space<hbm>> -> memref<32x128xi32, #tpu.memory_space<hbm>>
    tpu.enqueue_dma source(%dma_start3A_42 : memref<32x128xi32, #tpu.memory_space<hbm>>) target(%dma_start3A_40 : memref<32x128xi32, #tpu.memory_space<vmem>>) target_semaphore(%arg12 : memref<!tpu.dma_semaphore, #tpu.memory_space<semaphore_mem>>)
    %add3A_43 = arith.constant 32 : i32
    %add3A_44 = arith.addi %mul3A_6, %add3A_43 : i32
    %min3A_45 = arith.minsi %add3A_44, %sub3A_14 : i32
    %multiple_of3A_46 = tpu.assume_multiple %min3A_45, 8 : i32
    %dma_start3A_47 = arith.constant 1 : i32
    %dma_start3A_48 = arith.constant 0 : i32
    %dma_start3A_49 = arith.constant 0 : i32
    %dma_start3A_50 = tpu.memref_slice %arg9[%dma_start3A_47, %dma_start3A_48, %dma_start3A_49] : memref<2x32x128xi32, #tpu.memory_space<vmem>> -> memref<1x32x128xi32, #tpu.memory_space<vmem>>
    %dma_start3A_51 = tpu.memref_squeeze %dma_start3A_50 : memref<1x32x128xi32, #tpu.memory_space<vmem>> -> memref<32x128xi32, #tpu.memory_space<vmem>>
    %dma_start3A_52 = arith.constant 0 : i32
    %dma_start3A_53 = tpu.memref_slice %arg4[%multiple_of3A_46, %dma_start3A_52] : memref<50000x128xi32, #tpu.memory_space<hbm>> -> memref<32x128xi32, #tpu.memory_space<hbm>>
    %dma_start3A_54 = arith.constant 0 : i32
    %dma_start3A_55 = arith.constant 0 : i32
    %dma_start3A_56 = tpu.memref_slice %arg9[%dma_start3A_47, %dma_start3A_54, %dma_start3A_55] : memref<2x32x128xi32, #tpu.memory_space<vmem>> -> memref<1x32x128xi32, #tpu.memory_space<vmem>>
    %dma_start3A_57 = tpu.memref_squeeze %dma_start3A_56 : memref<1x32x128xi32, #tpu.memory_space<vmem>> -> memref<32x128xi32, #tpu.memory_space<vmem>>
    %dma_start3A_58 = arith.constant 0 : i32
    %dma_start3A_59 = tpu.memref_slice %arg4[%multiple_of3A_46, %dma_start3A_58] : memref<50000x128xi32, #tpu.memory_space<hbm>> -> memref<32x128xi32, #tpu.memory_space<hbm>>
    tpu.enqueue_dma source(%dma_start3A_59 : memref<32x128xi32, #tpu.memory_space<hbm>>) target(%dma_start3A_57 : memref<32x128xi32, #tpu.memory_space<vmem>>) target_semaphore(%arg13 : memref<!tpu.dma_semaphore, #tpu.memory_space<semaphore_mem>>)
    %dma_start3A_60 = arith.constant 1 : i32
    %dma_start3A_61 = arith.constant 0 : i32
    %dma_start3A_62 = arith.constant 0 : i32
    %dma_start3A_63 = tpu.memref_slice %arg10[%dma_start3A_60, %dma_start3A_61, %dma_start3A_62] : memref<2x32x128xi32, #tpu.memory_space<vmem>> -> memref<1x32x128xi32, #tpu.memory_space<vmem>>
    %dma_start3A_64 = tpu.memref_squeeze %dma_start3A_63 : memref<1x32x128xi32, #tpu.memory_space<vmem>> -> memref<32x128xi32, #tpu.memory_space<vmem>>
    %dma_start3A_65 = arith.constant 0 : i32
    %dma_start3A_66 = tpu.memref_slice %arg5[%multiple_of3A_46, %dma_start3A_65] : memref<50000x128xi32, #tpu.memory_space<hbm>> -> memref<32x128xi32, #tpu.memory_space<hbm>>
    %dma_start3A_67 = arith.constant 0 : i32
    %dma_start3A_68 = arith.constant 0 : i32
    %dma_start3A_69 = tpu.memref_slice %arg10[%dma_start3A_60, %dma_start3A_67, %dma_start3A_68] : memref<2x32x128xi32, #tpu.memory_space<vmem>> -> memref<1x32x128xi32, #tpu.memory_space<vmem>>
    %dma_start3A_70 = tpu.memref_squeeze %dma_start3A_69 : memref<1x32x128xi32, #tpu.memory_space<vmem>> -> memref<32x128xi32, #tpu.memory_space<vmem>>
    %dma_start3A_71 = arith.constant 0 : i32
    %dma_start3A_72 = tpu.memref_slice %arg5[%multiple_of3A_46, %dma_start3A_71] : memref<50000x128xi32, #tpu.memory_space<hbm>> -> memref<32x128xi32, #tpu.memory_space<hbm>>
    tpu.enqueue_dma source(%dma_start3A_72 : memref<32x128xi32, #tpu.memory_space<hbm>>) target(%dma_start3A_70 : memref<32x128xi32, #tpu.memory_space<vmem>>) target_semaphore(%arg13 : memref<!tpu.dma_semaphore, #tpu.memory_space<semaphore_mem>>)
    %scan3A = arith.constant 0 : i32
    %scan3A_73 = arith.constant 0 : i32
    %scan3A_74 = arith.constant 25 : i32
    %scan3A_75 = arith.addi %scan3A_73, %scan3A_74 : i32
    %scan3A_76 = arith.constant 1 : i32
    scf.for %scan3A_111 = %scan3A_73 to %scan3A_75 step %scan3A_76  : i32 {
      %mul3A_112 = arith.constant 2 : i32
      %mul3A_113 = arith.muli %scan3A_111, %mul3A_112 : i32
      %add3A_114 = arith.constant 0 : i32
      %add3A_115 = arith.addi %mul3A_113, %add3A_114 : i32
      %lt3A_116 = arith.constant 49 : i32
      %lt3A_117 = arith.cmpi slt, %add3A_115, %lt3A_116 : i32
      %convert_element_type3A = arith.extui %lt3A_117 : i1 to i32
      %cond3A = arith.constant 0 : i32
      %cond3A_118 = arith.cmpi ne, %convert_element_type3A, %cond3A : i32
      scf.if %cond3A_118 {
        %mul3A_128 = arith.constant 32 : i32
        %mul3A_129 = arith.muli %add3A_115, %mul3A_128 : i32
        %add3A_130 = arith.addi %mul3A_6, %mul3A_129 : i32
        %min3A_131 = arith.minsi %add3A_130, %sub3A_14 : i32
        %multiple_of3A_132 = tpu.assume_multiple %min3A_131, 8 : i32
        %dma_wait3A_133 = arith.constant 0 : i32
        %dma_wait3A_134 = arith.constant 0 : i32
        %dma_wait3A_135 = arith.constant 0 : i32
        %dma_wait3A_136 = tpu.memref_slice %arg9[%dma_wait3A_133, %dma_wait3A_134, %dma_wait3A_135] : memref<2x32x128xi32, #tpu.memory_space<vmem>> -> memref<1x32x128xi32, #tpu.memory_space<vmem>>
        %dma_wait3A_137 = tpu.memref_squeeze %dma_wait3A_136 : memref<1x32x128xi32, #tpu.memory_space<vmem>> -> memref<32x128xi32, #tpu.memory_space<vmem>>
        %dma_wait3A_138 = arith.constant 0 : i32
        %dma_wait3A_139 = tpu.memref_slice %arg4[%multiple_of3A_132, %dma_wait3A_138] : memref<50000x128xi32, #tpu.memory_space<hbm>> -> memref<32x128xi32, #tpu.memory_space<hbm>>
        %dma_wait3A_140 = arith.constant 0 : i32
        %dma_wait3A_141 = arith.constant 0 : i32
        %dma_wait3A_142 = tpu.memref_slice %arg9[%dma_wait3A_133, %dma_wait3A_140, %dma_wait3A_141] : memref<2x32x128xi32, #tpu.memory_space<vmem>> -> memref<1x32x128xi32, #tpu.memory_space<vmem>>
        %dma_wait3A_143 = tpu.memref_squeeze %dma_wait3A_142 : memref<1x32x128xi32, #tpu.memory_space<vmem>> -> memref<32x128xi32, #tpu.memory_space<vmem>>
        %dma_wait3A_144 = arith.constant 0 : i32
        %dma_wait3A_145 = tpu.memref_slice %arg4[%multiple_of3A_132, %dma_wait3A_144] : memref<50000x128xi32, #tpu.memory_space<hbm>> -> memref<32x128xi32, #tpu.memory_space<hbm>>
        tpu.wait_dma2 semaphore(%arg12 : memref<!tpu.dma_semaphore, #tpu.memory_space<semaphore_mem>>) src(%dma_wait3A_145 : memref<32x128xi32, #tpu.memory_space<hbm>>) dst(%dma_wait3A_143 : memref<32x128xi32, #tpu.memory_space<vmem>>)
        %dma_wait3A_146 = arith.constant 0 : i32
        %dma_wait3A_147 = arith.constant 0 : i32
        %dma_wait3A_148 = arith.constant 0 : i32
        %dma_wait3A_149 = tpu.memref_slice %arg10[%dma_wait3A_146, %dma_wait3A_147, %dma_wait3A_148] : memref<2x32x128xi32, #tpu.memory_space<vmem>> -> memref<1x32x128xi32, #tpu.memory_space<vmem>>
        %dma_wait3A_150 = tpu.memref_squeeze %dma_wait3A_149 : memref<1x32x128xi32, #tpu.memory_space<vmem>> -> memref<32x128xi32, #tpu.memory_space<vmem>>
        %dma_wait3A_151 = arith.constant 0 : i32
        %dma_wait3A_152 = tpu.memref_slice %arg5[%multiple_of3A_132, %dma_wait3A_151] : memref<50000x128xi32, #tpu.memory_space<hbm>> -> memref<32x128xi32, #tpu.memory_space<hbm>>
        %dma_wait3A_153 = arith.constant 0 : i32
        %dma_wait3A_154 = arith.constant 0 : i32
        %dma_wait3A_155 = tpu.memref_slice %arg10[%dma_wait3A_146, %dma_wait3A_153, %dma_wait3A_154] : memref<2x32x128xi32, #tpu.memory_space<vmem>> -> memref<1x32x128xi32, #tpu.memory_space<vmem>>
        %dma_wait3A_156 = tpu.memref_squeeze %dma_wait3A_155 : memref<1x32x128xi32, #tpu.memory_space<vmem>> -> memref<32x128xi32, #tpu.memory_space<vmem>>
        %dma_wait3A_157 = arith.constant 0 : i32
        %dma_wait3A_158 = tpu.memref_slice %arg5[%multiple_of3A_132, %dma_wait3A_157] : memref<50000x128xi32, #tpu.memory_space<hbm>> -> memref<32x128xi32, #tpu.memory_space<hbm>>
        tpu.wait_dma2 semaphore(%arg12 : memref<!tpu.dma_semaphore, #tpu.memory_space<semaphore_mem>>) src(%dma_wait3A_158 : memref<32x128xi32, #tpu.memory_space<hbm>>) dst(%dma_wait3A_156 : memref<32x128xi32, #tpu.memory_space<vmem>>)
        %ge3A = arith.constant 2 : i32
        %ge3A_159 = arith.cmpi sge, %add3A_115, %ge3A : i32
        %convert_element_type3A_160 = arith.extui %ge3A_159 : i1 to i32
        %cond3A_161 = arith.constant 0 : i32
        %cond3A_162 = arith.cmpi ne, %convert_element_type3A_160, %cond3A_161 : i32
        scf.if %cond3A_162 {
          %sub3A_190 = arith.constant 2 : i32
          %sub3A_191 = arith.subi %add3A_115, %sub3A_190 : i32
          %mul3A_192 = arith.constant 32 : i32
          %mul3A_193 = arith.muli %sub3A_191, %mul3A_192 : i32
          %add3A_194 = arith.addi %mul3A_6, %mul3A_193 : i32
          %min3A_195 = arith.minsi %add3A_194, %sub3A_14 : i32
          %multiple_of3A_196 = tpu.assume_multiple %min3A_195, 8 : i32
          %dma_wait3A_197 = arith.constant 0 : i32
          %dma_wait3A_198 = arith.constant 0 : i32
          %dma_wait3A_199 = arith.constant 0 : i32
          %dma_wait3A_200 = tpu.memref_slice %arg11[%dma_wait3A_197, %dma_wait3A_198, %dma_wait3A_199] : memref<2x32x128xf32, #tpu.memory_space<vmem>> -> memref<1x32x128xf32, #tpu.memory_space<vmem>>
          %dma_wait3A_201 = tpu.memref_squeeze %dma_wait3A_200 : memref<1x32x128xf32, #tpu.memory_space<vmem>> -> memref<32x128xf32, #tpu.memory_space<vmem>>
          %dma_wait3A_202 = arith.constant 0 : i32
          %dma_wait3A_203 = tpu.memref_slice %arg6[%multiple_of3A_196, %dma_wait3A_202] : memref<50000x128xf32, #tpu.memory_space<hbm>> -> memref<32x128xf32, #tpu.memory_space<hbm>>
          %dma_wait3A_204 = arith.constant 0 : i32
          %dma_wait3A_205 = tpu.memref_slice %arg6[%multiple_of3A_196, %dma_wait3A_204] : memref<50000x128xf32, #tpu.memory_space<hbm>> -> memref<32x128xf32, #tpu.memory_space<hbm>>
          %dma_wait3A_206 = arith.constant 0 : i32
          %dma_wait3A_207 = arith.constant 0 : i32
          %dma_wait3A_208 = tpu.memref_slice %arg11[%dma_wait3A_197, %dma_wait3A_206, %dma_wait3A_207] : memref<2x32x128xf32, #tpu.memory_space<vmem>> -> memref<1x32x128xf32, #tpu.memory_space<vmem>>
          %dma_wait3A_209 = tpu.memref_squeeze %dma_wait3A_208 : memref<1x32x128xf32, #tpu.memory_space<vmem>> -> memref<32x128xf32, #tpu.memory_space<vmem>>
          tpu.wait_dma2 semaphore(%arg14 : memref<!tpu.dma_semaphore, #tpu.memory_space<semaphore_mem>>) src(%dma_wait3A_209 : memref<32x128xf32, #tpu.memory_space<vmem>>) dst(%dma_wait3A_205 : memref<32x128xf32, #tpu.memory_space<hbm>>)
        } else {
        }
        %parallel_loop3A = arith.constant 0 : i32
        %parallel_loop3A_163 = arith.constant 32 : i32
        %parallel_loop3A_164 = arith.constant 1 : i32
        scf.for %parallel_loop3A_190 = %parallel_loop3A to %parallel_loop3A_163 step %parallel_loop3A_164  : i32 {
          %parallel_loop3A_191 = arith.constant 0 : i32
          %parallel_loop3A_192 = arith.index_cast %parallel_loop3A_191 : i32 to index
          %parallel_loop3A_193 = arith.index_cast %parallel_loop3A_190 : i32 to index
          %parallel_loop3A_194 = arith.constant 0 : index
          %parallel_loop3A_195 = tpu.vector_load %arg9[%parallel_loop3A_192, %parallel_loop3A_193, %parallel_loop3A_194] {strides = array<i32>} : memref<2x32x128xi32, #tpu.memory_space<vmem>>, vector<16xi32>,
          %parallel_loop3A_196 = arith.constant 0 : i32
          %parallel_loop3A_197 = arith.index_cast %parallel_loop3A_196 : i32 to index
          %parallel_loop3A_198 = arith.index_cast %parallel_loop3A_190 : i32 to index
          %parallel_loop3A_199 = arith.constant 0 : index
          %parallel_loop3A_200 = tpu.vector_load %arg10[%parallel_loop3A_197, %parallel_loop3A_198, %parallel_loop3A_199] {strides = array<i32>} : memref<2x32x128xi32, #tpu.memory_space<vmem>>, vector<16xi32>,
          %parallel_loop3A_201 = arith.constant 9 : i32
          %parallel_loop3A_202 = vector.broadcast %parallel_loop3A_201 : i32 to vector<16xi32>
          %parallel_loop3A_203 = arith.shrsi %parallel_loop3A_195, %parallel_loop3A_202 : vector<16xi32>
          %parallel_loop3A_204 = arith.constant 255 : i32
          %parallel_loop3A_205 = vector.broadcast %parallel_loop3A_204 : i32 to vector<16xi32>
          %parallel_loop3A_206 = arith.andi %parallel_loop3A_195, %parallel_loop3A_205 : vector<16xi32>
          %parallel_loop3A_207 = tpu.vector_load_idx %arg7[%parallel_loop3A_203, %parallel_loop3A_206] : memref<200x256xi32, #tpu.memory_space<vmem>>[vector<16xi32>, vector<16xi32>], vector<16xi32>,
          %parallel_loop3A_208 = arith.constant 9 : i32
          %parallel_loop3A_209 = vector.broadcast %parallel_loop3A_208 : i32 to vector<16xi32>
          %parallel_loop3A_210 = arith.shrsi %parallel_loop3A_200, %parallel_loop3A_209 : vector<16xi32>
          %parallel_loop3A_211 = arith.constant 255 : i32
          %parallel_loop3A_212 = vector.broadcast %parallel_loop3A_211 : i32 to vector<16xi32>
          %parallel_loop3A_213 = arith.andi %parallel_loop3A_200, %parallel_loop3A_212 : vector<16xi32>
          %parallel_loop3A_214 = tpu.vector_load_idx %arg8[%parallel_loop3A_210, %parallel_loop3A_213] : memref<200x256xi32, #tpu.memory_space<vmem>>[vector<16xi32>, vector<16xi32>], vector<16xi32>,
          %parallel_loop3A_215 = arith.constant 256 : i32
          %parallel_loop3A_216 = vector.broadcast %parallel_loop3A_215 : i32 to vector<16xi32>
          %parallel_loop3A_217 = arith.andi %parallel_loop3A_195, %parallel_loop3A_216 : vector<16xi32>
          %parallel_loop3A_218 = arith.constant 4 : i32
          %parallel_loop3A_219 = vector.broadcast %parallel_loop3A_218 : i32 to vector<16xi32>
          %parallel_loop3A_220 = arith.shrsi %parallel_loop3A_217, %parallel_loop3A_219 : vector<16xi32>
          %parallel_loop3A_221 = arith.shrui %parallel_loop3A_207, %parallel_loop3A_220 : vector<16xi32>
          %parallel_loop3A_222 = arith.constant 16 : i32
          %parallel_loop3A_223 = vector.broadcast %parallel_loop3A_222 : i32 to vector<16xi32>
          %parallel_loop3A_224 = arith.shli %parallel_loop3A_221, %parallel_loop3A_223 : vector<16xi32>
          %parallel_loop3A_225 = vector.bitcast %parallel_loop3A_224 : vector<16xi32> to vector<16xf32>
          %parallel_loop3A_226 = arith.constant 256 : i32
          %parallel_loop3A_227 = vector.broadcast %parallel_loop3A_226 : i32 to vector<16xi32>
          %parallel_loop3A_228 = arith.andi %parallel_loop3A_200, %parallel_loop3A_227 : vector<16xi32>
          %parallel_loop3A_229 = arith.constant 4 : i32
          %parallel_loop3A_230 = vector.broadcast %parallel_loop3A_229 : i32 to vector<16xi32>
          %parallel_loop3A_231 = arith.shrsi %parallel_loop3A_228, %parallel_loop3A_230 : vector<16xi32>
          %parallel_loop3A_232 = arith.shrui %parallel_loop3A_214, %parallel_loop3A_231 : vector<16xi32>
          %parallel_loop3A_233 = arith.constant 16 : i32
          %parallel_loop3A_234 = vector.broadcast %parallel_loop3A_233 : i32 to vector<16xi32>
          %parallel_loop3A_235 = arith.shli %parallel_loop3A_232, %parallel_loop3A_234 : vector<16xi32>
          %parallel_loop3A_236 = vector.bitcast %parallel_loop3A_235 : vector<16xi32> to vector<16xf32>
          %parallel_loop3A_237 = arith.addf %parallel_loop3A_225, %parallel_loop3A_236 : vector<16xf32>
          %parallel_loop3A_238 = arith.constant 0 : i32
          %parallel_loop3A_239 = arith.index_cast %parallel_loop3A_238 : i32 to index
          %parallel_loop3A_240 = arith.index_cast %parallel_loop3A_190 : i32 to index
          %parallel_loop3A_241 = arith.constant 0 : index
          %parallel_loop3A_242 = tpu.vector_load %arg11[%parallel_loop3A_239, %parallel_loop3A_240, %parallel_loop3A_241] {strides = array<i32>} : memref<2x32x128xf32, #tpu.memory_space<vmem>>, vector<16xf32>,
          tpu.vector_store %arg11[%parallel_loop3A_239, %parallel_loop3A_240, %parallel_loop3A_241], %parallel_loop3A_237 {strides = array<i32>} : memref<2x32x128xf32, #tpu.memory_space<vmem>>, vector<16xf32>,
          %parallel_loop3A_243 = arith.constant 0 : i32
          %parallel_loop3A_244 = arith.index_cast %parallel_loop3A_243 : i32 to index
          %parallel_loop3A_245 = arith.index_cast %parallel_loop3A_190 : i32 to index
          %parallel_loop3A_246 = arith.constant 16 : index
          %parallel_loop3A_247 = tpu.vector_load %arg9[%parallel_loop3A_244, %parallel_loop3A_245, %parallel_loop3A_246] {strides = array<i32>} : memref<2x32x128xi32, #tpu.memory_space<vmem>>, vector<16xi32>,
          %parallel_loop3A_248 = arith.constant 0 : i32
          %parallel_loop3A_249 = arith.index_cast %parallel_loop3A_248 : i32 to index
          %parallel_loop3A_250 = arith.index_cast %parallel_loop3A_190 : i32 to index
          %parallel_loop3A_251 = arith.constant 16 : index
          %parallel_loop3A_252 = tpu.vector_load %arg10[%parallel_loop3A_249, %parallel_loop3A_250, %parallel_loop3A_251] {strides = array<i32>} : memref<2x32x128xi32, #tpu.memory_space<vmem>>, vector<16xi32>,
          %parallel_loop3A_253 = arith.constant 9 : i32
          %parallel_loop3A_254 = vector.broadcast %parallel_loop3A_253 : i32 to vector<16xi32>
          %parallel_loop3A_255 = arith.shrsi %parallel_loop3A_247, %parallel_loop3A_254 : vector<16xi32>
          %parallel_loop3A_256 = arith.constant 255 : i32
          %parallel_loop3A_257 = vector.broadcast %parallel_loop3A_256 : i32 to vector<16xi32>
          %parallel_loop3A_258 = arith.andi %parallel_loop3A_247, %parallel_loop3A_257 : vector<16xi32>
          %parallel_loop3A_259 = tpu.vector_load_idx %arg7[%parallel_loop3A_255, %parallel_loop3A_258] : memref<200x256xi32, #tpu.memory_space<vmem>>[vector<16xi32>, vector<16xi32>], vector<16xi32>,
          %parallel_loop3A_260 = arith.constant 9 : i32
          %parallel_loop3A_261 = vector.broadcast %parallel_loop3A_260 : i32 to vector<16xi32>
          %parallel_loop3A_262 = arith.shrsi %parallel_loop3A_252, %parallel_loop3A_261 : vector<16xi32>
          %parallel_loop3A_263 = arith.constant 255 : i32
          %parallel_loop3A_264 = vector.broadcast %parallel_loop3A_263 : i32 to vector<16xi32>
          %parallel_loop3A_265 = arith.andi %parallel_loop3A_252, %parallel_loop3A_264 : vector<16xi32>
          %parallel_loop3A_266 = tpu.vector_load_idx %arg8[%parallel_loop3A_262, %parallel_loop3A_265] : memref<200x256xi32, #tpu.memory_space<vmem>>[vector<16xi32>, vector<16xi32>], vector<16xi32>,
          %parallel_loop3A_267 = arith.constant 256 : i32
          %parallel_loop3A_268 = vector.broadcast %parallel_loop3A_267 : i32 to vector<16xi32>
          %parallel_loop3A_269 = arith.andi %parallel_loop3A_247, %parallel_loop3A_268 : vector<16xi32>
          %parallel_loop3A_270 = arith.constant 4 : i32
          %parallel_loop3A_271 = vector.broadcast %parallel_loop3A_270 : i32 to vector<16xi32>
          %parallel_loop3A_272 = arith.shrsi %parallel_loop3A_269, %parallel_loop3A_271 : vector<16xi32>
          %parallel_loop3A_273 = arith.shrui %parallel_loop3A_259, %parallel_loop3A_272 : vector<16xi32>
          %parallel_loop3A_274 = arith.constant 16 : i32
          %parallel_loop3A_275 = vector.broadcast %parallel_loop3A_274 : i32 to vector<16xi32>
          %parallel_loop3A_276 = arith.shli %parallel_loop3A_273, %parallel_loop3A_275 : vector<16xi32>
          %parallel_loop3A_277 = vector.bitcast %parallel_loop3A_276 : vector<16xi32> to vector<16xf32>
          %parallel_loop3A_278 = arith.constant 256 : i32
          %parallel_loop3A_279 = vector.broadcast %parallel_loop3A_278 : i32 to vector<16xi32>
          %parallel_loop3A_280 = arith.andi %parallel_loop3A_252, %parallel_loop3A_279 : vector<16xi32>
          %parallel_loop3A_281 = arith.constant 4 : i32
          %parallel_loop3A_282 = vector.broadcast %parallel_loop3A_281 : i32 to vector<16xi32>
          %parallel_loop3A_283 = arith.shrsi %parallel_loop3A_280, %parallel_loop3A_282 : vector<16xi32>
          %parallel_loop3A_284 = arith.shrui %parallel_loop3A_266, %parallel_loop3A_283 : vector<16xi32>
          %parallel_loop3A_285 = arith.constant 16 : i32
          %parallel_loop3A_286 = vector.broadcast %parallel_loop3A_285 : i32 to vector<16xi32>
          %parallel_loop3A_287 = arith.shli %parallel_loop3A_284, %parallel_loop3A_286 : vector<16xi32>
          %parallel_loop3A_288 = vector.bitcast %parallel_loop3A_287 : vector<16xi32> to vector<16xf32>
          %parallel_loop3A_289 = arith.addf %parallel_loop3A_277, %parallel_loop3A_288 : vector<16xf32>
          %parallel_loop3A_290 = arith.constant 0 : i32
          %parallel_loop3A_291 = arith.index_cast %parallel_loop3A_290 : i32 to index
          %parallel_loop3A_292 = arith.index_cast %parallel_loop3A_190 : i32 to index
          %parallel_loop3A_293 = arith.constant 16 : index
          %parallel_loop3A_294 = tpu.vector_load %arg11[%parallel_loop3A_291, %parallel_loop3A_292, %parallel_loop3A_293] {strides = array<i32>} : memref<2x32x128xf32, #tpu.memory_space<vmem>>, vector<16xf32>,
          tpu.vector_store %arg11[%parallel_loop3A_291, %parallel_loop3A_292, %parallel_loop3A_293], %parallel_loop3A_289 {strides = array<i32>} : memref<2x32x128xf32, #tpu.memory_space<vmem>>, vector<16xf32>,
          %parallel_loop3A_295 = arith.constant 0 : i32
          %parallel_loop3A_296 = arith.index_cast %parallel_loop3A_295 : i32 to index
          %parallel_loop3A_297 = arith.index_cast %parallel_loop3A_190 : i32 to index
          %parallel_loop3A_298 = arith.constant 32 : index
          %parallel_loop3A_299 = tpu.vector_load %arg9[%parallel_loop3A_296, %parallel_loop3A_297, %parallel_loop3A_298] {strides = array<i32>} : memref<2x32x128xi32, #tpu.memory_space<vmem>>, vector<16xi32>,
          %parallel_loop3A_300 = arith.constant 0 : i32
          %parallel_loop3A_301 = arith.index_cast %parallel_loop3A_300 : i32 to index
          %parallel_loop3A_302 = arith.index_cast %parallel_loop3A_190 : i32 to index
          %parallel_loop3A_303 = arith.constant 32 : index
          %parallel_loop3A_304 = tpu.vector_load %arg10[%parallel_loop3A_301, %parallel_loop3A_302, %parallel_loop3A_303] {strides = array<i32>} : memref<2x32x128xi32, #tpu.memory_space<vmem>>, vector<16xi32>,
          %parallel_loop3A_305 = arith.constant 9 : i32
          %parallel_loop3A_306 = vector.broadcast %parallel_loop3A_305 : i32 to vector<16xi32>
          %parallel_loop3A_307 = arith.shrsi %parallel_loop3A_299, %parallel_loop3A_306 : vector<16xi32>
          %parallel_loop3A_308 = arith.constant 255 : i32
          %parallel_loop3A_309 = vector.broadcast %parallel_loop3A_308 : i32 to vector<16xi32>
          %parallel_loop3A_310 = arith.andi %parallel_loop3A_299, %parallel_loop3A_309 : vector<16xi32>
          %parallel_loop3A_311 = tpu.vector_load_idx %arg7[%parallel_loop3A_307, %parallel_loop3A_310] : memref<200x256xi32, #tpu.memory_space<vmem>>[vector<16xi32>, vector<16xi32>], vector<16xi32>,
          %parallel_loop3A_312 = arith.constant 9 : i32
          %parallel_loop3A_313 = vector.broadcast %parallel_loop3A_312 : i32 to vector<16xi32>
          %parallel_loop3A_314 = arith.shrsi %parallel_loop3A_304, %parallel_loop3A_313 : vector<16xi32>
          %parallel_loop3A_315 = arith.constant 255 : i32
          %parallel_loop3A_316 = vector.broadcast %parallel_loop3A_315 : i32 to vector<16xi32>
          %parallel_loop3A_317 = arith.andi %parallel_loop3A_304, %parallel_loop3A_316 : vector<16xi32>
          %parallel_loop3A_318 = tpu.vector_load_idx %arg8[%parallel_loop3A_314, %parallel_loop3A_317] : memref<200x256xi32, #tpu.memory_space<vmem>>[vector<16xi32>, vector<16xi32>], vector<16xi32>,
          %parallel_loop3A_319 = arith.constant 256 : i32
          %parallel_loop3A_320 = vector.broadcast %parallel_loop3A_319 : i32 to vector<16xi32>
          %parallel_loop3A_321 = arith.andi %parallel_loop3A_299, %parallel_loop3A_320 : vector<16xi32>
          %parallel_loop3A_322 = arith.constant 4 : i32
          %parallel_loop3A_323 = vector.broadcast %parallel_loop3A_322 : i32 to vector<16xi32>
          %parallel_loop3A_324 = arith.shrsi %parallel_loop3A_321, %parallel_loop3A_323 : vector<16xi32>
          %parallel_loop3A_325 = arith.shrui %parallel_loop3A_311, %parallel_loop3A_324 : vector<16xi32>
          %parallel_loop3A_326 = arith.constant 16 : i32
          %parallel_loop3A_327 = vector.broadcast %parallel_loop3A_326 : i32 to vector<16xi32>
          %parallel_loop3A_328 = arith.shli %parallel_loop3A_325, %parallel_loop3A_327 : vector<16xi32>
          %parallel_loop3A_329 = vector.bitcast %parallel_loop3A_328 : vector<16xi32> to vector<16xf32>
          %parallel_loop3A_330 = arith.constant 256 : i32
          %parallel_loop3A_331 = vector.broadcast %parallel_loop3A_330 : i32 to vector<16xi32>
          %parallel_loop3A_332 = arith.andi %parallel_loop3A_304, %parallel_loop3A_331 : vector<16xi32>
          %parallel_loop3A_333 = arith.constant 4 : i32
          %parallel_loop3A_334 = vector.broadcast %parallel_loop3A_333 : i32 to vector<16xi32>
          %parallel_loop3A_335 = arith.shrsi %parallel_loop3A_332, %parallel_loop3A_334 : vector<16xi32>
          %parallel_loop3A_336 = arith.shrui %parallel_loop3A_318, %parallel_loop3A_335 : vector<16xi32>
          %parallel_loop3A_337 = arith.constant 16 : i32
          %parallel_loop3A_338 = vector.broadcast %parallel_loop3A_337 : i32 to vector<16xi32>
          %parallel_loop3A_339 = arith.shli %parallel_loop3A_336, %parallel_loop3A_338 : vector<16xi32>
          %parallel_loop3A_340 = vector.bitcast %parallel_loop3A_339 : vector<16xi32> to vector<16xf32>
          %parallel_loop3A_341 = arith.addf %parallel_loop3A_329, %parallel_loop3A_340 : vector<16xf32>
          %parallel_loop3A_342 = arith.constant 0 : i32
          %parallel_loop3A_343 = arith.index_cast %parallel_loop3A_342 : i32 to index
          %parallel_loop3A_344 = arith.index_cast %parallel_loop3A_190 : i32 to index
          %parallel_loop3A_345 = arith.constant 32 : index
          %parallel_loop3A_346 = tpu.vector_load %arg11[%parallel_loop3A_343, %parallel_loop3A_344, %parallel_loop3A_345] {strides = array<i32>} : memref<2x32x128xf32, #tpu.memory_space<vmem>>, vector<16xf32>,
          tpu.vector_store %arg11[%parallel_loop3A_343, %parallel_loop3A_344, %parallel_loop3A_345], %parallel_loop3A_341 {strides = array<i32>} : memref<2x32x128xf32, #tpu.memory_space<vmem>>, vector<16xf32>,
          %parallel_loop3A_347 = arith.constant 0 : i32
          %parallel_loop3A_348 = arith.index_cast %parallel_loop3A_347 : i32 to index
          %parallel_loop3A_349 = arith.index_cast %parallel_loop3A_190 : i32 to index
          %parallel_loop3A_350 = arith.constant 48 : index
          %parallel_loop3A_351 = tpu.vector_load %arg9[%parallel_loop3A_348, %parallel_loop3A_349, %parallel_loop3A_350] {strides = array<i32>} : memref<2x32x128xi32, #tpu.memory_space<vmem>>, vector<16xi32>,
          %parallel_loop3A_352 = arith.constant 0 : i32
          %parallel_loop3A_353 = arith.index_cast %parallel_loop3A_352 : i32 to index
          %parallel_loop3A_354 = arith.index_cast %parallel_loop3A_190 : i32 to index
          %parallel_loop3A_355 = arith.constant 48 : index
          %parallel_loop3A_356 = tpu.vector_load %arg10[%parallel_loop3A_353, %parallel_loop3A_354, %parallel_loop3A_355] {strides = array<i32>} : memref<2x32x128xi32, #tpu.memory_space<vmem>>, vector<16xi32>,
          %parallel_loop3A_357 = arith.constant 9 : i32
          %parallel_loop3A_358 = vector.broadcast %parallel_loop3A_357 : i32 to vector<16xi32>
          %parallel_loop3A_359 = arith.shrsi %parallel_loop3A_351, %parallel_loop3A_358 : vector<16xi32>
          %parallel_loop3A_360 = arith.constant 255 : i32
          %parallel_loop3A_361 = vector.broadcast %parallel_loop3A_360 : i32 to vector<16xi32>
          %parallel_loop3A_362 = arith.andi %parallel_loop3A_351, %parallel_loop3A_361 : vector<16xi32>
          %parallel_loop3A_363 = tpu.vector_load_idx %arg7[%parallel_loop3A_359, %parallel_loop3A_362] : memref<200x256xi32, #tpu.memory_space<vmem>>[vector<16xi32>, vector<16xi32>], vector<16xi32>,
          %parallel_loop3A_364 = arith.constant 9 : i32
          %parallel_loop3A_365 = vector.broadcast %parallel_loop3A_364 : i32 to vector<16xi32>
          %parallel_loop3A_366 = arith.shrsi %parallel_loop3A_356, %parallel_loop3A_365 : vector<16xi32>
          %parallel_loop3A_367 = arith.constant 255 : i32
          %parallel_loop3A_368 = vector.broadcast %parallel_loop3A_367 : i32 to vector<16xi32>
          %parallel_loop3A_369 = arith.andi %parallel_loop3A_356, %parallel_loop3A_368 : vector<16xi32>
          %parallel_loop3A_370 = tpu.vector_load_idx %arg8[%parallel_loop3A_366, %parallel_loop3A_369] : memref<200x256xi32, #tpu.memory_space<vmem>>[vector<16xi32>, vector<16xi32>], vector<16xi32>,
          %parallel_loop3A_371 = arith.constant 256 : i32
          %parallel_loop3A_372 = vector.broadcast %parallel_loop3A_371 : i32 to vector<16xi32>
          %parallel_loop3A_373 = arith.andi %parallel_loop3A_351, %parallel_loop3A_372 : vector<16xi32>
          %parallel_loop3A_374 = arith.constant 4 : i32
          %parallel_loop3A_375 = vector.broadcast %parallel_loop3A_374 : i32 to vector<16xi32>
          %parallel_loop3A_376 = arith.shrsi %parallel_loop3A_373, %parallel_loop3A_375 : vector<16xi32>
          %parallel_loop3A_377 = arith.shrui %parallel_loop3A_363, %parallel_loop3A_376 : vector<16xi32>
          %parallel_loop3A_378 = arith.constant 16 : i32
          %parallel_loop3A_379 = vector.broadcast %parallel_loop3A_378 : i32 to vector<16xi32>
          %parallel_loop3A_380 = arith.shli %parallel_loop3A_377, %parallel_loop3A_379 : vector<16xi32>
          %parallel_loop3A_381 = vector.bitcast %parallel_loop3A_380 : vector<16xi32> to vector<16xf32>
          %parallel_loop3A_382 = arith.constant 256 : i32
          %parallel_loop3A_383 = vector.broadcast %parallel_loop3A_382 : i32 to vector<16xi32>
          %parallel_loop3A_384 = arith.andi %parallel_loop3A_356, %parallel_loop3A_383 : vector<16xi32>
          %parallel_loop3A_385 = arith.constant 4 : i32
          %parallel_loop3A_386 = vector.broadcast %parallel_loop3A_385 : i32 to vector<16xi32>
          %parallel_loop3A_387 = arith.shrsi %parallel_loop3A_384, %parallel_loop3A_386 : vector<16xi32>
          %parallel_loop3A_388 = arith.shrui %parallel_loop3A_370, %parallel_loop3A_387 : vector<16xi32>
          %parallel_loop3A_389 = arith.constant 16 : i32
          %parallel_loop3A_390 = vector.broadcast %parallel_loop3A_389 : i32 to vector<16xi32>
          %parallel_loop3A_391 = arith.shli %parallel_loop3A_388, %parallel_loop3A_390 : vector<16xi32>
          %parallel_loop3A_392 = vector.bitcast %parallel_loop3A_391 : vector<16xi32> to vector<16xf32>
          %parallel_loop3A_393 = arith.addf %parallel_loop3A_381, %parallel_loop3A_392 : vector<16xf32>
          %parallel_loop3A_394 = arith.constant 0 : i32
          %parallel_loop3A_395 = arith.index_cast %parallel_loop3A_394 : i32 to index
          %parallel_loop3A_396 = arith.index_cast %parallel_loop3A_190 : i32 to index
          %parallel_loop3A_397 = arith.constant 48 : index
          %parallel_loop3A_398 = tpu.vector_load %arg11[%parallel_loop3A_395, %parallel_loop3A_396, %parallel_loop3A_397] {strides = array<i32>} : memref<2x32x128xf32, #tpu.memory_space<vmem>>, vector<16xf32>,
          tpu.vector_store %arg11[%parallel_loop3A_395, %parallel_loop3A_396, %parallel_loop3A_397], %parallel_loop3A_393 {strides = array<i32>} : memref<2x32x128xf32, #tpu.memory_space<vmem>>, vector<16xf32>,
          %parallel_loop3A_399 = arith.constant 0 : i32
          %parallel_loop3A_400 = arith.index_cast %parallel_loop3A_399 : i32 to index
          %parallel_loop3A_401 = arith.index_cast %parallel_loop3A_190 : i32 to index
          %parallel_loop3A_402 = arith.constant 64 : index
          %parallel_loop3A_403 = tpu.vector_load %arg9[%parallel_loop3A_400, %parallel_loop3A_401, %parallel_loop3A_402] {strides = array<i32>} : memref<2x32x128xi32, #tpu.memory_space<vmem>>, vector<16xi32>,
          %parallel_loop3A_404 = arith.constant 0 : i32
          %parallel_loop3A_405 = arith.index_cast %parallel_loop3A_404 : i32 to index
          %parallel_loop3A_406 = arith.index_cast %parallel_loop3A_190 : i32 to index
          %parallel_loop3A_407 = arith.constant 64 : index
          %parallel_loop3A_408 = tpu.vector_load %arg10[%parallel_loop3A_405, %parallel_loop3A_406, %parallel_loop3A_407] {strides = array<i32>} : memref<2x32x128xi32, #tpu.memory_space<vmem>>, vector<16xi32>,
          %parallel_loop3A_409 = arith.constant 9 : i32
          %parallel_loop3A_410 = vector.broadcast %parallel_loop3A_409 : i32 to vector<16xi32>
          %parallel_loop3A_411 = arith.shrsi %parallel_loop3A_403, %parallel_loop3A_410 : vector<16xi32>
          %parallel_loop3A_412 = arith.constant 255 : i32
          %parallel_loop3A_413 = vector.broadcast %parallel_loop3A_412 : i32 to vector<16xi32>
          %parallel_loop3A_414 = arith.andi %parallel_loop3A_403, %parallel_loop3A_413 : vector<16xi32>
          %parallel_loop3A_415 = tpu.vector_load_idx %arg7[%parallel_loop3A_411, %parallel_loop3A_414] : memref<200x256xi32, #tpu.memory_space<vmem>>[vector<16xi32>, vector<16xi32>], vector<16xi32>,
          %parallel_loop3A_416 = arith.constant 9 : i32
          %parallel_loop3A_417 = vector.broadcast %parallel_loop3A_416 : i32 to vector<16xi32>
          %parallel_loop3A_418 = arith.shrsi %parallel_loop3A_408, %parallel_loop3A_417 : vector<16xi32>
          %parallel_loop3A_419 = arith.constant 255 : i32
          %parallel_loop3A_420 = vector.broadcast %parallel_loop3A_419 : i32 to vector<16xi32>
          %parallel_loop3A_421 = arith.andi %parallel_loop3A_408, %parallel_loop3A_420 : vector<16xi32>
          %parallel_loop3A_422 = tpu.vector_load_idx %arg8[%parallel_loop3A_418, %parallel_loop3A_421] : memref<200x256xi32, #tpu.memory_space<vmem>>[vector<16xi32>, vector<16xi32>], vector<16xi32>,
          %parallel_loop3A_423 = arith.constant 256 : i32
          %parallel_loop3A_424 = vector.broadcast %parallel_loop3A_423 : i32 to vector<16xi32>
          %parallel_loop3A_425 = arith.andi %parallel_loop3A_403, %parallel_loop3A_424 : vector<16xi32>
          %parallel_loop3A_426 = arith.constant 4 : i32
          %parallel_loop3A_427 = vector.broadcast %parallel_loop3A_426 : i32 to vector<16xi32>
          %parallel_loop3A_428 = arith.shrsi %parallel_loop3A_425, %parallel_loop3A_427 : vector<16xi32>
          %parallel_loop3A_429 = arith.shrui %parallel_loop3A_415, %parallel_loop3A_428 : vector<16xi32>
          %parallel_loop3A_430 = arith.constant 16 : i32
          %parallel_loop3A_431 = vector.broadcast %parallel_loop3A_430 : i32 to vector<16xi32>
          %parallel_loop3A_432 = arith.shli %parallel_loop3A_429, %parallel_loop3A_431 : vector<16xi32>
          %parallel_loop3A_433 = vector.bitcast %parallel_loop3A_432 : vector<16xi32> to vector<16xf32>
          %parallel_loop3A_434 = arith.constant 256 : i32
          %parallel_loop3A_435 = vector.broadcast %parallel_loop3A_434 : i32 to vector<16xi32>
          %parallel_loop3A_436 = arith.andi %parallel_loop3A_408, %parallel_loop3A_435 : vector<16xi32>
          %parallel_loop3A_437 = arith.constant 4 : i32
          %parallel_loop3A_438 = vector.broadcast %parallel_loop3A_437 : i32 to vector<16xi32>
          %parallel_loop3A_439 = arith.shrsi %parallel_loop3A_436, %parallel_loop3A_438 : vector<16xi32>
          %parallel_loop3A_440 = arith.shrui %parallel_loop3A_422, %parallel_loop3A_439 : vector<16xi32>
          %parallel_loop3A_441 = arith.constant 16 : i32
          %parallel_loop3A_442 = vector.broadcast %parallel_loop3A_441 : i32 to vector<16xi32>
          %parallel_loop3A_443 = arith.shli %parallel_loop3A_440, %parallel_loop3A_442 : vector<16xi32>
          %parallel_loop3A_444 = vector.bitcast %parallel_loop3A_443 : vector<16xi32> to vector<16xf32>
          %parallel_loop3A_445 = arith.addf %parallel_loop3A_433, %parallel_loop3A_444 : vector<16xf32>
          %parallel_loop3A_446 = arith.constant 0 : i32
          %parallel_loop3A_447 = arith.index_cast %parallel_loop3A_446 : i32 to index
          %parallel_loop3A_448 = arith.index_cast %parallel_loop3A_190 : i32 to index
          %parallel_loop3A_449 = arith.constant 64 : index
          %parallel_loop3A_450 = tpu.vector_load %arg11[%parallel_loop3A_447, %parallel_loop3A_448, %parallel_loop3A_449] {strides = array<i32>} : memref<2x32x128xf32, #tpu.memory_space<vmem>>, vector<16xf32>,
          tpu.vector_store %arg11[%parallel_loop3A_447, %parallel_loop3A_448, %parallel_loop3A_449], %parallel_loop3A_445 {strides = array<i32>} : memref<2x32x128xf32, #tpu.memory_space<vmem>>, vector<16xf32>,
          %parallel_loop3A_451 = arith.constant 0 : i32
          %parallel_loop3A_452 = arith.index_cast %parallel_loop3A_451 : i32 to index
          %parallel_loop3A_453 = arith.index_cast %parallel_loop3A_190 : i32 to index
          %parallel_loop3A_454 = arith.constant 80 : index
          %parallel_loop3A_455 = tpu.vector_load %arg9[%parallel_loop3A_452, %parallel_loop3A_453, %parallel_loop3A_454] {strides = array<i32>} : memref<2x32x128xi32, #tpu.memory_space<vmem>>, vector<16xi32>,
          %parallel_loop3A_456 = arith.constant 0 : i32
          %parallel_loop3A_457 = arith.index_cast %parallel_loop3A_456 : i32 to index
          %parallel_loop3A_458 = arith.index_cast %parallel_loop3A_190 : i32 to index
          %parallel_loop3A_459 = arith.constant 80 : index
          %parallel_loop3A_460 = tpu.vector_load %arg10[%parallel_loop3A_457, %parallel_loop3A_458, %parallel_loop3A_459] {strides = array<i32>} : memref<2x32x128xi32, #tpu.memory_space<vmem>>, vector<16xi32>,
          %parallel_loop3A_461 = arith.constant 9 : i32
          %parallel_loop3A_462 = vector.broadcast %parallel_loop3A_461 : i32 to vector<16xi32>
          %parallel_loop3A_463 = arith.shrsi %parallel_loop3A_455, %parallel_loop3A_462 : vector<16xi32>
          %parallel_loop3A_464 = arith.constant 255 : i32
          %parallel_loop3A_465 = vector.broadcast %parallel_loop3A_464 : i32 to vector<16xi32>
          %parallel_loop3A_466 = arith.andi %parallel_loop3A_455, %parallel_loop3A_465 : vector<16xi32>
          %parallel_loop3A_467 = tpu.vector_load_idx %arg7[%parallel_loop3A_463, %parallel_loop3A_466] : memref<200x256xi32, #tpu.memory_space<vmem>>[vector<16xi32>, vector<16xi32>], vector<16xi32>,
          %parallel_loop3A_468 = arith.constant 9 : i32
          %parallel_loop3A_469 = vector.broadcast %parallel_loop3A_468 : i32 to vector<16xi32>
          %parallel_loop3A_470 = arith.shrsi %parallel_loop3A_460, %parallel_loop3A_469 : vector<16xi32>
          %parallel_loop3A_471 = arith.constant 255 : i32
          %parallel_loop3A_472 = vector.broadcast %parallel_loop3A_471 : i32 to vector<16xi32>
          %parallel_loop3A_473 = arith.andi %parallel_loop3A_460, %parallel_loop3A_472 : vector<16xi32>
          %parallel_loop3A_474 = tpu.vector_load_idx %arg8[%parallel_loop3A_470, %parallel_loop3A_473] : memref<200x256xi32, #tpu.memory_space<vmem>>[vector<16xi32>, vector<16xi32>], vector<16xi32>,
          %parallel_loop3A_475 = arith.constant 256 : i32
          %parallel_loop3A_476 = vector.broadcast %parallel_loop3A_475 : i32 to vector<16xi32>
          %parallel_loop3A_477 = arith.andi %parallel_loop3A_455, %parallel_loop3A_476 : vector<16xi32>
          %parallel_loop3A_478 = arith.constant 4 : i32
          %parallel_loop3A_479 = vector.broadcast %parallel_loop3A_478 : i32 to vector<16xi32>
          %parallel_loop3A_480 = arith.shrsi %parallel_loop3A_477, %parallel_loop3A_479 : vector<16xi32>
          %parallel_loop3A_481 = arith.shrui %parallel_loop3A_467, %parallel_loop3A_480 : vector<16xi32>
          %parallel_loop3A_482 = arith.constant 16 : i32
          %parallel_loop3A_483 = vector.broadcast %parallel_loop3A_482 : i32 to vector<16xi32>
          %parallel_loop3A_484 = arith.shli %parallel_loop3A_481, %parallel_loop3A_483 : vector<16xi32>
          %parallel_loop3A_485 = vector.bitcast %parallel_loop3A_484 : vector<16xi32> to vector<16xf32>
          %parallel_loop3A_486 = arith.constant 256 : i32
          %parallel_loop3A_487 = vector.broadcast %parallel_loop3A_486 : i32 to vector<16xi32>
          %parallel_loop3A_488 = arith.andi %parallel_loop3A_460, %parallel_loop3A_487 : vector<16xi32>
          %parallel_loop3A_489 = arith.constant 4 : i32
          %parallel_loop3A_490 = vector.broadcast %parallel_loop3A_489 : i32 to vector<16xi32>
          %parallel_loop3A_491 = arith.shrsi %parallel_loop3A_488, %parallel_loop3A_490 : vector<16xi32>
          %parallel_loop3A_492 = arith.shrui %parallel_loop3A_474, %parallel_loop3A_491 : vector<16xi32>
          %parallel_loop3A_493 = arith.constant 16 : i32
          %parallel_loop3A_494 = vector.broadcast %parallel_loop3A_493 : i32 to vector<16xi32>
          %parallel_loop3A_495 = arith.shli %parallel_loop3A_492, %parallel_loop3A_494 : vector<16xi32>
          %parallel_loop3A_496 = vector.bitcast %parallel_loop3A_495 : vector<16xi32> to vector<16xf32>
          %parallel_loop3A_497 = arith.addf %parallel_loop3A_485, %parallel_loop3A_496 : vector<16xf32>
          %parallel_loop3A_498 = arith.constant 0 : i32
          %parallel_loop3A_499 = arith.index_cast %parallel_loop3A_498 : i32 to index
          %parallel_loop3A_500 = arith.index_cast %parallel_loop3A_190 : i32 to index
          %parallel_loop3A_501 = arith.constant 80 : index
          %parallel_loop3A_502 = tpu.vector_load %arg11[%parallel_loop3A_499, %parallel_loop3A_500, %parallel_loop3A_501] {strides = array<i32>} : memref<2x32x128xf32, #tpu.memory_space<vmem>>, vector<16xf32>,
          tpu.vector_store %arg11[%parallel_loop3A_499, %parallel_loop3A_500, %parallel_loop3A_501], %parallel_loop3A_497 {strides = array<i32>} : memref<2x32x128xf32, #tpu.memory_space<vmem>>, vector<16xf32>,
          %parallel_loop3A_503 = arith.constant 0 : i32
          %parallel_loop3A_504 = arith.index_cast %parallel_loop3A_503 : i32 to index
          %parallel_loop3A_505 = arith.index_cast %parallel_loop3A_190 : i32 to index
          %parallel_loop3A_506 = arith.constant 96 : index
          %parallel_loop3A_507 = tpu.vector_load %arg9[%parallel_loop3A_504, %parallel_loop3A_505, %parallel_loop3A_506] {strides = array<i32>} : memref<2x32x128xi32, #tpu.memory_space<vmem>>, vector<16xi32>,
          %parallel_loop3A_508 = arith.constant 0 : i32
          %parallel_loop3A_509 = arith.index_cast %parallel_loop3A_508 : i32 to index
          %parallel_loop3A_510 = arith.index_cast %parallel_loop3A_190 : i32 to index
          %parallel_loop3A_511 = arith.constant 96 : index
          %parallel_loop3A_512 = tpu.vector_load %arg10[%parallel_loop3A_509, %parallel_loop3A_510, %parallel_loop3A_511] {strides = array<i32>} : memref<2x32x128xi32, #tpu.memory_space<vmem>>, vector<16xi32>,
          %parallel_loop3A_513 = arith.constant 9 : i32
          %parallel_loop3A_514 = vector.broadcast %parallel_loop3A_513 : i32 to vector<16xi32>
          %parallel_loop3A_515 = arith.shrsi %parallel_loop3A_507, %parallel_loop3A_514 : vector<16xi32>
          %parallel_loop3A_516 = arith.constant 255 : i32
          %parallel_loop3A_517 = vector.broadcast %parallel_loop3A_516 : i32 to vector<16xi32>
          %parallel_loop3A_518 = arith.andi %parallel_loop3A_507, %parallel_loop3A_517 : vector<16xi32>
          %parallel_loop3A_519 = tpu.vector_load_idx %arg7[%parallel_loop3A_515, %parallel_loop3A_518] : memref<200x256xi32, #tpu.memory_space<vmem>>[vector<16xi32>, vector<16xi32>], vector<16xi32>,
          %parallel_loop3A_520 = arith.constant 9 : i32
          %parallel_loop3A_521 = vector.broadcast %parallel_loop3A_520 : i32 to vector<16xi32>
          %parallel_loop3A_522 = arith.shrsi %parallel_loop3A_512, %parallel_loop3A_521 : vector<16xi32>
          %parallel_loop3A_523 = arith.constant 255 : i32
          %parallel_loop3A_524 = vector.broadcast %parallel_loop3A_523 : i32 to vector<16xi32>
          %parallel_loop3A_525 = arith.andi %parallel_loop3A_512, %parallel_loop3A_524 : vector<16xi32>
          %parallel_loop3A_526 = tpu.vector_load_idx %arg8[%parallel_loop3A_522, %parallel_loop3A_525] : memref<200x256xi32, #tpu.memory_space<vmem>>[vector<16xi32>, vector<16xi32>], vector<16xi32>,
          %parallel_loop3A_527 = arith.constant 256 : i32
          %parallel_loop3A_528 = vector.broadcast %parallel_loop3A_527 : i32 to vector<16xi32>
          %parallel_loop3A_529 = arith.andi %parallel_loop3A_507, %parallel_loop3A_528 : vector<16xi32>
          %parallel_loop3A_530 = arith.constant 4 : i32
          %parallel_loop3A_531 = vector.broadcast %parallel_loop3A_530 : i32 to vector<16xi32>
          %parallel_loop3A_532 = arith.shrsi %parallel_loop3A_529, %parallel_loop3A_531 : vector<16xi32>
          %parallel_loop3A_533 = arith.shrui %parallel_loop3A_519, %parallel_loop3A_532 : vector<16xi32>
          %parallel_loop3A_534 = arith.constant 16 : i32
          %parallel_loop3A_535 = vector.broadcast %parallel_loop3A_534 : i32 to vector<16xi32>
          %parallel_loop3A_536 = arith.shli %parallel_loop3A_533, %parallel_loop3A_535 : vector<16xi32>
          %parallel_loop3A_537 = vector.bitcast %parallel_loop3A_536 : vector<16xi32> to vector<16xf32>
          %parallel_loop3A_538 = arith.constant 256 : i32
          %parallel_loop3A_539 = vector.broadcast %parallel_loop3A_538 : i32 to vector<16xi32>
          %parallel_loop3A_540 = arith.andi %parallel_loop3A_512, %parallel_loop3A_539 : vector<16xi32>
          %parallel_loop3A_541 = arith.constant 4 : i32
          %parallel_loop3A_542 = vector.broadcast %parallel_loop3A_541 : i32 to vector<16xi32>
          %parallel_loop3A_543 = arith.shrsi %parallel_loop3A_540, %parallel_loop3A_542 : vector<16xi32>
          %parallel_loop3A_544 = arith.shrui %parallel_loop3A_526, %parallel_loop3A_543 : vector<16xi32>
          %parallel_loop3A_545 = arith.constant 16 : i32
          %parallel_loop3A_546 = vector.broadcast %parallel_loop3A_545 : i32 to vector<16xi32>
          %parallel_loop3A_547 = arith.shli %parallel_loop3A_544, %parallel_loop3A_546 : vector<16xi32>
          %parallel_loop3A_548 = vector.bitcast %parallel_loop3A_547 : vector<16xi32> to vector<16xf32>
          %parallel_loop3A_549 = arith.addf %parallel_loop3A_537, %parallel_loop3A_548 : vector<16xf32>
          %parallel_loop3A_550 = arith.constant 0 : i32
          %parallel_loop3A_551 = arith.index_cast %parallel_loop3A_550 : i32 to index
          %parallel_loop3A_552 = arith.index_cast %parallel_loop3A_190 : i32 to index
          %parallel_loop3A_553 = arith.constant 96 : index
          %parallel_loop3A_554 = tpu.vector_load %arg11[%parallel_loop3A_551, %parallel_loop3A_552, %parallel_loop3A_553] {strides = array<i32>} : memref<2x32x128xf32, #tpu.memory_space<vmem>>, vector<16xf32>,
          tpu.vector_store %arg11[%parallel_loop3A_551, %parallel_loop3A_552, %parallel_loop3A_553], %parallel_loop3A_549 {strides = array<i32>} : memref<2x32x128xf32, #tpu.memory_space<vmem>>, vector<16xf32>,
          %parallel_loop3A_555 = arith.constant 0 : i32
          %parallel_loop3A_556 = arith.index_cast %parallel_loop3A_555 : i32 to index
          %parallel_loop3A_557 = arith.index_cast %parallel_loop3A_190 : i32 to index
          %parallel_loop3A_558 = arith.constant 112 : index
          %parallel_loop3A_559 = tpu.vector_load %arg9[%parallel_loop3A_556, %parallel_loop3A_557, %parallel_loop3A_558] {strides = array<i32>} : memref<2x32x128xi32, #tpu.memory_space<vmem>>, vector<16xi32>,
          %parallel_loop3A_560 = arith.constant 0 : i32
          %parallel_loop3A_561 = arith.index_cast %parallel_loop3A_560 : i32 to index
          %parallel_loop3A_562 = arith.index_cast %parallel_loop3A_190 : i32 to index
          %parallel_loop3A_563 = arith.constant 112 : index
          %parallel_loop3A_564 = tpu.vector_load %arg10[%parallel_loop3A_561, %parallel_loop3A_562, %parallel_loop3A_563] {strides = array<i32>} : memref<2x32x128xi32, #tpu.memory_space<vmem>>, vector<16xi32>,
          %parallel_loop3A_565 = arith.constant 9 : i32
          %parallel_loop3A_566 = vector.broadcast %parallel_loop3A_565 : i32 to vector<16xi32>
          %parallel_loop3A_567 = arith.shrsi %parallel_loop3A_559, %parallel_loop3A_566 : vector<16xi32>
          %parallel_loop3A_568 = arith.constant 255 : i32
          %parallel_loop3A_569 = vector.broadcast %parallel_loop3A_568 : i32 to vector<16xi32>
          %parallel_loop3A_570 = arith.andi %parallel_loop3A_559, %parallel_loop3A_569 : vector<16xi32>
          %parallel_loop3A_571 = tpu.vector_load_idx %arg7[%parallel_loop3A_567, %parallel_loop3A_570] : memref<200x256xi32, #tpu.memory_space<vmem>>[vector<16xi32>, vector<16xi32>], vector<16xi32>,
          %parallel_loop3A_572 = arith.constant 9 : i32
          %parallel_loop3A_573 = vector.broadcast %parallel_loop3A_572 : i32 to vector<16xi32>
          %parallel_loop3A_574 = arith.shrsi %parallel_loop3A_564, %parallel_loop3A_573 : vector<16xi32>
          %parallel_loop3A_575 = arith.constant 255 : i32
          %parallel_loop3A_576 = vector.broadcast %parallel_loop3A_575 : i32 to vector<16xi32>
          %parallel_loop3A_577 = arith.andi %parallel_loop3A_564, %parallel_loop3A_576 : vector<16xi32>
          %parallel_loop3A_578 = tpu.vector_load_idx %arg8[%parallel_loop3A_574, %parallel_loop3A_577] : memref<200x256xi32, #tpu.memory_space<vmem>>[vector<16xi32>, vector<16xi32>], vector<16xi32>,
          %parallel_loop3A_579 = arith.constant 256 : i32
          %parallel_loop3A_580 = vector.broadcast %parallel_loop3A_579 : i32 to vector<16xi32>
          %parallel_loop3A_581 = arith.andi %parallel_loop3A_559, %parallel_loop3A_580 : vector<16xi32>
          %parallel_loop3A_582 = arith.constant 4 : i32
          %parallel_loop3A_583 = vector.broadcast %parallel_loop3A_582 : i32 to vector<16xi32>
          %parallel_loop3A_584 = arith.shrsi %parallel_loop3A_581, %parallel_loop3A_583 : vector<16xi32>
          %parallel_loop3A_585 = arith.shrui %parallel_loop3A_571, %parallel_loop3A_584 : vector<16xi32>
          %parallel_loop3A_586 = arith.constant 16 : i32
          %parallel_loop3A_587 = vector.broadcast %parallel_loop3A_586 : i32 to vector<16xi32>
          %parallel_loop3A_588 = arith.shli %parallel_loop3A_585, %parallel_loop3A_587 : vector<16xi32>
          %parallel_loop3A_589 = vector.bitcast %parallel_loop3A_588 : vector<16xi32> to vector<16xf32>
          %parallel_loop3A_590 = arith.constant 256 : i32
          %parallel_loop3A_591 = vector.broadcast %parallel_loop3A_590 : i32 to vector<16xi32>
          %parallel_loop3A_592 = arith.andi %parallel_loop3A_564, %parallel_loop3A_591 : vector<16xi32>
          %parallel_loop3A_593 = arith.constant 4 : i32
          %parallel_loop3A_594 = vector.broadcast %parallel_loop3A_593 : i32 to vector<16xi32>
          %parallel_loop3A_595 = arith.shrsi %parallel_loop3A_592, %parallel_loop3A_594 : vector<16xi32>
          %parallel_loop3A_596 = arith.shrui %parallel_loop3A_578, %parallel_loop3A_595 : vector<16xi32>
          %parallel_loop3A_597 = arith.constant 16 : i32
          %parallel_loop3A_598 = vector.broadcast %parallel_loop3A_597 : i32 to vector<16xi32>
          %parallel_loop3A_599 = arith.shli %parallel_loop3A_596, %parallel_loop3A_598 : vector<16xi32>
          %parallel_loop3A_600 = vector.bitcast %parallel_loop3A_599 : vector<16xi32> to vector<16xf32>
          %parallel_loop3A_601 = arith.addf %parallel_loop3A_589, %parallel_loop3A_600 : vector<16xf32>
          %parallel_loop3A_602 = arith.constant 0 : i32
          %parallel_loop3A_603 = arith.index_cast %parallel_loop3A_602 : i32 to index
          %parallel_loop3A_604 = arith.index_cast %parallel_loop3A_190 : i32 to index
          %parallel_loop3A_605 = arith.constant 112 : index
          %parallel_loop3A_606 = tpu.vector_load %arg11[%parallel_loop3A_603, %parallel_loop3A_604, %parallel_loop3A_605] {strides = array<i32>} : memref<2x32x128xf32, #tpu.memory_space<vmem>>, vector<16xf32>,
          tpu.vector_store %arg11[%parallel_loop3A_603, %parallel_loop3A_604, %parallel_loop3A_605], %parallel_loop3A_601 {strides = array<i32>} : memref<2x32x128xf32, #tpu.memory_space<vmem>>, vector<16xf32>,
        } {sc.loop_unroll_factor = 1 : i64, sc.parallel_access}
        %mul3A_165 = arith.constant 32 : i32
        %mul3A_166 = arith.muli %add3A_115, %mul3A_165 : i32
        %add3A_167 = arith.addi %mul3A_6, %mul3A_166 : i32
        %min3A_168 = arith.minsi %add3A_167, %sub3A_14 : i32
        %multiple_of3A_169 = tpu.assume_multiple %min3A_168, 8 : i32
        %dma_start3A_170 = arith.constant 0 : i32
        %dma_start3A_171 = arith.constant 0 : i32
        %dma_start3A_172 = arith.constant 0 : i32
        %dma_start3A_173 = tpu.memref_slice %arg11[%dma_start3A_170, %dma_start3A_171, %dma_start3A_172] : memref<2x32x128xf32, #tpu.memory_space<vmem>> -> memref<1x32x128xf32, #tpu.memory_space<vmem>>
        %dma_start3A_174 = tpu.memref_squeeze %dma_start3A_173 : memref<1x32x128xf32, #tpu.memory_space<vmem>> -> memref<32x128xf32, #tpu.memory_space<vmem>>
        %dma_start3A_175 = arith.constant 0 : i32
        %dma_start3A_176 = tpu.memref_slice %arg6[%multiple_of3A_169, %dma_start3A_175] : memref<50000x128xf32, #tpu.memory_space<hbm>> -> memref<32x128xf32, #tpu.memory_space<hbm>>
        %dma_start3A_177 = arith.constant 0 : i32
        %dma_start3A_178 = tpu.memref_slice %arg6[%multiple_of3A_169, %dma_start3A_177] : memref<50000x128xf32, #tpu.memory_space<hbm>> -> memref<32x128xf32, #tpu.memory_space<hbm>>
        %dma_start3A_179 = arith.constant 0 : i32
        %dma_start3A_180 = arith.constant 0 : i32
        %dma_start3A_181 = tpu.memref_slice %arg11[%dma_start3A_170, %dma_start3A_179, %dma_start3A_180] : memref<2x32x128xf32, #tpu.memory_space<vmem>> -> memref<1x32x128xf32, #tpu.memory_space<vmem>>
        %dma_start3A_182 = tpu.memref_squeeze %dma_start3A_181 : memref<1x32x128xf32, #tpu.memory_space<vmem>> -> memref<32x128xf32, #tpu.memory_space<vmem>>
        tpu.enqueue_dma source(%dma_start3A_182 : memref<32x128xf32, #tpu.memory_space<vmem>>) target(%dma_start3A_178 : memref<32x128xf32, #tpu.memory_space<hbm>>) target_semaphore(%arg14 : memref<!tpu.dma_semaphore, #tpu.memory_space<semaphore_mem>>)
        %add3A_183 = arith.constant 2 : i32
        %add3A_184 = arith.addi %add3A_115, %add3A_183 : i32
        %lt3A_185 = arith.constant 49 : i32
        %lt3A_186 = arith.cmpi slt, %add3A_184, %lt3A_185 : i32
        %convert_element_type3A_187 = arith.extui %lt3A_186 : i1 to i32
        %cond3A_188 = arith.constant 0 : i32
        %cond3A_189 = arith.cmpi ne, %convert_element_type3A_187, %cond3A_188 : i32
        scf.if %cond3A_189 {
          %add3A_190 = arith.constant 2 : i32
          %add3A_191 = arith.addi %add3A_115, %add3A_190 : i32
          %mul3A_192 = arith.constant 32 : i32
          %mul3A_193 = arith.muli %add3A_191, %mul3A_192 : i32
          %add3A_194 = arith.addi %mul3A_6, %mul3A_193 : i32
          %min3A_195 = arith.minsi %add3A_194, %sub3A_14 : i32
          %multiple_of3A_196 = tpu.assume_multiple %min3A_195, 8 : i32
          %dma_start3A_197 = arith.constant 0 : i32
          %dma_start3A_198 = arith.constant 0 : i32
          %dma_start3A_199 = arith.constant 0 : i32
          %dma_start3A_200 = tpu.memref_slice %arg9[%dma_start3A_197, %dma_start3A_198, %dma_start3A_199] : memref<2x32x128xi32, #tpu.memory_space<vmem>> -> memref<1x32x128xi32, #tpu.memory_space<vmem>>
          %dma_start3A_201 = tpu.memref_squeeze %dma_start3A_200 : memref<1x32x128xi32, #tpu.memory_space<vmem>> -> memref<32x128xi32, #tpu.memory_space<vmem>>
          %dma_start3A_202 = arith.constant 0 : i32
          %dma_start3A_203 = tpu.memref_slice %arg4[%multiple_of3A_196, %dma_start3A_202] : memref<50000x128xi32, #tpu.memory_space<hbm>> -> memref<32x128xi32, #tpu.memory_space<hbm>>
          %dma_start3A_204 = arith.constant 0 : i32
          %dma_start3A_205 = arith.constant 0 : i32
          %dma_start3A_206 = tpu.memref_slice %arg9[%dma_start3A_197, %dma_start3A_204, %dma_start3A_205] : memref<2x32x128xi32, #tpu.memory_space<vmem>> -> memref<1x32x128xi32, #tpu.memory_space<vmem>>
          %dma_start3A_207 = tpu.memref_squeeze %dma_start3A_206 : memref<1x32x128xi32, #tpu.memory_space<vmem>> -> memref<32x128xi32, #tpu.memory_space<vmem>>
          %dma_start3A_208 = arith.constant 0 : i32
          %dma_start3A_209 = tpu.memref_slice %arg4[%multiple_of3A_196, %dma_start3A_208] : memref<50000x128xi32, #tpu.memory_space<hbm>> -> memref<32x128xi32, #tpu.memory_space<hbm>>
          tpu.enqueue_dma source(%dma_start3A_209 : memref<32x128xi32, #tpu.memory_space<hbm>>) target(%dma_start3A_207 : memref<32x128xi32, #tpu.memory_space<vmem>>) target_semaphore(%arg12 : memref<!tpu.dma_semaphore, #tpu.memory_space<semaphore_mem>>)
          %dma_start3A_210 = arith.constant 0 : i32
          %dma_start3A_211 = arith.constant 0 : i32
          %dma_start3A_212 = arith.constant 0 : i32
          %dma_start3A_213 = tpu.memref_slice %arg10[%dma_start3A_210, %dma_start3A_211, %dma_start3A_212] : memref<2x32x128xi32, #tpu.memory_space<vmem>> -> memref<1x32x128xi32, #tpu.memory_space<vmem>>
          %dma_start3A_214 = tpu.memref_squeeze %dma_start3A_213 : memref<1x32x128xi32, #tpu.memory_space<vmem>> -> memref<32x128xi32, #tpu.memory_space<vmem>>
          %dma_start3A_215 = arith.constant 0 : i32
          %dma_start3A_216 = tpu.memref_slice %arg5[%multiple_of3A_196, %dma_start3A_215] : memref<50000x128xi32, #tpu.memory_space<hbm>> -> memref<32x128xi32, #tpu.memory_space<hbm>>
          %dma_start3A_217 = arith.constant 0 : i32
          %dma_start3A_218 = arith.constant 0 : i32
          %dma_start3A_219 = tpu.memref_slice %arg10[%dma_start3A_210, %dma_start3A_217, %dma_start3A_218] : memref<2x32x128xi32, #tpu.memory_space<vmem>> -> memref<1x32x128xi32, #tpu.memory_space<vmem>>
          %dma_start3A_220 = tpu.memref_squeeze %dma_start3A_219 : memref<1x32x128xi32, #tpu.memory_space<vmem>> -> memref<32x128xi32, #tpu.memory_space<vmem>>
          %dma_start3A_221 = arith.constant 0 : i32
          %dma_start3A_222 = tpu.memref_slice %arg5[%multiple_of3A_196, %dma_start3A_221] : memref<50000x128xi32, #tpu.memory_space<hbm>> -> memref<32x128xi32, #tpu.memory_space<hbm>>
          tpu.enqueue_dma source(%dma_start3A_222 : memref<32x128xi32, #tpu.memory_space<hbm>>) target(%dma_start3A_220 : memref<32x128xi32, #tpu.memory_space<vmem>>) target_semaphore(%arg12 : memref<!tpu.dma_semaphore, #tpu.memory_space<semaphore_mem>>)
        } else {
        }
      } else {
      }
      %mul3A_119 = arith.constant 2 : i32
      %mul3A_120 = arith.muli %scan3A_111, %mul3A_119 : i32
      %add3A_121 = arith.constant 1 : i32
      %add3A_122 = arith.addi %mul3A_120, %add3A_121 : i32
      %lt3A_123 = arith.constant 49 : i32
      %lt3A_124 = arith.cmpi slt, %add3A_122, %lt3A_123 : i32
      %convert_element_type3A_125 = arith.extui %lt3A_124 : i1 to i32
      %cond3A_126 = arith.constant 0 : i32
      %cond3A_127 = arith.cmpi ne, %convert_element_type3A_125, %cond3A_126 : i32
      scf.if %cond3A_127 {
        %mul3A_128 = arith.constant 32 : i32
        %mul3A_129 = arith.muli %add3A_122, %mul3A_128 : i32
        %add3A_130 = arith.addi %mul3A_6, %mul3A_129 : i32
        %min3A_131 = arith.minsi %add3A_130, %sub3A_14 : i32
        %multiple_of3A_132 = tpu.assume_multiple %min3A_131, 8 : i32
        %dma_wait3A_133 = arith.constant 1 : i32
        %dma_wait3A_134 = arith.constant 0 : i32
        %dma_wait3A_135 = arith.constant 0 : i32
        %dma_wait3A_136 = tpu.memref_slice %arg9[%dma_wait3A_133, %dma_wait3A_134, %dma_wait3A_135] : memref<2x32x128xi32, #tpu.memory_space<vmem>> -> memref<1x32x128xi32, #tpu.memory_space<vmem>>
        %dma_wait3A_137 = tpu.memref_squeeze %dma_wait3A_136 : memref<1x32x128xi32, #tpu.memory_space<vmem>> -> memref<32x128xi32, #tpu.memory_space<vmem>>
        %dma_wait3A_138 = arith.constant 0 : i32
        %dma_wait3A_139 = tpu.memref_slice %arg4[%multiple_of3A_132, %dma_wait3A_138] : memref<50000x128xi32, #tpu.memory_space<hbm>> -> memref<32x128xi32, #tpu.memory_space<hbm>>
        %dma_wait3A_140 = arith.constant 0 : i32
        %dma_wait3A_141 = arith.constant 0 : i32
        %dma_wait3A_142 = tpu.memref_slice %arg9[%dma_wait3A_133, %dma_wait3A_140, %dma_wait3A_141] : memref<2x32x128xi32, #tpu.memory_space<vmem>> -> memref<1x32x128xi32, #tpu.memory_space<vmem>>
        %dma_wait3A_143 = tpu.memref_squeeze %dma_wait3A_142 : memref<1x32x128xi32, #tpu.memory_space<vmem>> -> memref<32x128xi32, #tpu.memory_space<vmem>>
        %dma_wait3A_144 = arith.constant 0 : i32
        %dma_wait3A_145 = tpu.memref_slice %arg4[%multiple_of3A_132, %dma_wait3A_144] : memref<50000x128xi32, #tpu.memory_space<hbm>> -> memref<32x128xi32, #tpu.memory_space<hbm>>
        tpu.wait_dma2 semaphore(%arg13 : memref<!tpu.dma_semaphore, #tpu.memory_space<semaphore_mem>>) src(%dma_wait3A_145 : memref<32x128xi32, #tpu.memory_space<hbm>>) dst(%dma_wait3A_143 : memref<32x128xi32, #tpu.memory_space<vmem>>)
        %dma_wait3A_146 = arith.constant 1 : i32
        %dma_wait3A_147 = arith.constant 0 : i32
        %dma_wait3A_148 = arith.constant 0 : i32
        %dma_wait3A_149 = tpu.memref_slice %arg10[%dma_wait3A_146, %dma_wait3A_147, %dma_wait3A_148] : memref<2x32x128xi32, #tpu.memory_space<vmem>> -> memref<1x32x128xi32, #tpu.memory_space<vmem>>
        %dma_wait3A_150 = tpu.memref_squeeze %dma_wait3A_149 : memref<1x32x128xi32, #tpu.memory_space<vmem>> -> memref<32x128xi32, #tpu.memory_space<vmem>>
        %dma_wait3A_151 = arith.constant 0 : i32
        %dma_wait3A_152 = tpu.memref_slice %arg5[%multiple_of3A_132, %dma_wait3A_151] : memref<50000x128xi32, #tpu.memory_space<hbm>> -> memref<32x128xi32, #tpu.memory_space<hbm>>
        %dma_wait3A_153 = arith.constant 0 : i32
        %dma_wait3A_154 = arith.constant 0 : i32
        %dma_wait3A_155 = tpu.memref_slice %arg10[%dma_wait3A_146, %dma_wait3A_153, %dma_wait3A_154] : memref<2x32x128xi32, #tpu.memory_space<vmem>> -> memref<1x32x128xi32, #tpu.memory_space<vmem>>
        %dma_wait3A_156 = tpu.memref_squeeze %dma_wait3A_155 : memref<1x32x128xi32, #tpu.memory_space<vmem>> -> memref<32x128xi32, #tpu.memory_space<vmem>>
        %dma_wait3A_157 = arith.constant 0 : i32
        %dma_wait3A_158 = tpu.memref_slice %arg5[%multiple_of3A_132, %dma_wait3A_157] : memref<50000x128xi32, #tpu.memory_space<hbm>> -> memref<32x128xi32, #tpu.memory_space<hbm>>
        tpu.wait_dma2 semaphore(%arg13 : memref<!tpu.dma_semaphore, #tpu.memory_space<semaphore_mem>>) src(%dma_wait3A_158 : memref<32x128xi32, #tpu.memory_space<hbm>>) dst(%dma_wait3A_156 : memref<32x128xi32, #tpu.memory_space<vmem>>)
        %ge3A = arith.constant 2 : i32
        %ge3A_159 = arith.cmpi sge, %add3A_122, %ge3A : i32
        %convert_element_type3A_160 = arith.extui %ge3A_159 : i1 to i32
        %cond3A_161 = arith.constant 0 : i32
        %cond3A_162 = arith.cmpi ne, %convert_element_type3A_160, %cond3A_161 : i32
        scf.if %cond3A_162 {
          %sub3A_190 = arith.constant 2 : i32
          %sub3A_191 = arith.subi %add3A_122, %sub3A_190 : i32
          %mul3A_192 = arith.constant 32 : i32
          %mul3A_193 = arith.muli %sub3A_191, %mul3A_192 : i32
          %add3A_194 = arith.addi %mul3A_6, %mul3A_193 : i32
          %min3A_195 = arith.minsi %add3A_194, %sub3A_14 : i32
          %multiple_of3A_196 = tpu.assume_multiple %min3A_195, 8 : i32
          %dma_wait3A_197 = arith.constant 1 : i32
          %dma_wait3A_198 = arith.constant 0 : i32
          %dma_wait3A_199 = arith.constant 0 : i32
          %dma_wait3A_200 = tpu.memref_slice %arg11[%dma_wait3A_197, %dma_wait3A_198, %dma_wait3A_199] : memref<2x32x128xf32, #tpu.memory_space<vmem>> -> memref<1x32x128xf32, #tpu.memory_space<vmem>>
          %dma_wait3A_201 = tpu.memref_squeeze %dma_wait3A_200 : memref<1x32x128xf32, #tpu.memory_space<vmem>> -> memref<32x128xf32, #tpu.memory_space<vmem>>
          %dma_wait3A_202 = arith.constant 0 : i32
          %dma_wait3A_203 = tpu.memref_slice %arg6[%multiple_of3A_196, %dma_wait3A_202] : memref<50000x128xf32, #tpu.memory_space<hbm>> -> memref<32x128xf32, #tpu.memory_space<hbm>>
          %dma_wait3A_204 = arith.constant 0 : i32
          %dma_wait3A_205 = tpu.memref_slice %arg6[%multiple_of3A_196, %dma_wait3A_204] : memref<50000x128xf32, #tpu.memory_space<hbm>> -> memref<32x128xf32, #tpu.memory_space<hbm>>
          %dma_wait3A_206 = arith.constant 0 : i32
          %dma_wait3A_207 = arith.constant 0 : i32
          %dma_wait3A_208 = tpu.memref_slice %arg11[%dma_wait3A_197, %dma_wait3A_206, %dma_wait3A_207] : memref<2x32x128xf32, #tpu.memory_space<vmem>> -> memref<1x32x128xf32, #tpu.memory_space<vmem>>
          %dma_wait3A_209 = tpu.memref_squeeze %dma_wait3A_208 : memref<1x32x128xf32, #tpu.memory_space<vmem>> -> memref<32x128xf32, #tpu.memory_space<vmem>>
          tpu.wait_dma2 semaphore(%arg15 : memref<!tpu.dma_semaphore, #tpu.memory_space<semaphore_mem>>) src(%dma_wait3A_209 : memref<32x128xf32, #tpu.memory_space<vmem>>) dst(%dma_wait3A_205 : memref<32x128xf32, #tpu.memory_space<hbm>>)
        } else {
        }
        %parallel_loop3A = arith.constant 0 : i32
        %parallel_loop3A_163 = arith.constant 32 : i32
        %parallel_loop3A_164 = arith.constant 1 : i32
        scf.for %parallel_loop3A_190 = %parallel_loop3A to %parallel_loop3A_163 step %parallel_loop3A_164  : i32 {
          %parallel_loop3A_191 = arith.constant 1 : i32
          %parallel_loop3A_192 = arith.index_cast %parallel_loop3A_191 : i32 to index
          %parallel_loop3A_193 = arith.index_cast %parallel_loop3A_190 : i32 to index
          %parallel_loop3A_194 = arith.constant 0 : index
          %parallel_loop3A_195 = tpu.vector_load %arg9[%parallel_loop3A_192, %parallel_loop3A_193, %parallel_loop3A_194] {strides = array<i32>} : memref<2x32x128xi32, #tpu.memory_space<vmem>>, vector<16xi32>,
          %parallel_loop3A_196 = arith.constant 1 : i32
          %parallel_loop3A_197 = arith.index_cast %parallel_loop3A_196 : i32 to index
          %parallel_loop3A_198 = arith.index_cast %parallel_loop3A_190 : i32 to index
          %parallel_loop3A_199 = arith.constant 0 : index
          %parallel_loop3A_200 = tpu.vector_load %arg10[%parallel_loop3A_197, %parallel_loop3A_198, %parallel_loop3A_199] {strides = array<i32>} : memref<2x32x128xi32, #tpu.memory_space<vmem>>, vector<16xi32>,
          %parallel_loop3A_201 = arith.constant 9 : i32
          %parallel_loop3A_202 = vector.broadcast %parallel_loop3A_201 : i32 to vector<16xi32>
          %parallel_loop3A_203 = arith.shrsi %parallel_loop3A_195, %parallel_loop3A_202 : vector<16xi32>
          %parallel_loop3A_204 = arith.constant 255 : i32
          %parallel_loop3A_205 = vector.broadcast %parallel_loop3A_204 : i32 to vector<16xi32>
          %parallel_loop3A_206 = arith.andi %parallel_loop3A_195, %parallel_loop3A_205 : vector<16xi32>
          %parallel_loop3A_207 = tpu.vector_load_idx %arg7[%parallel_loop3A_203, %parallel_loop3A_206] : memref<200x256xi32, #tpu.memory_space<vmem>>[vector<16xi32>, vector<16xi32>], vector<16xi32>,
          %parallel_loop3A_208 = arith.constant 9 : i32
          %parallel_loop3A_209 = vector.broadcast %parallel_loop3A_208 : i32 to vector<16xi32>
          %parallel_loop3A_210 = arith.shrsi %parallel_loop3A_200, %parallel_loop3A_209 : vector<16xi32>
          %parallel_loop3A_211 = arith.constant 255 : i32
          %parallel_loop3A_212 = vector.broadcast %parallel_loop3A_211 : i32 to vector<16xi32>
          %parallel_loop3A_213 = arith.andi %parallel_loop3A_200, %parallel_loop3A_212 : vector<16xi32>
          %parallel_loop3A_214 = tpu.vector_load_idx %arg8[%parallel_loop3A_210, %parallel_loop3A_213] : memref<200x256xi32, #tpu.memory_space<vmem>>[vector<16xi32>, vector<16xi32>], vector<16xi32>,
          %parallel_loop3A_215 = arith.constant 256 : i32
          %parallel_loop3A_216 = vector.broadcast %parallel_loop3A_215 : i32 to vector<16xi32>
          %parallel_loop3A_217 = arith.andi %parallel_loop3A_195, %parallel_loop3A_216 : vector<16xi32>
          %parallel_loop3A_218 = arith.constant 4 : i32
          %parallel_loop3A_219 = vector.broadcast %parallel_loop3A_218 : i32 to vector<16xi32>
          %parallel_loop3A_220 = arith.shrsi %parallel_loop3A_217, %parallel_loop3A_219 : vector<16xi32>
          %parallel_loop3A_221 = arith.shrui %parallel_loop3A_207, %parallel_loop3A_220 : vector<16xi32>
          %parallel_loop3A_222 = arith.constant 16 : i32
          %parallel_loop3A_223 = vector.broadcast %parallel_loop3A_222 : i32 to vector<16xi32>
          %parallel_loop3A_224 = arith.shli %parallel_loop3A_221, %parallel_loop3A_223 : vector<16xi32>
          %parallel_loop3A_225 = vector.bitcast %parallel_loop3A_224 : vector<16xi32> to vector<16xf32>
          %parallel_loop3A_226 = arith.constant 256 : i32
          %parallel_loop3A_227 = vector.broadcast %parallel_loop3A_226 : i32 to vector<16xi32>
          %parallel_loop3A_228 = arith.andi %parallel_loop3A_200, %parallel_loop3A_227 : vector<16xi32>
          %parallel_loop3A_229 = arith.constant 4 : i32
          %parallel_loop3A_230 = vector.broadcast %parallel_loop3A_229 : i32 to vector<16xi32>
          %parallel_loop3A_231 = arith.shrsi %parallel_loop3A_228, %parallel_loop3A_230 : vector<16xi32>
          %parallel_loop3A_232 = arith.shrui %parallel_loop3A_214, %parallel_loop3A_231 : vector<16xi32>
          %parallel_loop3A_233 = arith.constant 16 : i32
          %parallel_loop3A_234 = vector.broadcast %parallel_loop3A_233 : i32 to vector<16xi32>
          %parallel_loop3A_235 = arith.shli %parallel_loop3A_232, %parallel_loop3A_234 : vector<16xi32>
          %parallel_loop3A_236 = vector.bitcast %parallel_loop3A_235 : vector<16xi32> to vector<16xf32>
          %parallel_loop3A_237 = arith.addf %parallel_loop3A_225, %parallel_loop3A_236 : vector<16xf32>
          %parallel_loop3A_238 = arith.constant 1 : i32
          %parallel_loop3A_239 = arith.index_cast %parallel_loop3A_238 : i32 to index
          %parallel_loop3A_240 = arith.index_cast %parallel_loop3A_190 : i32 to index
          %parallel_loop3A_241 = arith.constant 0 : index
          %parallel_loop3A_242 = tpu.vector_load %arg11[%parallel_loop3A_239, %parallel_loop3A_240, %parallel_loop3A_241] {strides = array<i32>} : memref<2x32x128xf32, #tpu.memory_space<vmem>>, vector<16xf32>,
          tpu.vector_store %arg11[%parallel_loop3A_239, %parallel_loop3A_240, %parallel_loop3A_241], %parallel_loop3A_237 {strides = array<i32>} : memref<2x32x128xf32, #tpu.memory_space<vmem>>, vector<16xf32>,
          %parallel_loop3A_243 = arith.constant 1 : i32
          %parallel_loop3A_244 = arith.index_cast %parallel_loop3A_243 : i32 to index
          %parallel_loop3A_245 = arith.index_cast %parallel_loop3A_190 : i32 to index
          %parallel_loop3A_246 = arith.constant 16 : index
          %parallel_loop3A_247 = tpu.vector_load %arg9[%parallel_loop3A_244, %parallel_loop3A_245, %parallel_loop3A_246] {strides = array<i32>} : memref<2x32x128xi32, #tpu.memory_space<vmem>>, vector<16xi32>,
          %parallel_loop3A_248 = arith.constant 1 : i32
          %parallel_loop3A_249 = arith.index_cast %parallel_loop3A_248 : i32 to index
          %parallel_loop3A_250 = arith.index_cast %parallel_loop3A_190 : i32 to index
          %parallel_loop3A_251 = arith.constant 16 : index
          %parallel_loop3A_252 = tpu.vector_load %arg10[%parallel_loop3A_249, %parallel_loop3A_250, %parallel_loop3A_251] {strides = array<i32>} : memref<2x32x128xi32, #tpu.memory_space<vmem>>, vector<16xi32>,
          %parallel_loop3A_253 = arith.constant 9 : i32
          %parallel_loop3A_254 = vector.broadcast %parallel_loop3A_253 : i32 to vector<16xi32>
          %parallel_loop3A_255 = arith.shrsi %parallel_loop3A_247, %parallel_loop3A_254 : vector<16xi32>
          %parallel_loop3A_256 = arith.constant 255 : i32
          %parallel_loop3A_257 = vector.broadcast %parallel_loop3A_256 : i32 to vector<16xi32>
          %parallel_loop3A_258 = arith.andi %parallel_loop3A_247, %parallel_loop3A_257 : vector<16xi32>
          %parallel_loop3A_259 = tpu.vector_load_idx %arg7[%parallel_loop3A_255, %parallel_loop3A_258] : memref<200x256xi32, #tpu.memory_space<vmem>>[vector<16xi32>, vector<16xi32>], vector<16xi32>,
          %parallel_loop3A_260 = arith.constant 9 : i32
          %parallel_loop3A_261 = vector.broadcast %parallel_loop3A_260 : i32 to vector<16xi32>
          %parallel_loop3A_262 = arith.shrsi %parallel_loop3A_252, %parallel_loop3A_261 : vector<16xi32>
          %parallel_loop3A_263 = arith.constant 255 : i32
          %parallel_loop3A_264 = vector.broadcast %parallel_loop3A_263 : i32 to vector<16xi32>
          %parallel_loop3A_265 = arith.andi %parallel_loop3A_252, %parallel_loop3A_264 : vector<16xi32>
          %parallel_loop3A_266 = tpu.vector_load_idx %arg8[%parallel_loop3A_262, %parallel_loop3A_265] : memref<200x256xi32, #tpu.memory_space<vmem>>[vector<16xi32>, vector<16xi32>], vector<16xi32>,
          %parallel_loop3A_267 = arith.constant 256 : i32
          %parallel_loop3A_268 = vector.broadcast %parallel_loop3A_267 : i32 to vector<16xi32>
          %parallel_loop3A_269 = arith.andi %parallel_loop3A_247, %parallel_loop3A_268 : vector<16xi32>
          %parallel_loop3A_270 = arith.constant 4 : i32
          %parallel_loop3A_271 = vector.broadcast %parallel_loop3A_270 : i32 to vector<16xi32>
          %parallel_loop3A_272 = arith.shrsi %parallel_loop3A_269, %parallel_loop3A_271 : vector<16xi32>
          %parallel_loop3A_273 = arith.shrui %parallel_loop3A_259, %parallel_loop3A_272 : vector<16xi32>
          %parallel_loop3A_274 = arith.constant 16 : i32
          %parallel_loop3A_275 = vector.broadcast %parallel_loop3A_274 : i32 to vector<16xi32>
          %parallel_loop3A_276 = arith.shli %parallel_loop3A_273, %parallel_loop3A_275 : vector<16xi32>
          %parallel_loop3A_277 = vector.bitcast %parallel_loop3A_276 : vector<16xi32> to vector<16xf32>
          %parallel_loop3A_278 = arith.constant 256 : i32
          %parallel_loop3A_279 = vector.broadcast %parallel_loop3A_278 : i32 to vector<16xi32>
          %parallel_loop3A_280 = arith.andi %parallel_loop3A_252, %parallel_loop3A_279 : vector<16xi32>
          %parallel_loop3A_281 = arith.constant 4 : i32
          %parallel_loop3A_282 = vector.broadcast %parallel_loop3A_281 : i32 to vector<16xi32>
          %parallel_loop3A_283 = arith.shrsi %parallel_loop3A_280, %parallel_loop3A_282 : vector<16xi32>
          %parallel_loop3A_284 = arith.shrui %parallel_loop3A_266, %parallel_loop3A_283 : vector<16xi32>
          %parallel_loop3A_285 = arith.constant 16 : i32
          %parallel_loop3A_286 = vector.broadcast %parallel_loop3A_285 : i32 to vector<16xi32>
          %parallel_loop3A_287 = arith.shli %parallel_loop3A_284, %parallel_loop3A_286 : vector<16xi32>
          %parallel_loop3A_288 = vector.bitcast %parallel_loop3A_287 : vector<16xi32> to vector<16xf32>
          %parallel_loop3A_289 = arith.addf %parallel_loop3A_277, %parallel_loop3A_288 : vector<16xf32>
          %parallel_loop3A_290 = arith.constant 1 : i32
          %parallel_loop3A_291 = arith.index_cast %parallel_loop3A_290 : i32 to index
          %parallel_loop3A_292 = arith.index_cast %parallel_loop3A_190 : i32 to index
          %parallel_loop3A_293 = arith.constant 16 : index
          %parallel_loop3A_294 = tpu.vector_load %arg11[%parallel_loop3A_291, %parallel_loop3A_292, %parallel_loop3A_293] {strides = array<i32>} : memref<2x32x128xf32, #tpu.memory_space<vmem>>, vector<16xf32>,
          tpu.vector_store %arg11[%parallel_loop3A_291, %parallel_loop3A_292, %parallel_loop3A_293], %parallel_loop3A_289 {strides = array<i32>} : memref<2x32x128xf32, #tpu.memory_space<vmem>>, vector<16xf32>,
          %parallel_loop3A_295 = arith.constant 1 : i32
          %parallel_loop3A_296 = arith.index_cast %parallel_loop3A_295 : i32 to index
          %parallel_loop3A_297 = arith.index_cast %parallel_loop3A_190 : i32 to index
          %parallel_loop3A_298 = arith.constant 32 : index
          %parallel_loop3A_299 = tpu.vector_load %arg9[%parallel_loop3A_296, %parallel_loop3A_297, %parallel_loop3A_298] {strides = array<i32>} : memref<2x32x128xi32, #tpu.memory_space<vmem>>, vector<16xi32>,
          %parallel_loop3A_300 = arith.constant 1 : i32
          %parallel_loop3A_301 = arith.index_cast %parallel_loop3A_300 : i32 to index
          %parallel_loop3A_302 = arith.index_cast %parallel_loop3A_190 : i32 to index
          %parallel_loop3A_303 = arith.constant 32 : index
          %parallel_loop3A_304 = tpu.vector_load %arg10[%parallel_loop3A_301, %parallel_loop3A_302, %parallel_loop3A_303] {strides = array<i32>} : memref<2x32x128xi32, #tpu.memory_space<vmem>>, vector<16xi32>,
          %parallel_loop3A_305 = arith.constant 9 : i32
          %parallel_loop3A_306 = vector.broadcast %parallel_loop3A_305 : i32 to vector<16xi32>
          %parallel_loop3A_307 = arith.shrsi %parallel_loop3A_299, %parallel_loop3A_306 : vector<16xi32>
          %parallel_loop3A_308 = arith.constant 255 : i32
          %parallel_loop3A_309 = vector.broadcast %parallel_loop3A_308 : i32 to vector<16xi32>
          %parallel_loop3A_310 = arith.andi %parallel_loop3A_299, %parallel_loop3A_309 : vector<16xi32>
          %parallel_loop3A_311 = tpu.vector_load_idx %arg7[%parallel_loop3A_307, %parallel_loop3A_310] : memref<200x256xi32, #tpu.memory_space<vmem>>[vector<16xi32>, vector<16xi32>], vector<16xi32>,
          %parallel_loop3A_312 = arith.constant 9 : i32
          %parallel_loop3A_313 = vector.broadcast %parallel_loop3A_312 : i32 to vector<16xi32>
          %parallel_loop3A_314 = arith.shrsi %parallel_loop3A_304, %parallel_loop3A_313 : vector<16xi32>
          %parallel_loop3A_315 = arith.constant 255 : i32
          %parallel_loop3A_316 = vector.broadcast %parallel_loop3A_315 : i32 to vector<16xi32>
          %parallel_loop3A_317 = arith.andi %parallel_loop3A_304, %parallel_loop3A_316 : vector<16xi32>
          %parallel_loop3A_318 = tpu.vector_load_idx %arg8[%parallel_loop3A_314, %parallel_loop3A_317] : memref<200x256xi32, #tpu.memory_space<vmem>>[vector<16xi32>, vector<16xi32>], vector<16xi32>,
          %parallel_loop3A_319 = arith.constant 256 : i32
          %parallel_loop3A_320 = vector.broadcast %parallel_loop3A_319 : i32 to vector<16xi32>
          %parallel_loop3A_321 = arith.andi %parallel_loop3A_299, %parallel_loop3A_320 : vector<16xi32>
          %parallel_loop3A_322 = arith.constant 4 : i32
          %parallel_loop3A_323 = vector.broadcast %parallel_loop3A_322 : i32 to vector<16xi32>
          %parallel_loop3A_324 = arith.shrsi %parallel_loop3A_321, %parallel_loop3A_323 : vector<16xi32>
          %parallel_loop3A_325 = arith.shrui %parallel_loop3A_311, %parallel_loop3A_324 : vector<16xi32>
          %parallel_loop3A_326 = arith.constant 16 : i32
          %parallel_loop3A_327 = vector.broadcast %parallel_loop3A_326 : i32 to vector<16xi32>
          %parallel_loop3A_328 = arith.shli %parallel_loop3A_325, %parallel_loop3A_327 : vector<16xi32>
          %parallel_loop3A_329 = vector.bitcast %parallel_loop3A_328 : vector<16xi32> to vector<16xf32>
          %parallel_loop3A_330 = arith.constant 256 : i32
          %parallel_loop3A_331 = vector.broadcast %parallel_loop3A_330 : i32 to vector<16xi32>
          %parallel_loop3A_332 = arith.andi %parallel_loop3A_304, %parallel_loop3A_331 : vector<16xi32>
          %parallel_loop3A_333 = arith.constant 4 : i32
          %parallel_loop3A_334 = vector.broadcast %parallel_loop3A_333 : i32 to vector<16xi32>
          %parallel_loop3A_335 = arith.shrsi %parallel_loop3A_332, %parallel_loop3A_334 : vector<16xi32>
          %parallel_loop3A_336 = arith.shrui %parallel_loop3A_318, %parallel_loop3A_335 : vector<16xi32>
          %parallel_loop3A_337 = arith.constant 16 : i32
          %parallel_loop3A_338 = vector.broadcast %parallel_loop3A_337 : i32 to vector<16xi32>
          %parallel_loop3A_339 = arith.shli %parallel_loop3A_336, %parallel_loop3A_338 : vector<16xi32>
          %parallel_loop3A_340 = vector.bitcast %parallel_loop3A_339 : vector<16xi32> to vector<16xf32>
          %parallel_loop3A_341 = arith.addf %parallel_loop3A_329, %parallel_loop3A_340 : vector<16xf32>
          %parallel_loop3A_342 = arith.constant 1 : i32
          %parallel_loop3A_343 = arith.index_cast %parallel_loop3A_342 : i32 to index
          %parallel_loop3A_344 = arith.index_cast %parallel_loop3A_190 : i32 to index
          %parallel_loop3A_345 = arith.constant 32 : index
          %parallel_loop3A_346 = tpu.vector_load %arg11[%parallel_loop3A_343, %parallel_loop3A_344, %parallel_loop3A_345] {strides = array<i32>} : memref<2x32x128xf32, #tpu.memory_space<vmem>>, vector<16xf32>,
          tpu.vector_store %arg11[%parallel_loop3A_343, %parallel_loop3A_344, %parallel_loop3A_345], %parallel_loop3A_341 {strides = array<i32>} : memref<2x32x128xf32, #tpu.memory_space<vmem>>, vector<16xf32>,
          %parallel_loop3A_347 = arith.constant 1 : i32
          %parallel_loop3A_348 = arith.index_cast %parallel_loop3A_347 : i32 to index
          %parallel_loop3A_349 = arith.index_cast %parallel_loop3A_190 : i32 to index
          %parallel_loop3A_350 = arith.constant 48 : index
          %parallel_loop3A_351 = tpu.vector_load %arg9[%parallel_loop3A_348, %parallel_loop3A_349, %parallel_loop3A_350] {strides = array<i32>} : memref<2x32x128xi32, #tpu.memory_space<vmem>>, vector<16xi32>,
          %parallel_loop3A_352 = arith.constant 1 : i32
          %parallel_loop3A_353 = arith.index_cast %parallel_loop3A_352 : i32 to index
          %parallel_loop3A_354 = arith.index_cast %parallel_loop3A_190 : i32 to index
          %parallel_loop3A_355 = arith.constant 48 : index
          %parallel_loop3A_356 = tpu.vector_load %arg10[%parallel_loop3A_353, %parallel_loop3A_354, %parallel_loop3A_355] {strides = array<i32>} : memref<2x32x128xi32, #tpu.memory_space<vmem>>, vector<16xi32>,
          %parallel_loop3A_357 = arith.constant 9 : i32
          %parallel_loop3A_358 = vector.broadcast %parallel_loop3A_357 : i32 to vector<16xi32>
          %parallel_loop3A_359 = arith.shrsi %parallel_loop3A_351, %parallel_loop3A_358 : vector<16xi32>
          %parallel_loop3A_360 = arith.constant 255 : i32
          %parallel_loop3A_361 = vector.broadcast %parallel_loop3A_360 : i32 to vector<16xi32>
          %parallel_loop3A_362 = arith.andi %parallel_loop3A_351, %parallel_loop3A_361 : vector<16xi32>
          %parallel_loop3A_363 = tpu.vector_load_idx %arg7[%parallel_loop3A_359, %parallel_loop3A_362] : memref<200x256xi32, #tpu.memory_space<vmem>>[vector<16xi32>, vector<16xi32>], vector<16xi32>,
          %parallel_loop3A_364 = arith.constant 9 : i32
          %parallel_loop3A_365 = vector.broadcast %parallel_loop3A_364 : i32 to vector<16xi32>
          %parallel_loop3A_366 = arith.shrsi %parallel_loop3A_356, %parallel_loop3A_365 : vector<16xi32>
          %parallel_loop3A_367 = arith.constant 255 : i32
          %parallel_loop3A_368 = vector.broadcast %parallel_loop3A_367 : i32 to vector<16xi32>
          %parallel_loop3A_369 = arith.andi %parallel_loop3A_356, %parallel_loop3A_368 : vector<16xi32>
          %parallel_loop3A_370 = tpu.vector_load_idx %arg8[%parallel_loop3A_366, %parallel_loop3A_369] : memref<200x256xi32, #tpu.memory_space<vmem>>[vector<16xi32>, vector<16xi32>], vector<16xi32>,
          %parallel_loop3A_371 = arith.constant 256 : i32
          %parallel_loop3A_372 = vector.broadcast %parallel_loop3A_371 : i32 to vector<16xi32>
          %parallel_loop3A_373 = arith.andi %parallel_loop3A_351, %parallel_loop3A_372 : vector<16xi32>
          %parallel_loop3A_374 = arith.constant 4 : i32
          %parallel_loop3A_375 = vector.broadcast %parallel_loop3A_374 : i32 to vector<16xi32>
          %parallel_loop3A_376 = arith.shrsi %parallel_loop3A_373, %parallel_loop3A_375 : vector<16xi32>
          %parallel_loop3A_377 = arith.shrui %parallel_loop3A_363, %parallel_loop3A_376 : vector<16xi32>
          %parallel_loop3A_378 = arith.constant 16 : i32
          %parallel_loop3A_379 = vector.broadcast %parallel_loop3A_378 : i32 to vector<16xi32>
          %parallel_loop3A_380 = arith.shli %parallel_loop3A_377, %parallel_loop3A_379 : vector<16xi32>
          %parallel_loop3A_381 = vector.bitcast %parallel_loop3A_380 : vector<16xi32> to vector<16xf32>
          %parallel_loop3A_382 = arith.constant 256 : i32
          %parallel_loop3A_383 = vector.broadcast %parallel_loop3A_382 : i32 to vector<16xi32>
          %parallel_loop3A_384 = arith.andi %parallel_loop3A_356, %parallel_loop3A_383 : vector<16xi32>
          %parallel_loop3A_385 = arith.constant 4 : i32
          %parallel_loop3A_386 = vector.broadcast %parallel_loop3A_385 : i32 to vector<16xi32>
          %parallel_loop3A_387 = arith.shrsi %parallel_loop3A_384, %parallel_loop3A_386 : vector<16xi32>
          %parallel_loop3A_388 = arith.shrui %parallel_loop3A_370, %parallel_loop3A_387 : vector<16xi32>
          %parallel_loop3A_389 = arith.constant 16 : i32
          %parallel_loop3A_390 = vector.broadcast %parallel_loop3A_389 : i32 to vector<16xi32>
          %parallel_loop3A_391 = arith.shli %parallel_loop3A_388, %parallel_loop3A_390 : vector<16xi32>
          %parallel_loop3A_392 = vector.bitcast %parallel_loop3A_391 : vector<16xi32> to vector<16xf32>
          %parallel_loop3A_393 = arith.addf %parallel_loop3A_381, %parallel_loop3A_392 : vector<16xf32>
          %parallel_loop3A_394 = arith.constant 1 : i32
          %parallel_loop3A_395 = arith.index_cast %parallel_loop3A_394 : i32 to index
          %parallel_loop3A_396 = arith.index_cast %parallel_loop3A_190 : i32 to index
          %parallel_loop3A_397 = arith.constant 48 : index
          %parallel_loop3A_398 = tpu.vector_load %arg11[%parallel_loop3A_395, %parallel_loop3A_396, %parallel_loop3A_397] {strides = array<i32>} : memref<2x32x128xf32, #tpu.memory_space<vmem>>, vector<16xf32>,
          tpu.vector_store %arg11[%parallel_loop3A_395, %parallel_loop3A_396, %parallel_loop3A_397], %parallel_loop3A_393 {strides = array<i32>} : memref<2x32x128xf32, #tpu.memory_space<vmem>>, vector<16xf32>,
          %parallel_loop3A_399 = arith.constant 1 : i32
          %parallel_loop3A_400 = arith.index_cast %parallel_loop3A_399 : i32 to index
          %parallel_loop3A_401 = arith.index_cast %parallel_loop3A_190 : i32 to index
          %parallel_loop3A_402 = arith.constant 64 : index
          %parallel_loop3A_403 = tpu.vector_load %arg9[%parallel_loop3A_400, %parallel_loop3A_401, %parallel_loop3A_402] {strides = array<i32>} : memref<2x32x128xi32, #tpu.memory_space<vmem>>, vector<16xi32>,
          %parallel_loop3A_404 = arith.constant 1 : i32
          %parallel_loop3A_405 = arith.index_cast %parallel_loop3A_404 : i32 to index
          %parallel_loop3A_406 = arith.index_cast %parallel_loop3A_190 : i32 to index
          %parallel_loop3A_407 = arith.constant 64 : index
          %parallel_loop3A_408 = tpu.vector_load %arg10[%parallel_loop3A_405, %parallel_loop3A_406, %parallel_loop3A_407] {strides = array<i32>} : memref<2x32x128xi32, #tpu.memory_space<vmem>>, vector<16xi32>,
          %parallel_loop3A_409 = arith.constant 9 : i32
          %parallel_loop3A_410 = vector.broadcast %parallel_loop3A_409 : i32 to vector<16xi32>
          %parallel_loop3A_411 = arith.shrsi %parallel_loop3A_403, %parallel_loop3A_410 : vector<16xi32>
          %parallel_loop3A_412 = arith.constant 255 : i32
          %parallel_loop3A_413 = vector.broadcast %parallel_loop3A_412 : i32 to vector<16xi32>
          %parallel_loop3A_414 = arith.andi %parallel_loop3A_403, %parallel_loop3A_413 : vector<16xi32>
          %parallel_loop3A_415 = tpu.vector_load_idx %arg7[%parallel_loop3A_411, %parallel_loop3A_414] : memref<200x256xi32, #tpu.memory_space<vmem>>[vector<16xi32>, vector<16xi32>], vector<16xi32>,
          %parallel_loop3A_416 = arith.constant 9 : i32
          %parallel_loop3A_417 = vector.broadcast %parallel_loop3A_416 : i32 to vector<16xi32>
          %parallel_loop3A_418 = arith.shrsi %parallel_loop3A_408, %parallel_loop3A_417 : vector<16xi32>
          %parallel_loop3A_419 = arith.constant 255 : i32
          %parallel_loop3A_420 = vector.broadcast %parallel_loop3A_419 : i32 to vector<16xi32>
          %parallel_loop3A_421 = arith.andi %parallel_loop3A_408, %parallel_loop3A_420 : vector<16xi32>
          %parallel_loop3A_422 = tpu.vector_load_idx %arg8[%parallel_loop3A_418, %parallel_loop3A_421] : memref<200x256xi32, #tpu.memory_space<vmem>>[vector<16xi32>, vector<16xi32>], vector<16xi32>,
          %parallel_loop3A_423 = arith.constant 256 : i32
          %parallel_loop3A_424 = vector.broadcast %parallel_loop3A_423 : i32 to vector<16xi32>
          %parallel_loop3A_425 = arith.andi %parallel_loop3A_403, %parallel_loop3A_424 : vector<16xi32>
          %parallel_loop3A_426 = arith.constant 4 : i32
          %parallel_loop3A_427 = vector.broadcast %parallel_loop3A_426 : i32 to vector<16xi32>
          %parallel_loop3A_428 = arith.shrsi %parallel_loop3A_425, %parallel_loop3A_427 : vector<16xi32>
          %parallel_loop3A_429 = arith.shrui %parallel_loop3A_415, %parallel_loop3A_428 : vector<16xi32>
          %parallel_loop3A_430 = arith.constant 16 : i32
          %parallel_loop3A_431 = vector.broadcast %parallel_loop3A_430 : i32 to vector<16xi32>
          %parallel_loop3A_432 = arith.shli %parallel_loop3A_429, %parallel_loop3A_431 : vector<16xi32>
          %parallel_loop3A_433 = vector.bitcast %parallel_loop3A_432 : vector<16xi32> to vector<16xf32>
          %parallel_loop3A_434 = arith.constant 256 : i32
          %parallel_loop3A_435 = vector.broadcast %parallel_loop3A_434 : i32 to vector<16xi32>
          %parallel_loop3A_436 = arith.andi %parallel_loop3A_408, %parallel_loop3A_435 : vector<16xi32>
          %parallel_loop3A_437 = arith.constant 4 : i32
          %parallel_loop3A_438 = vector.broadcast %parallel_loop3A_437 : i32 to vector<16xi32>
          %parallel_loop3A_439 = arith.shrsi %parallel_loop3A_436, %parallel_loop3A_438 : vector<16xi32>
          %parallel_loop3A_440 = arith.shrui %parallel_loop3A_422, %parallel_loop3A_439 : vector<16xi32>
          %parallel_loop3A_441 = arith.constant 16 : i32
          %parallel_loop3A_442 = vector.broadcast %parallel_loop3A_441 : i32 to vector<16xi32>
          %parallel_loop3A_443 = arith.shli %parallel_loop3A_440, %parallel_loop3A_442 : vector<16xi32>
          %parallel_loop3A_444 = vector.bitcast %parallel_loop3A_443 : vector<16xi32> to vector<16xf32>
          %parallel_loop3A_445 = arith.addf %parallel_loop3A_433, %parallel_loop3A_444 : vector<16xf32>
          %parallel_loop3A_446 = arith.constant 1 : i32
          %parallel_loop3A_447 = arith.index_cast %parallel_loop3A_446 : i32 to index
          %parallel_loop3A_448 = arith.index_cast %parallel_loop3A_190 : i32 to index
          %parallel_loop3A_449 = arith.constant 64 : index
          %parallel_loop3A_450 = tpu.vector_load %arg11[%parallel_loop3A_447, %parallel_loop3A_448, %parallel_loop3A_449] {strides = array<i32>} : memref<2x32x128xf32, #tpu.memory_space<vmem>>, vector<16xf32>,
          tpu.vector_store %arg11[%parallel_loop3A_447, %parallel_loop3A_448, %parallel_loop3A_449], %parallel_loop3A_445 {strides = array<i32>} : memref<2x32x128xf32, #tpu.memory_space<vmem>>, vector<16xf32>,
          %parallel_loop3A_451 = arith.constant 1 : i32
          %parallel_loop3A_452 = arith.index_cast %parallel_loop3A_451 : i32 to index
          %parallel_loop3A_453 = arith.index_cast %parallel_loop3A_190 : i32 to index
          %parallel_loop3A_454 = arith.constant 80 : index
          %parallel_loop3A_455 = tpu.vector_load %arg9[%parallel_loop3A_452, %parallel_loop3A_453, %parallel_loop3A_454] {strides = array<i32>} : memref<2x32x128xi32, #tpu.memory_space<vmem>>, vector<16xi32>,
          %parallel_loop3A_456 = arith.constant 1 : i32
          %parallel_loop3A_457 = arith.index_cast %parallel_loop3A_456 : i32 to index
          %parallel_loop3A_458 = arith.index_cast %parallel_loop3A_190 : i32 to index
          %parallel_loop3A_459 = arith.constant 80 : index
          %parallel_loop3A_460 = tpu.vector_load %arg10[%parallel_loop3A_457, %parallel_loop3A_458, %parallel_loop3A_459] {strides = array<i32>} : memref<2x32x128xi32, #tpu.memory_space<vmem>>, vector<16xi32>,
          %parallel_loop3A_461 = arith.constant 9 : i32
          %parallel_loop3A_462 = vector.broadcast %parallel_loop3A_461 : i32 to vector<16xi32>
          %parallel_loop3A_463 = arith.shrsi %parallel_loop3A_455, %parallel_loop3A_462 : vector<16xi32>
          %parallel_loop3A_464 = arith.constant 255 : i32
          %parallel_loop3A_465 = vector.broadcast %parallel_loop3A_464 : i32 to vector<16xi32>
          %parallel_loop3A_466 = arith.andi %parallel_loop3A_455, %parallel_loop3A_465 : vector<16xi32>
          %parallel_loop3A_467 = tpu.vector_load_idx %arg7[%parallel_loop3A_463, %parallel_loop3A_466] : memref<200x256xi32, #tpu.memory_space<vmem>>[vector<16xi32>, vector<16xi32>], vector<16xi32>,
          %parallel_loop3A_468 = arith.constant 9 : i32
          %parallel_loop3A_469 = vector.broadcast %parallel_loop3A_468 : i32 to vector<16xi32>
          %parallel_loop3A_470 = arith.shrsi %parallel_loop3A_460, %parallel_loop3A_469 : vector<16xi32>
          %parallel_loop3A_471 = arith.constant 255 : i32
          %parallel_loop3A_472 = vector.broadcast %parallel_loop3A_471 : i32 to vector<16xi32>
          %parallel_loop3A_473 = arith.andi %parallel_loop3A_460, %parallel_loop3A_472 : vector<16xi32>
          %parallel_loop3A_474 = tpu.vector_load_idx %arg8[%parallel_loop3A_470, %parallel_loop3A_473] : memref<200x256xi32, #tpu.memory_space<vmem>>[vector<16xi32>, vector<16xi32>], vector<16xi32>,
          %parallel_loop3A_475 = arith.constant 256 : i32
          %parallel_loop3A_476 = vector.broadcast %parallel_loop3A_475 : i32 to vector<16xi32>
          %parallel_loop3A_477 = arith.andi %parallel_loop3A_455, %parallel_loop3A_476 : vector<16xi32>
          %parallel_loop3A_478 = arith.constant 4 : i32
          %parallel_loop3A_479 = vector.broadcast %parallel_loop3A_478 : i32 to vector<16xi32>
          %parallel_loop3A_480 = arith.shrsi %parallel_loop3A_477, %parallel_loop3A_479 : vector<16xi32>
          %parallel_loop3A_481 = arith.shrui %parallel_loop3A_467, %parallel_loop3A_480 : vector<16xi32>
          %parallel_loop3A_482 = arith.constant 16 : i32
          %parallel_loop3A_483 = vector.broadcast %parallel_loop3A_482 : i32 to vector<16xi32>
          %parallel_loop3A_484 = arith.shli %parallel_loop3A_481, %parallel_loop3A_483 : vector<16xi32>
          %parallel_loop3A_485 = vector.bitcast %parallel_loop3A_484 : vector<16xi32> to vector<16xf32>
          %parallel_loop3A_486 = arith.constant 256 : i32
          %parallel_loop3A_487 = vector.broadcast %parallel_loop3A_486 : i32 to vector<16xi32>
          %parallel_loop3A_488 = arith.andi %parallel_loop3A_460, %parallel_loop3A_487 : vector<16xi32>
          %parallel_loop3A_489 = arith.constant 4 : i32
          %parallel_loop3A_490 = vector.broadcast %parallel_loop3A_489 : i32 to vector<16xi32>
          %parallel_loop3A_491 = arith.shrsi %parallel_loop3A_488, %parallel_loop3A_490 : vector<16xi32>
          %parallel_loop3A_492 = arith.shrui %parallel_loop3A_474, %parallel_loop3A_491 : vector<16xi32>
          %parallel_loop3A_493 = arith.constant 16 : i32
          %parallel_loop3A_494 = vector.broadcast %parallel_loop3A_493 : i32 to vector<16xi32>
          %parallel_loop3A_495 = arith.shli %parallel_loop3A_492, %parallel_loop3A_494 : vector<16xi32>
          %parallel_loop3A_496 = vector.bitcast %parallel_loop3A_495 : vector<16xi32> to vector<16xf32>
          %parallel_loop3A_497 = arith.addf %parallel_loop3A_485, %parallel_loop3A_496 : vector<16xf32>
          %parallel_loop3A_498 = arith.constant 1 : i32
          %parallel_loop3A_499 = arith.index_cast %parallel_loop3A_498 : i32 to index
          %parallel_loop3A_500 = arith.index_cast %parallel_loop3A_190 : i32 to index
          %parallel_loop3A_501 = arith.constant 80 : index
          %parallel_loop3A_502 = tpu.vector_load %arg11[%parallel_loop3A_499, %parallel_loop3A_500, %parallel_loop3A_501] {strides = array<i32>} : memref<2x32x128xf32, #tpu.memory_space<vmem>>, vector<16xf32>,
          tpu.vector_store %arg11[%parallel_loop3A_499, %parallel_loop3A_500, %parallel_loop3A_501], %parallel_loop3A_497 {strides = array<i32>} : memref<2x32x128xf32, #tpu.memory_space<vmem>>, vector<16xf32>,
          %parallel_loop3A_503 = arith.constant 1 : i32
          %parallel_loop3A_504 = arith.index_cast %parallel_loop3A_503 : i32 to index
          %parallel_loop3A_505 = arith.index_cast %parallel_loop3A_190 : i32 to index
          %parallel_loop3A_506 = arith.constant 96 : index
          %parallel_loop3A_507 = tpu.vector_load %arg9[%parallel_loop3A_504, %parallel_loop3A_505, %parallel_loop3A_506] {strides = array<i32>} : memref<2x32x128xi32, #tpu.memory_space<vmem>>, vector<16xi32>,
          %parallel_loop3A_508 = arith.constant 1 : i32
          %parallel_loop3A_509 = arith.index_cast %parallel_loop3A_508 : i32 to index
          %parallel_loop3A_510 = arith.index_cast %parallel_loop3A_190 : i32 to index
          %parallel_loop3A_511 = arith.constant 96 : index
          %parallel_loop3A_512 = tpu.vector_load %arg10[%parallel_loop3A_509, %parallel_loop3A_510, %parallel_loop3A_511] {strides = array<i32>} : memref<2x32x128xi32, #tpu.memory_space<vmem>>, vector<16xi32>,
          %parallel_loop3A_513 = arith.constant 9 : i32
          %parallel_loop3A_514 = vector.broadcast %parallel_loop3A_513 : i32 to vector<16xi32>
          %parallel_loop3A_515 = arith.shrsi %parallel_loop3A_507, %parallel_loop3A_514 : vector<16xi32>
          %parallel_loop3A_516 = arith.constant 255 : i32
          %parallel_loop3A_517 = vector.broadcast %parallel_loop3A_516 : i32 to vector<16xi32>
          %parallel_loop3A_518 = arith.andi %parallel_loop3A_507, %parallel_loop3A_517 : vector<16xi32>
          %parallel_loop3A_519 = tpu.vector_load_idx %arg7[%parallel_loop3A_515, %parallel_loop3A_518] : memref<200x256xi32, #tpu.memory_space<vmem>>[vector<16xi32>, vector<16xi32>], vector<16xi32>,
          %parallel_loop3A_520 = arith.constant 9 : i32
          %parallel_loop3A_521 = vector.broadcast %parallel_loop3A_520 : i32 to vector<16xi32>
          %parallel_loop3A_522 = arith.shrsi %parallel_loop3A_512, %parallel_loop3A_521 : vector<16xi32>
          %parallel_loop3A_523 = arith.constant 255 : i32
          %parallel_loop3A_524 = vector.broadcast %parallel_loop3A_523 : i32 to vector<16xi32>
          %parallel_loop3A_525 = arith.andi %parallel_loop3A_512, %parallel_loop3A_524 : vector<16xi32>
          %parallel_loop3A_526 = tpu.vector_load_idx %arg8[%parallel_loop3A_522, %parallel_loop3A_525] : memref<200x256xi32, #tpu.memory_space<vmem>>[vector<16xi32>, vector<16xi32>], vector<16xi32>,
          %parallel_loop3A_527 = arith.constant 256 : i32
          %parallel_loop3A_528 = vector.broadcast %parallel_loop3A_527 : i32 to vector<16xi32>
          %parallel_loop3A_529 = arith.andi %parallel_loop3A_507, %parallel_loop3A_528 : vector<16xi32>
          %parallel_loop3A_530 = arith.constant 4 : i32
          %parallel_loop3A_531 = vector.broadcast %parallel_loop3A_530 : i32 to vector<16xi32>
          %parallel_loop3A_532 = arith.shrsi %parallel_loop3A_529, %parallel_loop3A_531 : vector<16xi32>
          %parallel_loop3A_533 = arith.shrui %parallel_loop3A_519, %parallel_loop3A_532 : vector<16xi32>
          %parallel_loop3A_534 = arith.constant 16 : i32
          %parallel_loop3A_535 = vector.broadcast %parallel_loop3A_534 : i32 to vector<16xi32>
          %parallel_loop3A_536 = arith.shli %parallel_loop3A_533, %parallel_loop3A_535 : vector<16xi32>
          %parallel_loop3A_537 = vector.bitcast %parallel_loop3A_536 : vector<16xi32> to vector<16xf32>
          %parallel_loop3A_538 = arith.constant 256 : i32
          %parallel_loop3A_539 = vector.broadcast %parallel_loop3A_538 : i32 to vector<16xi32>
          %parallel_loop3A_540 = arith.andi %parallel_loop3A_512, %parallel_loop3A_539 : vector<16xi32>
          %parallel_loop3A_541 = arith.constant 4 : i32
          %parallel_loop3A_542 = vector.broadcast %parallel_loop3A_541 : i32 to vector<16xi32>
          %parallel_loop3A_543 = arith.shrsi %parallel_loop3A_540, %parallel_loop3A_542 : vector<16xi32>
          %parallel_loop3A_544 = arith.shrui %parallel_loop3A_526, %parallel_loop3A_543 : vector<16xi32>
          %parallel_loop3A_545 = arith.constant 16 : i32
          %parallel_loop3A_546 = vector.broadcast %parallel_loop3A_545 : i32 to vector<16xi32>
          %parallel_loop3A_547 = arith.shli %parallel_loop3A_544, %parallel_loop3A_546 : vector<16xi32>
          %parallel_loop3A_548 = vector.bitcast %parallel_loop3A_547 : vector<16xi32> to vector<16xf32>
          %parallel_loop3A_549 = arith.addf %parallel_loop3A_537, %parallel_loop3A_548 : vector<16xf32>
          %parallel_loop3A_550 = arith.constant 1 : i32
          %parallel_loop3A_551 = arith.index_cast %parallel_loop3A_550 : i32 to index
          %parallel_loop3A_552 = arith.index_cast %parallel_loop3A_190 : i32 to index
          %parallel_loop3A_553 = arith.constant 96 : index
          %parallel_loop3A_554 = tpu.vector_load %arg11[%parallel_loop3A_551, %parallel_loop3A_552, %parallel_loop3A_553] {strides = array<i32>} : memref<2x32x128xf32, #tpu.memory_space<vmem>>, vector<16xf32>,
          tpu.vector_store %arg11[%parallel_loop3A_551, %parallel_loop3A_552, %parallel_loop3A_553], %parallel_loop3A_549 {strides = array<i32>} : memref<2x32x128xf32, #tpu.memory_space<vmem>>, vector<16xf32>,
          %parallel_loop3A_555 = arith.constant 1 : i32
          %parallel_loop3A_556 = arith.index_cast %parallel_loop3A_555 : i32 to index
          %parallel_loop3A_557 = arith.index_cast %parallel_loop3A_190 : i32 to index
          %parallel_loop3A_558 = arith.constant 112 : index
          %parallel_loop3A_559 = tpu.vector_load %arg9[%parallel_loop3A_556, %parallel_loop3A_557, %parallel_loop3A_558] {strides = array<i32>} : memref<2x32x128xi32, #tpu.memory_space<vmem>>, vector<16xi32>,
          %parallel_loop3A_560 = arith.constant 1 : i32
          %parallel_loop3A_561 = arith.index_cast %parallel_loop3A_560 : i32 to index
          %parallel_loop3A_562 = arith.index_cast %parallel_loop3A_190 : i32 to index
          %parallel_loop3A_563 = arith.constant 112 : index
          %parallel_loop3A_564 = tpu.vector_load %arg10[%parallel_loop3A_561, %parallel_loop3A_562, %parallel_loop3A_563] {strides = array<i32>} : memref<2x32x128xi32, #tpu.memory_space<vmem>>, vector<16xi32>,
          %parallel_loop3A_565 = arith.constant 9 : i32
          %parallel_loop3A_566 = vector.broadcast %parallel_loop3A_565 : i32 to vector<16xi32>
          %parallel_loop3A_567 = arith.shrsi %parallel_loop3A_559, %parallel_loop3A_566 : vector<16xi32>
          %parallel_loop3A_568 = arith.constant 255 : i32
          %parallel_loop3A_569 = vector.broadcast %parallel_loop3A_568 : i32 to vector<16xi32>
          %parallel_loop3A_570 = arith.andi %parallel_loop3A_559, %parallel_loop3A_569 : vector<16xi32>
          %parallel_loop3A_571 = tpu.vector_load_idx %arg7[%parallel_loop3A_567, %parallel_loop3A_570] : memref<200x256xi32, #tpu.memory_space<vmem>>[vector<16xi32>, vector<16xi32>], vector<16xi32>,
          %parallel_loop3A_572 = arith.constant 9 : i32
          %parallel_loop3A_573 = vector.broadcast %parallel_loop3A_572 : i32 to vector<16xi32>
          %parallel_loop3A_574 = arith.shrsi %parallel_loop3A_564, %parallel_loop3A_573 : vector<16xi32>
          %parallel_loop3A_575 = arith.constant 255 : i32
          %parallel_loop3A_576 = vector.broadcast %parallel_loop3A_575 : i32 to vector<16xi32>
          %parallel_loop3A_577 = arith.andi %parallel_loop3A_564, %parallel_loop3A_576 : vector<16xi32>
          %parallel_loop3A_578 = tpu.vector_load_idx %arg8[%parallel_loop3A_574, %parallel_loop3A_577] : memref<200x256xi32, #tpu.memory_space<vmem>>[vector<16xi32>, vector<16xi32>], vector<16xi32>,
          %parallel_loop3A_579 = arith.constant 256 : i32
          %parallel_loop3A_580 = vector.broadcast %parallel_loop3A_579 : i32 to vector<16xi32>
          %parallel_loop3A_581 = arith.andi %parallel_loop3A_559, %parallel_loop3A_580 : vector<16xi32>
          %parallel_loop3A_582 = arith.constant 4 : i32
          %parallel_loop3A_583 = vector.broadcast %parallel_loop3A_582 : i32 to vector<16xi32>
          %parallel_loop3A_584 = arith.shrsi %parallel_loop3A_581, %parallel_loop3A_583 : vector<16xi32>
          %parallel_loop3A_585 = arith.shrui %parallel_loop3A_571, %parallel_loop3A_584 : vector<16xi32>
          %parallel_loop3A_586 = arith.constant 16 : i32
          %parallel_loop3A_587 = vector.broadcast %parallel_loop3A_586 : i32 to vector<16xi32>
          %parallel_loop3A_588 = arith.shli %parallel_loop3A_585, %parallel_loop3A_587 : vector<16xi32>
          %parallel_loop3A_589 = vector.bitcast %parallel_loop3A_588 : vector<16xi32> to vector<16xf32>
          %parallel_loop3A_590 = arith.constant 256 : i32
          %parallel_loop3A_591 = vector.broadcast %parallel_loop3A_590 : i32 to vector<16xi32>
          %parallel_loop3A_592 = arith.andi %parallel_loop3A_564, %parallel_loop3A_591 : vector<16xi32>
          %parallel_loop3A_593 = arith.constant 4 : i32
          %parallel_loop3A_594 = vector.broadcast %parallel_loop3A_593 : i32 to vector<16xi32>
          %parallel_loop3A_595 = arith.shrsi %parallel_loop3A_592, %parallel_loop3A_594 : vector<16xi32>
          %parallel_loop3A_596 = arith.shrui %parallel_loop3A_578, %parallel_loop3A_595 : vector<16xi32>
          %parallel_loop3A_597 = arith.constant 16 : i32
          %parallel_loop3A_598 = vector.broadcast %parallel_loop3A_597 : i32 to vector<16xi32>
          %parallel_loop3A_599 = arith.shli %parallel_loop3A_596, %parallel_loop3A_598 : vector<16xi32>
          %parallel_loop3A_600 = vector.bitcast %parallel_loop3A_599 : vector<16xi32> to vector<16xf32>
          %parallel_loop3A_601 = arith.addf %parallel_loop3A_589, %parallel_loop3A_600 : vector<16xf32>
          %parallel_loop3A_602 = arith.constant 1 : i32
          %parallel_loop3A_603 = arith.index_cast %parallel_loop3A_602 : i32 to index
          %parallel_loop3A_604 = arith.index_cast %parallel_loop3A_190 : i32 to index
          %parallel_loop3A_605 = arith.constant 112 : index
          %parallel_loop3A_606 = tpu.vector_load %arg11[%parallel_loop3A_603, %parallel_loop3A_604, %parallel_loop3A_605] {strides = array<i32>} : memref<2x32x128xf32, #tpu.memory_space<vmem>>, vector<16xf32>,
          tpu.vector_store %arg11[%parallel_loop3A_603, %parallel_loop3A_604, %parallel_loop3A_605], %parallel_loop3A_601 {strides = array<i32>} : memref<2x32x128xf32, #tpu.memory_space<vmem>>, vector<16xf32>,
        } {sc.loop_unroll_factor = 1 : i64, sc.parallel_access}
        %mul3A_165 = arith.constant 32 : i32
        %mul3A_166 = arith.muli %add3A_122, %mul3A_165 : i32
        %add3A_167 = arith.addi %mul3A_6, %mul3A_166 : i32
        %min3A_168 = arith.minsi %add3A_167, %sub3A_14 : i32
        %multiple_of3A_169 = tpu.assume_multiple %min3A_168, 8 : i32
        %dma_start3A_170 = arith.constant 1 : i32
        %dma_start3A_171 = arith.constant 0 : i32
        %dma_start3A_172 = arith.constant 0 : i32
        %dma_start3A_173 = tpu.memref_slice %arg11[%dma_start3A_170, %dma_start3A_171, %dma_start3A_172] : memref<2x32x128xf32, #tpu.memory_space<vmem>> -> memref<1x32x128xf32, #tpu.memory_space<vmem>>
        %dma_start3A_174 = tpu.memref_squeeze %dma_start3A_173 : memref<1x32x128xf32, #tpu.memory_space<vmem>> -> memref<32x128xf32, #tpu.memory_space<vmem>>
        %dma_start3A_175 = arith.constant 0 : i32
        %dma_start3A_176 = tpu.memref_slice %arg6[%multiple_of3A_169, %dma_start3A_175] : memref<50000x128xf32, #tpu.memory_space<hbm>> -> memref<32x128xf32, #tpu.memory_space<hbm>>
        %dma_start3A_177 = arith.constant 0 : i32
        %dma_start3A_178 = tpu.memref_slice %arg6[%multiple_of3A_169, %dma_start3A_177] : memref<50000x128xf32, #tpu.memory_space<hbm>> -> memref<32x128xf32, #tpu.memory_space<hbm>>
        %dma_start3A_179 = arith.constant 0 : i32
        %dma_start3A_180 = arith.constant 0 : i32
        %dma_start3A_181 = tpu.memref_slice %arg11[%dma_start3A_170, %dma_start3A_179, %dma_start3A_180] : memref<2x32x128xf32, #tpu.memory_space<vmem>> -> memref<1x32x128xf32, #tpu.memory_space<vmem>>
        %dma_start3A_182 = tpu.memref_squeeze %dma_start3A_181 : memref<1x32x128xf32, #tpu.memory_space<vmem>> -> memref<32x128xf32, #tpu.memory_space<vmem>>
        tpu.enqueue_dma source(%dma_start3A_182 : memref<32x128xf32, #tpu.memory_space<vmem>>) target(%dma_start3A_178 : memref<32x128xf32, #tpu.memory_space<hbm>>) target_semaphore(%arg15 : memref<!tpu.dma_semaphore, #tpu.memory_space<semaphore_mem>>)
        %add3A_183 = arith.constant 2 : i32
        %add3A_184 = arith.addi %add3A_122, %add3A_183 : i32
        %lt3A_185 = arith.constant 49 : i32
        %lt3A_186 = arith.cmpi slt, %add3A_184, %lt3A_185 : i32
        %convert_element_type3A_187 = arith.extui %lt3A_186 : i1 to i32
        %cond3A_188 = arith.constant 0 : i32
        %cond3A_189 = arith.cmpi ne, %convert_element_type3A_187, %cond3A_188 : i32
        scf.if %cond3A_189 {
          %add3A_190 = arith.constant 2 : i32
          %add3A_191 = arith.addi %add3A_122, %add3A_190 : i32
          %mul3A_192 = arith.constant 32 : i32
          %mul3A_193 = arith.muli %add3A_191, %mul3A_192 : i32
          %add3A_194 = arith.addi %mul3A_6, %mul3A_193 : i32
          %min3A_195 = arith.minsi %add3A_194, %sub3A_14 : i32
          %multiple_of3A_196 = tpu.assume_multiple %min3A_195, 8 : i32
          %dma_start3A_197 = arith.constant 1 : i32
          %dma_start3A_198 = arith.constant 0 : i32
          %dma_start3A_199 = arith.constant 0 : i32
          %dma_start3A_200 = tpu.memref_slice %arg9[%dma_start3A_197, %dma_start3A_198, %dma_start3A_199] : memref<2x32x128xi32, #tpu.memory_space<vmem>> -> memref<1x32x128xi32, #tpu.memory_space<vmem>>
          %dma_start3A_201 = tpu.memref_squeeze %dma_start3A_200 : memref<1x32x128xi32, #tpu.memory_space<vmem>> -> memref<32x128xi32, #tpu.memory_space<vmem>>
          %dma_start3A_202 = arith.constant 0 : i32
          %dma_start3A_203 = tpu.memref_slice %arg4[%multiple_of3A_196, %dma_start3A_202] : memref<50000x128xi32, #tpu.memory_space<hbm>> -> memref<32x128xi32, #tpu.memory_space<hbm>>
          %dma_start3A_204 = arith.constant 0 : i32
          %dma_start3A_205 = arith.constant 0 : i32
          %dma_start3A_206 = tpu.memref_slice %arg9[%dma_start3A_197, %dma_start3A_204, %dma_start3A_205] : memref<2x32x128xi32, #tpu.memory_space<vmem>> -> memref<1x32x128xi32, #tpu.memory_space<vmem>>
          %dma_start3A_207 = tpu.memref_squeeze %dma_start3A_206 : memref<1x32x128xi32, #tpu.memory_space<vmem>> -> memref<32x128xi32, #tpu.memory_space<vmem>>
          %dma_start3A_208 = arith.constant 0 : i32
          %dma_start3A_209 = tpu.memref_slice %arg4[%multiple_of3A_196, %dma_start3A_208] : memref<50000x128xi32, #tpu.memory_space<hbm>> -> memref<32x128xi32, #tpu.memory_space<hbm>>
          tpu.enqueue_dma source(%dma_start3A_209 : memref<32x128xi32, #tpu.memory_space<hbm>>) target(%dma_start3A_207 : memref<32x128xi32, #tpu.memory_space<vmem>>) target_semaphore(%arg13 : memref<!tpu.dma_semaphore, #tpu.memory_space<semaphore_mem>>)
          %dma_start3A_210 = arith.constant 1 : i32
          %dma_start3A_211 = arith.constant 0 : i32
          %dma_start3A_212 = arith.constant 0 : i32
          %dma_start3A_213 = tpu.memref_slice %arg10[%dma_start3A_210, %dma_start3A_211, %dma_start3A_212] : memref<2x32x128xi32, #tpu.memory_space<vmem>> -> memref<1x32x128xi32, #tpu.memory_space<vmem>>
          %dma_start3A_214 = tpu.memref_squeeze %dma_start3A_213 : memref<1x32x128xi32, #tpu.memory_space<vmem>> -> memref<32x128xi32, #tpu.memory_space<vmem>>
          %dma_start3A_215 = arith.constant 0 : i32
          %dma_start3A_216 = tpu.memref_slice %arg5[%multiple_of3A_196, %dma_start3A_215] : memref<50000x128xi32, #tpu.memory_space<hbm>> -> memref<32x128xi32, #tpu.memory_space<hbm>>
          %dma_start3A_217 = arith.constant 0 : i32
          %dma_start3A_218 = arith.constant 0 : i32
          %dma_start3A_219 = tpu.memref_slice %arg10[%dma_start3A_210, %dma_start3A_217, %dma_start3A_218] : memref<2x32x128xi32, #tpu.memory_space<vmem>> -> memref<1x32x128xi32, #tpu.memory_space<vmem>>
          %dma_start3A_220 = tpu.memref_squeeze %dma_start3A_219 : memref<1x32x128xi32, #tpu.memory_space<vmem>> -> memref<32x128xi32, #tpu.memory_space<vmem>>
          %dma_start3A_221 = arith.constant 0 : i32
          %dma_start3A_222 = tpu.memref_slice %arg5[%multiple_of3A_196, %dma_start3A_221] : memref<50000x128xi32, #tpu.memory_space<hbm>> -> memref<32x128xi32, #tpu.memory_space<hbm>>
          tpu.enqueue_dma source(%dma_start3A_222 : memref<32x128xi32, #tpu.memory_space<hbm>>) target(%dma_start3A_220 : memref<32x128xi32, #tpu.memory_space<vmem>>) target_semaphore(%arg13 : memref<!tpu.dma_semaphore, #tpu.memory_space<semaphore_mem>>)
        } else {
        }
      } else {
      }
    }
    %scan3A_77 = arith.constant 25 : i32
    %add3A_78 = arith.constant 1536 : i32
    %add3A_79 = arith.addi %mul3A_6, %add3A_78 : i32
    %min3A_80 = arith.minsi %add3A_79, %sub3A_14 : i32
    %multiple_of3A_81 = tpu.assume_multiple %min3A_80, 8 : i32
    %dma_wait3A = arith.constant 0 : i32
    %dma_wait3A_82 = arith.constant 0 : i32
    %dma_wait3A_83 = arith.constant 0 : i32
    %dma_wait3A_84 = tpu.memref_slice %arg11[%dma_wait3A, %dma_wait3A_82, %dma_wait3A_83] : memref<2x32x128xf32, #tpu.memory_space<vmem>> -> memref<1x32x128xf32, #tpu.memory_space<vmem>>
    %dma_wait3A_85 = tpu.memref_squeeze %dma_wait3A_84 : memref<1x32x128xf32, #tpu.memory_space<vmem>> -> memref<32x128xf32, #tpu.memory_space<vmem>>
    %dma_wait3A_86 = arith.constant 0 : i32
    %dma_wait3A_87 = tpu.memref_slice %arg6[%multiple_of3A_81, %dma_wait3A_86] : memref<50000x128xf32, #tpu.memory_space<hbm>> -> memref<32x128xf32, #tpu.memory_space<hbm>>
    %dma_wait3A_88 = arith.constant 0 : i32
    %dma_wait3A_89 = tpu.memref_slice %arg6[%multiple_of3A_81, %dma_wait3A_88] : memref<50000x128xf32, #tpu.memory_space<hbm>> -> memref<32x128xf32, #tpu.memory_space<hbm>>
    %dma_wait3A_90 = arith.constant 0 : i32
    %dma_wait3A_91 = arith.constant 0 : i32
    %dma_wait3A_92 = tpu.memref_slice %arg11[%dma_wait3A, %dma_wait3A_90, %dma_wait3A_91] : memref<2x32x128xf32, #tpu.memory_space<vmem>> -> memref<1x32x128xf32, #tpu.memory_space<vmem>>
    %dma_wait3A_93 = tpu.memref_squeeze %dma_wait3A_92 : memref<1x32x128xf32, #tpu.memory_space<vmem>> -> memref<32x128xf32, #tpu.memory_space<vmem>>
    tpu.wait_dma2 semaphore(%arg14 : memref<!tpu.dma_semaphore, #tpu.memory_space<semaphore_mem>>) src(%dma_wait3A_93 : memref<32x128xf32, #tpu.memory_space<vmem>>) dst(%dma_wait3A_89 : memref<32x128xf32, #tpu.memory_space<hbm>>)
    %add3A_94 = arith.constant 1504 : i32
    %add3A_95 = arith.addi %mul3A_6, %add3A_94 : i32
    %min3A_96 = arith.minsi %add3A_95, %sub3A_14 : i32
    %multiple_of3A_97 = tpu.assume_multiple %min3A_96, 8 : i32
    %dma_wait3A_98 = arith.constant 1 : i32
    %dma_wait3A_99 = arith.constant 0 : i32
    %dma_wait3A_100 = arith.constant 0 : i32
    %dma_wait3A_101 = tpu.memref_slice %arg11[%dma_wait3A_98, %dma_wait3A_99, %dma_wait3A_100] : memref<2x32x128xf32, #tpu.memory_space<vmem>> -> memref<1x32x128xf32, #tpu.memory_space<vmem>>
    %dma_wait3A_102 = tpu.memref_squeeze %dma_wait3A_101 : memref<1x32x128xf32, #tpu.memory_space<vmem>> -> memref<32x128xf32, #tpu.memory_space<vmem>>
    %dma_wait3A_103 = arith.constant 0 : i32
    %dma_wait3A_104 = tpu.memref_slice %arg6[%multiple_of3A_97, %dma_wait3A_103] : memref<50000x128xf32, #tpu.memory_space<hbm>> -> memref<32x128xf32, #tpu.memory_space<hbm>>
    %dma_wait3A_105 = arith.constant 0 : i32
    %dma_wait3A_106 = tpu.memref_slice %arg6[%multiple_of3A_97, %dma_wait3A_105] : memref<50000x128xf32, #tpu.memory_space<hbm>> -> memref<32x128xf32, #tpu.memory_space<hbm>>
    %dma_wait3A_107 = arith.constant 0 : i32
    %dma_wait3A_108 = arith.constant 0 : i32
    %dma_wait3A_109 = tpu.memref_slice %arg11[%dma_wait3A_98, %dma_wait3A_107, %dma_wait3A_108] : memref<2x32x128xf32, #tpu.memory_space<vmem>> -> memref<1x32x128xf32, #tpu.memory_space<vmem>>
    %dma_wait3A_110 = tpu.memref_squeeze %dma_wait3A_109 : memref<1x32x128xf32, #tpu.memory_space<vmem>> -> memref<32x128xf32, #tpu.memory_space<vmem>>
    tpu.wait_dma2 semaphore(%arg15 : memref<!tpu.dma_semaphore, #tpu.memory_space<semaphore_mem>>) src(%dma_wait3A_110 : memref<32x128xf32, #tpu.memory_space<vmem>>) dst(%dma_wait3A_106 : memref<32x128xf32, #tpu.memory_space<hbm>>)
    return
  }
}

module attributes {stable_mosaic.version = 14 : i64} {
  func.func @_encode_body(%arg0: i32, %arg1: memref<4x20480xf32, #tpu.memory_space<vmem>>, %arg2: memref<4x20480xf32, #tpu.memory_space<vmem>>, %arg3: memref<4x4xf32, #tpu.memory_space<smem>>, %arg4: memref<4xf32, #tpu.memory_space<smem>>, %arg5: memref<4x4xf32, #tpu.memory_space<smem>>, %arg6: memref<4xf32, #tpu.memory_space<smem>>, %arg7: memref<1x8xf32, #tpu.memory_space<smem>>, %arg8: memref<1xf32, #tpu.memory_space<smem>>, %arg9: memref<40x256xi32, #tpu.memory_space<vmem>>, %arg10: memref<40x256xi32, #tpu.memory_space<vmem>>) attributes {dimension_semantics = [#tpu.dimension_semantics<arbitrary>], iteration_bounds = array<i64: 5>, scalar_prefetch = 0 : i64, scratch_operands = 0 : i64, tpu.core_type = #tpu.core_type<tc>, window_params = [{transform_indices = @transform_0, window_bounds = array<i64: 4, 20480>}, {transform_indices = @transform_1, window_bounds = array<i64: 4, 20480>}, {transform_indices = @transform_2, window_bounds = array<i64: 4, 4>}, {transform_indices = @transform_3, window_bounds = array<i64: 4>}, {transform_indices = @transform_4, window_bounds = array<i64: 4, 4>}, {transform_indices = @transform_5, window_bounds = array<i64: 4>}, {transform_indices = @transform_6, window_bounds = array<i64: 1, 8>}, {transform_indices = @transform_7, window_bounds = array<i64: 1>}, {transform_indices = @transform_8, window_bounds = array<i64: 40, 256>}, {transform_indices = @transform_9, window_bounds = array<i64: 40, 256>}]} {
    %get3A = arith.constant 0 : index
    %get3A_0 = arith.constant 0 : index
    %get3A_1 = memref.load %arg7[%get3A, %get3A_0] : memref<1x8xf32, #tpu.memory_space<smem>>
    %get3A_2 = arith.constant 0 : index
    %get3A_3 = arith.constant 0 : index
    %get3A_4 = memref.load %arg3[%get3A_2, %get3A_3] : memref<4x4xf32, #tpu.memory_space<smem>>
    %mul3A = arith.mulf %get3A_1, %get3A_4 : f32
    %add3A = arith.constant 0.000000e+00 : f32
    %add3A_5 = arith.addf %add3A, %mul3A : f32
    %get3A_6 = arith.constant 0 : index
    %get3A_7 = arith.constant 1 : index
    %get3A_8 = memref.load %arg7[%get3A_6, %get3A_7] : memref<1x8xf32, #tpu.memory_space<smem>>
    %get3A_9 = arith.constant 1 : index
    %get3A_10 = arith.constant 0 : index
    %get3A_11 = memref.load %arg3[%get3A_9, %get3A_10] : memref<4x4xf32, #tpu.memory_space<smem>>
    %mul3A_12 = arith.mulf %get3A_8, %get3A_11 : f32
    %add3A_13 = arith.addf %add3A_5, %mul3A_12 : f32
    %get3A_14 = arith.constant 0 : index
    %get3A_15 = arith.constant 2 : index
    %get3A_16 = memref.load %arg7[%get3A_14, %get3A_15] : memref<1x8xf32, #tpu.memory_space<smem>>
    %get3A_17 = arith.constant 2 : index
    %get3A_18 = arith.constant 0 : index
    %get3A_19 = memref.load %arg3[%get3A_17, %get3A_18] : memref<4x4xf32, #tpu.memory_space<smem>>
    %mul3A_20 = arith.mulf %get3A_16, %get3A_19 : f32
    %add3A_21 = arith.addf %add3A_13, %mul3A_20 : f32
    %get3A_22 = arith.constant 0 : index
    %get3A_23 = arith.constant 3 : index
    %get3A_24 = memref.load %arg7[%get3A_22, %get3A_23] : memref<1x8xf32, #tpu.memory_space<smem>>
    %get3A_25 = arith.constant 3 : index
    %get3A_26 = arith.constant 0 : index
    %get3A_27 = memref.load %arg3[%get3A_25, %get3A_26] : memref<4x4xf32, #tpu.memory_space<smem>>
    %mul3A_28 = arith.mulf %get3A_24, %get3A_27 : f32
    %add3A_29 = arith.addf %add3A_21, %mul3A_28 : f32
    %get3A_30 = arith.constant 0 : index
    %get3A_31 = arith.constant 0 : index
    %get3A_32 = memref.load %arg7[%get3A_30, %get3A_31] : memref<1x8xf32, #tpu.memory_space<smem>>
    %get3A_33 = arith.constant 0 : index
    %get3A_34 = arith.constant 1 : index
    %get3A_35 = memref.load %arg3[%get3A_33, %get3A_34] : memref<4x4xf32, #tpu.memory_space<smem>>
    %mul3A_36 = arith.mulf %get3A_32, %get3A_35 : f32
    %add3A_37 = arith.constant 0.000000e+00 : f32
    %add3A_38 = arith.addf %add3A_37, %mul3A_36 : f32
    %get3A_39 = arith.constant 0 : index
    %get3A_40 = arith.constant 1 : index
    %get3A_41 = memref.load %arg7[%get3A_39, %get3A_40] : memref<1x8xf32, #tpu.memory_space<smem>>
    %get3A_42 = arith.constant 1 : index
    %get3A_43 = arith.constant 1 : index
    %get3A_44 = memref.load %arg3[%get3A_42, %get3A_43] : memref<4x4xf32, #tpu.memory_space<smem>>
    %mul3A_45 = arith.mulf %get3A_41, %get3A_44 : f32
    %add3A_46 = arith.addf %add3A_38, %mul3A_45 : f32
    %get3A_47 = arith.constant 0 : index
    %get3A_48 = arith.constant 2 : index
    %get3A_49 = memref.load %arg7[%get3A_47, %get3A_48] : memref<1x8xf32, #tpu.memory_space<smem>>
    %get3A_50 = arith.constant 2 : index
    %get3A_51 = arith.constant 1 : index
    %get3A_52 = memref.load %arg3[%get3A_50, %get3A_51] : memref<4x4xf32, #tpu.memory_space<smem>>
    %mul3A_53 = arith.mulf %get3A_49, %get3A_52 : f32
    %add3A_54 = arith.addf %add3A_46, %mul3A_53 : f32
    %get3A_55 = arith.constant 0 : index
    %get3A_56 = arith.constant 3 : index
    %get3A_57 = memref.load %arg7[%get3A_55, %get3A_56] : memref<1x8xf32, #tpu.memory_space<smem>>
    %get3A_58 = arith.constant 3 : index
    %get3A_59 = arith.constant 1 : index
    %get3A_60 = memref.load %arg3[%get3A_58, %get3A_59] : memref<4x4xf32, #tpu.memory_space<smem>>
    %mul3A_61 = arith.mulf %get3A_57, %get3A_60 : f32
    %add3A_62 = arith.addf %add3A_54, %mul3A_61 : f32
    %get3A_63 = arith.constant 0 : index
    %get3A_64 = arith.constant 0 : index
    %get3A_65 = memref.load %arg7[%get3A_63, %get3A_64] : memref<1x8xf32, #tpu.memory_space<smem>>
    %get3A_66 = arith.constant 0 : index
    %get3A_67 = arith.constant 2 : index
    %get3A_68 = memref.load %arg3[%get3A_66, %get3A_67] : memref<4x4xf32, #tpu.memory_space<smem>>
    %mul3A_69 = arith.mulf %get3A_65, %get3A_68 : f32
    %add3A_70 = arith.constant 0.000000e+00 : f32
    %add3A_71 = arith.addf %add3A_70, %mul3A_69 : f32
    %get3A_72 = arith.constant 0 : index
    %get3A_73 = arith.constant 1 : index
    %get3A_74 = memref.load %arg7[%get3A_72, %get3A_73] : memref<1x8xf32, #tpu.memory_space<smem>>
    %get3A_75 = arith.constant 1 : index
    %get3A_76 = arith.constant 2 : index
    %get3A_77 = memref.load %arg3[%get3A_75, %get3A_76] : memref<4x4xf32, #tpu.memory_space<smem>>
    %mul3A_78 = arith.mulf %get3A_74, %get3A_77 : f32
    %add3A_79 = arith.addf %add3A_71, %mul3A_78 : f32
    %get3A_80 = arith.constant 0 : index
    %get3A_81 = arith.constant 2 : index
    %get3A_82 = memref.load %arg7[%get3A_80, %get3A_81] : memref<1x8xf32, #tpu.memory_space<smem>>
    %get3A_83 = arith.constant 2 : index
    %get3A_84 = arith.constant 2 : index
    %get3A_85 = memref.load %arg3[%get3A_83, %get3A_84] : memref<4x4xf32, #tpu.memory_space<smem>>
    %mul3A_86 = arith.mulf %get3A_82, %get3A_85 : f32
    %add3A_87 = arith.addf %add3A_79, %mul3A_86 : f32
    %get3A_88 = arith.constant 0 : index
    %get3A_89 = arith.constant 3 : index
    %get3A_90 = memref.load %arg7[%get3A_88, %get3A_89] : memref<1x8xf32, #tpu.memory_space<smem>>
    %get3A_91 = arith.constant 3 : index
    %get3A_92 = arith.constant 2 : index
    %get3A_93 = memref.load %arg3[%get3A_91, %get3A_92] : memref<4x4xf32, #tpu.memory_space<smem>>
    %mul3A_94 = arith.mulf %get3A_90, %get3A_93 : f32
    %add3A_95 = arith.addf %add3A_87, %mul3A_94 : f32
    %get3A_96 = arith.constant 0 : index
    %get3A_97 = arith.constant 0 : index
    %get3A_98 = memref.load %arg7[%get3A_96, %get3A_97] : memref<1x8xf32, #tpu.memory_space<smem>>
    %get3A_99 = arith.constant 0 : index
    %get3A_100 = arith.constant 3 : index
    %get3A_101 = memref.load %arg3[%get3A_99, %get3A_100] : memref<4x4xf32, #tpu.memory_space<smem>>
    %mul3A_102 = arith.mulf %get3A_98, %get3A_101 : f32
    %add3A_103 = arith.constant 0.000000e+00 : f32
    %add3A_104 = arith.addf %add3A_103, %mul3A_102 : f32
    %get3A_105 = arith.constant 0 : index
    %get3A_106 = arith.constant 1 : index
    %get3A_107 = memref.load %arg7[%get3A_105, %get3A_106] : memref<1x8xf32, #tpu.memory_space<smem>>
    %get3A_108 = arith.constant 1 : index
    %get3A_109 = arith.constant 3 : index
    %get3A_110 = memref.load %arg3[%get3A_108, %get3A_109] : memref<4x4xf32, #tpu.memory_space<smem>>
    %mul3A_111 = arith.mulf %get3A_107, %get3A_110 : f32
    %add3A_112 = arith.addf %add3A_104, %mul3A_111 : f32
    %get3A_113 = arith.constant 0 : index
    %get3A_114 = arith.constant 2 : index
    %get3A_115 = memref.load %arg7[%get3A_113, %get3A_114] : memref<1x8xf32, #tpu.memory_space<smem>>
    %get3A_116 = arith.constant 2 : index
    %get3A_117 = arith.constant 3 : index
    %get3A_118 = memref.load %arg3[%get3A_116, %get3A_117] : memref<4x4xf32, #tpu.memory_space<smem>>
    %mul3A_119 = arith.mulf %get3A_115, %get3A_118 : f32
    %add3A_120 = arith.addf %add3A_112, %mul3A_119 : f32
    %get3A_121 = arith.constant 0 : index
    %get3A_122 = arith.constant 3 : index
    %get3A_123 = memref.load %arg7[%get3A_121, %get3A_122] : memref<1x8xf32, #tpu.memory_space<smem>>
    %get3A_124 = arith.constant 3 : index
    %get3A_125 = arith.constant 3 : index
    %get3A_126 = memref.load %arg3[%get3A_124, %get3A_125] : memref<4x4xf32, #tpu.memory_space<smem>>
    %mul3A_127 = arith.mulf %get3A_123, %get3A_126 : f32
    %add3A_128 = arith.addf %add3A_120, %mul3A_127 : f32
    %get3A_129 = arith.constant 0 : index
    %get3A_130 = arith.constant 4 : index
    %get3A_131 = memref.load %arg7[%get3A_129, %get3A_130] : memref<1x8xf32, #tpu.memory_space<smem>>
    %get3A_132 = arith.constant 0 : index
    %get3A_133 = arith.constant 0 : index
    %get3A_134 = memref.load %arg5[%get3A_132, %get3A_133] : memref<4x4xf32, #tpu.memory_space<smem>>
    %mul3A_135 = arith.mulf %get3A_131, %get3A_134 : f32
    %add3A_136 = arith.constant 0.000000e+00 : f32
    %add3A_137 = arith.addf %add3A_136, %mul3A_135 : f32
    %get3A_138 = arith.constant 0 : index
    %get3A_139 = arith.constant 5 : index
    %get3A_140 = memref.load %arg7[%get3A_138, %get3A_139] : memref<1x8xf32, #tpu.memory_space<smem>>
    %get3A_141 = arith.constant 1 : index
    %get3A_142 = arith.constant 0 : index
    %get3A_143 = memref.load %arg5[%get3A_141, %get3A_142] : memref<4x4xf32, #tpu.memory_space<smem>>
    %mul3A_144 = arith.mulf %get3A_140, %get3A_143 : f32
    %add3A_145 = arith.addf %add3A_137, %mul3A_144 : f32
    %get3A_146 = arith.constant 0 : index
    %get3A_147 = arith.constant 6 : index
    %get3A_148 = memref.load %arg7[%get3A_146, %get3A_147] : memref<1x8xf32, #tpu.memory_space<smem>>
    %get3A_149 = arith.constant 2 : index
    %get3A_150 = arith.constant 0 : index
    %get3A_151 = memref.load %arg5[%get3A_149, %get3A_150] : memref<4x4xf32, #tpu.memory_space<smem>>
    %mul3A_152 = arith.mulf %get3A_148, %get3A_151 : f32
    %add3A_153 = arith.addf %add3A_145, %mul3A_152 : f32
    %get3A_154 = arith.constant 0 : index
    %get3A_155 = arith.constant 7 : index
    %get3A_156 = memref.load %arg7[%get3A_154, %get3A_155] : memref<1x8xf32, #tpu.memory_space<smem>>
    %get3A_157 = arith.constant 3 : index
    %get3A_158 = arith.constant 0 : index
    %get3A_159 = memref.load %arg5[%get3A_157, %get3A_158] : memref<4x4xf32, #tpu.memory_space<smem>>
    %mul3A_160 = arith.mulf %get3A_156, %get3A_159 : f32
    %add3A_161 = arith.addf %add3A_153, %mul3A_160 : f32
    %get3A_162 = arith.constant 0 : index
    %get3A_163 = arith.constant 4 : index
    %get3A_164 = memref.load %arg7[%get3A_162, %get3A_163] : memref<1x8xf32, #tpu.memory_space<smem>>
    %get3A_165 = arith.constant 0 : index
    %get3A_166 = arith.constant 1 : index
    %get3A_167 = memref.load %arg5[%get3A_165, %get3A_166] : memref<4x4xf32, #tpu.memory_space<smem>>
    %mul3A_168 = arith.mulf %get3A_164, %get3A_167 : f32
    %add3A_169 = arith.constant 0.000000e+00 : f32
    %add3A_170 = arith.addf %add3A_169, %mul3A_168 : f32
    %get3A_171 = arith.constant 0 : index
    %get3A_172 = arith.constant 5 : index
    %get3A_173 = memref.load %arg7[%get3A_171, %get3A_172] : memref<1x8xf32, #tpu.memory_space<smem>>
    %get3A_174 = arith.constant 1 : index
    %get3A_175 = arith.constant 1 : index
    %get3A_176 = memref.load %arg5[%get3A_174, %get3A_175] : memref<4x4xf32, #tpu.memory_space<smem>>
    %mul3A_177 = arith.mulf %get3A_173, %get3A_176 : f32
    %add3A_178 = arith.addf %add3A_170, %mul3A_177 : f32
    %get3A_179 = arith.constant 0 : index
    %get3A_180 = arith.constant 6 : index
    %get3A_181 = memref.load %arg7[%get3A_179, %get3A_180] : memref<1x8xf32, #tpu.memory_space<smem>>
    %get3A_182 = arith.constant 2 : index
    %get3A_183 = arith.constant 1 : index
    %get3A_184 = memref.load %arg5[%get3A_182, %get3A_183] : memref<4x4xf32, #tpu.memory_space<smem>>
    %mul3A_185 = arith.mulf %get3A_181, %get3A_184 : f32
    %add3A_186 = arith.addf %add3A_178, %mul3A_185 : f32
    %get3A_187 = arith.constant 0 : index
    %get3A_188 = arith.constant 7 : index
    %get3A_189 = memref.load %arg7[%get3A_187, %get3A_188] : memref<1x8xf32, #tpu.memory_space<smem>>
    %get3A_190 = arith.constant 3 : index
    %get3A_191 = arith.constant 1 : index
    %get3A_192 = memref.load %arg5[%get3A_190, %get3A_191] : memref<4x4xf32, #tpu.memory_space<smem>>
    %mul3A_193 = arith.mulf %get3A_189, %get3A_192 : f32
    %add3A_194 = arith.addf %add3A_186, %mul3A_193 : f32
    %get3A_195 = arith.constant 0 : index
    %get3A_196 = arith.constant 4 : index
    %get3A_197 = memref.load %arg7[%get3A_195, %get3A_196] : memref<1x8xf32, #tpu.memory_space<smem>>
    %get3A_198 = arith.constant 0 : index
    %get3A_199 = arith.constant 2 : index
    %get3A_200 = memref.load %arg5[%get3A_198, %get3A_199] : memref<4x4xf32, #tpu.memory_space<smem>>
    %mul3A_201 = arith.mulf %get3A_197, %get3A_200 : f32
    %add3A_202 = arith.constant 0.000000e+00 : f32
    %add3A_203 = arith.addf %add3A_202, %mul3A_201 : f32
    %get3A_204 = arith.constant 0 : index
    %get3A_205 = arith.constant 5 : index
    %get3A_206 = memref.load %arg7[%get3A_204, %get3A_205] : memref<1x8xf32, #tpu.memory_space<smem>>
    %get3A_207 = arith.constant 1 : index
    %get3A_208 = arith.constant 2 : index
    %get3A_209 = memref.load %arg5[%get3A_207, %get3A_208] : memref<4x4xf32, #tpu.memory_space<smem>>
    %mul3A_210 = arith.mulf %get3A_206, %get3A_209 : f32
    %add3A_211 = arith.addf %add3A_203, %mul3A_210 : f32
    %get3A_212 = arith.constant 0 : index
    %get3A_213 = arith.constant 6 : index
    %get3A_214 = memref.load %arg7[%get3A_212, %get3A_213] : memref<1x8xf32, #tpu.memory_space<smem>>
    %get3A_215 = arith.constant 2 : index
    %get3A_216 = arith.constant 2 : index
    %get3A_217 = memref.load %arg5[%get3A_215, %get3A_216] : memref<4x4xf32, #tpu.memory_space<smem>>
    %mul3A_218 = arith.mulf %get3A_214, %get3A_217 : f32
    %add3A_219 = arith.addf %add3A_211, %mul3A_218 : f32
    %get3A_220 = arith.constant 0 : index
    %get3A_221 = arith.constant 7 : index
    %get3A_222 = memref.load %arg7[%get3A_220, %get3A_221] : memref<1x8xf32, #tpu.memory_space<smem>>
    %get3A_223 = arith.constant 3 : index
    %get3A_224 = arith.constant 2 : index
    %get3A_225 = memref.load %arg5[%get3A_223, %get3A_224] : memref<4x4xf32, #tpu.memory_space<smem>>
    %mul3A_226 = arith.mulf %get3A_222, %get3A_225 : f32
    %add3A_227 = arith.addf %add3A_219, %mul3A_226 : f32
    %get3A_228 = arith.constant 0 : index
    %get3A_229 = arith.constant 4 : index
    %get3A_230 = memref.load %arg7[%get3A_228, %get3A_229] : memref<1x8xf32, #tpu.memory_space<smem>>
    %get3A_231 = arith.constant 0 : index
    %get3A_232 = arith.constant 3 : index
    %get3A_233 = memref.load %arg5[%get3A_231, %get3A_232] : memref<4x4xf32, #tpu.memory_space<smem>>
    %mul3A_234 = arith.mulf %get3A_230, %get3A_233 : f32
    %add3A_235 = arith.constant 0.000000e+00 : f32
    %add3A_236 = arith.addf %add3A_235, %mul3A_234 : f32
    %get3A_237 = arith.constant 0 : index
    %get3A_238 = arith.constant 5 : index
    %get3A_239 = memref.load %arg7[%get3A_237, %get3A_238] : memref<1x8xf32, #tpu.memory_space<smem>>
    %get3A_240 = arith.constant 1 : index
    %get3A_241 = arith.constant 3 : index
    %get3A_242 = memref.load %arg5[%get3A_240, %get3A_241] : memref<4x4xf32, #tpu.memory_space<smem>>
    %mul3A_243 = arith.mulf %get3A_239, %get3A_242 : f32
    %add3A_244 = arith.addf %add3A_236, %mul3A_243 : f32
    %get3A_245 = arith.constant 0 : index
    %get3A_246 = arith.constant 6 : index
    %get3A_247 = memref.load %arg7[%get3A_245, %get3A_246] : memref<1x8xf32, #tpu.memory_space<smem>>
    %get3A_248 = arith.constant 2 : index
    %get3A_249 = arith.constant 3 : index
    %get3A_250 = memref.load %arg5[%get3A_248, %get3A_249] : memref<4x4xf32, #tpu.memory_space<smem>>
    %mul3A_251 = arith.mulf %get3A_247, %get3A_250 : f32
    %add3A_252 = arith.addf %add3A_244, %mul3A_251 : f32
    %get3A_253 = arith.constant 0 : index
    %get3A_254 = arith.constant 7 : index
    %get3A_255 = memref.load %arg7[%get3A_253, %get3A_254] : memref<1x8xf32, #tpu.memory_space<smem>>
    %get3A_256 = arith.constant 3 : index
    %get3A_257 = arith.constant 3 : index
    %get3A_258 = memref.load %arg5[%get3A_256, %get3A_257] : memref<4x4xf32, #tpu.memory_space<smem>>
    %mul3A_259 = arith.mulf %get3A_255, %get3A_258 : f32
    %add3A_260 = arith.addf %add3A_252, %mul3A_259 : f32
    %get3A_261 = arith.constant 0 : index
    %get3A_262 = memref.load %arg8[%get3A_261] : memref<1xf32, #tpu.memory_space<smem>>
    %get3A_263 = arith.constant 0 : index
    %get3A_264 = arith.constant 0 : index
    %get3A_265 = memref.load %arg7[%get3A_263, %get3A_264] : memref<1x8xf32, #tpu.memory_space<smem>>
    %get3A_266 = arith.constant 0 : index
    %get3A_267 = memref.load %arg4[%get3A_266] : memref<4xf32, #tpu.memory_space<smem>>
    %mul3A_268 = arith.mulf %get3A_265, %get3A_267 : f32
    %add3A_269 = arith.constant 0.000000e+00 : f32
    %add3A_270 = arith.addf %add3A_269, %mul3A_268 : f32
    %get3A_271 = arith.constant 0 : index
    %get3A_272 = arith.constant 1 : index
    %get3A_273 = memref.load %arg7[%get3A_271, %get3A_272] : memref<1x8xf32, #tpu.memory_space<smem>>
    %get3A_274 = arith.constant 1 : index
    %get3A_275 = memref.load %arg4[%get3A_274] : memref<4xf32, #tpu.memory_space<smem>>
    %mul3A_276 = arith.mulf %get3A_273, %get3A_275 : f32
    %add3A_277 = arith.addf %add3A_270, %mul3A_276 : f32
    %get3A_278 = arith.constant 0 : index
    %get3A_279 = arith.constant 2 : index
    %get3A_280 = memref.load %arg7[%get3A_278, %get3A_279] : memref<1x8xf32, #tpu.memory_space<smem>>
    %get3A_281 = arith.constant 2 : index
    %get3A_282 = memref.load %arg4[%get3A_281] : memref<4xf32, #tpu.memory_space<smem>>
    %mul3A_283 = arith.mulf %get3A_280, %get3A_282 : f32
    %add3A_284 = arith.addf %add3A_277, %mul3A_283 : f32
    %get3A_285 = arith.constant 0 : index
    %get3A_286 = arith.constant 3 : index
    %get3A_287 = memref.load %arg7[%get3A_285, %get3A_286] : memref<1x8xf32, #tpu.memory_space<smem>>
    %get3A_288 = arith.constant 3 : index
    %get3A_289 = memref.load %arg4[%get3A_288] : memref<4xf32, #tpu.memory_space<smem>>
    %mul3A_290 = arith.mulf %get3A_287, %get3A_289 : f32
    %add3A_291 = arith.addf %add3A_284, %mul3A_290 : f32
    %add3A_292 = arith.addf %get3A_262, %add3A_291 : f32
    %get3A_293 = arith.constant 0 : index
    %get3A_294 = arith.constant 4 : index
    %get3A_295 = memref.load %arg7[%get3A_293, %get3A_294] : memref<1x8xf32, #tpu.memory_space<smem>>
    %get3A_296 = arith.constant 0 : index
    %get3A_297 = memref.load %arg6[%get3A_296] : memref<4xf32, #tpu.memory_space<smem>>
    %mul3A_298 = arith.mulf %get3A_295, %get3A_297 : f32
    %add3A_299 = arith.constant 0.000000e+00 : f32
    %add3A_300 = arith.addf %add3A_299, %mul3A_298 : f32
    %get3A_301 = arith.constant 0 : index
    %get3A_302 = arith.constant 5 : index
    %get3A_303 = memref.load %arg7[%get3A_301, %get3A_302] : memref<1x8xf32, #tpu.memory_space<smem>>
    %get3A_304 = arith.constant 1 : index
    %get3A_305 = memref.load %arg6[%get3A_304] : memref<4xf32, #tpu.memory_space<smem>>
    %mul3A_306 = arith.mulf %get3A_303, %get3A_305 : f32
    %add3A_307 = arith.addf %add3A_300, %mul3A_306 : f32
    %get3A_308 = arith.constant 0 : index
    %get3A_309 = arith.constant 6 : index
    %get3A_310 = memref.load %arg7[%get3A_308, %get3A_309] : memref<1x8xf32, #tpu.memory_space<smem>>
    %get3A_311 = arith.constant 2 : index
    %get3A_312 = memref.load %arg6[%get3A_311] : memref<4xf32, #tpu.memory_space<smem>>
    %mul3A_313 = arith.mulf %get3A_310, %get3A_312 : f32
    %add3A_314 = arith.addf %add3A_307, %mul3A_313 : f32
    %get3A_315 = arith.constant 0 : index
    %get3A_316 = arith.constant 7 : index
    %get3A_317 = memref.load %arg7[%get3A_315, %get3A_316] : memref<1x8xf32, #tpu.memory_space<smem>>
    %get3A_318 = arith.constant 3 : index
    %get3A_319 = memref.load %arg6[%get3A_318] : memref<4xf32, #tpu.memory_space<smem>>
    %mul3A_320 = arith.mulf %get3A_317, %get3A_319 : f32
    %add3A_321 = arith.addf %add3A_314, %mul3A_320 : f32
    %add3A_322 = arith.addf %add3A_292, %add3A_321 : f32
    %get3A_323 = arith.constant 0 : index
    %get3A_324 = arith.constant 0 : index
    %get3A_325 = vector.load %arg1[%get3A_323, %get3A_324] : memref<4x20480xf32, #tpu.memory_space<vmem>>, vector<4x20480xf32>
    %get3A_326 = arith.constant 0 : index
    %get3A_327 = arith.constant 0 : index
    %get3A_328 = vector.load %arg2[%get3A_326, %get3A_327] : memref<4x20480xf32, #tpu.memory_space<vmem>>, vector<4x20480xf32>
    %slice3A = vector.extract_strided_slice %get3A_325 {offsets = [0, 0], sizes = [1, 20480], strides = [1, 1]} : vector<4x20480xf32> to vector<1x20480xf32>
    %mul3A_329 = vector.broadcast %add3A_29 : f32 to vector<1x20480xf32>
    %mul3A_330 = arith.mulf %mul3A_329, %slice3A : vector<1x20480xf32>
    %add3A_331 = arith.constant 0.000000e+00 : f32
    %add3A_332 = vector.broadcast %add3A_331 : f32 to vector<1x20480xf32>
    %add3A_333 = arith.addf %add3A_332, %mul3A_330 : vector<1x20480xf32>
    %slice3A_334 = vector.extract_strided_slice %get3A_325 {offsets = [1, 0], sizes = [1, 20480], strides = [1, 1]} : vector<4x20480xf32> to vector<1x20480xf32>
    %mul3A_335 = vector.broadcast %add3A_62 : f32 to vector<1x20480xf32>
    %mul3A_336 = arith.mulf %mul3A_335, %slice3A_334 : vector<1x20480xf32>
    %add3A_337 = arith.addf %add3A_333, %mul3A_336 : vector<1x20480xf32>
    %slice3A_338 = vector.extract_strided_slice %get3A_325 {offsets = [2, 0], sizes = [1, 20480], strides = [1, 1]} : vector<4x20480xf32> to vector<1x20480xf32>
    %mul3A_339 = vector.broadcast %add3A_95 : f32 to vector<1x20480xf32>
    %mul3A_340 = arith.mulf %mul3A_339, %slice3A_338 : vector<1x20480xf32>
    %add3A_341 = arith.addf %add3A_337, %mul3A_340 : vector<1x20480xf32>
    %slice3A_342 = vector.extract_strided_slice %get3A_325 {offsets = [3, 0], sizes = [1, 20480], strides = [1, 1]} : vector<4x20480xf32> to vector<1x20480xf32>
    %mul3A_343 = vector.broadcast %add3A_128 : f32 to vector<1x20480xf32>
    %mul3A_344 = arith.mulf %mul3A_343, %slice3A_342 : vector<1x20480xf32>
    %add3A_345 = arith.addf %add3A_341, %mul3A_344 : vector<1x20480xf32>
    %slice3A_346 = vector.extract_strided_slice %add3A_345 {offsets = [0, 0], sizes = [1, 256], strides = [1, 1]} : vector<1x20480xf32> to vector<1x256xf32>
    %bitcast_convert_type3A = tpu.bitcast %slice3A_346 : vector<1x256xf32> -> vector<1x256xi32>
    %add3A_347 = arith.constant 32767 : i32
    %add3A_348 = vector.broadcast %add3A_347 : i32 to vector<1x256xi32>
    %add3A_349 = arith.addi %bitcast_convert_type3A, %add3A_348 : vector<1x256xi32>
    %shift_right_logical3A = arith.constant 16 : i32
    %shift_right_logical3A_350 = vector.broadcast %shift_right_logical3A : i32 to vector<1x256xi32>
    %shift_right_logical3A_351 = arith.shrui %bitcast_convert_type3A, %shift_right_logical3A_350 : vector<1x256xi32>
    %and3A = arith.constant 1 : i32
    %and3A_352 = vector.broadcast %and3A : i32 to vector<1x256xi32>
    %and3A_353 = arith.andi %shift_right_logical3A_351, %and3A_352 : vector<1x256xi32>
    %add3A_354 = arith.addi %add3A_349, %and3A_353 : vector<1x256xi32>
    %shift_right_logical3A_355 = arith.constant 16 : i32
    %shift_right_logical3A_356 = vector.broadcast %shift_right_logical3A_355 : i32 to vector<1x256xi32>
    %shift_right_logical3A_357 = arith.shrui %add3A_354, %shift_right_logical3A_356 : vector<1x256xi32>
    %slice3A_358 = vector.extract_strided_slice %add3A_345 {offsets = [0, 256], sizes = [1, 256], strides = [1, 1]} : vector<1x20480xf32> to vector<1x256xf32>
    %bitcast_convert_type3A_359 = tpu.bitcast %slice3A_358 : vector<1x256xf32> -> vector<1x256xi32>
    %add3A_360 = arith.constant 32767 : i32
    %add3A_361 = vector.broadcast %add3A_360 : i32 to vector<1x256xi32>
    %add3A_362 = arith.addi %bitcast_convert_type3A_359, %add3A_361 : vector<1x256xi32>
    %shift_right_logical3A_363 = arith.constant 16 : i32
    %shift_right_logical3A_364 = vector.broadcast %shift_right_logical3A_363 : i32 to vector<1x256xi32>
    %shift_right_logical3A_365 = arith.shrui %bitcast_convert_type3A_359, %shift_right_logical3A_364 : vector<1x256xi32>
    %and3A_366 = arith.constant 1 : i32
    %and3A_367 = vector.broadcast %and3A_366 : i32 to vector<1x256xi32>
    %and3A_368 = arith.andi %shift_right_logical3A_365, %and3A_367 : vector<1x256xi32>
    %add3A_369 = arith.addi %add3A_362, %and3A_368 : vector<1x256xi32>
    %shift_right_logical3A_370 = arith.constant 16 : i32
    %shift_right_logical3A_371 = vector.broadcast %shift_right_logical3A_370 : i32 to vector<1x256xi32>
    %shift_right_logical3A_372 = arith.shrui %add3A_369, %shift_right_logical3A_371 : vector<1x256xi32>
    %shift_left3A = arith.constant 16 : i32
    %shift_left3A_373 = vector.broadcast %shift_left3A : i32 to vector<1x256xi32>
    %shift_left3A_374 = arith.shli %shift_right_logical3A_372, %shift_left3A_373 : vector<1x256xi32>
    %or3A = arith.ori %shift_right_logical3A_357, %shift_left3A_374 : vector<1x256xi32>
    %slice3A_375 = vector.extract_strided_slice %add3A_345 {offsets = [0, 512], sizes = [1, 256], strides = [1, 1]} : vector<1x20480xf32> to vector<1x256xf32>
    %bitcast_convert_type3A_376 = tpu.bitcast %slice3A_375 : vector<1x256xf32> -> vector<1x256xi32>
    %add3A_377 = arith.constant 32767 : i32
    %add3A_378 = vector.broadcast %add3A_377 : i32 to vector<1x256xi32>
    %add3A_379 = arith.addi %bitcast_convert_type3A_376, %add3A_378 : vector<1x256xi32>
    %shift_right_logical3A_380 = arith.constant 16 : i32
    %shift_right_logical3A_381 = vector.broadcast %shift_right_logical3A_380 : i32 to vector<1x256xi32>
    %shift_right_logical3A_382 = arith.shrui %bitcast_convert_type3A_376, %shift_right_logical3A_381 : vector<1x256xi32>
    %and3A_383 = arith.constant 1 : i32
    %and3A_384 = vector.broadcast %and3A_383 : i32 to vector<1x256xi32>
    %and3A_385 = arith.andi %shift_right_logical3A_382, %and3A_384 : vector<1x256xi32>
    %add3A_386 = arith.addi %add3A_379, %and3A_385 : vector<1x256xi32>
    %shift_right_logical3A_387 = arith.constant 16 : i32
    %shift_right_logical3A_388 = vector.broadcast %shift_right_logical3A_387 : i32 to vector<1x256xi32>
    %shift_right_logical3A_389 = arith.shrui %add3A_386, %shift_right_logical3A_388 : vector<1x256xi32>
    %slice3A_390 = vector.extract_strided_slice %add3A_345 {offsets = [0, 768], sizes = [1, 256], strides = [1, 1]} : vector<1x20480xf32> to vector<1x256xf32>
    %bitcast_convert_type3A_391 = tpu.bitcast %slice3A_390 : vector<1x256xf32> -> vector<1x256xi32>
    %add3A_392 = arith.constant 32767 : i32
    %add3A_393 = vector.broadcast %add3A_392 : i32 to vector<1x256xi32>
    %add3A_394 = arith.addi %bitcast_convert_type3A_391, %add3A_393 : vector<1x256xi32>
    %shift_right_logical3A_395 = arith.constant 16 : i32
    %shift_right_logical3A_396 = vector.broadcast %shift_right_logical3A_395 : i32 to vector<1x256xi32>
    %shift_right_logical3A_397 = arith.shrui %bitcast_convert_type3A_391, %shift_right_logical3A_396 : vector<1x256xi32>
    %and3A_398 = arith.constant 1 : i32
    %and3A_399 = vector.broadcast %and3A_398 : i32 to vector<1x256xi32>
    %and3A_400 = arith.andi %shift_right_logical3A_397, %and3A_399 : vector<1x256xi32>
    %add3A_401 = arith.addi %add3A_394, %and3A_400 : vector<1x256xi32>
    %shift_right_logical3A_402 = arith.constant 16 : i32
    %shift_right_logical3A_403 = vector.broadcast %shift_right_logical3A_402 : i32 to vector<1x256xi32>
    %shift_right_logical3A_404 = arith.shrui %add3A_401, %shift_right_logical3A_403 : vector<1x256xi32>
    %shift_left3A_405 = arith.constant 16 : i32
    %shift_left3A_406 = vector.broadcast %shift_left3A_405 : i32 to vector<1x256xi32>
    %shift_left3A_407 = arith.shli %shift_right_logical3A_404, %shift_left3A_406 : vector<1x256xi32>
    %or3A_408 = arith.ori %shift_right_logical3A_389, %shift_left3A_407 : vector<1x256xi32>
    %slice3A_409 = vector.extract_strided_slice %add3A_345 {offsets = [0, 1024], sizes = [1, 256], strides = [1, 1]} : vector<1x20480xf32> to vector<1x256xf32>
    %bitcast_convert_type3A_410 = tpu.bitcast %slice3A_409 : vector<1x256xf32> -> vector<1x256xi32>
    %add3A_411 = arith.constant 32767 : i32
    %add3A_412 = vector.broadcast %add3A_411 : i32 to vector<1x256xi32>
    %add3A_413 = arith.addi %bitcast_convert_type3A_410, %add3A_412 : vector<1x256xi32>
    %shift_right_logical3A_414 = arith.constant 16 : i32
    %shift_right_logical3A_415 = vector.broadcast %shift_right_logical3A_414 : i32 to vector<1x256xi32>
    %shift_right_logical3A_416 = arith.shrui %bitcast_convert_type3A_410, %shift_right_logical3A_415 : vector<1x256xi32>
    %and3A_417 = arith.constant 1 : i32
    %and3A_418 = vector.broadcast %and3A_417 : i32 to vector<1x256xi32>
    %and3A_419 = arith.andi %shift_right_logical3A_416, %and3A_418 : vector<1x256xi32>
    %add3A_420 = arith.addi %add3A_413, %and3A_419 : vector<1x256xi32>
    %shift_right_logical3A_421 = arith.constant 16 : i32
    %shift_right_logical3A_422 = vector.broadcast %shift_right_logical3A_421 : i32 to vector<1x256xi32>
    %shift_right_logical3A_423 = arith.shrui %add3A_420, %shift_right_logical3A_422 : vector<1x256xi32>
    %slice3A_424 = vector.extract_strided_slice %add3A_345 {offsets = [0, 1280], sizes = [1, 256], strides = [1, 1]} : vector<1x20480xf32> to vector<1x256xf32>
    %bitcast_convert_type3A_425 = tpu.bitcast %slice3A_424 : vector<1x256xf32> -> vector<1x256xi32>
    %add3A_426 = arith.constant 32767 : i32
    %add3A_427 = vector.broadcast %add3A_426 : i32 to vector<1x256xi32>
    %add3A_428 = arith.addi %bitcast_convert_type3A_425, %add3A_427 : vector<1x256xi32>
    %shift_right_logical3A_429 = arith.constant 16 : i32
    %shift_right_logical3A_430 = vector.broadcast %shift_right_logical3A_429 : i32 to vector<1x256xi32>
    %shift_right_logical3A_431 = arith.shrui %bitcast_convert_type3A_425, %shift_right_logical3A_430 : vector<1x256xi32>
    %and3A_432 = arith.constant 1 : i32
    %and3A_433 = vector.broadcast %and3A_432 : i32 to vector<1x256xi32>
    %and3A_434 = arith.andi %shift_right_logical3A_431, %and3A_433 : vector<1x256xi32>
    %add3A_435 = arith.addi %add3A_428, %and3A_434 : vector<1x256xi32>
    %shift_right_logical3A_436 = arith.constant 16 : i32
    %shift_right_logical3A_437 = vector.broadcast %shift_right_logical3A_436 : i32 to vector<1x256xi32>
    %shift_right_logical3A_438 = arith.shrui %add3A_435, %shift_right_logical3A_437 : vector<1x256xi32>
    %shift_left3A_439 = arith.constant 16 : i32
    %shift_left3A_440 = vector.broadcast %shift_left3A_439 : i32 to vector<1x256xi32>
    %shift_left3A_441 = arith.shli %shift_right_logical3A_438, %shift_left3A_440 : vector<1x256xi32>
    %or3A_442 = arith.ori %shift_right_logical3A_423, %shift_left3A_441 : vector<1x256xi32>
    %slice3A_443 = vector.extract_strided_slice %add3A_345 {offsets = [0, 1536], sizes = [1, 256], strides = [1, 1]} : vector<1x20480xf32> to vector<1x256xf32>
    %bitcast_convert_type3A_444 = tpu.bitcast %slice3A_443 : vector<1x256xf32> -> vector<1x256xi32>
    %add3A_445 = arith.constant 32767 : i32
    %add3A_446 = vector.broadcast %add3A_445 : i32 to vector<1x256xi32>
    %add3A_447 = arith.addi %bitcast_convert_type3A_444, %add3A_446 : vector<1x256xi32>
    %shift_right_logical3A_448 = arith.constant 16 : i32
    %shift_right_logical3A_449 = vector.broadcast %shift_right_logical3A_448 : i32 to vector<1x256xi32>
    %shift_right_logical3A_450 = arith.shrui %bitcast_convert_type3A_444, %shift_right_logical3A_449 : vector<1x256xi32>
    %and3A_451 = arith.constant 1 : i32
    %and3A_452 = vector.broadcast %and3A_451 : i32 to vector<1x256xi32>
    %and3A_453 = arith.andi %shift_right_logical3A_450, %and3A_452 : vector<1x256xi32>
    %add3A_454 = arith.addi %add3A_447, %and3A_453 : vector<1x256xi32>
    %shift_right_logical3A_455 = arith.constant 16 : i32
    %shift_right_logical3A_456 = vector.broadcast %shift_right_logical3A_455 : i32 to vector<1x256xi32>
    %shift_right_logical3A_457 = arith.shrui %add3A_454, %shift_right_logical3A_456 : vector<1x256xi32>
    %slice3A_458 = vector.extract_strided_slice %add3A_345 {offsets = [0, 1792], sizes = [1, 256], strides = [1, 1]} : vector<1x20480xf32> to vector<1x256xf32>
    %bitcast_convert_type3A_459 = tpu.bitcast %slice3A_458 : vector<1x256xf32> -> vector<1x256xi32>
    %add3A_460 = arith.constant 32767 : i32
    %add3A_461 = vector.broadcast %add3A_460 : i32 to vector<1x256xi32>
    %add3A_462 = arith.addi %bitcast_convert_type3A_459, %add3A_461 : vector<1x256xi32>
    %shift_right_logical3A_463 = arith.constant 16 : i32
    %shift_right_logical3A_464 = vector.broadcast %shift_right_logical3A_463 : i32 to vector<1x256xi32>
    %shift_right_logical3A_465 = arith.shrui %bitcast_convert_type3A_459, %shift_right_logical3A_464 : vector<1x256xi32>
    %and3A_466 = arith.constant 1 : i32
    %and3A_467 = vector.broadcast %and3A_466 : i32 to vector<1x256xi32>
    %and3A_468 = arith.andi %shift_right_logical3A_465, %and3A_467 : vector<1x256xi32>
    %add3A_469 = arith.addi %add3A_462, %and3A_468 : vector<1x256xi32>
    %shift_right_logical3A_470 = arith.constant 16 : i32
    %shift_right_logical3A_471 = vector.broadcast %shift_right_logical3A_470 : i32 to vector<1x256xi32>
    %shift_right_logical3A_472 = arith.shrui %add3A_469, %shift_right_logical3A_471 : vector<1x256xi32>
    %shift_left3A_473 = arith.constant 16 : i32
    %shift_left3A_474 = vector.broadcast %shift_left3A_473 : i32 to vector<1x256xi32>
    %shift_left3A_475 = arith.shli %shift_right_logical3A_472, %shift_left3A_474 : vector<1x256xi32>
    %or3A_476 = arith.ori %shift_right_logical3A_457, %shift_left3A_475 : vector<1x256xi32>
    %slice3A_477 = vector.extract_strided_slice %add3A_345 {offsets = [0, 2048], sizes = [1, 256], strides = [1, 1]} : vector<1x20480xf32> to vector<1x256xf32>
    %bitcast_convert_type3A_478 = tpu.bitcast %slice3A_477 : vector<1x256xf32> -> vector<1x256xi32>
    %add3A_479 = arith.constant 32767 : i32
    %add3A_480 = vector.broadcast %add3A_479 : i32 to vector<1x256xi32>
    %add3A_481 = arith.addi %bitcast_convert_type3A_478, %add3A_480 : vector<1x256xi32>
    %shift_right_logical3A_482 = arith.constant 16 : i32
    %shift_right_logical3A_483 = vector.broadcast %shift_right_logical3A_482 : i32 to vector<1x256xi32>
    %shift_right_logical3A_484 = arith.shrui %bitcast_convert_type3A_478, %shift_right_logical3A_483 : vector<1x256xi32>
    %and3A_485 = arith.constant 1 : i32
    %and3A_486 = vector.broadcast %and3A_485 : i32 to vector<1x256xi32>
    %and3A_487 = arith.andi %shift_right_logical3A_484, %and3A_486 : vector<1x256xi32>
    %add3A_488 = arith.addi %add3A_481, %and3A_487 : vector<1x256xi32>
    %shift_right_logical3A_489 = arith.constant 16 : i32
    %shift_right_logical3A_490 = vector.broadcast %shift_right_logical3A_489 : i32 to vector<1x256xi32>
    %shift_right_logical3A_491 = arith.shrui %add3A_488, %shift_right_logical3A_490 : vector<1x256xi32>
    %slice3A_492 = vector.extract_strided_slice %add3A_345 {offsets = [0, 2304], sizes = [1, 256], strides = [1, 1]} : vector<1x20480xf32> to vector<1x256xf32>
    %bitcast_convert_type3A_493 = tpu.bitcast %slice3A_492 : vector<1x256xf32> -> vector<1x256xi32>
    %add3A_494 = arith.constant 32767 : i32
    %add3A_495 = vector.broadcast %add3A_494 : i32 to vector<1x256xi32>
    %add3A_496 = arith.addi %bitcast_convert_type3A_493, %add3A_495 : vector<1x256xi32>
    %shift_right_logical3A_497 = arith.constant 16 : i32
    %shift_right_logical3A_498 = vector.broadcast %shift_right_logical3A_497 : i32 to vector<1x256xi32>
    %shift_right_logical3A_499 = arith.shrui %bitcast_convert_type3A_493, %shift_right_logical3A_498 : vector<1x256xi32>
    %and3A_500 = arith.constant 1 : i32
    %and3A_501 = vector.broadcast %and3A_500 : i32 to vector<1x256xi32>
    %and3A_502 = arith.andi %shift_right_logical3A_499, %and3A_501 : vector<1x256xi32>
    %add3A_503 = arith.addi %add3A_496, %and3A_502 : vector<1x256xi32>
    %shift_right_logical3A_504 = arith.constant 16 : i32
    %shift_right_logical3A_505 = vector.broadcast %shift_right_logical3A_504 : i32 to vector<1x256xi32>
    %shift_right_logical3A_506 = arith.shrui %add3A_503, %shift_right_logical3A_505 : vector<1x256xi32>
    %shift_left3A_507 = arith.constant 16 : i32
    %shift_left3A_508 = vector.broadcast %shift_left3A_507 : i32 to vector<1x256xi32>
    %shift_left3A_509 = arith.shli %shift_right_logical3A_506, %shift_left3A_508 : vector<1x256xi32>
    %or3A_510 = arith.ori %shift_right_logical3A_491, %shift_left3A_509 : vector<1x256xi32>
    %slice3A_511 = vector.extract_strided_slice %add3A_345 {offsets = [0, 2560], sizes = [1, 256], strides = [1, 1]} : vector<1x20480xf32> to vector<1x256xf32>
    %bitcast_convert_type3A_512 = tpu.bitcast %slice3A_511 : vector<1x256xf32> -> vector<1x256xi32>
    %add3A_513 = arith.constant 32767 : i32
    %add3A_514 = vector.broadcast %add3A_513 : i32 to vector<1x256xi32>
    %add3A_515 = arith.addi %bitcast_convert_type3A_512, %add3A_514 : vector<1x256xi32>
    %shift_right_logical3A_516 = arith.constant 16 : i32
    %shift_right_logical3A_517 = vector.broadcast %shift_right_logical3A_516 : i32 to vector<1x256xi32>
    %shift_right_logical3A_518 = arith.shrui %bitcast_convert_type3A_512, %shift_right_logical3A_517 : vector<1x256xi32>
    %and3A_519 = arith.constant 1 : i32
    %and3A_520 = vector.broadcast %and3A_519 : i32 to vector<1x256xi32>
    %and3A_521 = arith.andi %shift_right_logical3A_518, %and3A_520 : vector<1x256xi32>
    %add3A_522 = arith.addi %add3A_515, %and3A_521 : vector<1x256xi32>
    %shift_right_logical3A_523 = arith.constant 16 : i32
    %shift_right_logical3A_524 = vector.broadcast %shift_right_logical3A_523 : i32 to vector<1x256xi32>
    %shift_right_logical3A_525 = arith.shrui %add3A_522, %shift_right_logical3A_524 : vector<1x256xi32>
    %slice3A_526 = vector.extract_strided_slice %add3A_345 {offsets = [0, 2816], sizes = [1, 256], strides = [1, 1]} : vector<1x20480xf32> to vector<1x256xf32>
    %bitcast_convert_type3A_527 = tpu.bitcast %slice3A_526 : vector<1x256xf32> -> vector<1x256xi32>
    %add3A_528 = arith.constant 32767 : i32
    %add3A_529 = vector.broadcast %add3A_528 : i32 to vector<1x256xi32>
    %add3A_530 = arith.addi %bitcast_convert_type3A_527, %add3A_529 : vector<1x256xi32>
    %shift_right_logical3A_531 = arith.constant 16 : i32
    %shift_right_logical3A_532 = vector.broadcast %shift_right_logical3A_531 : i32 to vector<1x256xi32>
    %shift_right_logical3A_533 = arith.shrui %bitcast_convert_type3A_527, %shift_right_logical3A_532 : vector<1x256xi32>
    %and3A_534 = arith.constant 1 : i32
    %and3A_535 = vector.broadcast %and3A_534 : i32 to vector<1x256xi32>
    %and3A_536 = arith.andi %shift_right_logical3A_533, %and3A_535 : vector<1x256xi32>
    %add3A_537 = arith.addi %add3A_530, %and3A_536 : vector<1x256xi32>
    %shift_right_logical3A_538 = arith.constant 16 : i32
    %shift_right_logical3A_539 = vector.broadcast %shift_right_logical3A_538 : i32 to vector<1x256xi32>
    %shift_right_logical3A_540 = arith.shrui %add3A_537, %shift_right_logical3A_539 : vector<1x256xi32>
    %shift_left3A_541 = arith.constant 16 : i32
    %shift_left3A_542 = vector.broadcast %shift_left3A_541 : i32 to vector<1x256xi32>
    %shift_left3A_543 = arith.shli %shift_right_logical3A_540, %shift_left3A_542 : vector<1x256xi32>
    %or3A_544 = arith.ori %shift_right_logical3A_525, %shift_left3A_543 : vector<1x256xi32>
    %slice3A_545 = vector.extract_strided_slice %add3A_345 {offsets = [0, 3072], sizes = [1, 256], strides = [1, 1]} : vector<1x20480xf32> to vector<1x256xf32>
    %bitcast_convert_type3A_546 = tpu.bitcast %slice3A_545 : vector<1x256xf32> -> vector<1x256xi32>
    %add3A_547 = arith.constant 32767 : i32
    %add3A_548 = vector.broadcast %add3A_547 : i32 to vector<1x256xi32>
    %add3A_549 = arith.addi %bitcast_convert_type3A_546, %add3A_548 : vector<1x256xi32>
    %shift_right_logical3A_550 = arith.constant 16 : i32
    %shift_right_logical3A_551 = vector.broadcast %shift_right_logical3A_550 : i32 to vector<1x256xi32>
    %shift_right_logical3A_552 = arith.shrui %bitcast_convert_type3A_546, %shift_right_logical3A_551 : vector<1x256xi32>
    %and3A_553 = arith.constant 1 : i32
    %and3A_554 = vector.broadcast %and3A_553 : i32 to vector<1x256xi32>
    %and3A_555 = arith.andi %shift_right_logical3A_552, %and3A_554 : vector<1x256xi32>
    %add3A_556 = arith.addi %add3A_549, %and3A_555 : vector<1x256xi32>
    %shift_right_logical3A_557 = arith.constant 16 : i32
    %shift_right_logical3A_558 = vector.broadcast %shift_right_logical3A_557 : i32 to vector<1x256xi32>
    %shift_right_logical3A_559 = arith.shrui %add3A_556, %shift_right_logical3A_558 : vector<1x256xi32>
    %slice3A_560 = vector.extract_strided_slice %add3A_345 {offsets = [0, 3328], sizes = [1, 256], strides = [1, 1]} : vector<1x20480xf32> to vector<1x256xf32>
    %bitcast_convert_type3A_561 = tpu.bitcast %slice3A_560 : vector<1x256xf32> -> vector<1x256xi32>
    %add3A_562 = arith.constant 32767 : i32
    %add3A_563 = vector.broadcast %add3A_562 : i32 to vector<1x256xi32>
    %add3A_564 = arith.addi %bitcast_convert_type3A_561, %add3A_563 : vector<1x256xi32>
    %shift_right_logical3A_565 = arith.constant 16 : i32
    %shift_right_logical3A_566 = vector.broadcast %shift_right_logical3A_565 : i32 to vector<1x256xi32>
    %shift_right_logical3A_567 = arith.shrui %bitcast_convert_type3A_561, %shift_right_logical3A_566 : vector<1x256xi32>
    %and3A_568 = arith.constant 1 : i32
    %and3A_569 = vector.broadcast %and3A_568 : i32 to vector<1x256xi32>
    %and3A_570 = arith.andi %shift_right_logical3A_567, %and3A_569 : vector<1x256xi32>
    %add3A_571 = arith.addi %add3A_564, %and3A_570 : vector<1x256xi32>
    %shift_right_logical3A_572 = arith.constant 16 : i32
    %shift_right_logical3A_573 = vector.broadcast %shift_right_logical3A_572 : i32 to vector<1x256xi32>
    %shift_right_logical3A_574 = arith.shrui %add3A_571, %shift_right_logical3A_573 : vector<1x256xi32>
    %shift_left3A_575 = arith.constant 16 : i32
    %shift_left3A_576 = vector.broadcast %shift_left3A_575 : i32 to vector<1x256xi32>
    %shift_left3A_577 = arith.shli %shift_right_logical3A_574, %shift_left3A_576 : vector<1x256xi32>
    %or3A_578 = arith.ori %shift_right_logical3A_559, %shift_left3A_577 : vector<1x256xi32>
    %slice3A_579 = vector.extract_strided_slice %add3A_345 {offsets = [0, 3584], sizes = [1, 256], strides = [1, 1]} : vector<1x20480xf32> to vector<1x256xf32>
    %bitcast_convert_type3A_580 = tpu.bitcast %slice3A_579 : vector<1x256xf32> -> vector<1x256xi32>
    %add3A_581 = arith.constant 32767 : i32
    %add3A_582 = vector.broadcast %add3A_581 : i32 to vector<1x256xi32>
    %add3A_583 = arith.addi %bitcast_convert_type3A_580, %add3A_582 : vector<1x256xi32>
    %shift_right_logical3A_584 = arith.constant 16 : i32
    %shift_right_logical3A_585 = vector.broadcast %shift_right_logical3A_584 : i32 to vector<1x256xi32>
    %shift_right_logical3A_586 = arith.shrui %bitcast_convert_type3A_580, %shift_right_logical3A_585 : vector<1x256xi32>
    %and3A_587 = arith.constant 1 : i32
    %and3A_588 = vector.broadcast %and3A_587 : i32 to vector<1x256xi32>
    %and3A_589 = arith.andi %shift_right_logical3A_586, %and3A_588 : vector<1x256xi32>
    %add3A_590 = arith.addi %add3A_583, %and3A_589 : vector<1x256xi32>
    %shift_right_logical3A_591 = arith.constant 16 : i32
    %shift_right_logical3A_592 = vector.broadcast %shift_right_logical3A_591 : i32 to vector<1x256xi32>
    %shift_right_logical3A_593 = arith.shrui %add3A_590, %shift_right_logical3A_592 : vector<1x256xi32>
    %slice3A_594 = vector.extract_strided_slice %add3A_345 {offsets = [0, 3840], sizes = [1, 256], strides = [1, 1]} : vector<1x20480xf32> to vector<1x256xf32>
    %bitcast_convert_type3A_595 = tpu.bitcast %slice3A_594 : vector<1x256xf32> -> vector<1x256xi32>
    %add3A_596 = arith.constant 32767 : i32
    %add3A_597 = vector.broadcast %add3A_596 : i32 to vector<1x256xi32>
    %add3A_598 = arith.addi %bitcast_convert_type3A_595, %add3A_597 : vector<1x256xi32>
    %shift_right_logical3A_599 = arith.constant 16 : i32
    %shift_right_logical3A_600 = vector.broadcast %shift_right_logical3A_599 : i32 to vector<1x256xi32>
    %shift_right_logical3A_601 = arith.shrui %bitcast_convert_type3A_595, %shift_right_logical3A_600 : vector<1x256xi32>
    %and3A_602 = arith.constant 1 : i32
    %and3A_603 = vector.broadcast %and3A_602 : i32 to vector<1x256xi32>
    %and3A_604 = arith.andi %shift_right_logical3A_601, %and3A_603 : vector<1x256xi32>
    %add3A_605 = arith.addi %add3A_598, %and3A_604 : vector<1x256xi32>
    %shift_right_logical3A_606 = arith.constant 16 : i32
    %shift_right_logical3A_607 = vector.broadcast %shift_right_logical3A_606 : i32 to vector<1x256xi32>
    %shift_right_logical3A_608 = arith.shrui %add3A_605, %shift_right_logical3A_607 : vector<1x256xi32>
    %shift_left3A_609 = arith.constant 16 : i32
    %shift_left3A_610 = vector.broadcast %shift_left3A_609 : i32 to vector<1x256xi32>
    %shift_left3A_611 = arith.shli %shift_right_logical3A_608, %shift_left3A_610 : vector<1x256xi32>
    %or3A_612 = arith.ori %shift_right_logical3A_593, %shift_left3A_611 : vector<1x256xi32>
    %slice3A_613 = vector.extract_strided_slice %add3A_345 {offsets = [0, 4096], sizes = [1, 256], strides = [1, 1]} : vector<1x20480xf32> to vector<1x256xf32>
    %bitcast_convert_type3A_614 = tpu.bitcast %slice3A_613 : vector<1x256xf32> -> vector<1x256xi32>
    %add3A_615 = arith.constant 32767 : i32
    %add3A_616 = vector.broadcast %add3A_615 : i32 to vector<1x256xi32>
    %add3A_617 = arith.addi %bitcast_convert_type3A_614, %add3A_616 : vector<1x256xi32>
    %shift_right_logical3A_618 = arith.constant 16 : i32
    %shift_right_logical3A_619 = vector.broadcast %shift_right_logical3A_618 : i32 to vector<1x256xi32>
    %shift_right_logical3A_620 = arith.shrui %bitcast_convert_type3A_614, %shift_right_logical3A_619 : vector<1x256xi32>
    %and3A_621 = arith.constant 1 : i32
    %and3A_622 = vector.broadcast %and3A_621 : i32 to vector<1x256xi32>
    %and3A_623 = arith.andi %shift_right_logical3A_620, %and3A_622 : vector<1x256xi32>
    %add3A_624 = arith.addi %add3A_617, %and3A_623 : vector<1x256xi32>
    %shift_right_logical3A_625 = arith.constant 16 : i32
    %shift_right_logical3A_626 = vector.broadcast %shift_right_logical3A_625 : i32 to vector<1x256xi32>
    %shift_right_logical3A_627 = arith.shrui %add3A_624, %shift_right_logical3A_626 : vector<1x256xi32>
    %slice3A_628 = vector.extract_strided_slice %add3A_345 {offsets = [0, 4352], sizes = [1, 256], strides = [1, 1]} : vector<1x20480xf32> to vector<1x256xf32>
    %bitcast_convert_type3A_629 = tpu.bitcast %slice3A_628 : vector<1x256xf32> -> vector<1x256xi32>
    %add3A_630 = arith.constant 32767 : i32
    %add3A_631 = vector.broadcast %add3A_630 : i32 to vector<1x256xi32>
    %add3A_632 = arith.addi %bitcast_convert_type3A_629, %add3A_631 : vector<1x256xi32>
    %shift_right_logical3A_633 = arith.constant 16 : i32
    %shift_right_logical3A_634 = vector.broadcast %shift_right_logical3A_633 : i32 to vector<1x256xi32>
    %shift_right_logical3A_635 = arith.shrui %bitcast_convert_type3A_629, %shift_right_logical3A_634 : vector<1x256xi32>
    %and3A_636 = arith.constant 1 : i32
    %and3A_637 = vector.broadcast %and3A_636 : i32 to vector<1x256xi32>
    %and3A_638 = arith.andi %shift_right_logical3A_635, %and3A_637 : vector<1x256xi32>
    %add3A_639 = arith.addi %add3A_632, %and3A_638 : vector<1x256xi32>
    %shift_right_logical3A_640 = arith.constant 16 : i32
    %shift_right_logical3A_641 = vector.broadcast %shift_right_logical3A_640 : i32 to vector<1x256xi32>
    %shift_right_logical3A_642 = arith.shrui %add3A_639, %shift_right_logical3A_641 : vector<1x256xi32>
    %shift_left3A_643 = arith.constant 16 : i32
    %shift_left3A_644 = vector.broadcast %shift_left3A_643 : i32 to vector<1x256xi32>
    %shift_left3A_645 = arith.shli %shift_right_logical3A_642, %shift_left3A_644 : vector<1x256xi32>
    %or3A_646 = arith.ori %shift_right_logical3A_627, %shift_left3A_645 : vector<1x256xi32>
    %slice3A_647 = vector.extract_strided_slice %add3A_345 {offsets = [0, 4608], sizes = [1, 256], strides = [1, 1]} : vector<1x20480xf32> to vector<1x256xf32>
    %bitcast_convert_type3A_648 = tpu.bitcast %slice3A_647 : vector<1x256xf32> -> vector<1x256xi32>
    %add3A_649 = arith.constant 32767 : i32
    %add3A_650 = vector.broadcast %add3A_649 : i32 to vector<1x256xi32>
    %add3A_651 = arith.addi %bitcast_convert_type3A_648, %add3A_650 : vector<1x256xi32>
    %shift_right_logical3A_652 = arith.constant 16 : i32
    %shift_right_logical3A_653 = vector.broadcast %shift_right_logical3A_652 : i32 to vector<1x256xi32>
    %shift_right_logical3A_654 = arith.shrui %bitcast_convert_type3A_648, %shift_right_logical3A_653 : vector<1x256xi32>
    %and3A_655 = arith.constant 1 : i32
    %and3A_656 = vector.broadcast %and3A_655 : i32 to vector<1x256xi32>
    %and3A_657 = arith.andi %shift_right_logical3A_654, %and3A_656 : vector<1x256xi32>
    %add3A_658 = arith.addi %add3A_651, %and3A_657 : vector<1x256xi32>
    %shift_right_logical3A_659 = arith.constant 16 : i32
    %shift_right_logical3A_660 = vector.broadcast %shift_right_logical3A_659 : i32 to vector<1x256xi32>
    %shift_right_logical3A_661 = arith.shrui %add3A_658, %shift_right_logical3A_660 : vector<1x256xi32>
    %slice3A_662 = vector.extract_strided_slice %add3A_345 {offsets = [0, 4864], sizes = [1, 256], strides = [1, 1]} : vector<1x20480xf32> to vector<1x256xf32>
    %bitcast_convert_type3A_663 = tpu.bitcast %slice3A_662 : vector<1x256xf32> -> vector<1x256xi32>
    %add3A_664 = arith.constant 32767 : i32
    %add3A_665 = vector.broadcast %add3A_664 : i32 to vector<1x256xi32>
    %add3A_666 = arith.addi %bitcast_convert_type3A_663, %add3A_665 : vector<1x256xi32>
    %shift_right_logical3A_667 = arith.constant 16 : i32
    %shift_right_logical3A_668 = vector.broadcast %shift_right_logical3A_667 : i32 to vector<1x256xi32>
    %shift_right_logical3A_669 = arith.shrui %bitcast_convert_type3A_663, %shift_right_logical3A_668 : vector<1x256xi32>
    %and3A_670 = arith.constant 1 : i32
    %and3A_671 = vector.broadcast %and3A_670 : i32 to vector<1x256xi32>
    %and3A_672 = arith.andi %shift_right_logical3A_669, %and3A_671 : vector<1x256xi32>
    %add3A_673 = arith.addi %add3A_666, %and3A_672 : vector<1x256xi32>
    %shift_right_logical3A_674 = arith.constant 16 : i32
    %shift_right_logical3A_675 = vector.broadcast %shift_right_logical3A_674 : i32 to vector<1x256xi32>
    %shift_right_logical3A_676 = arith.shrui %add3A_673, %shift_right_logical3A_675 : vector<1x256xi32>
    %shift_left3A_677 = arith.constant 16 : i32
    %shift_left3A_678 = vector.broadcast %shift_left3A_677 : i32 to vector<1x256xi32>
    %shift_left3A_679 = arith.shli %shift_right_logical3A_676, %shift_left3A_678 : vector<1x256xi32>
    %or3A_680 = arith.ori %shift_right_logical3A_661, %shift_left3A_679 : vector<1x256xi32>
    %slice3A_681 = vector.extract_strided_slice %add3A_345 {offsets = [0, 5120], sizes = [1, 256], strides = [1, 1]} : vector<1x20480xf32> to vector<1x256xf32>
    %bitcast_convert_type3A_682 = tpu.bitcast %slice3A_681 : vector<1x256xf32> -> vector<1x256xi32>
    %add3A_683 = arith.constant 32767 : i32
    %add3A_684 = vector.broadcast %add3A_683 : i32 to vector<1x256xi32>
    %add3A_685 = arith.addi %bitcast_convert_type3A_682, %add3A_684 : vector<1x256xi32>
    %shift_right_logical3A_686 = arith.constant 16 : i32
    %shift_right_logical3A_687 = vector.broadcast %shift_right_logical3A_686 : i32 to vector<1x256xi32>
    %shift_right_logical3A_688 = arith.shrui %bitcast_convert_type3A_682, %shift_right_logical3A_687 : vector<1x256xi32>
    %and3A_689 = arith.constant 1 : i32
    %and3A_690 = vector.broadcast %and3A_689 : i32 to vector<1x256xi32>
    %and3A_691 = arith.andi %shift_right_logical3A_688, %and3A_690 : vector<1x256xi32>
    %add3A_692 = arith.addi %add3A_685, %and3A_691 : vector<1x256xi32>
    %shift_right_logical3A_693 = arith.constant 16 : i32
    %shift_right_logical3A_694 = vector.broadcast %shift_right_logical3A_693 : i32 to vector<1x256xi32>
    %shift_right_logical3A_695 = arith.shrui %add3A_692, %shift_right_logical3A_694 : vector<1x256xi32>
    %slice3A_696 = vector.extract_strided_slice %add3A_345 {offsets = [0, 5376], sizes = [1, 256], strides = [1, 1]} : vector<1x20480xf32> to vector<1x256xf32>
    %bitcast_convert_type3A_697 = tpu.bitcast %slice3A_696 : vector<1x256xf32> -> vector<1x256xi32>
    %add3A_698 = arith.constant 32767 : i32
    %add3A_699 = vector.broadcast %add3A_698 : i32 to vector<1x256xi32>
    %add3A_700 = arith.addi %bitcast_convert_type3A_697, %add3A_699 : vector<1x256xi32>
    %shift_right_logical3A_701 = arith.constant 16 : i32
    %shift_right_logical3A_702 = vector.broadcast %shift_right_logical3A_701 : i32 to vector<1x256xi32>
    %shift_right_logical3A_703 = arith.shrui %bitcast_convert_type3A_697, %shift_right_logical3A_702 : vector<1x256xi32>
    %and3A_704 = arith.constant 1 : i32
    %and3A_705 = vector.broadcast %and3A_704 : i32 to vector<1x256xi32>
    %and3A_706 = arith.andi %shift_right_logical3A_703, %and3A_705 : vector<1x256xi32>
    %add3A_707 = arith.addi %add3A_700, %and3A_706 : vector<1x256xi32>
    %shift_right_logical3A_708 = arith.constant 16 : i32
    %shift_right_logical3A_709 = vector.broadcast %shift_right_logical3A_708 : i32 to vector<1x256xi32>
    %shift_right_logical3A_710 = arith.shrui %add3A_707, %shift_right_logical3A_709 : vector<1x256xi32>
    %shift_left3A_711 = arith.constant 16 : i32
    %shift_left3A_712 = vector.broadcast %shift_left3A_711 : i32 to vector<1x256xi32>
    %shift_left3A_713 = arith.shli %shift_right_logical3A_710, %shift_left3A_712 : vector<1x256xi32>
    %or3A_714 = arith.ori %shift_right_logical3A_695, %shift_left3A_713 : vector<1x256xi32>
    %slice3A_715 = vector.extract_strided_slice %add3A_345 {offsets = [0, 5632], sizes = [1, 256], strides = [1, 1]} : vector<1x20480xf32> to vector<1x256xf32>
    %bitcast_convert_type3A_716 = tpu.bitcast %slice3A_715 : vector<1x256xf32> -> vector<1x256xi32>
    %add3A_717 = arith.constant 32767 : i32
    %add3A_718 = vector.broadcast %add3A_717 : i32 to vector<1x256xi32>
    %add3A_719 = arith.addi %bitcast_convert_type3A_716, %add3A_718 : vector<1x256xi32>
    %shift_right_logical3A_720 = arith.constant 16 : i32
    %shift_right_logical3A_721 = vector.broadcast %shift_right_logical3A_720 : i32 to vector<1x256xi32>
    %shift_right_logical3A_722 = arith.shrui %bitcast_convert_type3A_716, %shift_right_logical3A_721 : vector<1x256xi32>
    %and3A_723 = arith.constant 1 : i32
    %and3A_724 = vector.broadcast %and3A_723 : i32 to vector<1x256xi32>
    %and3A_725 = arith.andi %shift_right_logical3A_722, %and3A_724 : vector<1x256xi32>
    %add3A_726 = arith.addi %add3A_719, %and3A_725 : vector<1x256xi32>
    %shift_right_logical3A_727 = arith.constant 16 : i32
    %shift_right_logical3A_728 = vector.broadcast %shift_right_logical3A_727 : i32 to vector<1x256xi32>
    %shift_right_logical3A_729 = arith.shrui %add3A_726, %shift_right_logical3A_728 : vector<1x256xi32>
    %slice3A_730 = vector.extract_strided_slice %add3A_345 {offsets = [0, 5888], sizes = [1, 256], strides = [1, 1]} : vector<1x20480xf32> to vector<1x256xf32>
    %bitcast_convert_type3A_731 = tpu.bitcast %slice3A_730 : vector<1x256xf32> -> vector<1x256xi32>
    %add3A_732 = arith.constant 32767 : i32
    %add3A_733 = vector.broadcast %add3A_732 : i32 to vector<1x256xi32>
    %add3A_734 = arith.addi %bitcast_convert_type3A_731, %add3A_733 : vector<1x256xi32>
    %shift_right_logical3A_735 = arith.constant 16 : i32
    %shift_right_logical3A_736 = vector.broadcast %shift_right_logical3A_735 : i32 to vector<1x256xi32>
    %shift_right_logical3A_737 = arith.shrui %bitcast_convert_type3A_731, %shift_right_logical3A_736 : vector<1x256xi32>
    %and3A_738 = arith.constant 1 : i32
    %and3A_739 = vector.broadcast %and3A_738 : i32 to vector<1x256xi32>
    %and3A_740 = arith.andi %shift_right_logical3A_737, %and3A_739 : vector<1x256xi32>
    %add3A_741 = arith.addi %add3A_734, %and3A_740 : vector<1x256xi32>
    %shift_right_logical3A_742 = arith.constant 16 : i32
    %shift_right_logical3A_743 = vector.broadcast %shift_right_logical3A_742 : i32 to vector<1x256xi32>
    %shift_right_logical3A_744 = arith.shrui %add3A_741, %shift_right_logical3A_743 : vector<1x256xi32>
    %shift_left3A_745 = arith.constant 16 : i32
    %shift_left3A_746 = vector.broadcast %shift_left3A_745 : i32 to vector<1x256xi32>
    %shift_left3A_747 = arith.shli %shift_right_logical3A_744, %shift_left3A_746 : vector<1x256xi32>
    %or3A_748 = arith.ori %shift_right_logical3A_729, %shift_left3A_747 : vector<1x256xi32>
    %slice3A_749 = vector.extract_strided_slice %add3A_345 {offsets = [0, 6144], sizes = [1, 256], strides = [1, 1]} : vector<1x20480xf32> to vector<1x256xf32>
    %bitcast_convert_type3A_750 = tpu.bitcast %slice3A_749 : vector<1x256xf32> -> vector<1x256xi32>
    %add3A_751 = arith.constant 32767 : i32
    %add3A_752 = vector.broadcast %add3A_751 : i32 to vector<1x256xi32>
    %add3A_753 = arith.addi %bitcast_convert_type3A_750, %add3A_752 : vector<1x256xi32>
    %shift_right_logical3A_754 = arith.constant 16 : i32
    %shift_right_logical3A_755 = vector.broadcast %shift_right_logical3A_754 : i32 to vector<1x256xi32>
    %shift_right_logical3A_756 = arith.shrui %bitcast_convert_type3A_750, %shift_right_logical3A_755 : vector<1x256xi32>
    %and3A_757 = arith.constant 1 : i32
    %and3A_758 = vector.broadcast %and3A_757 : i32 to vector<1x256xi32>
    %and3A_759 = arith.andi %shift_right_logical3A_756, %and3A_758 : vector<1x256xi32>
    %add3A_760 = arith.addi %add3A_753, %and3A_759 : vector<1x256xi32>
    %shift_right_logical3A_761 = arith.constant 16 : i32
    %shift_right_logical3A_762 = vector.broadcast %shift_right_logical3A_761 : i32 to vector<1x256xi32>
    %shift_right_logical3A_763 = arith.shrui %add3A_760, %shift_right_logical3A_762 : vector<1x256xi32>
    %slice3A_764 = vector.extract_strided_slice %add3A_345 {offsets = [0, 6400], sizes = [1, 256], strides = [1, 1]} : vector<1x20480xf32> to vector<1x256xf32>
    %bitcast_convert_type3A_765 = tpu.bitcast %slice3A_764 : vector<1x256xf32> -> vector<1x256xi32>
    %add3A_766 = arith.constant 32767 : i32
    %add3A_767 = vector.broadcast %add3A_766 : i32 to vector<1x256xi32>
    %add3A_768 = arith.addi %bitcast_convert_type3A_765, %add3A_767 : vector<1x256xi32>
    %shift_right_logical3A_769 = arith.constant 16 : i32
    %shift_right_logical3A_770 = vector.broadcast %shift_right_logical3A_769 : i32 to vector<1x256xi32>
    %shift_right_logical3A_771 = arith.shrui %bitcast_convert_type3A_765, %shift_right_logical3A_770 : vector<1x256xi32>
    %and3A_772 = arith.constant 1 : i32
    %and3A_773 = vector.broadcast %and3A_772 : i32 to vector<1x256xi32>
    %and3A_774 = arith.andi %shift_right_logical3A_771, %and3A_773 : vector<1x256xi32>
    %add3A_775 = arith.addi %add3A_768, %and3A_774 : vector<1x256xi32>
    %shift_right_logical3A_776 = arith.constant 16 : i32
    %shift_right_logical3A_777 = vector.broadcast %shift_right_logical3A_776 : i32 to vector<1x256xi32>
    %shift_right_logical3A_778 = arith.shrui %add3A_775, %shift_right_logical3A_777 : vector<1x256xi32>
    %shift_left3A_779 = arith.constant 16 : i32
    %shift_left3A_780 = vector.broadcast %shift_left3A_779 : i32 to vector<1x256xi32>
    %shift_left3A_781 = arith.shli %shift_right_logical3A_778, %shift_left3A_780 : vector<1x256xi32>
    %or3A_782 = arith.ori %shift_right_logical3A_763, %shift_left3A_781 : vector<1x256xi32>
    %slice3A_783 = vector.extract_strided_slice %add3A_345 {offsets = [0, 6656], sizes = [1, 256], strides = [1, 1]} : vector<1x20480xf32> to vector<1x256xf32>
    %bitcast_convert_type3A_784 = tpu.bitcast %slice3A_783 : vector<1x256xf32> -> vector<1x256xi32>
    %add3A_785 = arith.constant 32767 : i32
    %add3A_786 = vector.broadcast %add3A_785 : i32 to vector<1x256xi32>
    %add3A_787 = arith.addi %bitcast_convert_type3A_784, %add3A_786 : vector<1x256xi32>
    %shift_right_logical3A_788 = arith.constant 16 : i32
    %shift_right_logical3A_789 = vector.broadcast %shift_right_logical3A_788 : i32 to vector<1x256xi32>
    %shift_right_logical3A_790 = arith.shrui %bitcast_convert_type3A_784, %shift_right_logical3A_789 : vector<1x256xi32>
    %and3A_791 = arith.constant 1 : i32
    %and3A_792 = vector.broadcast %and3A_791 : i32 to vector<1x256xi32>
    %and3A_793 = arith.andi %shift_right_logical3A_790, %and3A_792 : vector<1x256xi32>
    %add3A_794 = arith.addi %add3A_787, %and3A_793 : vector<1x256xi32>
    %shift_right_logical3A_795 = arith.constant 16 : i32
    %shift_right_logical3A_796 = vector.broadcast %shift_right_logical3A_795 : i32 to vector<1x256xi32>
    %shift_right_logical3A_797 = arith.shrui %add3A_794, %shift_right_logical3A_796 : vector<1x256xi32>
    %slice3A_798 = vector.extract_strided_slice %add3A_345 {offsets = [0, 6912], sizes = [1, 256], strides = [1, 1]} : vector<1x20480xf32> to vector<1x256xf32>
    %bitcast_convert_type3A_799 = tpu.bitcast %slice3A_798 : vector<1x256xf32> -> vector<1x256xi32>
    %add3A_800 = arith.constant 32767 : i32
    %add3A_801 = vector.broadcast %add3A_800 : i32 to vector<1x256xi32>
    %add3A_802 = arith.addi %bitcast_convert_type3A_799, %add3A_801 : vector<1x256xi32>
    %shift_right_logical3A_803 = arith.constant 16 : i32
    %shift_right_logical3A_804 = vector.broadcast %shift_right_logical3A_803 : i32 to vector<1x256xi32>
    %shift_right_logical3A_805 = arith.shrui %bitcast_convert_type3A_799, %shift_right_logical3A_804 : vector<1x256xi32>
    %and3A_806 = arith.constant 1 : i32
    %and3A_807 = vector.broadcast %and3A_806 : i32 to vector<1x256xi32>
    %and3A_808 = arith.andi %shift_right_logical3A_805, %and3A_807 : vector<1x256xi32>
    %add3A_809 = arith.addi %add3A_802, %and3A_808 : vector<1x256xi32>
    %shift_right_logical3A_810 = arith.constant 16 : i32
    %shift_right_logical3A_811 = vector.broadcast %shift_right_logical3A_810 : i32 to vector<1x256xi32>
    %shift_right_logical3A_812 = arith.shrui %add3A_809, %shift_right_logical3A_811 : vector<1x256xi32>
    %shift_left3A_813 = arith.constant 16 : i32
    %shift_left3A_814 = vector.broadcast %shift_left3A_813 : i32 to vector<1x256xi32>
    %shift_left3A_815 = arith.shli %shift_right_logical3A_812, %shift_left3A_814 : vector<1x256xi32>
    %or3A_816 = arith.ori %shift_right_logical3A_797, %shift_left3A_815 : vector<1x256xi32>
    %slice3A_817 = vector.extract_strided_slice %add3A_345 {offsets = [0, 7168], sizes = [1, 256], strides = [1, 1]} : vector<1x20480xf32> to vector<1x256xf32>
    %bitcast_convert_type3A_818 = tpu.bitcast %slice3A_817 : vector<1x256xf32> -> vector<1x256xi32>
    %add3A_819 = arith.constant 32767 : i32
    %add3A_820 = vector.broadcast %add3A_819 : i32 to vector<1x256xi32>
    %add3A_821 = arith.addi %bitcast_convert_type3A_818, %add3A_820 : vector<1x256xi32>
    %shift_right_logical3A_822 = arith.constant 16 : i32
    %shift_right_logical3A_823 = vector.broadcast %shift_right_logical3A_822 : i32 to vector<1x256xi32>
    %shift_right_logical3A_824 = arith.shrui %bitcast_convert_type3A_818, %shift_right_logical3A_823 : vector<1x256xi32>
    %and3A_825 = arith.constant 1 : i32
    %and3A_826 = vector.broadcast %and3A_825 : i32 to vector<1x256xi32>
    %and3A_827 = arith.andi %shift_right_logical3A_824, %and3A_826 : vector<1x256xi32>
    %add3A_828 = arith.addi %add3A_821, %and3A_827 : vector<1x256xi32>
    %shift_right_logical3A_829 = arith.constant 16 : i32
    %shift_right_logical3A_830 = vector.broadcast %shift_right_logical3A_829 : i32 to vector<1x256xi32>
    %shift_right_logical3A_831 = arith.shrui %add3A_828, %shift_right_logical3A_830 : vector<1x256xi32>
    %slice3A_832 = vector.extract_strided_slice %add3A_345 {offsets = [0, 7424], sizes = [1, 256], strides = [1, 1]} : vector<1x20480xf32> to vector<1x256xf32>
    %bitcast_convert_type3A_833 = tpu.bitcast %slice3A_832 : vector<1x256xf32> -> vector<1x256xi32>
    %add3A_834 = arith.constant 32767 : i32
    %add3A_835 = vector.broadcast %add3A_834 : i32 to vector<1x256xi32>
    %add3A_836 = arith.addi %bitcast_convert_type3A_833, %add3A_835 : vector<1x256xi32>
    %shift_right_logical3A_837 = arith.constant 16 : i32
    %shift_right_logical3A_838 = vector.broadcast %shift_right_logical3A_837 : i32 to vector<1x256xi32>
    %shift_right_logical3A_839 = arith.shrui %bitcast_convert_type3A_833, %shift_right_logical3A_838 : vector<1x256xi32>
    %and3A_840 = arith.constant 1 : i32
    %and3A_841 = vector.broadcast %and3A_840 : i32 to vector<1x256xi32>
    %and3A_842 = arith.andi %shift_right_logical3A_839, %and3A_841 : vector<1x256xi32>
    %add3A_843 = arith.addi %add3A_836, %and3A_842 : vector<1x256xi32>
    %shift_right_logical3A_844 = arith.constant 16 : i32
    %shift_right_logical3A_845 = vector.broadcast %shift_right_logical3A_844 : i32 to vector<1x256xi32>
    %shift_right_logical3A_846 = arith.shrui %add3A_843, %shift_right_logical3A_845 : vector<1x256xi32>
    %shift_left3A_847 = arith.constant 16 : i32
    %shift_left3A_848 = vector.broadcast %shift_left3A_847 : i32 to vector<1x256xi32>
    %shift_left3A_849 = arith.shli %shift_right_logical3A_846, %shift_left3A_848 : vector<1x256xi32>
    %or3A_850 = arith.ori %shift_right_logical3A_831, %shift_left3A_849 : vector<1x256xi32>
    %slice3A_851 = vector.extract_strided_slice %add3A_345 {offsets = [0, 7680], sizes = [1, 256], strides = [1, 1]} : vector<1x20480xf32> to vector<1x256xf32>
    %bitcast_convert_type3A_852 = tpu.bitcast %slice3A_851 : vector<1x256xf32> -> vector<1x256xi32>
    %add3A_853 = arith.constant 32767 : i32
    %add3A_854 = vector.broadcast %add3A_853 : i32 to vector<1x256xi32>
    %add3A_855 = arith.addi %bitcast_convert_type3A_852, %add3A_854 : vector<1x256xi32>
    %shift_right_logical3A_856 = arith.constant 16 : i32
    %shift_right_logical3A_857 = vector.broadcast %shift_right_logical3A_856 : i32 to vector<1x256xi32>
    %shift_right_logical3A_858 = arith.shrui %bitcast_convert_type3A_852, %shift_right_logical3A_857 : vector<1x256xi32>
    %and3A_859 = arith.constant 1 : i32
    %and3A_860 = vector.broadcast %and3A_859 : i32 to vector<1x256xi32>
    %and3A_861 = arith.andi %shift_right_logical3A_858, %and3A_860 : vector<1x256xi32>
    %add3A_862 = arith.addi %add3A_855, %and3A_861 : vector<1x256xi32>
    %shift_right_logical3A_863 = arith.constant 16 : i32
    %shift_right_logical3A_864 = vector.broadcast %shift_right_logical3A_863 : i32 to vector<1x256xi32>
    %shift_right_logical3A_865 = arith.shrui %add3A_862, %shift_right_logical3A_864 : vector<1x256xi32>
    %slice3A_866 = vector.extract_strided_slice %add3A_345 {offsets = [0, 7936], sizes = [1, 256], strides = [1, 1]} : vector<1x20480xf32> to vector<1x256xf32>
    %bitcast_convert_type3A_867 = tpu.bitcast %slice3A_866 : vector<1x256xf32> -> vector<1x256xi32>
    %add3A_868 = arith.constant 32767 : i32
    %add3A_869 = vector.broadcast %add3A_868 : i32 to vector<1x256xi32>
    %add3A_870 = arith.addi %bitcast_convert_type3A_867, %add3A_869 : vector<1x256xi32>
    %shift_right_logical3A_871 = arith.constant 16 : i32
    %shift_right_logical3A_872 = vector.broadcast %shift_right_logical3A_871 : i32 to vector<1x256xi32>
    %shift_right_logical3A_873 = arith.shrui %bitcast_convert_type3A_867, %shift_right_logical3A_872 : vector<1x256xi32>
    %and3A_874 = arith.constant 1 : i32
    %and3A_875 = vector.broadcast %and3A_874 : i32 to vector<1x256xi32>
    %and3A_876 = arith.andi %shift_right_logical3A_873, %and3A_875 : vector<1x256xi32>
    %add3A_877 = arith.addi %add3A_870, %and3A_876 : vector<1x256xi32>
    %shift_right_logical3A_878 = arith.constant 16 : i32
    %shift_right_logical3A_879 = vector.broadcast %shift_right_logical3A_878 : i32 to vector<1x256xi32>
    %shift_right_logical3A_880 = arith.shrui %add3A_877, %shift_right_logical3A_879 : vector<1x256xi32>
    %shift_left3A_881 = arith.constant 16 : i32
    %shift_left3A_882 = vector.broadcast %shift_left3A_881 : i32 to vector<1x256xi32>
    %shift_left3A_883 = arith.shli %shift_right_logical3A_880, %shift_left3A_882 : vector<1x256xi32>
    %or3A_884 = arith.ori %shift_right_logical3A_865, %shift_left3A_883 : vector<1x256xi32>
    %slice3A_885 = vector.extract_strided_slice %add3A_345 {offsets = [0, 8192], sizes = [1, 256], strides = [1, 1]} : vector<1x20480xf32> to vector<1x256xf32>
    %bitcast_convert_type3A_886 = tpu.bitcast %slice3A_885 : vector<1x256xf32> -> vector<1x256xi32>
    %add3A_887 = arith.constant 32767 : i32
    %add3A_888 = vector.broadcast %add3A_887 : i32 to vector<1x256xi32>
    %add3A_889 = arith.addi %bitcast_convert_type3A_886, %add3A_888 : vector<1x256xi32>
    %shift_right_logical3A_890 = arith.constant 16 : i32
    %shift_right_logical3A_891 = vector.broadcast %shift_right_logical3A_890 : i32 to vector<1x256xi32>
    %shift_right_logical3A_892 = arith.shrui %bitcast_convert_type3A_886, %shift_right_logical3A_891 : vector<1x256xi32>
    %and3A_893 = arith.constant 1 : i32
    %and3A_894 = vector.broadcast %and3A_893 : i32 to vector<1x256xi32>
    %and3A_895 = arith.andi %shift_right_logical3A_892, %and3A_894 : vector<1x256xi32>
    %add3A_896 = arith.addi %add3A_889, %and3A_895 : vector<1x256xi32>
    %shift_right_logical3A_897 = arith.constant 16 : i32
    %shift_right_logical3A_898 = vector.broadcast %shift_right_logical3A_897 : i32 to vector<1x256xi32>
    %shift_right_logical3A_899 = arith.shrui %add3A_896, %shift_right_logical3A_898 : vector<1x256xi32>
    %slice3A_900 = vector.extract_strided_slice %add3A_345 {offsets = [0, 8448], sizes = [1, 256], strides = [1, 1]} : vector<1x20480xf32> to vector<1x256xf32>
    %bitcast_convert_type3A_901 = tpu.bitcast %slice3A_900 : vector<1x256xf32> -> vector<1x256xi32>
    %add3A_902 = arith.constant 32767 : i32
    %add3A_903 = vector.broadcast %add3A_902 : i32 to vector<1x256xi32>
    %add3A_904 = arith.addi %bitcast_convert_type3A_901, %add3A_903 : vector<1x256xi32>
    %shift_right_logical3A_905 = arith.constant 16 : i32
    %shift_right_logical3A_906 = vector.broadcast %shift_right_logical3A_905 : i32 to vector<1x256xi32>
    %shift_right_logical3A_907 = arith.shrui %bitcast_convert_type3A_901, %shift_right_logical3A_906 : vector<1x256xi32>
    %and3A_908 = arith.constant 1 : i32
    %and3A_909 = vector.broadcast %and3A_908 : i32 to vector<1x256xi32>
    %and3A_910 = arith.andi %shift_right_logical3A_907, %and3A_909 : vector<1x256xi32>
    %add3A_911 = arith.addi %add3A_904, %and3A_910 : vector<1x256xi32>
    %shift_right_logical3A_912 = arith.constant 16 : i32
    %shift_right_logical3A_913 = vector.broadcast %shift_right_logical3A_912 : i32 to vector<1x256xi32>
    %shift_right_logical3A_914 = arith.shrui %add3A_911, %shift_right_logical3A_913 : vector<1x256xi32>
    %shift_left3A_915 = arith.constant 16 : i32
    %shift_left3A_916 = vector.broadcast %shift_left3A_915 : i32 to vector<1x256xi32>
    %shift_left3A_917 = arith.shli %shift_right_logical3A_914, %shift_left3A_916 : vector<1x256xi32>
    %or3A_918 = arith.ori %shift_right_logical3A_899, %shift_left3A_917 : vector<1x256xi32>
    %slice3A_919 = vector.extract_strided_slice %add3A_345 {offsets = [0, 8704], sizes = [1, 256], strides = [1, 1]} : vector<1x20480xf32> to vector<1x256xf32>
    %bitcast_convert_type3A_920 = tpu.bitcast %slice3A_919 : vector<1x256xf32> -> vector<1x256xi32>
    %add3A_921 = arith.constant 32767 : i32
    %add3A_922 = vector.broadcast %add3A_921 : i32 to vector<1x256xi32>
    %add3A_923 = arith.addi %bitcast_convert_type3A_920, %add3A_922 : vector<1x256xi32>
    %shift_right_logical3A_924 = arith.constant 16 : i32
    %shift_right_logical3A_925 = vector.broadcast %shift_right_logical3A_924 : i32 to vector<1x256xi32>
    %shift_right_logical3A_926 = arith.shrui %bitcast_convert_type3A_920, %shift_right_logical3A_925 : vector<1x256xi32>
    %and3A_927 = arith.constant 1 : i32
    %and3A_928 = vector.broadcast %and3A_927 : i32 to vector<1x256xi32>
    %and3A_929 = arith.andi %shift_right_logical3A_926, %and3A_928 : vector<1x256xi32>
    %add3A_930 = arith.addi %add3A_923, %and3A_929 : vector<1x256xi32>
    %shift_right_logical3A_931 = arith.constant 16 : i32
    %shift_right_logical3A_932 = vector.broadcast %shift_right_logical3A_931 : i32 to vector<1x256xi32>
    %shift_right_logical3A_933 = arith.shrui %add3A_930, %shift_right_logical3A_932 : vector<1x256xi32>
    %slice3A_934 = vector.extract_strided_slice %add3A_345 {offsets = [0, 8960], sizes = [1, 256], strides = [1, 1]} : vector<1x20480xf32> to vector<1x256xf32>
    %bitcast_convert_type3A_935 = tpu.bitcast %slice3A_934 : vector<1x256xf32> -> vector<1x256xi32>
    %add3A_936 = arith.constant 32767 : i32
    %add3A_937 = vector.broadcast %add3A_936 : i32 to vector<1x256xi32>
    %add3A_938 = arith.addi %bitcast_convert_type3A_935, %add3A_937 : vector<1x256xi32>
    %shift_right_logical3A_939 = arith.constant 16 : i32
    %shift_right_logical3A_940 = vector.broadcast %shift_right_logical3A_939 : i32 to vector<1x256xi32>
    %shift_right_logical3A_941 = arith.shrui %bitcast_convert_type3A_935, %shift_right_logical3A_940 : vector<1x256xi32>
    %and3A_942 = arith.constant 1 : i32
    %and3A_943 = vector.broadcast %and3A_942 : i32 to vector<1x256xi32>
    %and3A_944 = arith.andi %shift_right_logical3A_941, %and3A_943 : vector<1x256xi32>
    %add3A_945 = arith.addi %add3A_938, %and3A_944 : vector<1x256xi32>
    %shift_right_logical3A_946 = arith.constant 16 : i32
    %shift_right_logical3A_947 = vector.broadcast %shift_right_logical3A_946 : i32 to vector<1x256xi32>
    %shift_right_logical3A_948 = arith.shrui %add3A_945, %shift_right_logical3A_947 : vector<1x256xi32>
    %shift_left3A_949 = arith.constant 16 : i32
    %shift_left3A_950 = vector.broadcast %shift_left3A_949 : i32 to vector<1x256xi32>
    %shift_left3A_951 = arith.shli %shift_right_logical3A_948, %shift_left3A_950 : vector<1x256xi32>
    %or3A_952 = arith.ori %shift_right_logical3A_933, %shift_left3A_951 : vector<1x256xi32>
    %slice3A_953 = vector.extract_strided_slice %add3A_345 {offsets = [0, 9216], sizes = [1, 256], strides = [1, 1]} : vector<1x20480xf32> to vector<1x256xf32>
    %bitcast_convert_type3A_954 = tpu.bitcast %slice3A_953 : vector<1x256xf32> -> vector<1x256xi32>
    %add3A_955 = arith.constant 32767 : i32
    %add3A_956 = vector.broadcast %add3A_955 : i32 to vector<1x256xi32>
    %add3A_957 = arith.addi %bitcast_convert_type3A_954, %add3A_956 : vector<1x256xi32>
    %shift_right_logical3A_958 = arith.constant 16 : i32
    %shift_right_logical3A_959 = vector.broadcast %shift_right_logical3A_958 : i32 to vector<1x256xi32>
    %shift_right_logical3A_960 = arith.shrui %bitcast_convert_type3A_954, %shift_right_logical3A_959 : vector<1x256xi32>
    %and3A_961 = arith.constant 1 : i32
    %and3A_962 = vector.broadcast %and3A_961 : i32 to vector<1x256xi32>
    %and3A_963 = arith.andi %shift_right_logical3A_960, %and3A_962 : vector<1x256xi32>
    %add3A_964 = arith.addi %add3A_957, %and3A_963 : vector<1x256xi32>
    %shift_right_logical3A_965 = arith.constant 16 : i32
    %shift_right_logical3A_966 = vector.broadcast %shift_right_logical3A_965 : i32 to vector<1x256xi32>
    %shift_right_logical3A_967 = arith.shrui %add3A_964, %shift_right_logical3A_966 : vector<1x256xi32>
    %slice3A_968 = vector.extract_strided_slice %add3A_345 {offsets = [0, 9472], sizes = [1, 256], strides = [1, 1]} : vector<1x20480xf32> to vector<1x256xf32>
    %bitcast_convert_type3A_969 = tpu.bitcast %slice3A_968 : vector<1x256xf32> -> vector<1x256xi32>
    %add3A_970 = arith.constant 32767 : i32
    %add3A_971 = vector.broadcast %add3A_970 : i32 to vector<1x256xi32>
    %add3A_972 = arith.addi %bitcast_convert_type3A_969, %add3A_971 : vector<1x256xi32>
    %shift_right_logical3A_973 = arith.constant 16 : i32
    %shift_right_logical3A_974 = vector.broadcast %shift_right_logical3A_973 : i32 to vector<1x256xi32>
    %shift_right_logical3A_975 = arith.shrui %bitcast_convert_type3A_969, %shift_right_logical3A_974 : vector<1x256xi32>
    %and3A_976 = arith.constant 1 : i32
    %and3A_977 = vector.broadcast %and3A_976 : i32 to vector<1x256xi32>
    %and3A_978 = arith.andi %shift_right_logical3A_975, %and3A_977 : vector<1x256xi32>
    %add3A_979 = arith.addi %add3A_972, %and3A_978 : vector<1x256xi32>
    %shift_right_logical3A_980 = arith.constant 16 : i32
    %shift_right_logical3A_981 = vector.broadcast %shift_right_logical3A_980 : i32 to vector<1x256xi32>
    %shift_right_logical3A_982 = arith.shrui %add3A_979, %shift_right_logical3A_981 : vector<1x256xi32>
    %shift_left3A_983 = arith.constant 16 : i32
    %shift_left3A_984 = vector.broadcast %shift_left3A_983 : i32 to vector<1x256xi32>
    %shift_left3A_985 = arith.shli %shift_right_logical3A_982, %shift_left3A_984 : vector<1x256xi32>
    %or3A_986 = arith.ori %shift_right_logical3A_967, %shift_left3A_985 : vector<1x256xi32>
    %slice3A_987 = vector.extract_strided_slice %add3A_345 {offsets = [0, 9728], sizes = [1, 256], strides = [1, 1]} : vector<1x20480xf32> to vector<1x256xf32>
    %bitcast_convert_type3A_988 = tpu.bitcast %slice3A_987 : vector<1x256xf32> -> vector<1x256xi32>
    %add3A_989 = arith.constant 32767 : i32
    %add3A_990 = vector.broadcast %add3A_989 : i32 to vector<1x256xi32>
    %add3A_991 = arith.addi %bitcast_convert_type3A_988, %add3A_990 : vector<1x256xi32>
    %shift_right_logical3A_992 = arith.constant 16 : i32
    %shift_right_logical3A_993 = vector.broadcast %shift_right_logical3A_992 : i32 to vector<1x256xi32>
    %shift_right_logical3A_994 = arith.shrui %bitcast_convert_type3A_988, %shift_right_logical3A_993 : vector<1x256xi32>
    %and3A_995 = arith.constant 1 : i32
    %and3A_996 = vector.broadcast %and3A_995 : i32 to vector<1x256xi32>
    %and3A_997 = arith.andi %shift_right_logical3A_994, %and3A_996 : vector<1x256xi32>
    %add3A_998 = arith.addi %add3A_991, %and3A_997 : vector<1x256xi32>
    %shift_right_logical3A_999 = arith.constant 16 : i32
    %shift_right_logical3A_1000 = vector.broadcast %shift_right_logical3A_999 : i32 to vector<1x256xi32>
    %shift_right_logical3A_1001 = arith.shrui %add3A_998, %shift_right_logical3A_1000 : vector<1x256xi32>
    %slice3A_1002 = vector.extract_strided_slice %add3A_345 {offsets = [0, 9984], sizes = [1, 256], strides = [1, 1]} : vector<1x20480xf32> to vector<1x256xf32>
    %bitcast_convert_type3A_1003 = tpu.bitcast %slice3A_1002 : vector<1x256xf32> -> vector<1x256xi32>
    %add3A_1004 = arith.constant 32767 : i32
    %add3A_1005 = vector.broadcast %add3A_1004 : i32 to vector<1x256xi32>
    %add3A_1006 = arith.addi %bitcast_convert_type3A_1003, %add3A_1005 : vector<1x256xi32>
    %shift_right_logical3A_1007 = arith.constant 16 : i32
    %shift_right_logical3A_1008 = vector.broadcast %shift_right_logical3A_1007 : i32 to vector<1x256xi32>
    %shift_right_logical3A_1009 = arith.shrui %bitcast_convert_type3A_1003, %shift_right_logical3A_1008 : vector<1x256xi32>
    %and3A_1010 = arith.constant 1 : i32
    %and3A_1011 = vector.broadcast %and3A_1010 : i32 to vector<1x256xi32>
    %and3A_1012 = arith.andi %shift_right_logical3A_1009, %and3A_1011 : vector<1x256xi32>
    %add3A_1013 = arith.addi %add3A_1006, %and3A_1012 : vector<1x256xi32>
    %shift_right_logical3A_1014 = arith.constant 16 : i32
    %shift_right_logical3A_1015 = vector.broadcast %shift_right_logical3A_1014 : i32 to vector<1x256xi32>
    %shift_right_logical3A_1016 = arith.shrui %add3A_1013, %shift_right_logical3A_1015 : vector<1x256xi32>
    %shift_left3A_1017 = arith.constant 16 : i32
    %shift_left3A_1018 = vector.broadcast %shift_left3A_1017 : i32 to vector<1x256xi32>
    %shift_left3A_1019 = arith.shli %shift_right_logical3A_1016, %shift_left3A_1018 : vector<1x256xi32>
    %or3A_1020 = arith.ori %shift_right_logical3A_1001, %shift_left3A_1019 : vector<1x256xi32>
    %slice3A_1021 = vector.extract_strided_slice %add3A_345 {offsets = [0, 10240], sizes = [1, 256], strides = [1, 1]} : vector<1x20480xf32> to vector<1x256xf32>
    %bitcast_convert_type3A_1022 = tpu.bitcast %slice3A_1021 : vector<1x256xf32> -> vector<1x256xi32>
    %add3A_1023 = arith.constant 32767 : i32
    %add3A_1024 = vector.broadcast %add3A_1023 : i32 to vector<1x256xi32>
    %add3A_1025 = arith.addi %bitcast_convert_type3A_1022, %add3A_1024 : vector<1x256xi32>
    %shift_right_logical3A_1026 = arith.constant 16 : i32
    %shift_right_logical3A_1027 = vector.broadcast %shift_right_logical3A_1026 : i32 to vector<1x256xi32>
    %shift_right_logical3A_1028 = arith.shrui %bitcast_convert_type3A_1022, %shift_right_logical3A_1027 : vector<1x256xi32>
    %and3A_1029 = arith.constant 1 : i32
    %and3A_1030 = vector.broadcast %and3A_1029 : i32 to vector<1x256xi32>
    %and3A_1031 = arith.andi %shift_right_logical3A_1028, %and3A_1030 : vector<1x256xi32>
    %add3A_1032 = arith.addi %add3A_1025, %and3A_1031 : vector<1x256xi32>
    %shift_right_logical3A_1033 = arith.constant 16 : i32
    %shift_right_logical3A_1034 = vector.broadcast %shift_right_logical3A_1033 : i32 to vector<1x256xi32>
    %shift_right_logical3A_1035 = arith.shrui %add3A_1032, %shift_right_logical3A_1034 : vector<1x256xi32>
    %slice3A_1036 = vector.extract_strided_slice %add3A_345 {offsets = [0, 10496], sizes = [1, 256], strides = [1, 1]} : vector<1x20480xf32> to vector<1x256xf32>
    %bitcast_convert_type3A_1037 = tpu.bitcast %slice3A_1036 : vector<1x256xf32> -> vector<1x256xi32>
    %add3A_1038 = arith.constant 32767 : i32
    %add3A_1039 = vector.broadcast %add3A_1038 : i32 to vector<1x256xi32>
    %add3A_1040 = arith.addi %bitcast_convert_type3A_1037, %add3A_1039 : vector<1x256xi32>
    %shift_right_logical3A_1041 = arith.constant 16 : i32
    %shift_right_logical3A_1042 = vector.broadcast %shift_right_logical3A_1041 : i32 to vector<1x256xi32>
    %shift_right_logical3A_1043 = arith.shrui %bitcast_convert_type3A_1037, %shift_right_logical3A_1042 : vector<1x256xi32>
    %and3A_1044 = arith.constant 1 : i32
    %and3A_1045 = vector.broadcast %and3A_1044 : i32 to vector<1x256xi32>
    %and3A_1046 = arith.andi %shift_right_logical3A_1043, %and3A_1045 : vector<1x256xi32>
    %add3A_1047 = arith.addi %add3A_1040, %and3A_1046 : vector<1x256xi32>
    %shift_right_logical3A_1048 = arith.constant 16 : i32
    %shift_right_logical3A_1049 = vector.broadcast %shift_right_logical3A_1048 : i32 to vector<1x256xi32>
    %shift_right_logical3A_1050 = arith.shrui %add3A_1047, %shift_right_logical3A_1049 : vector<1x256xi32>
    %shift_left3A_1051 = arith.constant 16 : i32
    %shift_left3A_1052 = vector.broadcast %shift_left3A_1051 : i32 to vector<1x256xi32>
    %shift_left3A_1053 = arith.shli %shift_right_logical3A_1050, %shift_left3A_1052 : vector<1x256xi32>
    %or3A_1054 = arith.ori %shift_right_logical3A_1035, %shift_left3A_1053 : vector<1x256xi32>
    %slice3A_1055 = vector.extract_strided_slice %add3A_345 {offsets = [0, 10752], sizes = [1, 256], strides = [1, 1]} : vector<1x20480xf32> to vector<1x256xf32>
    %bitcast_convert_type3A_1056 = tpu.bitcast %slice3A_1055 : vector<1x256xf32> -> vector<1x256xi32>
    %add3A_1057 = arith.constant 32767 : i32
    %add3A_1058 = vector.broadcast %add3A_1057 : i32 to vector<1x256xi32>
    %add3A_1059 = arith.addi %bitcast_convert_type3A_1056, %add3A_1058 : vector<1x256xi32>
    %shift_right_logical3A_1060 = arith.constant 16 : i32
    %shift_right_logical3A_1061 = vector.broadcast %shift_right_logical3A_1060 : i32 to vector<1x256xi32>
    %shift_right_logical3A_1062 = arith.shrui %bitcast_convert_type3A_1056, %shift_right_logical3A_1061 : vector<1x256xi32>
    %and3A_1063 = arith.constant 1 : i32
    %and3A_1064 = vector.broadcast %and3A_1063 : i32 to vector<1x256xi32>
    %and3A_1065 = arith.andi %shift_right_logical3A_1062, %and3A_1064 : vector<1x256xi32>
    %add3A_1066 = arith.addi %add3A_1059, %and3A_1065 : vector<1x256xi32>
    %shift_right_logical3A_1067 = arith.constant 16 : i32
    %shift_right_logical3A_1068 = vector.broadcast %shift_right_logical3A_1067 : i32 to vector<1x256xi32>
    %shift_right_logical3A_1069 = arith.shrui %add3A_1066, %shift_right_logical3A_1068 : vector<1x256xi32>
    %slice3A_1070 = vector.extract_strided_slice %add3A_345 {offsets = [0, 11008], sizes = [1, 256], strides = [1, 1]} : vector<1x20480xf32> to vector<1x256xf32>
    %bitcast_convert_type3A_1071 = tpu.bitcast %slice3A_1070 : vector<1x256xf32> -> vector<1x256xi32>
    %add3A_1072 = arith.constant 32767 : i32
    %add3A_1073 = vector.broadcast %add3A_1072 : i32 to vector<1x256xi32>
    %add3A_1074 = arith.addi %bitcast_convert_type3A_1071, %add3A_1073 : vector<1x256xi32>
    %shift_right_logical3A_1075 = arith.constant 16 : i32
    %shift_right_logical3A_1076 = vector.broadcast %shift_right_logical3A_1075 : i32 to vector<1x256xi32>
    %shift_right_logical3A_1077 = arith.shrui %bitcast_convert_type3A_1071, %shift_right_logical3A_1076 : vector<1x256xi32>
    %and3A_1078 = arith.constant 1 : i32
    %and3A_1079 = vector.broadcast %and3A_1078 : i32 to vector<1x256xi32>
    %and3A_1080 = arith.andi %shift_right_logical3A_1077, %and3A_1079 : vector<1x256xi32>
    %add3A_1081 = arith.addi %add3A_1074, %and3A_1080 : vector<1x256xi32>
    %shift_right_logical3A_1082 = arith.constant 16 : i32
    %shift_right_logical3A_1083 = vector.broadcast %shift_right_logical3A_1082 : i32 to vector<1x256xi32>
    %shift_right_logical3A_1084 = arith.shrui %add3A_1081, %shift_right_logical3A_1083 : vector<1x256xi32>
    %shift_left3A_1085 = arith.constant 16 : i32
    %shift_left3A_1086 = vector.broadcast %shift_left3A_1085 : i32 to vector<1x256xi32>
    %shift_left3A_1087 = arith.shli %shift_right_logical3A_1084, %shift_left3A_1086 : vector<1x256xi32>
    %or3A_1088 = arith.ori %shift_right_logical3A_1069, %shift_left3A_1087 : vector<1x256xi32>
    %slice3A_1089 = vector.extract_strided_slice %add3A_345 {offsets = [0, 11264], sizes = [1, 256], strides = [1, 1]} : vector<1x20480xf32> to vector<1x256xf32>
    %bitcast_convert_type3A_1090 = tpu.bitcast %slice3A_1089 : vector<1x256xf32> -> vector<1x256xi32>
    %add3A_1091 = arith.constant 32767 : i32
    %add3A_1092 = vector.broadcast %add3A_1091 : i32 to vector<1x256xi32>
    %add3A_1093 = arith.addi %bitcast_convert_type3A_1090, %add3A_1092 : vector<1x256xi32>
    %shift_right_logical3A_1094 = arith.constant 16 : i32
    %shift_right_logical3A_1095 = vector.broadcast %shift_right_logical3A_1094 : i32 to vector<1x256xi32>
    %shift_right_logical3A_1096 = arith.shrui %bitcast_convert_type3A_1090, %shift_right_logical3A_1095 : vector<1x256xi32>
    %and3A_1097 = arith.constant 1 : i32
    %and3A_1098 = vector.broadcast %and3A_1097 : i32 to vector<1x256xi32>
    %and3A_1099 = arith.andi %shift_right_logical3A_1096, %and3A_1098 : vector<1x256xi32>
    %add3A_1100 = arith.addi %add3A_1093, %and3A_1099 : vector<1x256xi32>
    %shift_right_logical3A_1101 = arith.constant 16 : i32
    %shift_right_logical3A_1102 = vector.broadcast %shift_right_logical3A_1101 : i32 to vector<1x256xi32>
    %shift_right_logical3A_1103 = arith.shrui %add3A_1100, %shift_right_logical3A_1102 : vector<1x256xi32>
    %slice3A_1104 = vector.extract_strided_slice %add3A_345 {offsets = [0, 11520], sizes = [1, 256], strides = [1, 1]} : vector<1x20480xf32> to vector<1x256xf32>
    %bitcast_convert_type3A_1105 = tpu.bitcast %slice3A_1104 : vector<1x256xf32> -> vector<1x256xi32>
    %add3A_1106 = arith.constant 32767 : i32
    %add3A_1107 = vector.broadcast %add3A_1106 : i32 to vector<1x256xi32>
    %add3A_1108 = arith.addi %bitcast_convert_type3A_1105, %add3A_1107 : vector<1x256xi32>
    %shift_right_logical3A_1109 = arith.constant 16 : i32
    %shift_right_logical3A_1110 = vector.broadcast %shift_right_logical3A_1109 : i32 to vector<1x256xi32>
    %shift_right_logical3A_1111 = arith.shrui %bitcast_convert_type3A_1105, %shift_right_logical3A_1110 : vector<1x256xi32>
    %and3A_1112 = arith.constant 1 : i32
    %and3A_1113 = vector.broadcast %and3A_1112 : i32 to vector<1x256xi32>
    %and3A_1114 = arith.andi %shift_right_logical3A_1111, %and3A_1113 : vector<1x256xi32>
    %add3A_1115 = arith.addi %add3A_1108, %and3A_1114 : vector<1x256xi32>
    %shift_right_logical3A_1116 = arith.constant 16 : i32
    %shift_right_logical3A_1117 = vector.broadcast %shift_right_logical3A_1116 : i32 to vector<1x256xi32>
    %shift_right_logical3A_1118 = arith.shrui %add3A_1115, %shift_right_logical3A_1117 : vector<1x256xi32>
    %shift_left3A_1119 = arith.constant 16 : i32
    %shift_left3A_1120 = vector.broadcast %shift_left3A_1119 : i32 to vector<1x256xi32>
    %shift_left3A_1121 = arith.shli %shift_right_logical3A_1118, %shift_left3A_1120 : vector<1x256xi32>
    %or3A_1122 = arith.ori %shift_right_logical3A_1103, %shift_left3A_1121 : vector<1x256xi32>
    %slice3A_1123 = vector.extract_strided_slice %add3A_345 {offsets = [0, 11776], sizes = [1, 256], strides = [1, 1]} : vector<1x20480xf32> to vector<1x256xf32>
    %bitcast_convert_type3A_1124 = tpu.bitcast %slice3A_1123 : vector<1x256xf32> -> vector<1x256xi32>
    %add3A_1125 = arith.constant 32767 : i32
    %add3A_1126 = vector.broadcast %add3A_1125 : i32 to vector<1x256xi32>
    %add3A_1127 = arith.addi %bitcast_convert_type3A_1124, %add3A_1126 : vector<1x256xi32>
    %shift_right_logical3A_1128 = arith.constant 16 : i32
    %shift_right_logical3A_1129 = vector.broadcast %shift_right_logical3A_1128 : i32 to vector<1x256xi32>
    %shift_right_logical3A_1130 = arith.shrui %bitcast_convert_type3A_1124, %shift_right_logical3A_1129 : vector<1x256xi32>
    %and3A_1131 = arith.constant 1 : i32
    %and3A_1132 = vector.broadcast %and3A_1131 : i32 to vector<1x256xi32>
    %and3A_1133 = arith.andi %shift_right_logical3A_1130, %and3A_1132 : vector<1x256xi32>
    %add3A_1134 = arith.addi %add3A_1127, %and3A_1133 : vector<1x256xi32>
    %shift_right_logical3A_1135 = arith.constant 16 : i32
    %shift_right_logical3A_1136 = vector.broadcast %shift_right_logical3A_1135 : i32 to vector<1x256xi32>
    %shift_right_logical3A_1137 = arith.shrui %add3A_1134, %shift_right_logical3A_1136 : vector<1x256xi32>
    %slice3A_1138 = vector.extract_strided_slice %add3A_345 {offsets = [0, 12032], sizes = [1, 256], strides = [1, 1]} : vector<1x20480xf32> to vector<1x256xf32>
    %bitcast_convert_type3A_1139 = tpu.bitcast %slice3A_1138 : vector<1x256xf32> -> vector<1x256xi32>
    %add3A_1140 = arith.constant 32767 : i32
    %add3A_1141 = vector.broadcast %add3A_1140 : i32 to vector<1x256xi32>
    %add3A_1142 = arith.addi %bitcast_convert_type3A_1139, %add3A_1141 : vector<1x256xi32>
    %shift_right_logical3A_1143 = arith.constant 16 : i32
    %shift_right_logical3A_1144 = vector.broadcast %shift_right_logical3A_1143 : i32 to vector<1x256xi32>
    %shift_right_logical3A_1145 = arith.shrui %bitcast_convert_type3A_1139, %shift_right_logical3A_1144 : vector<1x256xi32>
    %and3A_1146 = arith.constant 1 : i32
    %and3A_1147 = vector.broadcast %and3A_1146 : i32 to vector<1x256xi32>
    %and3A_1148 = arith.andi %shift_right_logical3A_1145, %and3A_1147 : vector<1x256xi32>
    %add3A_1149 = arith.addi %add3A_1142, %and3A_1148 : vector<1x256xi32>
    %shift_right_logical3A_1150 = arith.constant 16 : i32
    %shift_right_logical3A_1151 = vector.broadcast %shift_right_logical3A_1150 : i32 to vector<1x256xi32>
    %shift_right_logical3A_1152 = arith.shrui %add3A_1149, %shift_right_logical3A_1151 : vector<1x256xi32>
    %shift_left3A_1153 = arith.constant 16 : i32
    %shift_left3A_1154 = vector.broadcast %shift_left3A_1153 : i32 to vector<1x256xi32>
    %shift_left3A_1155 = arith.shli %shift_right_logical3A_1152, %shift_left3A_1154 : vector<1x256xi32>
    %or3A_1156 = arith.ori %shift_right_logical3A_1137, %shift_left3A_1155 : vector<1x256xi32>
    %slice3A_1157 = vector.extract_strided_slice %add3A_345 {offsets = [0, 12288], sizes = [1, 256], strides = [1, 1]} : vector<1x20480xf32> to vector<1x256xf32>
    %bitcast_convert_type3A_1158 = tpu.bitcast %slice3A_1157 : vector<1x256xf32> -> vector<1x256xi32>
    %add3A_1159 = arith.constant 32767 : i32
    %add3A_1160 = vector.broadcast %add3A_1159 : i32 to vector<1x256xi32>
    %add3A_1161 = arith.addi %bitcast_convert_type3A_1158, %add3A_1160 : vector<1x256xi32>
    %shift_right_logical3A_1162 = arith.constant 16 : i32
    %shift_right_logical3A_1163 = vector.broadcast %shift_right_logical3A_1162 : i32 to vector<1x256xi32>
    %shift_right_logical3A_1164 = arith.shrui %bitcast_convert_type3A_1158, %shift_right_logical3A_1163 : vector<1x256xi32>
    %and3A_1165 = arith.constant 1 : i32
    %and3A_1166 = vector.broadcast %and3A_1165 : i32 to vector<1x256xi32>
    %and3A_1167 = arith.andi %shift_right_logical3A_1164, %and3A_1166 : vector<1x256xi32>
    %add3A_1168 = arith.addi %add3A_1161, %and3A_1167 : vector<1x256xi32>
    %shift_right_logical3A_1169 = arith.constant 16 : i32
    %shift_right_logical3A_1170 = vector.broadcast %shift_right_logical3A_1169 : i32 to vector<1x256xi32>
    %shift_right_logical3A_1171 = arith.shrui %add3A_1168, %shift_right_logical3A_1170 : vector<1x256xi32>
    %slice3A_1172 = vector.extract_strided_slice %add3A_345 {offsets = [0, 12544], sizes = [1, 256], strides = [1, 1]} : vector<1x20480xf32> to vector<1x256xf32>
    %bitcast_convert_type3A_1173 = tpu.bitcast %slice3A_1172 : vector<1x256xf32> -> vector<1x256xi32>
    %add3A_1174 = arith.constant 32767 : i32
    %add3A_1175 = vector.broadcast %add3A_1174 : i32 to vector<1x256xi32>
    %add3A_1176 = arith.addi %bitcast_convert_type3A_1173, %add3A_1175 : vector<1x256xi32>
    %shift_right_logical3A_1177 = arith.constant 16 : i32
    %shift_right_logical3A_1178 = vector.broadcast %shift_right_logical3A_1177 : i32 to vector<1x256xi32>
    %shift_right_logical3A_1179 = arith.shrui %bitcast_convert_type3A_1173, %shift_right_logical3A_1178 : vector<1x256xi32>
    %and3A_1180 = arith.constant 1 : i32
    %and3A_1181 = vector.broadcast %and3A_1180 : i32 to vector<1x256xi32>
    %and3A_1182 = arith.andi %shift_right_logical3A_1179, %and3A_1181 : vector<1x256xi32>
    %add3A_1183 = arith.addi %add3A_1176, %and3A_1182 : vector<1x256xi32>
    %shift_right_logical3A_1184 = arith.constant 16 : i32
    %shift_right_logical3A_1185 = vector.broadcast %shift_right_logical3A_1184 : i32 to vector<1x256xi32>
    %shift_right_logical3A_1186 = arith.shrui %add3A_1183, %shift_right_logical3A_1185 : vector<1x256xi32>
    %shift_left3A_1187 = arith.constant 16 : i32
    %shift_left3A_1188 = vector.broadcast %shift_left3A_1187 : i32 to vector<1x256xi32>
    %shift_left3A_1189 = arith.shli %shift_right_logical3A_1186, %shift_left3A_1188 : vector<1x256xi32>
    %or3A_1190 = arith.ori %shift_right_logical3A_1171, %shift_left3A_1189 : vector<1x256xi32>
    %slice3A_1191 = vector.extract_strided_slice %add3A_345 {offsets = [0, 12800], sizes = [1, 256], strides = [1, 1]} : vector<1x20480xf32> to vector<1x256xf32>
    %bitcast_convert_type3A_1192 = tpu.bitcast %slice3A_1191 : vector<1x256xf32> -> vector<1x256xi32>
    %add3A_1193 = arith.constant 32767 : i32
    %add3A_1194 = vector.broadcast %add3A_1193 : i32 to vector<1x256xi32>
    %add3A_1195 = arith.addi %bitcast_convert_type3A_1192, %add3A_1194 : vector<1x256xi32>
    %shift_right_logical3A_1196 = arith.constant 16 : i32
    %shift_right_logical3A_1197 = vector.broadcast %shift_right_logical3A_1196 : i32 to vector<1x256xi32>
    %shift_right_logical3A_1198 = arith.shrui %bitcast_convert_type3A_1192, %shift_right_logical3A_1197 : vector<1x256xi32>
    %and3A_1199 = arith.constant 1 : i32
    %and3A_1200 = vector.broadcast %and3A_1199 : i32 to vector<1x256xi32>
    %and3A_1201 = arith.andi %shift_right_logical3A_1198, %and3A_1200 : vector<1x256xi32>
    %add3A_1202 = arith.addi %add3A_1195, %and3A_1201 : vector<1x256xi32>
    %shift_right_logical3A_1203 = arith.constant 16 : i32
    %shift_right_logical3A_1204 = vector.broadcast %shift_right_logical3A_1203 : i32 to vector<1x256xi32>
    %shift_right_logical3A_1205 = arith.shrui %add3A_1202, %shift_right_logical3A_1204 : vector<1x256xi32>
    %slice3A_1206 = vector.extract_strided_slice %add3A_345 {offsets = [0, 13056], sizes = [1, 256], strides = [1, 1]} : vector<1x20480xf32> to vector<1x256xf32>
    %bitcast_convert_type3A_1207 = tpu.bitcast %slice3A_1206 : vector<1x256xf32> -> vector<1x256xi32>
    %add3A_1208 = arith.constant 32767 : i32
    %add3A_1209 = vector.broadcast %add3A_1208 : i32 to vector<1x256xi32>
    %add3A_1210 = arith.addi %bitcast_convert_type3A_1207, %add3A_1209 : vector<1x256xi32>
    %shift_right_logical3A_1211 = arith.constant 16 : i32
    %shift_right_logical3A_1212 = vector.broadcast %shift_right_logical3A_1211 : i32 to vector<1x256xi32>
    %shift_right_logical3A_1213 = arith.shrui %bitcast_convert_type3A_1207, %shift_right_logical3A_1212 : vector<1x256xi32>
    %and3A_1214 = arith.constant 1 : i32
    %and3A_1215 = vector.broadcast %and3A_1214 : i32 to vector<1x256xi32>
    %and3A_1216 = arith.andi %shift_right_logical3A_1213, %and3A_1215 : vector<1x256xi32>
    %add3A_1217 = arith.addi %add3A_1210, %and3A_1216 : vector<1x256xi32>
    %shift_right_logical3A_1218 = arith.constant 16 : i32
    %shift_right_logical3A_1219 = vector.broadcast %shift_right_logical3A_1218 : i32 to vector<1x256xi32>
    %shift_right_logical3A_1220 = arith.shrui %add3A_1217, %shift_right_logical3A_1219 : vector<1x256xi32>
    %shift_left3A_1221 = arith.constant 16 : i32
    %shift_left3A_1222 = vector.broadcast %shift_left3A_1221 : i32 to vector<1x256xi32>
    %shift_left3A_1223 = arith.shli %shift_right_logical3A_1220, %shift_left3A_1222 : vector<1x256xi32>
    %or3A_1224 = arith.ori %shift_right_logical3A_1205, %shift_left3A_1223 : vector<1x256xi32>
    %slice3A_1225 = vector.extract_strided_slice %add3A_345 {offsets = [0, 13312], sizes = [1, 256], strides = [1, 1]} : vector<1x20480xf32> to vector<1x256xf32>
    %bitcast_convert_type3A_1226 = tpu.bitcast %slice3A_1225 : vector<1x256xf32> -> vector<1x256xi32>
    %add3A_1227 = arith.constant 32767 : i32
    %add3A_1228 = vector.broadcast %add3A_1227 : i32 to vector<1x256xi32>
    %add3A_1229 = arith.addi %bitcast_convert_type3A_1226, %add3A_1228 : vector<1x256xi32>
    %shift_right_logical3A_1230 = arith.constant 16 : i32
    %shift_right_logical3A_1231 = vector.broadcast %shift_right_logical3A_1230 : i32 to vector<1x256xi32>
    %shift_right_logical3A_1232 = arith.shrui %bitcast_convert_type3A_1226, %shift_right_logical3A_1231 : vector<1x256xi32>
    %and3A_1233 = arith.constant 1 : i32
    %and3A_1234 = vector.broadcast %and3A_1233 : i32 to vector<1x256xi32>
    %and3A_1235 = arith.andi %shift_right_logical3A_1232, %and3A_1234 : vector<1x256xi32>
    %add3A_1236 = arith.addi %add3A_1229, %and3A_1235 : vector<1x256xi32>
    %shift_right_logical3A_1237 = arith.constant 16 : i32
    %shift_right_logical3A_1238 = vector.broadcast %shift_right_logical3A_1237 : i32 to vector<1x256xi32>
    %shift_right_logical3A_1239 = arith.shrui %add3A_1236, %shift_right_logical3A_1238 : vector<1x256xi32>
    %slice3A_1240 = vector.extract_strided_slice %add3A_345 {offsets = [0, 13568], sizes = [1, 256], strides = [1, 1]} : vector<1x20480xf32> to vector<1x256xf32>
    %bitcast_convert_type3A_1241 = tpu.bitcast %slice3A_1240 : vector<1x256xf32> -> vector<1x256xi32>
    %add3A_1242 = arith.constant 32767 : i32
    %add3A_1243 = vector.broadcast %add3A_1242 : i32 to vector<1x256xi32>
    %add3A_1244 = arith.addi %bitcast_convert_type3A_1241, %add3A_1243 : vector<1x256xi32>
    %shift_right_logical3A_1245 = arith.constant 16 : i32
    %shift_right_logical3A_1246 = vector.broadcast %shift_right_logical3A_1245 : i32 to vector<1x256xi32>
    %shift_right_logical3A_1247 = arith.shrui %bitcast_convert_type3A_1241, %shift_right_logical3A_1246 : vector<1x256xi32>
    %and3A_1248 = arith.constant 1 : i32
    %and3A_1249 = vector.broadcast %and3A_1248 : i32 to vector<1x256xi32>
    %and3A_1250 = arith.andi %shift_right_logical3A_1247, %and3A_1249 : vector<1x256xi32>
    %add3A_1251 = arith.addi %add3A_1244, %and3A_1250 : vector<1x256xi32>
    %shift_right_logical3A_1252 = arith.constant 16 : i32
    %shift_right_logical3A_1253 = vector.broadcast %shift_right_logical3A_1252 : i32 to vector<1x256xi32>
    %shift_right_logical3A_1254 = arith.shrui %add3A_1251, %shift_right_logical3A_1253 : vector<1x256xi32>
    %shift_left3A_1255 = arith.constant 16 : i32
    %shift_left3A_1256 = vector.broadcast %shift_left3A_1255 : i32 to vector<1x256xi32>
    %shift_left3A_1257 = arith.shli %shift_right_logical3A_1254, %shift_left3A_1256 : vector<1x256xi32>
    %or3A_1258 = arith.ori %shift_right_logical3A_1239, %shift_left3A_1257 : vector<1x256xi32>
    %slice3A_1259 = vector.extract_strided_slice %add3A_345 {offsets = [0, 13824], sizes = [1, 256], strides = [1, 1]} : vector<1x20480xf32> to vector<1x256xf32>
    %bitcast_convert_type3A_1260 = tpu.bitcast %slice3A_1259 : vector<1x256xf32> -> vector<1x256xi32>
    %add3A_1261 = arith.constant 32767 : i32
    %add3A_1262 = vector.broadcast %add3A_1261 : i32 to vector<1x256xi32>
    %add3A_1263 = arith.addi %bitcast_convert_type3A_1260, %add3A_1262 : vector<1x256xi32>
    %shift_right_logical3A_1264 = arith.constant 16 : i32
    %shift_right_logical3A_1265 = vector.broadcast %shift_right_logical3A_1264 : i32 to vector<1x256xi32>
    %shift_right_logical3A_1266 = arith.shrui %bitcast_convert_type3A_1260, %shift_right_logical3A_1265 : vector<1x256xi32>
    %and3A_1267 = arith.constant 1 : i32
    %and3A_1268 = vector.broadcast %and3A_1267 : i32 to vector<1x256xi32>
    %and3A_1269 = arith.andi %shift_right_logical3A_1266, %and3A_1268 : vector<1x256xi32>
    %add3A_1270 = arith.addi %add3A_1263, %and3A_1269 : vector<1x256xi32>
    %shift_right_logical3A_1271 = arith.constant 16 : i32
    %shift_right_logical3A_1272 = vector.broadcast %shift_right_logical3A_1271 : i32 to vector<1x256xi32>
    %shift_right_logical3A_1273 = arith.shrui %add3A_1270, %shift_right_logical3A_1272 : vector<1x256xi32>
    %slice3A_1274 = vector.extract_strided_slice %add3A_345 {offsets = [0, 14080], sizes = [1, 256], strides = [1, 1]} : vector<1x20480xf32> to vector<1x256xf32>
    %bitcast_convert_type3A_1275 = tpu.bitcast %slice3A_1274 : vector<1x256xf32> -> vector<1x256xi32>
    %add3A_1276 = arith.constant 32767 : i32
    %add3A_1277 = vector.broadcast %add3A_1276 : i32 to vector<1x256xi32>
    %add3A_1278 = arith.addi %bitcast_convert_type3A_1275, %add3A_1277 : vector<1x256xi32>
    %shift_right_logical3A_1279 = arith.constant 16 : i32
    %shift_right_logical3A_1280 = vector.broadcast %shift_right_logical3A_1279 : i32 to vector<1x256xi32>
    %shift_right_logical3A_1281 = arith.shrui %bitcast_convert_type3A_1275, %shift_right_logical3A_1280 : vector<1x256xi32>
    %and3A_1282 = arith.constant 1 : i32
    %and3A_1283 = vector.broadcast %and3A_1282 : i32 to vector<1x256xi32>
    %and3A_1284 = arith.andi %shift_right_logical3A_1281, %and3A_1283 : vector<1x256xi32>
    %add3A_1285 = arith.addi %add3A_1278, %and3A_1284 : vector<1x256xi32>
    %shift_right_logical3A_1286 = arith.constant 16 : i32
    %shift_right_logical3A_1287 = vector.broadcast %shift_right_logical3A_1286 : i32 to vector<1x256xi32>
    %shift_right_logical3A_1288 = arith.shrui %add3A_1285, %shift_right_logical3A_1287 : vector<1x256xi32>
    %shift_left3A_1289 = arith.constant 16 : i32
    %shift_left3A_1290 = vector.broadcast %shift_left3A_1289 : i32 to vector<1x256xi32>
    %shift_left3A_1291 = arith.shli %shift_right_logical3A_1288, %shift_left3A_1290 : vector<1x256xi32>
    %or3A_1292 = arith.ori %shift_right_logical3A_1273, %shift_left3A_1291 : vector<1x256xi32>
    %slice3A_1293 = vector.extract_strided_slice %add3A_345 {offsets = [0, 14336], sizes = [1, 256], strides = [1, 1]} : vector<1x20480xf32> to vector<1x256xf32>
    %bitcast_convert_type3A_1294 = tpu.bitcast %slice3A_1293 : vector<1x256xf32> -> vector<1x256xi32>
    %add3A_1295 = arith.constant 32767 : i32
    %add3A_1296 = vector.broadcast %add3A_1295 : i32 to vector<1x256xi32>
    %add3A_1297 = arith.addi %bitcast_convert_type3A_1294, %add3A_1296 : vector<1x256xi32>
    %shift_right_logical3A_1298 = arith.constant 16 : i32
    %shift_right_logical3A_1299 = vector.broadcast %shift_right_logical3A_1298 : i32 to vector<1x256xi32>
    %shift_right_logical3A_1300 = arith.shrui %bitcast_convert_type3A_1294, %shift_right_logical3A_1299 : vector<1x256xi32>
    %and3A_1301 = arith.constant 1 : i32
    %and3A_1302 = vector.broadcast %and3A_1301 : i32 to vector<1x256xi32>
    %and3A_1303 = arith.andi %shift_right_logical3A_1300, %and3A_1302 : vector<1x256xi32>
    %add3A_1304 = arith.addi %add3A_1297, %and3A_1303 : vector<1x256xi32>
    %shift_right_logical3A_1305 = arith.constant 16 : i32
    %shift_right_logical3A_1306 = vector.broadcast %shift_right_logical3A_1305 : i32 to vector<1x256xi32>
    %shift_right_logical3A_1307 = arith.shrui %add3A_1304, %shift_right_logical3A_1306 : vector<1x256xi32>
    %slice3A_1308 = vector.extract_strided_slice %add3A_345 {offsets = [0, 14592], sizes = [1, 256], strides = [1, 1]} : vector<1x20480xf32> to vector<1x256xf32>
    %bitcast_convert_type3A_1309 = tpu.bitcast %slice3A_1308 : vector<1x256xf32> -> vector<1x256xi32>
    %add3A_1310 = arith.constant 32767 : i32
    %add3A_1311 = vector.broadcast %add3A_1310 : i32 to vector<1x256xi32>
    %add3A_1312 = arith.addi %bitcast_convert_type3A_1309, %add3A_1311 : vector<1x256xi32>
    %shift_right_logical3A_1313 = arith.constant 16 : i32
    %shift_right_logical3A_1314 = vector.broadcast %shift_right_logical3A_1313 : i32 to vector<1x256xi32>
    %shift_right_logical3A_1315 = arith.shrui %bitcast_convert_type3A_1309, %shift_right_logical3A_1314 : vector<1x256xi32>
    %and3A_1316 = arith.constant 1 : i32
    %and3A_1317 = vector.broadcast %and3A_1316 : i32 to vector<1x256xi32>
    %and3A_1318 = arith.andi %shift_right_logical3A_1315, %and3A_1317 : vector<1x256xi32>
    %add3A_1319 = arith.addi %add3A_1312, %and3A_1318 : vector<1x256xi32>
    %shift_right_logical3A_1320 = arith.constant 16 : i32
    %shift_right_logical3A_1321 = vector.broadcast %shift_right_logical3A_1320 : i32 to vector<1x256xi32>
    %shift_right_logical3A_1322 = arith.shrui %add3A_1319, %shift_right_logical3A_1321 : vector<1x256xi32>
    %shift_left3A_1323 = arith.constant 16 : i32
    %shift_left3A_1324 = vector.broadcast %shift_left3A_1323 : i32 to vector<1x256xi32>
    %shift_left3A_1325 = arith.shli %shift_right_logical3A_1322, %shift_left3A_1324 : vector<1x256xi32>
    %or3A_1326 = arith.ori %shift_right_logical3A_1307, %shift_left3A_1325 : vector<1x256xi32>
    %slice3A_1327 = vector.extract_strided_slice %add3A_345 {offsets = [0, 14848], sizes = [1, 256], strides = [1, 1]} : vector<1x20480xf32> to vector<1x256xf32>
    %bitcast_convert_type3A_1328 = tpu.bitcast %slice3A_1327 : vector<1x256xf32> -> vector<1x256xi32>
    %add3A_1329 = arith.constant 32767 : i32
    %add3A_1330 = vector.broadcast %add3A_1329 : i32 to vector<1x256xi32>
    %add3A_1331 = arith.addi %bitcast_convert_type3A_1328, %add3A_1330 : vector<1x256xi32>
    %shift_right_logical3A_1332 = arith.constant 16 : i32
    %shift_right_logical3A_1333 = vector.broadcast %shift_right_logical3A_1332 : i32 to vector<1x256xi32>
    %shift_right_logical3A_1334 = arith.shrui %bitcast_convert_type3A_1328, %shift_right_logical3A_1333 : vector<1x256xi32>
    %and3A_1335 = arith.constant 1 : i32
    %and3A_1336 = vector.broadcast %and3A_1335 : i32 to vector<1x256xi32>
    %and3A_1337 = arith.andi %shift_right_logical3A_1334, %and3A_1336 : vector<1x256xi32>
    %add3A_1338 = arith.addi %add3A_1331, %and3A_1337 : vector<1x256xi32>
    %shift_right_logical3A_1339 = arith.constant 16 : i32
    %shift_right_logical3A_1340 = vector.broadcast %shift_right_logical3A_1339 : i32 to vector<1x256xi32>
    %shift_right_logical3A_1341 = arith.shrui %add3A_1338, %shift_right_logical3A_1340 : vector<1x256xi32>
    %slice3A_1342 = vector.extract_strided_slice %add3A_345 {offsets = [0, 15104], sizes = [1, 256], strides = [1, 1]} : vector<1x20480xf32> to vector<1x256xf32>
    %bitcast_convert_type3A_1343 = tpu.bitcast %slice3A_1342 : vector<1x256xf32> -> vector<1x256xi32>
    %add3A_1344 = arith.constant 32767 : i32
    %add3A_1345 = vector.broadcast %add3A_1344 : i32 to vector<1x256xi32>
    %add3A_1346 = arith.addi %bitcast_convert_type3A_1343, %add3A_1345 : vector<1x256xi32>
    %shift_right_logical3A_1347 = arith.constant 16 : i32
    %shift_right_logical3A_1348 = vector.broadcast %shift_right_logical3A_1347 : i32 to vector<1x256xi32>
    %shift_right_logical3A_1349 = arith.shrui %bitcast_convert_type3A_1343, %shift_right_logical3A_1348 : vector<1x256xi32>
    %and3A_1350 = arith.constant 1 : i32
    %and3A_1351 = vector.broadcast %and3A_1350 : i32 to vector<1x256xi32>
    %and3A_1352 = arith.andi %shift_right_logical3A_1349, %and3A_1351 : vector<1x256xi32>
    %add3A_1353 = arith.addi %add3A_1346, %and3A_1352 : vector<1x256xi32>
    %shift_right_logical3A_1354 = arith.constant 16 : i32
    %shift_right_logical3A_1355 = vector.broadcast %shift_right_logical3A_1354 : i32 to vector<1x256xi32>
    %shift_right_logical3A_1356 = arith.shrui %add3A_1353, %shift_right_logical3A_1355 : vector<1x256xi32>
    %shift_left3A_1357 = arith.constant 16 : i32
    %shift_left3A_1358 = vector.broadcast %shift_left3A_1357 : i32 to vector<1x256xi32>
    %shift_left3A_1359 = arith.shli %shift_right_logical3A_1356, %shift_left3A_1358 : vector<1x256xi32>
    %or3A_1360 = arith.ori %shift_right_logical3A_1341, %shift_left3A_1359 : vector<1x256xi32>
    %slice3A_1361 = vector.extract_strided_slice %add3A_345 {offsets = [0, 15360], sizes = [1, 256], strides = [1, 1]} : vector<1x20480xf32> to vector<1x256xf32>
    %bitcast_convert_type3A_1362 = tpu.bitcast %slice3A_1361 : vector<1x256xf32> -> vector<1x256xi32>
    %add3A_1363 = arith.constant 32767 : i32
    %add3A_1364 = vector.broadcast %add3A_1363 : i32 to vector<1x256xi32>
    %add3A_1365 = arith.addi %bitcast_convert_type3A_1362, %add3A_1364 : vector<1x256xi32>
    %shift_right_logical3A_1366 = arith.constant 16 : i32
    %shift_right_logical3A_1367 = vector.broadcast %shift_right_logical3A_1366 : i32 to vector<1x256xi32>
    %shift_right_logical3A_1368 = arith.shrui %bitcast_convert_type3A_1362, %shift_right_logical3A_1367 : vector<1x256xi32>
    %and3A_1369 = arith.constant 1 : i32
    %and3A_1370 = vector.broadcast %and3A_1369 : i32 to vector<1x256xi32>
    %and3A_1371 = arith.andi %shift_right_logical3A_1368, %and3A_1370 : vector<1x256xi32>
    %add3A_1372 = arith.addi %add3A_1365, %and3A_1371 : vector<1x256xi32>
    %shift_right_logical3A_1373 = arith.constant 16 : i32
    %shift_right_logical3A_1374 = vector.broadcast %shift_right_logical3A_1373 : i32 to vector<1x256xi32>
    %shift_right_logical3A_1375 = arith.shrui %add3A_1372, %shift_right_logical3A_1374 : vector<1x256xi32>
    %slice3A_1376 = vector.extract_strided_slice %add3A_345 {offsets = [0, 15616], sizes = [1, 256], strides = [1, 1]} : vector<1x20480xf32> to vector<1x256xf32>
    %bitcast_convert_type3A_1377 = tpu.bitcast %slice3A_1376 : vector<1x256xf32> -> vector<1x256xi32>
    %add3A_1378 = arith.constant 32767 : i32
    %add3A_1379 = vector.broadcast %add3A_1378 : i32 to vector<1x256xi32>
    %add3A_1380 = arith.addi %bitcast_convert_type3A_1377, %add3A_1379 : vector<1x256xi32>
    %shift_right_logical3A_1381 = arith.constant 16 : i32
    %shift_right_logical3A_1382 = vector.broadcast %shift_right_logical3A_1381 : i32 to vector<1x256xi32>
    %shift_right_logical3A_1383 = arith.shrui %bitcast_convert_type3A_1377, %shift_right_logical3A_1382 : vector<1x256xi32>
    %and3A_1384 = arith.constant 1 : i32
    %and3A_1385 = vector.broadcast %and3A_1384 : i32 to vector<1x256xi32>
    %and3A_1386 = arith.andi %shift_right_logical3A_1383, %and3A_1385 : vector<1x256xi32>
    %add3A_1387 = arith.addi %add3A_1380, %and3A_1386 : vector<1x256xi32>
    %shift_right_logical3A_1388 = arith.constant 16 : i32
    %shift_right_logical3A_1389 = vector.broadcast %shift_right_logical3A_1388 : i32 to vector<1x256xi32>
    %shift_right_logical3A_1390 = arith.shrui %add3A_1387, %shift_right_logical3A_1389 : vector<1x256xi32>
    %shift_left3A_1391 = arith.constant 16 : i32
    %shift_left3A_1392 = vector.broadcast %shift_left3A_1391 : i32 to vector<1x256xi32>
    %shift_left3A_1393 = arith.shli %shift_right_logical3A_1390, %shift_left3A_1392 : vector<1x256xi32>
    %or3A_1394 = arith.ori %shift_right_logical3A_1375, %shift_left3A_1393 : vector<1x256xi32>
    %slice3A_1395 = vector.extract_strided_slice %add3A_345 {offsets = [0, 15872], sizes = [1, 256], strides = [1, 1]} : vector<1x20480xf32> to vector<1x256xf32>
    %bitcast_convert_type3A_1396 = tpu.bitcast %slice3A_1395 : vector<1x256xf32> -> vector<1x256xi32>
    %add3A_1397 = arith.constant 32767 : i32
    %add3A_1398 = vector.broadcast %add3A_1397 : i32 to vector<1x256xi32>
    %add3A_1399 = arith.addi %bitcast_convert_type3A_1396, %add3A_1398 : vector<1x256xi32>
    %shift_right_logical3A_1400 = arith.constant 16 : i32
    %shift_right_logical3A_1401 = vector.broadcast %shift_right_logical3A_1400 : i32 to vector<1x256xi32>
    %shift_right_logical3A_1402 = arith.shrui %bitcast_convert_type3A_1396, %shift_right_logical3A_1401 : vector<1x256xi32>
    %and3A_1403 = arith.constant 1 : i32
    %and3A_1404 = vector.broadcast %and3A_1403 : i32 to vector<1x256xi32>
    %and3A_1405 = arith.andi %shift_right_logical3A_1402, %and3A_1404 : vector<1x256xi32>
    %add3A_1406 = arith.addi %add3A_1399, %and3A_1405 : vector<1x256xi32>
    %shift_right_logical3A_1407 = arith.constant 16 : i32
    %shift_right_logical3A_1408 = vector.broadcast %shift_right_logical3A_1407 : i32 to vector<1x256xi32>
    %shift_right_logical3A_1409 = arith.shrui %add3A_1406, %shift_right_logical3A_1408 : vector<1x256xi32>
    %slice3A_1410 = vector.extract_strided_slice %add3A_345 {offsets = [0, 16128], sizes = [1, 256], strides = [1, 1]} : vector<1x20480xf32> to vector<1x256xf32>
    %bitcast_convert_type3A_1411 = tpu.bitcast %slice3A_1410 : vector<1x256xf32> -> vector<1x256xi32>
    %add3A_1412 = arith.constant 32767 : i32
    %add3A_1413 = vector.broadcast %add3A_1412 : i32 to vector<1x256xi32>
    %add3A_1414 = arith.addi %bitcast_convert_type3A_1411, %add3A_1413 : vector<1x256xi32>
    %shift_right_logical3A_1415 = arith.constant 16 : i32
    %shift_right_logical3A_1416 = vector.broadcast %shift_right_logical3A_1415 : i32 to vector<1x256xi32>
    %shift_right_logical3A_1417 = arith.shrui %bitcast_convert_type3A_1411, %shift_right_logical3A_1416 : vector<1x256xi32>
    %and3A_1418 = arith.constant 1 : i32
    %and3A_1419 = vector.broadcast %and3A_1418 : i32 to vector<1x256xi32>
    %and3A_1420 = arith.andi %shift_right_logical3A_1417, %and3A_1419 : vector<1x256xi32>
    %add3A_1421 = arith.addi %add3A_1414, %and3A_1420 : vector<1x256xi32>
    %shift_right_logical3A_1422 = arith.constant 16 : i32
    %shift_right_logical3A_1423 = vector.broadcast %shift_right_logical3A_1422 : i32 to vector<1x256xi32>
    %shift_right_logical3A_1424 = arith.shrui %add3A_1421, %shift_right_logical3A_1423 : vector<1x256xi32>
    %shift_left3A_1425 = arith.constant 16 : i32
    %shift_left3A_1426 = vector.broadcast %shift_left3A_1425 : i32 to vector<1x256xi32>
    %shift_left3A_1427 = arith.shli %shift_right_logical3A_1424, %shift_left3A_1426 : vector<1x256xi32>
    %or3A_1428 = arith.ori %shift_right_logical3A_1409, %shift_left3A_1427 : vector<1x256xi32>
    %slice3A_1429 = vector.extract_strided_slice %add3A_345 {offsets = [0, 16384], sizes = [1, 256], strides = [1, 1]} : vector<1x20480xf32> to vector<1x256xf32>
    %bitcast_convert_type3A_1430 = tpu.bitcast %slice3A_1429 : vector<1x256xf32> -> vector<1x256xi32>
    %add3A_1431 = arith.constant 32767 : i32
    %add3A_1432 = vector.broadcast %add3A_1431 : i32 to vector<1x256xi32>
    %add3A_1433 = arith.addi %bitcast_convert_type3A_1430, %add3A_1432 : vector<1x256xi32>
    %shift_right_logical3A_1434 = arith.constant 16 : i32
    %shift_right_logical3A_1435 = vector.broadcast %shift_right_logical3A_1434 : i32 to vector<1x256xi32>
    %shift_right_logical3A_1436 = arith.shrui %bitcast_convert_type3A_1430, %shift_right_logical3A_1435 : vector<1x256xi32>
    %and3A_1437 = arith.constant 1 : i32
    %and3A_1438 = vector.broadcast %and3A_1437 : i32 to vector<1x256xi32>
    %and3A_1439 = arith.andi %shift_right_logical3A_1436, %and3A_1438 : vector<1x256xi32>
    %add3A_1440 = arith.addi %add3A_1433, %and3A_1439 : vector<1x256xi32>
    %shift_right_logical3A_1441 = arith.constant 16 : i32
    %shift_right_logical3A_1442 = vector.broadcast %shift_right_logical3A_1441 : i32 to vector<1x256xi32>
    %shift_right_logical3A_1443 = arith.shrui %add3A_1440, %shift_right_logical3A_1442 : vector<1x256xi32>
    %slice3A_1444 = vector.extract_strided_slice %add3A_345 {offsets = [0, 16640], sizes = [1, 256], strides = [1, 1]} : vector<1x20480xf32> to vector<1x256xf32>
    %bitcast_convert_type3A_1445 = tpu.bitcast %slice3A_1444 : vector<1x256xf32> -> vector<1x256xi32>
    %add3A_1446 = arith.constant 32767 : i32
    %add3A_1447 = vector.broadcast %add3A_1446 : i32 to vector<1x256xi32>
    %add3A_1448 = arith.addi %bitcast_convert_type3A_1445, %add3A_1447 : vector<1x256xi32>
    %shift_right_logical3A_1449 = arith.constant 16 : i32
    %shift_right_logical3A_1450 = vector.broadcast %shift_right_logical3A_1449 : i32 to vector<1x256xi32>
    %shift_right_logical3A_1451 = arith.shrui %bitcast_convert_type3A_1445, %shift_right_logical3A_1450 : vector<1x256xi32>
    %and3A_1452 = arith.constant 1 : i32
    %and3A_1453 = vector.broadcast %and3A_1452 : i32 to vector<1x256xi32>
    %and3A_1454 = arith.andi %shift_right_logical3A_1451, %and3A_1453 : vector<1x256xi32>
    %add3A_1455 = arith.addi %add3A_1448, %and3A_1454 : vector<1x256xi32>
    %shift_right_logical3A_1456 = arith.constant 16 : i32
    %shift_right_logical3A_1457 = vector.broadcast %shift_right_logical3A_1456 : i32 to vector<1x256xi32>
    %shift_right_logical3A_1458 = arith.shrui %add3A_1455, %shift_right_logical3A_1457 : vector<1x256xi32>
    %shift_left3A_1459 = arith.constant 16 : i32
    %shift_left3A_1460 = vector.broadcast %shift_left3A_1459 : i32 to vector<1x256xi32>
    %shift_left3A_1461 = arith.shli %shift_right_logical3A_1458, %shift_left3A_1460 : vector<1x256xi32>
    %or3A_1462 = arith.ori %shift_right_logical3A_1443, %shift_left3A_1461 : vector<1x256xi32>
    %slice3A_1463 = vector.extract_strided_slice %add3A_345 {offsets = [0, 16896], sizes = [1, 256], strides = [1, 1]} : vector<1x20480xf32> to vector<1x256xf32>
    %bitcast_convert_type3A_1464 = tpu.bitcast %slice3A_1463 : vector<1x256xf32> -> vector<1x256xi32>
    %add3A_1465 = arith.constant 32767 : i32
    %add3A_1466 = vector.broadcast %add3A_1465 : i32 to vector<1x256xi32>
    %add3A_1467 = arith.addi %bitcast_convert_type3A_1464, %add3A_1466 : vector<1x256xi32>
    %shift_right_logical3A_1468 = arith.constant 16 : i32
    %shift_right_logical3A_1469 = vector.broadcast %shift_right_logical3A_1468 : i32 to vector<1x256xi32>
    %shift_right_logical3A_1470 = arith.shrui %bitcast_convert_type3A_1464, %shift_right_logical3A_1469 : vector<1x256xi32>
    %and3A_1471 = arith.constant 1 : i32
    %and3A_1472 = vector.broadcast %and3A_1471 : i32 to vector<1x256xi32>
    %and3A_1473 = arith.andi %shift_right_logical3A_1470, %and3A_1472 : vector<1x256xi32>
    %add3A_1474 = arith.addi %add3A_1467, %and3A_1473 : vector<1x256xi32>
    %shift_right_logical3A_1475 = arith.constant 16 : i32
    %shift_right_logical3A_1476 = vector.broadcast %shift_right_logical3A_1475 : i32 to vector<1x256xi32>
    %shift_right_logical3A_1477 = arith.shrui %add3A_1474, %shift_right_logical3A_1476 : vector<1x256xi32>
    %slice3A_1478 = vector.extract_strided_slice %add3A_345 {offsets = [0, 17152], sizes = [1, 256], strides = [1, 1]} : vector<1x20480xf32> to vector<1x256xf32>
    %bitcast_convert_type3A_1479 = tpu.bitcast %slice3A_1478 : vector<1x256xf32> -> vector<1x256xi32>
    %add3A_1480 = arith.constant 32767 : i32
    %add3A_1481 = vector.broadcast %add3A_1480 : i32 to vector<1x256xi32>
    %add3A_1482 = arith.addi %bitcast_convert_type3A_1479, %add3A_1481 : vector<1x256xi32>
    %shift_right_logical3A_1483 = arith.constant 16 : i32
    %shift_right_logical3A_1484 = vector.broadcast %shift_right_logical3A_1483 : i32 to vector<1x256xi32>
    %shift_right_logical3A_1485 = arith.shrui %bitcast_convert_type3A_1479, %shift_right_logical3A_1484 : vector<1x256xi32>
    %and3A_1486 = arith.constant 1 : i32
    %and3A_1487 = vector.broadcast %and3A_1486 : i32 to vector<1x256xi32>
    %and3A_1488 = arith.andi %shift_right_logical3A_1485, %and3A_1487 : vector<1x256xi32>
    %add3A_1489 = arith.addi %add3A_1482, %and3A_1488 : vector<1x256xi32>
    %shift_right_logical3A_1490 = arith.constant 16 : i32
    %shift_right_logical3A_1491 = vector.broadcast %shift_right_logical3A_1490 : i32 to vector<1x256xi32>
    %shift_right_logical3A_1492 = arith.shrui %add3A_1489, %shift_right_logical3A_1491 : vector<1x256xi32>
    %shift_left3A_1493 = arith.constant 16 : i32
    %shift_left3A_1494 = vector.broadcast %shift_left3A_1493 : i32 to vector<1x256xi32>
    %shift_left3A_1495 = arith.shli %shift_right_logical3A_1492, %shift_left3A_1494 : vector<1x256xi32>
    %or3A_1496 = arith.ori %shift_right_logical3A_1477, %shift_left3A_1495 : vector<1x256xi32>
    %slice3A_1497 = vector.extract_strided_slice %add3A_345 {offsets = [0, 17408], sizes = [1, 256], strides = [1, 1]} : vector<1x20480xf32> to vector<1x256xf32>
    %bitcast_convert_type3A_1498 = tpu.bitcast %slice3A_1497 : vector<1x256xf32> -> vector<1x256xi32>
    %add3A_1499 = arith.constant 32767 : i32
    %add3A_1500 = vector.broadcast %add3A_1499 : i32 to vector<1x256xi32>
    %add3A_1501 = arith.addi %bitcast_convert_type3A_1498, %add3A_1500 : vector<1x256xi32>
    %shift_right_logical3A_1502 = arith.constant 16 : i32
    %shift_right_logical3A_1503 = vector.broadcast %shift_right_logical3A_1502 : i32 to vector<1x256xi32>
    %shift_right_logical3A_1504 = arith.shrui %bitcast_convert_type3A_1498, %shift_right_logical3A_1503 : vector<1x256xi32>
    %and3A_1505 = arith.constant 1 : i32
    %and3A_1506 = vector.broadcast %and3A_1505 : i32 to vector<1x256xi32>
    %and3A_1507 = arith.andi %shift_right_logical3A_1504, %and3A_1506 : vector<1x256xi32>
    %add3A_1508 = arith.addi %add3A_1501, %and3A_1507 : vector<1x256xi32>
    %shift_right_logical3A_1509 = arith.constant 16 : i32
    %shift_right_logical3A_1510 = vector.broadcast %shift_right_logical3A_1509 : i32 to vector<1x256xi32>
    %shift_right_logical3A_1511 = arith.shrui %add3A_1508, %shift_right_logical3A_1510 : vector<1x256xi32>
    %slice3A_1512 = vector.extract_strided_slice %add3A_345 {offsets = [0, 17664], sizes = [1, 256], strides = [1, 1]} : vector<1x20480xf32> to vector<1x256xf32>
    %bitcast_convert_type3A_1513 = tpu.bitcast %slice3A_1512 : vector<1x256xf32> -> vector<1x256xi32>
    %add3A_1514 = arith.constant 32767 : i32
    %add3A_1515 = vector.broadcast %add3A_1514 : i32 to vector<1x256xi32>
    %add3A_1516 = arith.addi %bitcast_convert_type3A_1513, %add3A_1515 : vector<1x256xi32>
    %shift_right_logical3A_1517 = arith.constant 16 : i32
    %shift_right_logical3A_1518 = vector.broadcast %shift_right_logical3A_1517 : i32 to vector<1x256xi32>
    %shift_right_logical3A_1519 = arith.shrui %bitcast_convert_type3A_1513, %shift_right_logical3A_1518 : vector<1x256xi32>
    %and3A_1520 = arith.constant 1 : i32
    %and3A_1521 = vector.broadcast %and3A_1520 : i32 to vector<1x256xi32>
    %and3A_1522 = arith.andi %shift_right_logical3A_1519, %and3A_1521 : vector<1x256xi32>
    %add3A_1523 = arith.addi %add3A_1516, %and3A_1522 : vector<1x256xi32>
    %shift_right_logical3A_1524 = arith.constant 16 : i32
    %shift_right_logical3A_1525 = vector.broadcast %shift_right_logical3A_1524 : i32 to vector<1x256xi32>
    %shift_right_logical3A_1526 = arith.shrui %add3A_1523, %shift_right_logical3A_1525 : vector<1x256xi32>
    %shift_left3A_1527 = arith.constant 16 : i32
    %shift_left3A_1528 = vector.broadcast %shift_left3A_1527 : i32 to vector<1x256xi32>
    %shift_left3A_1529 = arith.shli %shift_right_logical3A_1526, %shift_left3A_1528 : vector<1x256xi32>
    %or3A_1530 = arith.ori %shift_right_logical3A_1511, %shift_left3A_1529 : vector<1x256xi32>
    %slice3A_1531 = vector.extract_strided_slice %add3A_345 {offsets = [0, 17920], sizes = [1, 256], strides = [1, 1]} : vector<1x20480xf32> to vector<1x256xf32>
    %bitcast_convert_type3A_1532 = tpu.bitcast %slice3A_1531 : vector<1x256xf32> -> vector<1x256xi32>
    %add3A_1533 = arith.constant 32767 : i32
    %add3A_1534 = vector.broadcast %add3A_1533 : i32 to vector<1x256xi32>
    %add3A_1535 = arith.addi %bitcast_convert_type3A_1532, %add3A_1534 : vector<1x256xi32>
    %shift_right_logical3A_1536 = arith.constant 16 : i32
    %shift_right_logical3A_1537 = vector.broadcast %shift_right_logical3A_1536 : i32 to vector<1x256xi32>
    %shift_right_logical3A_1538 = arith.shrui %bitcast_convert_type3A_1532, %shift_right_logical3A_1537 : vector<1x256xi32>
    %and3A_1539 = arith.constant 1 : i32
    %and3A_1540 = vector.broadcast %and3A_1539 : i32 to vector<1x256xi32>
    %and3A_1541 = arith.andi %shift_right_logical3A_1538, %and3A_1540 : vector<1x256xi32>
    %add3A_1542 = arith.addi %add3A_1535, %and3A_1541 : vector<1x256xi32>
    %shift_right_logical3A_1543 = arith.constant 16 : i32
    %shift_right_logical3A_1544 = vector.broadcast %shift_right_logical3A_1543 : i32 to vector<1x256xi32>
    %shift_right_logical3A_1545 = arith.shrui %add3A_1542, %shift_right_logical3A_1544 : vector<1x256xi32>
    %slice3A_1546 = vector.extract_strided_slice %add3A_345 {offsets = [0, 18176], sizes = [1, 256], strides = [1, 1]} : vector<1x20480xf32> to vector<1x256xf32>
    %bitcast_convert_type3A_1547 = tpu.bitcast %slice3A_1546 : vector<1x256xf32> -> vector<1x256xi32>
    %add3A_1548 = arith.constant 32767 : i32
    %add3A_1549 = vector.broadcast %add3A_1548 : i32 to vector<1x256xi32>
    %add3A_1550 = arith.addi %bitcast_convert_type3A_1547, %add3A_1549 : vector<1x256xi32>
    %shift_right_logical3A_1551 = arith.constant 16 : i32
    %shift_right_logical3A_1552 = vector.broadcast %shift_right_logical3A_1551 : i32 to vector<1x256xi32>
    %shift_right_logical3A_1553 = arith.shrui %bitcast_convert_type3A_1547, %shift_right_logical3A_1552 : vector<1x256xi32>
    %and3A_1554 = arith.constant 1 : i32
    %and3A_1555 = vector.broadcast %and3A_1554 : i32 to vector<1x256xi32>
    %and3A_1556 = arith.andi %shift_right_logical3A_1553, %and3A_1555 : vector<1x256xi32>
    %add3A_1557 = arith.addi %add3A_1550, %and3A_1556 : vector<1x256xi32>
    %shift_right_logical3A_1558 = arith.constant 16 : i32
    %shift_right_logical3A_1559 = vector.broadcast %shift_right_logical3A_1558 : i32 to vector<1x256xi32>
    %shift_right_logical3A_1560 = arith.shrui %add3A_1557, %shift_right_logical3A_1559 : vector<1x256xi32>
    %shift_left3A_1561 = arith.constant 16 : i32
    %shift_left3A_1562 = vector.broadcast %shift_left3A_1561 : i32 to vector<1x256xi32>
    %shift_left3A_1563 = arith.shli %shift_right_logical3A_1560, %shift_left3A_1562 : vector<1x256xi32>
    %or3A_1564 = arith.ori %shift_right_logical3A_1545, %shift_left3A_1563 : vector<1x256xi32>
    %slice3A_1565 = vector.extract_strided_slice %add3A_345 {offsets = [0, 18432], sizes = [1, 256], strides = [1, 1]} : vector<1x20480xf32> to vector<1x256xf32>
    %bitcast_convert_type3A_1566 = tpu.bitcast %slice3A_1565 : vector<1x256xf32> -> vector<1x256xi32>
    %add3A_1567 = arith.constant 32767 : i32
    %add3A_1568 = vector.broadcast %add3A_1567 : i32 to vector<1x256xi32>
    %add3A_1569 = arith.addi %bitcast_convert_type3A_1566, %add3A_1568 : vector<1x256xi32>
    %shift_right_logical3A_1570 = arith.constant 16 : i32
    %shift_right_logical3A_1571 = vector.broadcast %shift_right_logical3A_1570 : i32 to vector<1x256xi32>
    %shift_right_logical3A_1572 = arith.shrui %bitcast_convert_type3A_1566, %shift_right_logical3A_1571 : vector<1x256xi32>
    %and3A_1573 = arith.constant 1 : i32
    %and3A_1574 = vector.broadcast %and3A_1573 : i32 to vector<1x256xi32>
    %and3A_1575 = arith.andi %shift_right_logical3A_1572, %and3A_1574 : vector<1x256xi32>
    %add3A_1576 = arith.addi %add3A_1569, %and3A_1575 : vector<1x256xi32>
    %shift_right_logical3A_1577 = arith.constant 16 : i32
    %shift_right_logical3A_1578 = vector.broadcast %shift_right_logical3A_1577 : i32 to vector<1x256xi32>
    %shift_right_logical3A_1579 = arith.shrui %add3A_1576, %shift_right_logical3A_1578 : vector<1x256xi32>
    %slice3A_1580 = vector.extract_strided_slice %add3A_345 {offsets = [0, 18688], sizes = [1, 256], strides = [1, 1]} : vector<1x20480xf32> to vector<1x256xf32>
    %bitcast_convert_type3A_1581 = tpu.bitcast %slice3A_1580 : vector<1x256xf32> -> vector<1x256xi32>
    %add3A_1582 = arith.constant 32767 : i32
    %add3A_1583 = vector.broadcast %add3A_1582 : i32 to vector<1x256xi32>
    %add3A_1584 = arith.addi %bitcast_convert_type3A_1581, %add3A_1583 : vector<1x256xi32>
    %shift_right_logical3A_1585 = arith.constant 16 : i32
    %shift_right_logical3A_1586 = vector.broadcast %shift_right_logical3A_1585 : i32 to vector<1x256xi32>
    %shift_right_logical3A_1587 = arith.shrui %bitcast_convert_type3A_1581, %shift_right_logical3A_1586 : vector<1x256xi32>
    %and3A_1588 = arith.constant 1 : i32
    %and3A_1589 = vector.broadcast %and3A_1588 : i32 to vector<1x256xi32>
    %and3A_1590 = arith.andi %shift_right_logical3A_1587, %and3A_1589 : vector<1x256xi32>
    %add3A_1591 = arith.addi %add3A_1584, %and3A_1590 : vector<1x256xi32>
    %shift_right_logical3A_1592 = arith.constant 16 : i32
    %shift_right_logical3A_1593 = vector.broadcast %shift_right_logical3A_1592 : i32 to vector<1x256xi32>
    %shift_right_logical3A_1594 = arith.shrui %add3A_1591, %shift_right_logical3A_1593 : vector<1x256xi32>
    %shift_left3A_1595 = arith.constant 16 : i32
    %shift_left3A_1596 = vector.broadcast %shift_left3A_1595 : i32 to vector<1x256xi32>
    %shift_left3A_1597 = arith.shli %shift_right_logical3A_1594, %shift_left3A_1596 : vector<1x256xi32>
    %or3A_1598 = arith.ori %shift_right_logical3A_1579, %shift_left3A_1597 : vector<1x256xi32>
    %slice3A_1599 = vector.extract_strided_slice %add3A_345 {offsets = [0, 18944], sizes = [1, 256], strides = [1, 1]} : vector<1x20480xf32> to vector<1x256xf32>
    %bitcast_convert_type3A_1600 = tpu.bitcast %slice3A_1599 : vector<1x256xf32> -> vector<1x256xi32>
    %add3A_1601 = arith.constant 32767 : i32
    %add3A_1602 = vector.broadcast %add3A_1601 : i32 to vector<1x256xi32>
    %add3A_1603 = arith.addi %bitcast_convert_type3A_1600, %add3A_1602 : vector<1x256xi32>
    %shift_right_logical3A_1604 = arith.constant 16 : i32
    %shift_right_logical3A_1605 = vector.broadcast %shift_right_logical3A_1604 : i32 to vector<1x256xi32>
    %shift_right_logical3A_1606 = arith.shrui %bitcast_convert_type3A_1600, %shift_right_logical3A_1605 : vector<1x256xi32>
    %and3A_1607 = arith.constant 1 : i32
    %and3A_1608 = vector.broadcast %and3A_1607 : i32 to vector<1x256xi32>
    %and3A_1609 = arith.andi %shift_right_logical3A_1606, %and3A_1608 : vector<1x256xi32>
    %add3A_1610 = arith.addi %add3A_1603, %and3A_1609 : vector<1x256xi32>
    %shift_right_logical3A_1611 = arith.constant 16 : i32
    %shift_right_logical3A_1612 = vector.broadcast %shift_right_logical3A_1611 : i32 to vector<1x256xi32>
    %shift_right_logical3A_1613 = arith.shrui %add3A_1610, %shift_right_logical3A_1612 : vector<1x256xi32>
    %slice3A_1614 = vector.extract_strided_slice %add3A_345 {offsets = [0, 19200], sizes = [1, 256], strides = [1, 1]} : vector<1x20480xf32> to vector<1x256xf32>
    %bitcast_convert_type3A_1615 = tpu.bitcast %slice3A_1614 : vector<1x256xf32> -> vector<1x256xi32>
    %add3A_1616 = arith.constant 32767 : i32
    %add3A_1617 = vector.broadcast %add3A_1616 : i32 to vector<1x256xi32>
    %add3A_1618 = arith.addi %bitcast_convert_type3A_1615, %add3A_1617 : vector<1x256xi32>
    %shift_right_logical3A_1619 = arith.constant 16 : i32
    %shift_right_logical3A_1620 = vector.broadcast %shift_right_logical3A_1619 : i32 to vector<1x256xi32>
    %shift_right_logical3A_1621 = arith.shrui %bitcast_convert_type3A_1615, %shift_right_logical3A_1620 : vector<1x256xi32>
    %and3A_1622 = arith.constant 1 : i32
    %and3A_1623 = vector.broadcast %and3A_1622 : i32 to vector<1x256xi32>
    %and3A_1624 = arith.andi %shift_right_logical3A_1621, %and3A_1623 : vector<1x256xi32>
    %add3A_1625 = arith.addi %add3A_1618, %and3A_1624 : vector<1x256xi32>
    %shift_right_logical3A_1626 = arith.constant 16 : i32
    %shift_right_logical3A_1627 = vector.broadcast %shift_right_logical3A_1626 : i32 to vector<1x256xi32>
    %shift_right_logical3A_1628 = arith.shrui %add3A_1625, %shift_right_logical3A_1627 : vector<1x256xi32>
    %shift_left3A_1629 = arith.constant 16 : i32
    %shift_left3A_1630 = vector.broadcast %shift_left3A_1629 : i32 to vector<1x256xi32>
    %shift_left3A_1631 = arith.shli %shift_right_logical3A_1628, %shift_left3A_1630 : vector<1x256xi32>
    %or3A_1632 = arith.ori %shift_right_logical3A_1613, %shift_left3A_1631 : vector<1x256xi32>
    %slice3A_1633 = vector.extract_strided_slice %add3A_345 {offsets = [0, 19456], sizes = [1, 256], strides = [1, 1]} : vector<1x20480xf32> to vector<1x256xf32>
    %bitcast_convert_type3A_1634 = tpu.bitcast %slice3A_1633 : vector<1x256xf32> -> vector<1x256xi32>
    %add3A_1635 = arith.constant 32767 : i32
    %add3A_1636 = vector.broadcast %add3A_1635 : i32 to vector<1x256xi32>
    %add3A_1637 = arith.addi %bitcast_convert_type3A_1634, %add3A_1636 : vector<1x256xi32>
    %shift_right_logical3A_1638 = arith.constant 16 : i32
    %shift_right_logical3A_1639 = vector.broadcast %shift_right_logical3A_1638 : i32 to vector<1x256xi32>
    %shift_right_logical3A_1640 = arith.shrui %bitcast_convert_type3A_1634, %shift_right_logical3A_1639 : vector<1x256xi32>
    %and3A_1641 = arith.constant 1 : i32
    %and3A_1642 = vector.broadcast %and3A_1641 : i32 to vector<1x256xi32>
    %and3A_1643 = arith.andi %shift_right_logical3A_1640, %and3A_1642 : vector<1x256xi32>
    %add3A_1644 = arith.addi %add3A_1637, %and3A_1643 : vector<1x256xi32>
    %shift_right_logical3A_1645 = arith.constant 16 : i32
    %shift_right_logical3A_1646 = vector.broadcast %shift_right_logical3A_1645 : i32 to vector<1x256xi32>
    %shift_right_logical3A_1647 = arith.shrui %add3A_1644, %shift_right_logical3A_1646 : vector<1x256xi32>
    %slice3A_1648 = vector.extract_strided_slice %add3A_345 {offsets = [0, 19712], sizes = [1, 256], strides = [1, 1]} : vector<1x20480xf32> to vector<1x256xf32>
    %bitcast_convert_type3A_1649 = tpu.bitcast %slice3A_1648 : vector<1x256xf32> -> vector<1x256xi32>
    %add3A_1650 = arith.constant 32767 : i32
    %add3A_1651 = vector.broadcast %add3A_1650 : i32 to vector<1x256xi32>
    %add3A_1652 = arith.addi %bitcast_convert_type3A_1649, %add3A_1651 : vector<1x256xi32>
    %shift_right_logical3A_1653 = arith.constant 16 : i32
    %shift_right_logical3A_1654 = vector.broadcast %shift_right_logical3A_1653 : i32 to vector<1x256xi32>
    %shift_right_logical3A_1655 = arith.shrui %bitcast_convert_type3A_1649, %shift_right_logical3A_1654 : vector<1x256xi32>
    %and3A_1656 = arith.constant 1 : i32
    %and3A_1657 = vector.broadcast %and3A_1656 : i32 to vector<1x256xi32>
    %and3A_1658 = arith.andi %shift_right_logical3A_1655, %and3A_1657 : vector<1x256xi32>
    %add3A_1659 = arith.addi %add3A_1652, %and3A_1658 : vector<1x256xi32>
    %shift_right_logical3A_1660 = arith.constant 16 : i32
    %shift_right_logical3A_1661 = vector.broadcast %shift_right_logical3A_1660 : i32 to vector<1x256xi32>
    %shift_right_logical3A_1662 = arith.shrui %add3A_1659, %shift_right_logical3A_1661 : vector<1x256xi32>
    %shift_left3A_1663 = arith.constant 16 : i32
    %shift_left3A_1664 = vector.broadcast %shift_left3A_1663 : i32 to vector<1x256xi32>
    %shift_left3A_1665 = arith.shli %shift_right_logical3A_1662, %shift_left3A_1664 : vector<1x256xi32>
    %or3A_1666 = arith.ori %shift_right_logical3A_1647, %shift_left3A_1665 : vector<1x256xi32>
    %slice3A_1667 = vector.extract_strided_slice %add3A_345 {offsets = [0, 19968], sizes = [1, 256], strides = [1, 1]} : vector<1x20480xf32> to vector<1x256xf32>
    %bitcast_convert_type3A_1668 = tpu.bitcast %slice3A_1667 : vector<1x256xf32> -> vector<1x256xi32>
    %add3A_1669 = arith.constant 32767 : i32
    %add3A_1670 = vector.broadcast %add3A_1669 : i32 to vector<1x256xi32>
    %add3A_1671 = arith.addi %bitcast_convert_type3A_1668, %add3A_1670 : vector<1x256xi32>
    %shift_right_logical3A_1672 = arith.constant 16 : i32
    %shift_right_logical3A_1673 = vector.broadcast %shift_right_logical3A_1672 : i32 to vector<1x256xi32>
    %shift_right_logical3A_1674 = arith.shrui %bitcast_convert_type3A_1668, %shift_right_logical3A_1673 : vector<1x256xi32>
    %and3A_1675 = arith.constant 1 : i32
    %and3A_1676 = vector.broadcast %and3A_1675 : i32 to vector<1x256xi32>
    %and3A_1677 = arith.andi %shift_right_logical3A_1674, %and3A_1676 : vector<1x256xi32>
    %add3A_1678 = arith.addi %add3A_1671, %and3A_1677 : vector<1x256xi32>
    %shift_right_logical3A_1679 = arith.constant 16 : i32
    %shift_right_logical3A_1680 = vector.broadcast %shift_right_logical3A_1679 : i32 to vector<1x256xi32>
    %shift_right_logical3A_1681 = arith.shrui %add3A_1678, %shift_right_logical3A_1680 : vector<1x256xi32>
    %slice3A_1682 = vector.extract_strided_slice %add3A_345 {offsets = [0, 20224], sizes = [1, 256], strides = [1, 1]} : vector<1x20480xf32> to vector<1x256xf32>
    %bitcast_convert_type3A_1683 = tpu.bitcast %slice3A_1682 : vector<1x256xf32> -> vector<1x256xi32>
    %add3A_1684 = arith.constant 32767 : i32
    %add3A_1685 = vector.broadcast %add3A_1684 : i32 to vector<1x256xi32>
    %add3A_1686 = arith.addi %bitcast_convert_type3A_1683, %add3A_1685 : vector<1x256xi32>
    %shift_right_logical3A_1687 = arith.constant 16 : i32
    %shift_right_logical3A_1688 = vector.broadcast %shift_right_logical3A_1687 : i32 to vector<1x256xi32>
    %shift_right_logical3A_1689 = arith.shrui %bitcast_convert_type3A_1683, %shift_right_logical3A_1688 : vector<1x256xi32>
    %and3A_1690 = arith.constant 1 : i32
    %and3A_1691 = vector.broadcast %and3A_1690 : i32 to vector<1x256xi32>
    %and3A_1692 = arith.andi %shift_right_logical3A_1689, %and3A_1691 : vector<1x256xi32>
    %add3A_1693 = arith.addi %add3A_1686, %and3A_1692 : vector<1x256xi32>
    %shift_right_logical3A_1694 = arith.constant 16 : i32
    %shift_right_logical3A_1695 = vector.broadcast %shift_right_logical3A_1694 : i32 to vector<1x256xi32>
    %shift_right_logical3A_1696 = arith.shrui %add3A_1693, %shift_right_logical3A_1695 : vector<1x256xi32>
    %shift_left3A_1697 = arith.constant 16 : i32
    %shift_left3A_1698 = vector.broadcast %shift_left3A_1697 : i32 to vector<1x256xi32>
    %shift_left3A_1699 = arith.shli %shift_right_logical3A_1696, %shift_left3A_1698 : vector<1x256xi32>
    %or3A_1700 = arith.ori %shift_right_logical3A_1681, %shift_left3A_1699 : vector<1x256xi32>
    %concatenate3A = tpu.concatenate %or3A, %or3A_408, %or3A_442, %or3A_476, %or3A_510, %or3A_544, %or3A_578, %or3A_612, %or3A_646, %or3A_680, %or3A_714, %or3A_748, %or3A_782, %or3A_816, %or3A_850, %or3A_884, %or3A_918, %or3A_952, %or3A_986, %or3A_1020, %or3A_1054, %or3A_1088, %or3A_1122, %or3A_1156, %or3A_1190, %or3A_1224, %or3A_1258, %or3A_1292, %or3A_1326, %or3A_1360, %or3A_1394, %or3A_1428, %or3A_1462, %or3A_1496, %or3A_1530, %or3A_1564, %or3A_1598, %or3A_1632, %or3A_1666, %or3A_1700 in 0 : vector<1x256xi32>, vector<1x256xi32>, vector<1x256xi32>, vector<1x256xi32>, vector<1x256xi32>, vector<1x256xi32>, vector<1x256xi32>, vector<1x256xi32>, vector<1x256xi32>, vector<1x256xi32>, vector<1x256xi32>, vector<1x256xi32>, vector<1x256xi32>, vector<1x256xi32>, vector<1x256xi32>, vector<1x256xi32>, vector<1x256xi32>, vector<1x256xi32>, vector<1x256xi32>, vector<1x256xi32>, vector<1x256xi32>, vector<1x256xi32>, vector<1x256xi32>, vector<1x256xi32>, vector<1x256xi32>, vector<1x256xi32>, vector<1x256xi32>, vector<1x256xi32>, vector<1x256xi32>, vector<1x256xi32>, vector<1x256xi32>, vector<1x256xi32>, vector<1x256xi32>, vector<1x256xi32>, vector<1x256xi32>, vector<1x256xi32>, vector<1x256xi32>, vector<1x256xi32>, vector<1x256xi32>, vector<1x256xi32> -> vector<40x256xi32>
    %swap3A = arith.constant 0 : index
    %swap3A_1701 = arith.constant 0 : index
    %swap3A_1702 = vector.load %arg9[%swap3A, %swap3A_1701] : memref<40x256xi32, #tpu.memory_space<vmem>>, vector<40x256xi32>
    tpu.vector_store %arg9[%swap3A, %swap3A_1701], %concatenate3A {strides = array<i32>} : memref<40x256xi32, #tpu.memory_space<vmem>>, vector<40x256xi32>,
    %slice3A_1703 = vector.extract_strided_slice %get3A_328 {offsets = [0, 0], sizes = [1, 20480], strides = [1, 1]} : vector<4x20480xf32> to vector<1x20480xf32>
    %mul3A_1704 = vector.broadcast %add3A_161 : f32 to vector<1x20480xf32>
    %mul3A_1705 = arith.mulf %mul3A_1704, %slice3A_1703 : vector<1x20480xf32>
    %add3A_1706 = arith.constant 0.000000e+00 : f32
    %add3A_1707 = vector.broadcast %add3A_1706 : f32 to vector<1x20480xf32>
    %add3A_1708 = arith.addf %add3A_1707, %mul3A_1705 : vector<1x20480xf32>
    %slice3A_1709 = vector.extract_strided_slice %get3A_328 {offsets = [1, 0], sizes = [1, 20480], strides = [1, 1]} : vector<4x20480xf32> to vector<1x20480xf32>
    %mul3A_1710 = vector.broadcast %add3A_194 : f32 to vector<1x20480xf32>
    %mul3A_1711 = arith.mulf %mul3A_1710, %slice3A_1709 : vector<1x20480xf32>
    %add3A_1712 = arith.addf %add3A_1708, %mul3A_1711 : vector<1x20480xf32>
    %slice3A_1713 = vector.extract_strided_slice %get3A_328 {offsets = [2, 0], sizes = [1, 20480], strides = [1, 1]} : vector<4x20480xf32> to vector<1x20480xf32>
    %mul3A_1714 = vector.broadcast %add3A_227 : f32 to vector<1x20480xf32>
    %mul3A_1715 = arith.mulf %mul3A_1714, %slice3A_1713 : vector<1x20480xf32>
    %add3A_1716 = arith.addf %add3A_1712, %mul3A_1715 : vector<1x20480xf32>
    %slice3A_1717 = vector.extract_strided_slice %get3A_328 {offsets = [3, 0], sizes = [1, 20480], strides = [1, 1]} : vector<4x20480xf32> to vector<1x20480xf32>
    %mul3A_1718 = vector.broadcast %add3A_260 : f32 to vector<1x20480xf32>
    %mul3A_1719 = arith.mulf %mul3A_1718, %slice3A_1717 : vector<1x20480xf32>
    %add3A_1720 = arith.addf %add3A_1716, %mul3A_1719 : vector<1x20480xf32>
    %add3A_1721 = vector.broadcast %add3A_322 : f32 to vector<1x20480xf32>
    %add3A_1722 = arith.addf %add3A_1720, %add3A_1721 : vector<1x20480xf32>
    %slice3A_1723 = vector.extract_strided_slice %add3A_1722 {offsets = [0, 0], sizes = [1, 256], strides = [1, 1]} : vector<1x20480xf32> to vector<1x256xf32>
    %bitcast_convert_type3A_1724 = tpu.bitcast %slice3A_1723 : vector<1x256xf32> -> vector<1x256xi32>
    %add3A_1725 = arith.constant 32767 : i32
    %add3A_1726 = vector.broadcast %add3A_1725 : i32 to vector<1x256xi32>
    %add3A_1727 = arith.addi %bitcast_convert_type3A_1724, %add3A_1726 : vector<1x256xi32>
    %shift_right_logical3A_1728 = arith.constant 16 : i32
    %shift_right_logical3A_1729 = vector.broadcast %shift_right_logical3A_1728 : i32 to vector<1x256xi32>
    %shift_right_logical3A_1730 = arith.shrui %bitcast_convert_type3A_1724, %shift_right_logical3A_1729 : vector<1x256xi32>
    %and3A_1731 = arith.constant 1 : i32
    %and3A_1732 = vector.broadcast %and3A_1731 : i32 to vector<1x256xi32>
    %and3A_1733 = arith.andi %shift_right_logical3A_1730, %and3A_1732 : vector<1x256xi32>
    %add3A_1734 = arith.addi %add3A_1727, %and3A_1733 : vector<1x256xi32>
    %shift_right_logical3A_1735 = arith.constant 16 : i32
    %shift_right_logical3A_1736 = vector.broadcast %shift_right_logical3A_1735 : i32 to vector<1x256xi32>
    %shift_right_logical3A_1737 = arith.shrui %add3A_1734, %shift_right_logical3A_1736 : vector<1x256xi32>
    %slice3A_1738 = vector.extract_strided_slice %add3A_1722 {offsets = [0, 256], sizes = [1, 256], strides = [1, 1]} : vector<1x20480xf32> to vector<1x256xf32>
    %bitcast_convert_type3A_1739 = tpu.bitcast %slice3A_1738 : vector<1x256xf32> -> vector<1x256xi32>
    %add3A_1740 = arith.constant 32767 : i32
    %add3A_1741 = vector.broadcast %add3A_1740 : i32 to vector<1x256xi32>
    %add3A_1742 = arith.addi %bitcast_convert_type3A_1739, %add3A_1741 : vector<1x256xi32>
    %shift_right_logical3A_1743 = arith.constant 16 : i32
    %shift_right_logical3A_1744 = vector.broadcast %shift_right_logical3A_1743 : i32 to vector<1x256xi32>
    %shift_right_logical3A_1745 = arith.shrui %bitcast_convert_type3A_1739, %shift_right_logical3A_1744 : vector<1x256xi32>
    %and3A_1746 = arith.constant 1 : i32
    %and3A_1747 = vector.broadcast %and3A_1746 : i32 to vector<1x256xi32>
    %and3A_1748 = arith.andi %shift_right_logical3A_1745, %and3A_1747 : vector<1x256xi32>
    %add3A_1749 = arith.addi %add3A_1742, %and3A_1748 : vector<1x256xi32>
    %shift_right_logical3A_1750 = arith.constant 16 : i32
    %shift_right_logical3A_1751 = vector.broadcast %shift_right_logical3A_1750 : i32 to vector<1x256xi32>
    %shift_right_logical3A_1752 = arith.shrui %add3A_1749, %shift_right_logical3A_1751 : vector<1x256xi32>
    %shift_left3A_1753 = arith.constant 16 : i32
    %shift_left3A_1754 = vector.broadcast %shift_left3A_1753 : i32 to vector<1x256xi32>
    %shift_left3A_1755 = arith.shli %shift_right_logical3A_1752, %shift_left3A_1754 : vector<1x256xi32>
    %or3A_1756 = arith.ori %shift_right_logical3A_1737, %shift_left3A_1755 : vector<1x256xi32>
    %slice3A_1757 = vector.extract_strided_slice %add3A_1722 {offsets = [0, 512], sizes = [1, 256], strides = [1, 1]} : vector<1x20480xf32> to vector<1x256xf32>
    %bitcast_convert_type3A_1758 = tpu.bitcast %slice3A_1757 : vector<1x256xf32> -> vector<1x256xi32>
    %add3A_1759 = arith.constant 32767 : i32
    %add3A_1760 = vector.broadcast %add3A_1759 : i32 to vector<1x256xi32>
    %add3A_1761 = arith.addi %bitcast_convert_type3A_1758, %add3A_1760 : vector<1x256xi32>
    %shift_right_logical3A_1762 = arith.constant 16 : i32
    %shift_right_logical3A_1763 = vector.broadcast %shift_right_logical3A_1762 : i32 to vector<1x256xi32>
    %shift_right_logical3A_1764 = arith.shrui %bitcast_convert_type3A_1758, %shift_right_logical3A_1763 : vector<1x256xi32>
    %and3A_1765 = arith.constant 1 : i32
    %and3A_1766 = vector.broadcast %and3A_1765 : i32 to vector<1x256xi32>
    %and3A_1767 = arith.andi %shift_right_logical3A_1764, %and3A_1766 : vector<1x256xi32>
    %add3A_1768 = arith.addi %add3A_1761, %and3A_1767 : vector<1x256xi32>
    %shift_right_logical3A_1769 = arith.constant 16 : i32
    %shift_right_logical3A_1770 = vector.broadcast %shift_right_logical3A_1769 : i32 to vector<1x256xi32>
    %shift_right_logical3A_1771 = arith.shrui %add3A_1768, %shift_right_logical3A_1770 : vector<1x256xi32>
    %slice3A_1772 = vector.extract_strided_slice %add3A_1722 {offsets = [0, 768], sizes = [1, 256], strides = [1, 1]} : vector<1x20480xf32> to vector<1x256xf32>
    %bitcast_convert_type3A_1773 = tpu.bitcast %slice3A_1772 : vector<1x256xf32> -> vector<1x256xi32>
    %add3A_1774 = arith.constant 32767 : i32
    %add3A_1775 = vector.broadcast %add3A_1774 : i32 to vector<1x256xi32>
    %add3A_1776 = arith.addi %bitcast_convert_type3A_1773, %add3A_1775 : vector<1x256xi32>
    %shift_right_logical3A_1777 = arith.constant 16 : i32
    %shift_right_logical3A_1778 = vector.broadcast %shift_right_logical3A_1777 : i32 to vector<1x256xi32>
    %shift_right_logical3A_1779 = arith.shrui %bitcast_convert_type3A_1773, %shift_right_logical3A_1778 : vector<1x256xi32>
    %and3A_1780 = arith.constant 1 : i32
    %and3A_1781 = vector.broadcast %and3A_1780 : i32 to vector<1x256xi32>
    %and3A_1782 = arith.andi %shift_right_logical3A_1779, %and3A_1781 : vector<1x256xi32>
    %add3A_1783 = arith.addi %add3A_1776, %and3A_1782 : vector<1x256xi32>
    %shift_right_logical3A_1784 = arith.constant 16 : i32
    %shift_right_logical3A_1785 = vector.broadcast %shift_right_logical3A_1784 : i32 to vector<1x256xi32>
    %shift_right_logical3A_1786 = arith.shrui %add3A_1783, %shift_right_logical3A_1785 : vector<1x256xi32>
    %shift_left3A_1787 = arith.constant 16 : i32
    %shift_left3A_1788 = vector.broadcast %shift_left3A_1787 : i32 to vector<1x256xi32>
    %shift_left3A_1789 = arith.shli %shift_right_logical3A_1786, %shift_left3A_1788 : vector<1x256xi32>
    %or3A_1790 = arith.ori %shift_right_logical3A_1771, %shift_left3A_1789 : vector<1x256xi32>
    %slice3A_1791 = vector.extract_strided_slice %add3A_1722 {offsets = [0, 1024], sizes = [1, 256], strides = [1, 1]} : vector<1x20480xf32> to vector<1x256xf32>
    %bitcast_convert_type3A_1792 = tpu.bitcast %slice3A_1791 : vector<1x256xf32> -> vector<1x256xi32>
    %add3A_1793 = arith.constant 32767 : i32
    %add3A_1794 = vector.broadcast %add3A_1793 : i32 to vector<1x256xi32>
    %add3A_1795 = arith.addi %bitcast_convert_type3A_1792, %add3A_1794 : vector<1x256xi32>
    %shift_right_logical3A_1796 = arith.constant 16 : i32
    %shift_right_logical3A_1797 = vector.broadcast %shift_right_logical3A_1796 : i32 to vector<1x256xi32>
    %shift_right_logical3A_1798 = arith.shrui %bitcast_convert_type3A_1792, %shift_right_logical3A_1797 : vector<1x256xi32>
    %and3A_1799 = arith.constant 1 : i32
    %and3A_1800 = vector.broadcast %and3A_1799 : i32 to vector<1x256xi32>
    %and3A_1801 = arith.andi %shift_right_logical3A_1798, %and3A_1800 : vector<1x256xi32>
    %add3A_1802 = arith.addi %add3A_1795, %and3A_1801 : vector<1x256xi32>
    %shift_right_logical3A_1803 = arith.constant 16 : i32
    %shift_right_logical3A_1804 = vector.broadcast %shift_right_logical3A_1803 : i32 to vector<1x256xi32>
    %shift_right_logical3A_1805 = arith.shrui %add3A_1802, %shift_right_logical3A_1804 : vector<1x256xi32>
    %slice3A_1806 = vector.extract_strided_slice %add3A_1722 {offsets = [0, 1280], sizes = [1, 256], strides = [1, 1]} : vector<1x20480xf32> to vector<1x256xf32>
    %bitcast_convert_type3A_1807 = tpu.bitcast %slice3A_1806 : vector<1x256xf32> -> vector<1x256xi32>
    %add3A_1808 = arith.constant 32767 : i32
    %add3A_1809 = vector.broadcast %add3A_1808 : i32 to vector<1x256xi32>
    %add3A_1810 = arith.addi %bitcast_convert_type3A_1807, %add3A_1809 : vector<1x256xi32>
    %shift_right_logical3A_1811 = arith.constant 16 : i32
    %shift_right_logical3A_1812 = vector.broadcast %shift_right_logical3A_1811 : i32 to vector<1x256xi32>
    %shift_right_logical3A_1813 = arith.shrui %bitcast_convert_type3A_1807, %shift_right_logical3A_1812 : vector<1x256xi32>
    %and3A_1814 = arith.constant 1 : i32
    %and3A_1815 = vector.broadcast %and3A_1814 : i32 to vector<1x256xi32>
    %and3A_1816 = arith.andi %shift_right_logical3A_1813, %and3A_1815 : vector<1x256xi32>
    %add3A_1817 = arith.addi %add3A_1810, %and3A_1816 : vector<1x256xi32>
    %shift_right_logical3A_1818 = arith.constant 16 : i32
    %shift_right_logical3A_1819 = vector.broadcast %shift_right_logical3A_1818 : i32 to vector<1x256xi32>
    %shift_right_logical3A_1820 = arith.shrui %add3A_1817, %shift_right_logical3A_1819 : vector<1x256xi32>
    %shift_left3A_1821 = arith.constant 16 : i32
    %shift_left3A_1822 = vector.broadcast %shift_left3A_1821 : i32 to vector<1x256xi32>
    %shift_left3A_1823 = arith.shli %shift_right_logical3A_1820, %shift_left3A_1822 : vector<1x256xi32>
    %or3A_1824 = arith.ori %shift_right_logical3A_1805, %shift_left3A_1823 : vector<1x256xi32>
    %slice3A_1825 = vector.extract_strided_slice %add3A_1722 {offsets = [0, 1536], sizes = [1, 256], strides = [1, 1]} : vector<1x20480xf32> to vector<1x256xf32>
    %bitcast_convert_type3A_1826 = tpu.bitcast %slice3A_1825 : vector<1x256xf32> -> vector<1x256xi32>
    %add3A_1827 = arith.constant 32767 : i32
    %add3A_1828 = vector.broadcast %add3A_1827 : i32 to vector<1x256xi32>
    %add3A_1829 = arith.addi %bitcast_convert_type3A_1826, %add3A_1828 : vector<1x256xi32>
    %shift_right_logical3A_1830 = arith.constant 16 : i32
    %shift_right_logical3A_1831 = vector.broadcast %shift_right_logical3A_1830 : i32 to vector<1x256xi32>
    %shift_right_logical3A_1832 = arith.shrui %bitcast_convert_type3A_1826, %shift_right_logical3A_1831 : vector<1x256xi32>
    %and3A_1833 = arith.constant 1 : i32
    %and3A_1834 = vector.broadcast %and3A_1833 : i32 to vector<1x256xi32>
    %and3A_1835 = arith.andi %shift_right_logical3A_1832, %and3A_1834 : vector<1x256xi32>
    %add3A_1836 = arith.addi %add3A_1829, %and3A_1835 : vector<1x256xi32>
    %shift_right_logical3A_1837 = arith.constant 16 : i32
    %shift_right_logical3A_1838 = vector.broadcast %shift_right_logical3A_1837 : i32 to vector<1x256xi32>
    %shift_right_logical3A_1839 = arith.shrui %add3A_1836, %shift_right_logical3A_1838 : vector<1x256xi32>
    %slice3A_1840 = vector.extract_strided_slice %add3A_1722 {offsets = [0, 1792], sizes = [1, 256], strides = [1, 1]} : vector<1x20480xf32> to vector<1x256xf32>
    %bitcast_convert_type3A_1841 = tpu.bitcast %slice3A_1840 : vector<1x256xf32> -> vector<1x256xi32>
    %add3A_1842 = arith.constant 32767 : i32
    %add3A_1843 = vector.broadcast %add3A_1842 : i32 to vector<1x256xi32>
    %add3A_1844 = arith.addi %bitcast_convert_type3A_1841, %add3A_1843 : vector<1x256xi32>
    %shift_right_logical3A_1845 = arith.constant 16 : i32
    %shift_right_logical3A_1846 = vector.broadcast %shift_right_logical3A_1845 : i32 to vector<1x256xi32>
    %shift_right_logical3A_1847 = arith.shrui %bitcast_convert_type3A_1841, %shift_right_logical3A_1846 : vector<1x256xi32>
    %and3A_1848 = arith.constant 1 : i32
    %and3A_1849 = vector.broadcast %and3A_1848 : i32 to vector<1x256xi32>
    %and3A_1850 = arith.andi %shift_right_logical3A_1847, %and3A_1849 : vector<1x256xi32>
    %add3A_1851 = arith.addi %add3A_1844, %and3A_1850 : vector<1x256xi32>
    %shift_right_logical3A_1852 = arith.constant 16 : i32
    %shift_right_logical3A_1853 = vector.broadcast %shift_right_logical3A_1852 : i32 to vector<1x256xi32>
    %shift_right_logical3A_1854 = arith.shrui %add3A_1851, %shift_right_logical3A_1853 : vector<1x256xi32>
    %shift_left3A_1855 = arith.constant 16 : i32
    %shift_left3A_1856 = vector.broadcast %shift_left3A_1855 : i32 to vector<1x256xi32>
    %shift_left3A_1857 = arith.shli %shift_right_logical3A_1854, %shift_left3A_1856 : vector<1x256xi32>
    %or3A_1858 = arith.ori %shift_right_logical3A_1839, %shift_left3A_1857 : vector<1x256xi32>
    %slice3A_1859 = vector.extract_strided_slice %add3A_1722 {offsets = [0, 2048], sizes = [1, 256], strides = [1, 1]} : vector<1x20480xf32> to vector<1x256xf32>
    %bitcast_convert_type3A_1860 = tpu.bitcast %slice3A_1859 : vector<1x256xf32> -> vector<1x256xi32>
    %add3A_1861 = arith.constant 32767 : i32
    %add3A_1862 = vector.broadcast %add3A_1861 : i32 to vector<1x256xi32>
    %add3A_1863 = arith.addi %bitcast_convert_type3A_1860, %add3A_1862 : vector<1x256xi32>
    %shift_right_logical3A_1864 = arith.constant 16 : i32
    %shift_right_logical3A_1865 = vector.broadcast %shift_right_logical3A_1864 : i32 to vector<1x256xi32>
    %shift_right_logical3A_1866 = arith.shrui %bitcast_convert_type3A_1860, %shift_right_logical3A_1865 : vector<1x256xi32>
    %and3A_1867 = arith.constant 1 : i32
    %and3A_1868 = vector.broadcast %and3A_1867 : i32 to vector<1x256xi32>
    %and3A_1869 = arith.andi %shift_right_logical3A_1866, %and3A_1868 : vector<1x256xi32>
    %add3A_1870 = arith.addi %add3A_1863, %and3A_1869 : vector<1x256xi32>
    %shift_right_logical3A_1871 = arith.constant 16 : i32
    %shift_right_logical3A_1872 = vector.broadcast %shift_right_logical3A_1871 : i32 to vector<1x256xi32>
    %shift_right_logical3A_1873 = arith.shrui %add3A_1870, %shift_right_logical3A_1872 : vector<1x256xi32>
    %slice3A_1874 = vector.extract_strided_slice %add3A_1722 {offsets = [0, 2304], sizes = [1, 256], strides = [1, 1]} : vector<1x20480xf32> to vector<1x256xf32>
    %bitcast_convert_type3A_1875 = tpu.bitcast %slice3A_1874 : vector<1x256xf32> -> vector<1x256xi32>
    %add3A_1876 = arith.constant 32767 : i32
    %add3A_1877 = vector.broadcast %add3A_1876 : i32 to vector<1x256xi32>
    %add3A_1878 = arith.addi %bitcast_convert_type3A_1875, %add3A_1877 : vector<1x256xi32>
    %shift_right_logical3A_1879 = arith.constant 16 : i32
    %shift_right_logical3A_1880 = vector.broadcast %shift_right_logical3A_1879 : i32 to vector<1x256xi32>
    %shift_right_logical3A_1881 = arith.shrui %bitcast_convert_type3A_1875, %shift_right_logical3A_1880 : vector<1x256xi32>
    %and3A_1882 = arith.constant 1 : i32
    %and3A_1883 = vector.broadcast %and3A_1882 : i32 to vector<1x256xi32>
    %and3A_1884 = arith.andi %shift_right_logical3A_1881, %and3A_1883 : vector<1x256xi32>
    %add3A_1885 = arith.addi %add3A_1878, %and3A_1884 : vector<1x256xi32>
    %shift_right_logical3A_1886 = arith.constant 16 : i32
    %shift_right_logical3A_1887 = vector.broadcast %shift_right_logical3A_1886 : i32 to vector<1x256xi32>
    %shift_right_logical3A_1888 = arith.shrui %add3A_1885, %shift_right_logical3A_1887 : vector<1x256xi32>
    %shift_left3A_1889 = arith.constant 16 : i32
    %shift_left3A_1890 = vector.broadcast %shift_left3A_1889 : i32 to vector<1x256xi32>
    %shift_left3A_1891 = arith.shli %shift_right_logical3A_1888, %shift_left3A_1890 : vector<1x256xi32>
    %or3A_1892 = arith.ori %shift_right_logical3A_1873, %shift_left3A_1891 : vector<1x256xi32>
    %slice3A_1893 = vector.extract_strided_slice %add3A_1722 {offsets = [0, 2560], sizes = [1, 256], strides = [1, 1]} : vector<1x20480xf32> to vector<1x256xf32>
    %bitcast_convert_type3A_1894 = tpu.bitcast %slice3A_1893 : vector<1x256xf32> -> vector<1x256xi32>
    %add3A_1895 = arith.constant 32767 : i32
    %add3A_1896 = vector.broadcast %add3A_1895 : i32 to vector<1x256xi32>
    %add3A_1897 = arith.addi %bitcast_convert_type3A_1894, %add3A_1896 : vector<1x256xi32>
    %shift_right_logical3A_1898 = arith.constant 16 : i32
    %shift_right_logical3A_1899 = vector.broadcast %shift_right_logical3A_1898 : i32 to vector<1x256xi32>
    %shift_right_logical3A_1900 = arith.shrui %bitcast_convert_type3A_1894, %shift_right_logical3A_1899 : vector<1x256xi32>
    %and3A_1901 = arith.constant 1 : i32
    %and3A_1902 = vector.broadcast %and3A_1901 : i32 to vector<1x256xi32>
    %and3A_1903 = arith.andi %shift_right_logical3A_1900, %and3A_1902 : vector<1x256xi32>
    %add3A_1904 = arith.addi %add3A_1897, %and3A_1903 : vector<1x256xi32>
    %shift_right_logical3A_1905 = arith.constant 16 : i32
    %shift_right_logical3A_1906 = vector.broadcast %shift_right_logical3A_1905 : i32 to vector<1x256xi32>
    %shift_right_logical3A_1907 = arith.shrui %add3A_1904, %shift_right_logical3A_1906 : vector<1x256xi32>
    %slice3A_1908 = vector.extract_strided_slice %add3A_1722 {offsets = [0, 2816], sizes = [1, 256], strides = [1, 1]} : vector<1x20480xf32> to vector<1x256xf32>
    %bitcast_convert_type3A_1909 = tpu.bitcast %slice3A_1908 : vector<1x256xf32> -> vector<1x256xi32>
    %add3A_1910 = arith.constant 32767 : i32
    %add3A_1911 = vector.broadcast %add3A_1910 : i32 to vector<1x256xi32>
    %add3A_1912 = arith.addi %bitcast_convert_type3A_1909, %add3A_1911 : vector<1x256xi32>
    %shift_right_logical3A_1913 = arith.constant 16 : i32
    %shift_right_logical3A_1914 = vector.broadcast %shift_right_logical3A_1913 : i32 to vector<1x256xi32>
    %shift_right_logical3A_1915 = arith.shrui %bitcast_convert_type3A_1909, %shift_right_logical3A_1914 : vector<1x256xi32>
    %and3A_1916 = arith.constant 1 : i32
    %and3A_1917 = vector.broadcast %and3A_1916 : i32 to vector<1x256xi32>
    %and3A_1918 = arith.andi %shift_right_logical3A_1915, %and3A_1917 : vector<1x256xi32>
    %add3A_1919 = arith.addi %add3A_1912, %and3A_1918 : vector<1x256xi32>
    %shift_right_logical3A_1920 = arith.constant 16 : i32
    %shift_right_logical3A_1921 = vector.broadcast %shift_right_logical3A_1920 : i32 to vector<1x256xi32>
    %shift_right_logical3A_1922 = arith.shrui %add3A_1919, %shift_right_logical3A_1921 : vector<1x256xi32>
    %shift_left3A_1923 = arith.constant 16 : i32
    %shift_left3A_1924 = vector.broadcast %shift_left3A_1923 : i32 to vector<1x256xi32>
    %shift_left3A_1925 = arith.shli %shift_right_logical3A_1922, %shift_left3A_1924 : vector<1x256xi32>
    %or3A_1926 = arith.ori %shift_right_logical3A_1907, %shift_left3A_1925 : vector<1x256xi32>
    %slice3A_1927 = vector.extract_strided_slice %add3A_1722 {offsets = [0, 3072], sizes = [1, 256], strides = [1, 1]} : vector<1x20480xf32> to vector<1x256xf32>
    %bitcast_convert_type3A_1928 = tpu.bitcast %slice3A_1927 : vector<1x256xf32> -> vector<1x256xi32>
    %add3A_1929 = arith.constant 32767 : i32
    %add3A_1930 = vector.broadcast %add3A_1929 : i32 to vector<1x256xi32>
    %add3A_1931 = arith.addi %bitcast_convert_type3A_1928, %add3A_1930 : vector<1x256xi32>
    %shift_right_logical3A_1932 = arith.constant 16 : i32
    %shift_right_logical3A_1933 = vector.broadcast %shift_right_logical3A_1932 : i32 to vector<1x256xi32>
    %shift_right_logical3A_1934 = arith.shrui %bitcast_convert_type3A_1928, %shift_right_logical3A_1933 : vector<1x256xi32>
    %and3A_1935 = arith.constant 1 : i32
    %and3A_1936 = vector.broadcast %and3A_1935 : i32 to vector<1x256xi32>
    %and3A_1937 = arith.andi %shift_right_logical3A_1934, %and3A_1936 : vector<1x256xi32>
    %add3A_1938 = arith.addi %add3A_1931, %and3A_1937 : vector<1x256xi32>
    %shift_right_logical3A_1939 = arith.constant 16 : i32
    %shift_right_logical3A_1940 = vector.broadcast %shift_right_logical3A_1939 : i32 to vector<1x256xi32>
    %shift_right_logical3A_1941 = arith.shrui %add3A_1938, %shift_right_logical3A_1940 : vector<1x256xi32>
    %slice3A_1942 = vector.extract_strided_slice %add3A_1722 {offsets = [0, 3328], sizes = [1, 256], strides = [1, 1]} : vector<1x20480xf32> to vector<1x256xf32>
    %bitcast_convert_type3A_1943 = tpu.bitcast %slice3A_1942 : vector<1x256xf32> -> vector<1x256xi32>
    %add3A_1944 = arith.constant 32767 : i32
    %add3A_1945 = vector.broadcast %add3A_1944 : i32 to vector<1x256xi32>
    %add3A_1946 = arith.addi %bitcast_convert_type3A_1943, %add3A_1945 : vector<1x256xi32>
    %shift_right_logical3A_1947 = arith.constant 16 : i32
    %shift_right_logical3A_1948 = vector.broadcast %shift_right_logical3A_1947 : i32 to vector<1x256xi32>
    %shift_right_logical3A_1949 = arith.shrui %bitcast_convert_type3A_1943, %shift_right_logical3A_1948 : vector<1x256xi32>
    %and3A_1950 = arith.constant 1 : i32
    %and3A_1951 = vector.broadcast %and3A_1950 : i32 to vector<1x256xi32>
    %and3A_1952 = arith.andi %shift_right_logical3A_1949, %and3A_1951 : vector<1x256xi32>
    %add3A_1953 = arith.addi %add3A_1946, %and3A_1952 : vector<1x256xi32>
    %shift_right_logical3A_1954 = arith.constant 16 : i32
    %shift_right_logical3A_1955 = vector.broadcast %shift_right_logical3A_1954 : i32 to vector<1x256xi32>
    %shift_right_logical3A_1956 = arith.shrui %add3A_1953, %shift_right_logical3A_1955 : vector<1x256xi32>
    %shift_left3A_1957 = arith.constant 16 : i32
    %shift_left3A_1958 = vector.broadcast %shift_left3A_1957 : i32 to vector<1x256xi32>
    %shift_left3A_1959 = arith.shli %shift_right_logical3A_1956, %shift_left3A_1958 : vector<1x256xi32>
    %or3A_1960 = arith.ori %shift_right_logical3A_1941, %shift_left3A_1959 : vector<1x256xi32>
    %slice3A_1961 = vector.extract_strided_slice %add3A_1722 {offsets = [0, 3584], sizes = [1, 256], strides = [1, 1]} : vector<1x20480xf32> to vector<1x256xf32>
    %bitcast_convert_type3A_1962 = tpu.bitcast %slice3A_1961 : vector<1x256xf32> -> vector<1x256xi32>
    %add3A_1963 = arith.constant 32767 : i32
    %add3A_1964 = vector.broadcast %add3A_1963 : i32 to vector<1x256xi32>
    %add3A_1965 = arith.addi %bitcast_convert_type3A_1962, %add3A_1964 : vector<1x256xi32>
    %shift_right_logical3A_1966 = arith.constant 16 : i32
    %shift_right_logical3A_1967 = vector.broadcast %shift_right_logical3A_1966 : i32 to vector<1x256xi32>
    %shift_right_logical3A_1968 = arith.shrui %bitcast_convert_type3A_1962, %shift_right_logical3A_1967 : vector<1x256xi32>
    %and3A_1969 = arith.constant 1 : i32
    %and3A_1970 = vector.broadcast %and3A_1969 : i32 to vector<1x256xi32>
    %and3A_1971 = arith.andi %shift_right_logical3A_1968, %and3A_1970 : vector<1x256xi32>
    %add3A_1972 = arith.addi %add3A_1965, %and3A_1971 : vector<1x256xi32>
    %shift_right_logical3A_1973 = arith.constant 16 : i32
    %shift_right_logical3A_1974 = vector.broadcast %shift_right_logical3A_1973 : i32 to vector<1x256xi32>
    %shift_right_logical3A_1975 = arith.shrui %add3A_1972, %shift_right_logical3A_1974 : vector<1x256xi32>
    %slice3A_1976 = vector.extract_strided_slice %add3A_1722 {offsets = [0, 3840], sizes = [1, 256], strides = [1, 1]} : vector<1x20480xf32> to vector<1x256xf32>
    %bitcast_convert_type3A_1977 = tpu.bitcast %slice3A_1976 : vector<1x256xf32> -> vector<1x256xi32>
    %add3A_1978 = arith.constant 32767 : i32
    %add3A_1979 = vector.broadcast %add3A_1978 : i32 to vector<1x256xi32>
    %add3A_1980 = arith.addi %bitcast_convert_type3A_1977, %add3A_1979 : vector<1x256xi32>
    %shift_right_logical3A_1981 = arith.constant 16 : i32
    %shift_right_logical3A_1982 = vector.broadcast %shift_right_logical3A_1981 : i32 to vector<1x256xi32>
    %shift_right_logical3A_1983 = arith.shrui %bitcast_convert_type3A_1977, %shift_right_logical3A_1982 : vector<1x256xi32>
    %and3A_1984 = arith.constant 1 : i32
    %and3A_1985 = vector.broadcast %and3A_1984 : i32 to vector<1x256xi32>
    %and3A_1986 = arith.andi %shift_right_logical3A_1983, %and3A_1985 : vector<1x256xi32>
    %add3A_1987 = arith.addi %add3A_1980, %and3A_1986 : vector<1x256xi32>
    %shift_right_logical3A_1988 = arith.constant 16 : i32
    %shift_right_logical3A_1989 = vector.broadcast %shift_right_logical3A_1988 : i32 to vector<1x256xi32>
    %shift_right_logical3A_1990 = arith.shrui %add3A_1987, %shift_right_logical3A_1989 : vector<1x256xi32>
    %shift_left3A_1991 = arith.constant 16 : i32
    %shift_left3A_1992 = vector.broadcast %shift_left3A_1991 : i32 to vector<1x256xi32>
    %shift_left3A_1993 = arith.shli %shift_right_logical3A_1990, %shift_left3A_1992 : vector<1x256xi32>
    %or3A_1994 = arith.ori %shift_right_logical3A_1975, %shift_left3A_1993 : vector<1x256xi32>
    %slice3A_1995 = vector.extract_strided_slice %add3A_1722 {offsets = [0, 4096], sizes = [1, 256], strides = [1, 1]} : vector<1x20480xf32> to vector<1x256xf32>
    %bitcast_convert_type3A_1996 = tpu.bitcast %slice3A_1995 : vector<1x256xf32> -> vector<1x256xi32>
    %add3A_1997 = arith.constant 32767 : i32
    %add3A_1998 = vector.broadcast %add3A_1997 : i32 to vector<1x256xi32>
    %add3A_1999 = arith.addi %bitcast_convert_type3A_1996, %add3A_1998 : vector<1x256xi32>
    %shift_right_logical3A_2000 = arith.constant 16 : i32
    %shift_right_logical3A_2001 = vector.broadcast %shift_right_logical3A_2000 : i32 to vector<1x256xi32>
    %shift_right_logical3A_2002 = arith.shrui %bitcast_convert_type3A_1996, %shift_right_logical3A_2001 : vector<1x256xi32>
    %and3A_2003 = arith.constant 1 : i32
    %and3A_2004 = vector.broadcast %and3A_2003 : i32 to vector<1x256xi32>
    %and3A_2005 = arith.andi %shift_right_logical3A_2002, %and3A_2004 : vector<1x256xi32>
    %add3A_2006 = arith.addi %add3A_1999, %and3A_2005 : vector<1x256xi32>
    %shift_right_logical3A_2007 = arith.constant 16 : i32
    %shift_right_logical3A_2008 = vector.broadcast %shift_right_logical3A_2007 : i32 to vector<1x256xi32>
    %shift_right_logical3A_2009 = arith.shrui %add3A_2006, %shift_right_logical3A_2008 : vector<1x256xi32>
    %slice3A_2010 = vector.extract_strided_slice %add3A_1722 {offsets = [0, 4352], sizes = [1, 256], strides = [1, 1]} : vector<1x20480xf32> to vector<1x256xf32>
    %bitcast_convert_type3A_2011 = tpu.bitcast %slice3A_2010 : vector<1x256xf32> -> vector<1x256xi32>
    %add3A_2012 = arith.constant 32767 : i32
    %add3A_2013 = vector.broadcast %add3A_2012 : i32 to vector<1x256xi32>
    %add3A_2014 = arith.addi %bitcast_convert_type3A_2011, %add3A_2013 : vector<1x256xi32>
    %shift_right_logical3A_2015 = arith.constant 16 : i32
    %shift_right_logical3A_2016 = vector.broadcast %shift_right_logical3A_2015 : i32 to vector<1x256xi32>
    %shift_right_logical3A_2017 = arith.shrui %bitcast_convert_type3A_2011, %shift_right_logical3A_2016 : vector<1x256xi32>
    %and3A_2018 = arith.constant 1 : i32
    %and3A_2019 = vector.broadcast %and3A_2018 : i32 to vector<1x256xi32>
    %and3A_2020 = arith.andi %shift_right_logical3A_2017, %and3A_2019 : vector<1x256xi32>
    %add3A_2021 = arith.addi %add3A_2014, %and3A_2020 : vector<1x256xi32>
    %shift_right_logical3A_2022 = arith.constant 16 : i32
    %shift_right_logical3A_2023 = vector.broadcast %shift_right_logical3A_2022 : i32 to vector<1x256xi32>
    %shift_right_logical3A_2024 = arith.shrui %add3A_2021, %shift_right_logical3A_2023 : vector<1x256xi32>
    %shift_left3A_2025 = arith.constant 16 : i32
    %shift_left3A_2026 = vector.broadcast %shift_left3A_2025 : i32 to vector<1x256xi32>
    %shift_left3A_2027 = arith.shli %shift_right_logical3A_2024, %shift_left3A_2026 : vector<1x256xi32>
    %or3A_2028 = arith.ori %shift_right_logical3A_2009, %shift_left3A_2027 : vector<1x256xi32>
    %slice3A_2029 = vector.extract_strided_slice %add3A_1722 {offsets = [0, 4608], sizes = [1, 256], strides = [1, 1]} : vector<1x20480xf32> to vector<1x256xf32>
    %bitcast_convert_type3A_2030 = tpu.bitcast %slice3A_2029 : vector<1x256xf32> -> vector<1x256xi32>
    %add3A_2031 = arith.constant 32767 : i32
    %add3A_2032 = vector.broadcast %add3A_2031 : i32 to vector<1x256xi32>
    %add3A_2033 = arith.addi %bitcast_convert_type3A_2030, %add3A_2032 : vector<1x256xi32>
    %shift_right_logical3A_2034 = arith.constant 16 : i32
    %shift_right_logical3A_2035 = vector.broadcast %shift_right_logical3A_2034 : i32 to vector<1x256xi32>
    %shift_right_logical3A_2036 = arith.shrui %bitcast_convert_type3A_2030, %shift_right_logical3A_2035 : vector<1x256xi32>
    %and3A_2037 = arith.constant 1 : i32
    %and3A_2038 = vector.broadcast %and3A_2037 : i32 to vector<1x256xi32>
    %and3A_2039 = arith.andi %shift_right_logical3A_2036, %and3A_2038 : vector<1x256xi32>
    %add3A_2040 = arith.addi %add3A_2033, %and3A_2039 : vector<1x256xi32>
    %shift_right_logical3A_2041 = arith.constant 16 : i32
    %shift_right_logical3A_2042 = vector.broadcast %shift_right_logical3A_2041 : i32 to vector<1x256xi32>
    %shift_right_logical3A_2043 = arith.shrui %add3A_2040, %shift_right_logical3A_2042 : vector<1x256xi32>
    %slice3A_2044 = vector.extract_strided_slice %add3A_1722 {offsets = [0, 4864], sizes = [1, 256], strides = [1, 1]} : vector<1x20480xf32> to vector<1x256xf32>
    %bitcast_convert_type3A_2045 = tpu.bitcast %slice3A_2044 : vector<1x256xf32> -> vector<1x256xi32>
    %add3A_2046 = arith.constant 32767 : i32
    %add3A_2047 = vector.broadcast %add3A_2046 : i32 to vector<1x256xi32>
    %add3A_2048 = arith.addi %bitcast_convert_type3A_2045, %add3A_2047 : vector<1x256xi32>
    %shift_right_logical3A_2049 = arith.constant 16 : i32
    %shift_right_logical3A_2050 = vector.broadcast %shift_right_logical3A_2049 : i32 to vector<1x256xi32>
    %shift_right_logical3A_2051 = arith.shrui %bitcast_convert_type3A_2045, %shift_right_logical3A_2050 : vector<1x256xi32>
    %and3A_2052 = arith.constant 1 : i32
    %and3A_2053 = vector.broadcast %and3A_2052 : i32 to vector<1x256xi32>
    %and3A_2054 = arith.andi %shift_right_logical3A_2051, %and3A_2053 : vector<1x256xi32>
    %add3A_2055 = arith.addi %add3A_2048, %and3A_2054 : vector<1x256xi32>
    %shift_right_logical3A_2056 = arith.constant 16 : i32
    %shift_right_logical3A_2057 = vector.broadcast %shift_right_logical3A_2056 : i32 to vector<1x256xi32>
    %shift_right_logical3A_2058 = arith.shrui %add3A_2055, %shift_right_logical3A_2057 : vector<1x256xi32>
    %shift_left3A_2059 = arith.constant 16 : i32
    %shift_left3A_2060 = vector.broadcast %shift_left3A_2059 : i32 to vector<1x256xi32>
    %shift_left3A_2061 = arith.shli %shift_right_logical3A_2058, %shift_left3A_2060 : vector<1x256xi32>
    %or3A_2062 = arith.ori %shift_right_logical3A_2043, %shift_left3A_2061 : vector<1x256xi32>
    %slice3A_2063 = vector.extract_strided_slice %add3A_1722 {offsets = [0, 5120], sizes = [1, 256], strides = [1, 1]} : vector<1x20480xf32> to vector<1x256xf32>
    %bitcast_convert_type3A_2064 = tpu.bitcast %slice3A_2063 : vector<1x256xf32> -> vector<1x256xi32>
    %add3A_2065 = arith.constant 32767 : i32
    %add3A_2066 = vector.broadcast %add3A_2065 : i32 to vector<1x256xi32>
    %add3A_2067 = arith.addi %bitcast_convert_type3A_2064, %add3A_2066 : vector<1x256xi32>
    %shift_right_logical3A_2068 = arith.constant 16 : i32
    %shift_right_logical3A_2069 = vector.broadcast %shift_right_logical3A_2068 : i32 to vector<1x256xi32>
    %shift_right_logical3A_2070 = arith.shrui %bitcast_convert_type3A_2064, %shift_right_logical3A_2069 : vector<1x256xi32>
    %and3A_2071 = arith.constant 1 : i32
    %and3A_2072 = vector.broadcast %and3A_2071 : i32 to vector<1x256xi32>
    %and3A_2073 = arith.andi %shift_right_logical3A_2070, %and3A_2072 : vector<1x256xi32>
    %add3A_2074 = arith.addi %add3A_2067, %and3A_2073 : vector<1x256xi32>
    %shift_right_logical3A_2075 = arith.constant 16 : i32
    %shift_right_logical3A_2076 = vector.broadcast %shift_right_logical3A_2075 : i32 to vector<1x256xi32>
    %shift_right_logical3A_2077 = arith.shrui %add3A_2074, %shift_right_logical3A_2076 : vector<1x256xi32>
    %slice3A_2078 = vector.extract_strided_slice %add3A_1722 {offsets = [0, 5376], sizes = [1, 256], strides = [1, 1]} : vector<1x20480xf32> to vector<1x256xf32>
    %bitcast_convert_type3A_2079 = tpu.bitcast %slice3A_2078 : vector<1x256xf32> -> vector<1x256xi32>
    %add3A_2080 = arith.constant 32767 : i32
    %add3A_2081 = vector.broadcast %add3A_2080 : i32 to vector<1x256xi32>
    %add3A_2082 = arith.addi %bitcast_convert_type3A_2079, %add3A_2081 : vector<1x256xi32>
    %shift_right_logical3A_2083 = arith.constant 16 : i32
    %shift_right_logical3A_2084 = vector.broadcast %shift_right_logical3A_2083 : i32 to vector<1x256xi32>
    %shift_right_logical3A_2085 = arith.shrui %bitcast_convert_type3A_2079, %shift_right_logical3A_2084 : vector<1x256xi32>
    %and3A_2086 = arith.constant 1 : i32
    %and3A_2087 = vector.broadcast %and3A_2086 : i32 to vector<1x256xi32>
    %and3A_2088 = arith.andi %shift_right_logical3A_2085, %and3A_2087 : vector<1x256xi32>
    %add3A_2089 = arith.addi %add3A_2082, %and3A_2088 : vector<1x256xi32>
    %shift_right_logical3A_2090 = arith.constant 16 : i32
    %shift_right_logical3A_2091 = vector.broadcast %shift_right_logical3A_2090 : i32 to vector<1x256xi32>
    %shift_right_logical3A_2092 = arith.shrui %add3A_2089, %shift_right_logical3A_2091 : vector<1x256xi32>
    %shift_left3A_2093 = arith.constant 16 : i32
    %shift_left3A_2094 = vector.broadcast %shift_left3A_2093 : i32 to vector<1x256xi32>
    %shift_left3A_2095 = arith.shli %shift_right_logical3A_2092, %shift_left3A_2094 : vector<1x256xi32>
    %or3A_2096 = arith.ori %shift_right_logical3A_2077, %shift_left3A_2095 : vector<1x256xi32>
    %slice3A_2097 = vector.extract_strided_slice %add3A_1722 {offsets = [0, 5632], sizes = [1, 256], strides = [1, 1]} : vector<1x20480xf32> to vector<1x256xf32>
    %bitcast_convert_type3A_2098 = tpu.bitcast %slice3A_2097 : vector<1x256xf32> -> vector<1x256xi32>
    %add3A_2099 = arith.constant 32767 : i32
    %add3A_2100 = vector.broadcast %add3A_2099 : i32 to vector<1x256xi32>
    %add3A_2101 = arith.addi %bitcast_convert_type3A_2098, %add3A_2100 : vector<1x256xi32>
    %shift_right_logical3A_2102 = arith.constant 16 : i32
    %shift_right_logical3A_2103 = vector.broadcast %shift_right_logical3A_2102 : i32 to vector<1x256xi32>
    %shift_right_logical3A_2104 = arith.shrui %bitcast_convert_type3A_2098, %shift_right_logical3A_2103 : vector<1x256xi32>
    %and3A_2105 = arith.constant 1 : i32
    %and3A_2106 = vector.broadcast %and3A_2105 : i32 to vector<1x256xi32>
    %and3A_2107 = arith.andi %shift_right_logical3A_2104, %and3A_2106 : vector<1x256xi32>
    %add3A_2108 = arith.addi %add3A_2101, %and3A_2107 : vector<1x256xi32>
    %shift_right_logical3A_2109 = arith.constant 16 : i32
    %shift_right_logical3A_2110 = vector.broadcast %shift_right_logical3A_2109 : i32 to vector<1x256xi32>
    %shift_right_logical3A_2111 = arith.shrui %add3A_2108, %shift_right_logical3A_2110 : vector<1x256xi32>
    %slice3A_2112 = vector.extract_strided_slice %add3A_1722 {offsets = [0, 5888], sizes = [1, 256], strides = [1, 1]} : vector<1x20480xf32> to vector<1x256xf32>
    %bitcast_convert_type3A_2113 = tpu.bitcast %slice3A_2112 : vector<1x256xf32> -> vector<1x256xi32>
    %add3A_2114 = arith.constant 32767 : i32
    %add3A_2115 = vector.broadcast %add3A_2114 : i32 to vector<1x256xi32>
    %add3A_2116 = arith.addi %bitcast_convert_type3A_2113, %add3A_2115 : vector<1x256xi32>
    %shift_right_logical3A_2117 = arith.constant 16 : i32
    %shift_right_logical3A_2118 = vector.broadcast %shift_right_logical3A_2117 : i32 to vector<1x256xi32>
    %shift_right_logical3A_2119 = arith.shrui %bitcast_convert_type3A_2113, %shift_right_logical3A_2118 : vector<1x256xi32>
    %and3A_2120 = arith.constant 1 : i32
    %and3A_2121 = vector.broadcast %and3A_2120 : i32 to vector<1x256xi32>
    %and3A_2122 = arith.andi %shift_right_logical3A_2119, %and3A_2121 : vector<1x256xi32>
    %add3A_2123 = arith.addi %add3A_2116, %and3A_2122 : vector<1x256xi32>
    %shift_right_logical3A_2124 = arith.constant 16 : i32
    %shift_right_logical3A_2125 = vector.broadcast %shift_right_logical3A_2124 : i32 to vector<1x256xi32>
    %shift_right_logical3A_2126 = arith.shrui %add3A_2123, %shift_right_logical3A_2125 : vector<1x256xi32>
    %shift_left3A_2127 = arith.constant 16 : i32
    %shift_left3A_2128 = vector.broadcast %shift_left3A_2127 : i32 to vector<1x256xi32>
    %shift_left3A_2129 = arith.shli %shift_right_logical3A_2126, %shift_left3A_2128 : vector<1x256xi32>
    %or3A_2130 = arith.ori %shift_right_logical3A_2111, %shift_left3A_2129 : vector<1x256xi32>
    %slice3A_2131 = vector.extract_strided_slice %add3A_1722 {offsets = [0, 6144], sizes = [1, 256], strides = [1, 1]} : vector<1x20480xf32> to vector<1x256xf32>
    %bitcast_convert_type3A_2132 = tpu.bitcast %slice3A_2131 : vector<1x256xf32> -> vector<1x256xi32>
    %add3A_2133 = arith.constant 32767 : i32
    %add3A_2134 = vector.broadcast %add3A_2133 : i32 to vector<1x256xi32>
    %add3A_2135 = arith.addi %bitcast_convert_type3A_2132, %add3A_2134 : vector<1x256xi32>
    %shift_right_logical3A_2136 = arith.constant 16 : i32
    %shift_right_logical3A_2137 = vector.broadcast %shift_right_logical3A_2136 : i32 to vector<1x256xi32>
    %shift_right_logical3A_2138 = arith.shrui %bitcast_convert_type3A_2132, %shift_right_logical3A_2137 : vector<1x256xi32>
    %and3A_2139 = arith.constant 1 : i32
    %and3A_2140 = vector.broadcast %and3A_2139 : i32 to vector<1x256xi32>
    %and3A_2141 = arith.andi %shift_right_logical3A_2138, %and3A_2140 : vector<1x256xi32>
    %add3A_2142 = arith.addi %add3A_2135, %and3A_2141 : vector<1x256xi32>
    %shift_right_logical3A_2143 = arith.constant 16 : i32
    %shift_right_logical3A_2144 = vector.broadcast %shift_right_logical3A_2143 : i32 to vector<1x256xi32>
    %shift_right_logical3A_2145 = arith.shrui %add3A_2142, %shift_right_logical3A_2144 : vector<1x256xi32>
    %slice3A_2146 = vector.extract_strided_slice %add3A_1722 {offsets = [0, 6400], sizes = [1, 256], strides = [1, 1]} : vector<1x20480xf32> to vector<1x256xf32>
    %bitcast_convert_type3A_2147 = tpu.bitcast %slice3A_2146 : vector<1x256xf32> -> vector<1x256xi32>
    %add3A_2148 = arith.constant 32767 : i32
    %add3A_2149 = vector.broadcast %add3A_2148 : i32 to vector<1x256xi32>
    %add3A_2150 = arith.addi %bitcast_convert_type3A_2147, %add3A_2149 : vector<1x256xi32>
    %shift_right_logical3A_2151 = arith.constant 16 : i32
    %shift_right_logical3A_2152 = vector.broadcast %shift_right_logical3A_2151 : i32 to vector<1x256xi32>
    %shift_right_logical3A_2153 = arith.shrui %bitcast_convert_type3A_2147, %shift_right_logical3A_2152 : vector<1x256xi32>
    %and3A_2154 = arith.constant 1 : i32
    %and3A_2155 = vector.broadcast %and3A_2154 : i32 to vector<1x256xi32>
    %and3A_2156 = arith.andi %shift_right_logical3A_2153, %and3A_2155 : vector<1x256xi32>
    %add3A_2157 = arith.addi %add3A_2150, %and3A_2156 : vector<1x256xi32>
    %shift_right_logical3A_2158 = arith.constant 16 : i32
    %shift_right_logical3A_2159 = vector.broadcast %shift_right_logical3A_2158 : i32 to vector<1x256xi32>
    %shift_right_logical3A_2160 = arith.shrui %add3A_2157, %shift_right_logical3A_2159 : vector<1x256xi32>
    %shift_left3A_2161 = arith.constant 16 : i32
    %shift_left3A_2162 = vector.broadcast %shift_left3A_2161 : i32 to vector<1x256xi32>
    %shift_left3A_2163 = arith.shli %shift_right_logical3A_2160, %shift_left3A_2162 : vector<1x256xi32>
    %or3A_2164 = arith.ori %shift_right_logical3A_2145, %shift_left3A_2163 : vector<1x256xi32>
    %slice3A_2165 = vector.extract_strided_slice %add3A_1722 {offsets = [0, 6656], sizes = [1, 256], strides = [1, 1]} : vector<1x20480xf32> to vector<1x256xf32>
    %bitcast_convert_type3A_2166 = tpu.bitcast %slice3A_2165 : vector<1x256xf32> -> vector<1x256xi32>
    %add3A_2167 = arith.constant 32767 : i32
    %add3A_2168 = vector.broadcast %add3A_2167 : i32 to vector<1x256xi32>
    %add3A_2169 = arith.addi %bitcast_convert_type3A_2166, %add3A_2168 : vector<1x256xi32>
    %shift_right_logical3A_2170 = arith.constant 16 : i32
    %shift_right_logical3A_2171 = vector.broadcast %shift_right_logical3A_2170 : i32 to vector<1x256xi32>
    %shift_right_logical3A_2172 = arith.shrui %bitcast_convert_type3A_2166, %shift_right_logical3A_2171 : vector<1x256xi32>
    %and3A_2173 = arith.constant 1 : i32
    %and3A_2174 = vector.broadcast %and3A_2173 : i32 to vector<1x256xi32>
    %and3A_2175 = arith.andi %shift_right_logical3A_2172, %and3A_2174 : vector<1x256xi32>
    %add3A_2176 = arith.addi %add3A_2169, %and3A_2175 : vector<1x256xi32>
    %shift_right_logical3A_2177 = arith.constant 16 : i32
    %shift_right_logical3A_2178 = vector.broadcast %shift_right_logical3A_2177 : i32 to vector<1x256xi32>
    %shift_right_logical3A_2179 = arith.shrui %add3A_2176, %shift_right_logical3A_2178 : vector<1x256xi32>
    %slice3A_2180 = vector.extract_strided_slice %add3A_1722 {offsets = [0, 6912], sizes = [1, 256], strides = [1, 1]} : vector<1x20480xf32> to vector<1x256xf32>
    %bitcast_convert_type3A_2181 = tpu.bitcast %slice3A_2180 : vector<1x256xf32> -> vector<1x256xi32>
    %add3A_2182 = arith.constant 32767 : i32
    %add3A_2183 = vector.broadcast %add3A_2182 : i32 to vector<1x256xi32>
    %add3A_2184 = arith.addi %bitcast_convert_type3A_2181, %add3A_2183 : vector<1x256xi32>
    %shift_right_logical3A_2185 = arith.constant 16 : i32
    %shift_right_logical3A_2186 = vector.broadcast %shift_right_logical3A_2185 : i32 to vector<1x256xi32>
    %shift_right_logical3A_2187 = arith.shrui %bitcast_convert_type3A_2181, %shift_right_logical3A_2186 : vector<1x256xi32>
    %and3A_2188 = arith.constant 1 : i32
    %and3A_2189 = vector.broadcast %and3A_2188 : i32 to vector<1x256xi32>
    %and3A_2190 = arith.andi %shift_right_logical3A_2187, %and3A_2189 : vector<1x256xi32>
    %add3A_2191 = arith.addi %add3A_2184, %and3A_2190 : vector<1x256xi32>
    %shift_right_logical3A_2192 = arith.constant 16 : i32
    %shift_right_logical3A_2193 = vector.broadcast %shift_right_logical3A_2192 : i32 to vector<1x256xi32>
    %shift_right_logical3A_2194 = arith.shrui %add3A_2191, %shift_right_logical3A_2193 : vector<1x256xi32>
    %shift_left3A_2195 = arith.constant 16 : i32
    %shift_left3A_2196 = vector.broadcast %shift_left3A_2195 : i32 to vector<1x256xi32>
    %shift_left3A_2197 = arith.shli %shift_right_logical3A_2194, %shift_left3A_2196 : vector<1x256xi32>
    %or3A_2198 = arith.ori %shift_right_logical3A_2179, %shift_left3A_2197 : vector<1x256xi32>
    %slice3A_2199 = vector.extract_strided_slice %add3A_1722 {offsets = [0, 7168], sizes = [1, 256], strides = [1, 1]} : vector<1x20480xf32> to vector<1x256xf32>
    %bitcast_convert_type3A_2200 = tpu.bitcast %slice3A_2199 : vector<1x256xf32> -> vector<1x256xi32>
    %add3A_2201 = arith.constant 32767 : i32
    %add3A_2202 = vector.broadcast %add3A_2201 : i32 to vector<1x256xi32>
    %add3A_2203 = arith.addi %bitcast_convert_type3A_2200, %add3A_2202 : vector<1x256xi32>
    %shift_right_logical3A_2204 = arith.constant 16 : i32
    %shift_right_logical3A_2205 = vector.broadcast %shift_right_logical3A_2204 : i32 to vector<1x256xi32>
    %shift_right_logical3A_2206 = arith.shrui %bitcast_convert_type3A_2200, %shift_right_logical3A_2205 : vector<1x256xi32>
    %and3A_2207 = arith.constant 1 : i32
    %and3A_2208 = vector.broadcast %and3A_2207 : i32 to vector<1x256xi32>
    %and3A_2209 = arith.andi %shift_right_logical3A_2206, %and3A_2208 : vector<1x256xi32>
    %add3A_2210 = arith.addi %add3A_2203, %and3A_2209 : vector<1x256xi32>
    %shift_right_logical3A_2211 = arith.constant 16 : i32
    %shift_right_logical3A_2212 = vector.broadcast %shift_right_logical3A_2211 : i32 to vector<1x256xi32>
    %shift_right_logical3A_2213 = arith.shrui %add3A_2210, %shift_right_logical3A_2212 : vector<1x256xi32>
    %slice3A_2214 = vector.extract_strided_slice %add3A_1722 {offsets = [0, 7424], sizes = [1, 256], strides = [1, 1]} : vector<1x20480xf32> to vector<1x256xf32>
    %bitcast_convert_type3A_2215 = tpu.bitcast %slice3A_2214 : vector<1x256xf32> -> vector<1x256xi32>
    %add3A_2216 = arith.constant 32767 : i32
    %add3A_2217 = vector.broadcast %add3A_2216 : i32 to vector<1x256xi32>
    %add3A_2218 = arith.addi %bitcast_convert_type3A_2215, %add3A_2217 : vector<1x256xi32>
    %shift_right_logical3A_2219 = arith.constant 16 : i32
    %shift_right_logical3A_2220 = vector.broadcast %shift_right_logical3A_2219 : i32 to vector<1x256xi32>
    %shift_right_logical3A_2221 = arith.shrui %bitcast_convert_type3A_2215, %shift_right_logical3A_2220 : vector<1x256xi32>
    %and3A_2222 = arith.constant 1 : i32
    %and3A_2223 = vector.broadcast %and3A_2222 : i32 to vector<1x256xi32>
    %and3A_2224 = arith.andi %shift_right_logical3A_2221, %and3A_2223 : vector<1x256xi32>
    %add3A_2225 = arith.addi %add3A_2218, %and3A_2224 : vector<1x256xi32>
    %shift_right_logical3A_2226 = arith.constant 16 : i32
    %shift_right_logical3A_2227 = vector.broadcast %shift_right_logical3A_2226 : i32 to vector<1x256xi32>
    %shift_right_logical3A_2228 = arith.shrui %add3A_2225, %shift_right_logical3A_2227 : vector<1x256xi32>
    %shift_left3A_2229 = arith.constant 16 : i32
    %shift_left3A_2230 = vector.broadcast %shift_left3A_2229 : i32 to vector<1x256xi32>
    %shift_left3A_2231 = arith.shli %shift_right_logical3A_2228, %shift_left3A_2230 : vector<1x256xi32>
    %or3A_2232 = arith.ori %shift_right_logical3A_2213, %shift_left3A_2231 : vector<1x256xi32>
    %slice3A_2233 = vector.extract_strided_slice %add3A_1722 {offsets = [0, 7680], sizes = [1, 256], strides = [1, 1]} : vector<1x20480xf32> to vector<1x256xf32>
    %bitcast_convert_type3A_2234 = tpu.bitcast %slice3A_2233 : vector<1x256xf32> -> vector<1x256xi32>
    %add3A_2235 = arith.constant 32767 : i32
    %add3A_2236 = vector.broadcast %add3A_2235 : i32 to vector<1x256xi32>
    %add3A_2237 = arith.addi %bitcast_convert_type3A_2234, %add3A_2236 : vector<1x256xi32>
    %shift_right_logical3A_2238 = arith.constant 16 : i32
    %shift_right_logical3A_2239 = vector.broadcast %shift_right_logical3A_2238 : i32 to vector<1x256xi32>
    %shift_right_logical3A_2240 = arith.shrui %bitcast_convert_type3A_2234, %shift_right_logical3A_2239 : vector<1x256xi32>
    %and3A_2241 = arith.constant 1 : i32
    %and3A_2242 = vector.broadcast %and3A_2241 : i32 to vector<1x256xi32>
    %and3A_2243 = arith.andi %shift_right_logical3A_2240, %and3A_2242 : vector<1x256xi32>
    %add3A_2244 = arith.addi %add3A_2237, %and3A_2243 : vector<1x256xi32>
    %shift_right_logical3A_2245 = arith.constant 16 : i32
    %shift_right_logical3A_2246 = vector.broadcast %shift_right_logical3A_2245 : i32 to vector<1x256xi32>
    %shift_right_logical3A_2247 = arith.shrui %add3A_2244, %shift_right_logical3A_2246 : vector<1x256xi32>
    %slice3A_2248 = vector.extract_strided_slice %add3A_1722 {offsets = [0, 7936], sizes = [1, 256], strides = [1, 1]} : vector<1x20480xf32> to vector<1x256xf32>
    %bitcast_convert_type3A_2249 = tpu.bitcast %slice3A_2248 : vector<1x256xf32> -> vector<1x256xi32>
    %add3A_2250 = arith.constant 32767 : i32
    %add3A_2251 = vector.broadcast %add3A_2250 : i32 to vector<1x256xi32>
    %add3A_2252 = arith.addi %bitcast_convert_type3A_2249, %add3A_2251 : vector<1x256xi32>
    %shift_right_logical3A_2253 = arith.constant 16 : i32
    %shift_right_logical3A_2254 = vector.broadcast %shift_right_logical3A_2253 : i32 to vector<1x256xi32>
    %shift_right_logical3A_2255 = arith.shrui %bitcast_convert_type3A_2249, %shift_right_logical3A_2254 : vector<1x256xi32>
    %and3A_2256 = arith.constant 1 : i32
    %and3A_2257 = vector.broadcast %and3A_2256 : i32 to vector<1x256xi32>
    %and3A_2258 = arith.andi %shift_right_logical3A_2255, %and3A_2257 : vector<1x256xi32>
    %add3A_2259 = arith.addi %add3A_2252, %and3A_2258 : vector<1x256xi32>
    %shift_right_logical3A_2260 = arith.constant 16 : i32
    %shift_right_logical3A_2261 = vector.broadcast %shift_right_logical3A_2260 : i32 to vector<1x256xi32>
    %shift_right_logical3A_2262 = arith.shrui %add3A_2259, %shift_right_logical3A_2261 : vector<1x256xi32>
    %shift_left3A_2263 = arith.constant 16 : i32
    %shift_left3A_2264 = vector.broadcast %shift_left3A_2263 : i32 to vector<1x256xi32>
    %shift_left3A_2265 = arith.shli %shift_right_logical3A_2262, %shift_left3A_2264 : vector<1x256xi32>
    %or3A_2266 = arith.ori %shift_right_logical3A_2247, %shift_left3A_2265 : vector<1x256xi32>
    %slice3A_2267 = vector.extract_strided_slice %add3A_1722 {offsets = [0, 8192], sizes = [1, 256], strides = [1, 1]} : vector<1x20480xf32> to vector<1x256xf32>
    %bitcast_convert_type3A_2268 = tpu.bitcast %slice3A_2267 : vector<1x256xf32> -> vector<1x256xi32>
    %add3A_2269 = arith.constant 32767 : i32
    %add3A_2270 = vector.broadcast %add3A_2269 : i32 to vector<1x256xi32>
    %add3A_2271 = arith.addi %bitcast_convert_type3A_2268, %add3A_2270 : vector<1x256xi32>
    %shift_right_logical3A_2272 = arith.constant 16 : i32
    %shift_right_logical3A_2273 = vector.broadcast %shift_right_logical3A_2272 : i32 to vector<1x256xi32>
    %shift_right_logical3A_2274 = arith.shrui %bitcast_convert_type3A_2268, %shift_right_logical3A_2273 : vector<1x256xi32>
    %and3A_2275 = arith.constant 1 : i32
    %and3A_2276 = vector.broadcast %and3A_2275 : i32 to vector<1x256xi32>
    %and3A_2277 = arith.andi %shift_right_logical3A_2274, %and3A_2276 : vector<1x256xi32>
    %add3A_2278 = arith.addi %add3A_2271, %and3A_2277 : vector<1x256xi32>
    %shift_right_logical3A_2279 = arith.constant 16 : i32
    %shift_right_logical3A_2280 = vector.broadcast %shift_right_logical3A_2279 : i32 to vector<1x256xi32>
    %shift_right_logical3A_2281 = arith.shrui %add3A_2278, %shift_right_logical3A_2280 : vector<1x256xi32>
    %slice3A_2282 = vector.extract_strided_slice %add3A_1722 {offsets = [0, 8448], sizes = [1, 256], strides = [1, 1]} : vector<1x20480xf32> to vector<1x256xf32>
    %bitcast_convert_type3A_2283 = tpu.bitcast %slice3A_2282 : vector<1x256xf32> -> vector<1x256xi32>
    %add3A_2284 = arith.constant 32767 : i32
    %add3A_2285 = vector.broadcast %add3A_2284 : i32 to vector<1x256xi32>
    %add3A_2286 = arith.addi %bitcast_convert_type3A_2283, %add3A_2285 : vector<1x256xi32>
    %shift_right_logical3A_2287 = arith.constant 16 : i32
    %shift_right_logical3A_2288 = vector.broadcast %shift_right_logical3A_2287 : i32 to vector<1x256xi32>
    %shift_right_logical3A_2289 = arith.shrui %bitcast_convert_type3A_2283, %shift_right_logical3A_2288 : vector<1x256xi32>
    %and3A_2290 = arith.constant 1 : i32
    %and3A_2291 = vector.broadcast %and3A_2290 : i32 to vector<1x256xi32>
    %and3A_2292 = arith.andi %shift_right_logical3A_2289, %and3A_2291 : vector<1x256xi32>
    %add3A_2293 = arith.addi %add3A_2286, %and3A_2292 : vector<1x256xi32>
    %shift_right_logical3A_2294 = arith.constant 16 : i32
    %shift_right_logical3A_2295 = vector.broadcast %shift_right_logical3A_2294 : i32 to vector<1x256xi32>
    %shift_right_logical3A_2296 = arith.shrui %add3A_2293, %shift_right_logical3A_2295 : vector<1x256xi32>
    %shift_left3A_2297 = arith.constant 16 : i32
    %shift_left3A_2298 = vector.broadcast %shift_left3A_2297 : i32 to vector<1x256xi32>
    %shift_left3A_2299 = arith.shli %shift_right_logical3A_2296, %shift_left3A_2298 : vector<1x256xi32>
    %or3A_2300 = arith.ori %shift_right_logical3A_2281, %shift_left3A_2299 : vector<1x256xi32>
    %slice3A_2301 = vector.extract_strided_slice %add3A_1722 {offsets = [0, 8704], sizes = [1, 256], strides = [1, 1]} : vector<1x20480xf32> to vector<1x256xf32>
    %bitcast_convert_type3A_2302 = tpu.bitcast %slice3A_2301 : vector<1x256xf32> -> vector<1x256xi32>
    %add3A_2303 = arith.constant 32767 : i32
    %add3A_2304 = vector.broadcast %add3A_2303 : i32 to vector<1x256xi32>
    %add3A_2305 = arith.addi %bitcast_convert_type3A_2302, %add3A_2304 : vector<1x256xi32>
    %shift_right_logical3A_2306 = arith.constant 16 : i32
    %shift_right_logical3A_2307 = vector.broadcast %shift_right_logical3A_2306 : i32 to vector<1x256xi32>
    %shift_right_logical3A_2308 = arith.shrui %bitcast_convert_type3A_2302, %shift_right_logical3A_2307 : vector<1x256xi32>
    %and3A_2309 = arith.constant 1 : i32
    %and3A_2310 = vector.broadcast %and3A_2309 : i32 to vector<1x256xi32>
    %and3A_2311 = arith.andi %shift_right_logical3A_2308, %and3A_2310 : vector<1x256xi32>
    %add3A_2312 = arith.addi %add3A_2305, %and3A_2311 : vector<1x256xi32>
    %shift_right_logical3A_2313 = arith.constant 16 : i32
    %shift_right_logical3A_2314 = vector.broadcast %shift_right_logical3A_2313 : i32 to vector<1x256xi32>
    %shift_right_logical3A_2315 = arith.shrui %add3A_2312, %shift_right_logical3A_2314 : vector<1x256xi32>
    %slice3A_2316 = vector.extract_strided_slice %add3A_1722 {offsets = [0, 8960], sizes = [1, 256], strides = [1, 1]} : vector<1x20480xf32> to vector<1x256xf32>
    %bitcast_convert_type3A_2317 = tpu.bitcast %slice3A_2316 : vector<1x256xf32> -> vector<1x256xi32>
    %add3A_2318 = arith.constant 32767 : i32
    %add3A_2319 = vector.broadcast %add3A_2318 : i32 to vector<1x256xi32>
    %add3A_2320 = arith.addi %bitcast_convert_type3A_2317, %add3A_2319 : vector<1x256xi32>
    %shift_right_logical3A_2321 = arith.constant 16 : i32
    %shift_right_logical3A_2322 = vector.broadcast %shift_right_logical3A_2321 : i32 to vector<1x256xi32>
    %shift_right_logical3A_2323 = arith.shrui %bitcast_convert_type3A_2317, %shift_right_logical3A_2322 : vector<1x256xi32>
    %and3A_2324 = arith.constant 1 : i32
    %and3A_2325 = vector.broadcast %and3A_2324 : i32 to vector<1x256xi32>
    %and3A_2326 = arith.andi %shift_right_logical3A_2323, %and3A_2325 : vector<1x256xi32>
    %add3A_2327 = arith.addi %add3A_2320, %and3A_2326 : vector<1x256xi32>
    %shift_right_logical3A_2328 = arith.constant 16 : i32
    %shift_right_logical3A_2329 = vector.broadcast %shift_right_logical3A_2328 : i32 to vector<1x256xi32>
    %shift_right_logical3A_2330 = arith.shrui %add3A_2327, %shift_right_logical3A_2329 : vector<1x256xi32>
    %shift_left3A_2331 = arith.constant 16 : i32
    %shift_left3A_2332 = vector.broadcast %shift_left3A_2331 : i32 to vector<1x256xi32>
    %shift_left3A_2333 = arith.shli %shift_right_logical3A_2330, %shift_left3A_2332 : vector<1x256xi32>
    %or3A_2334 = arith.ori %shift_right_logical3A_2315, %shift_left3A_2333 : vector<1x256xi32>
    %slice3A_2335 = vector.extract_strided_slice %add3A_1722 {offsets = [0, 9216], sizes = [1, 256], strides = [1, 1]} : vector<1x20480xf32> to vector<1x256xf32>
    %bitcast_convert_type3A_2336 = tpu.bitcast %slice3A_2335 : vector<1x256xf32> -> vector<1x256xi32>
    %add3A_2337 = arith.constant 32767 : i32
    %add3A_2338 = vector.broadcast %add3A_2337 : i32 to vector<1x256xi32>
    %add3A_2339 = arith.addi %bitcast_convert_type3A_2336, %add3A_2338 : vector<1x256xi32>
    %shift_right_logical3A_2340 = arith.constant 16 : i32
    %shift_right_logical3A_2341 = vector.broadcast %shift_right_logical3A_2340 : i32 to vector<1x256xi32>
    %shift_right_logical3A_2342 = arith.shrui %bitcast_convert_type3A_2336, %shift_right_logical3A_2341 : vector<1x256xi32>
    %and3A_2343 = arith.constant 1 : i32
    %and3A_2344 = vector.broadcast %and3A_2343 : i32 to vector<1x256xi32>
    %and3A_2345 = arith.andi %shift_right_logical3A_2342, %and3A_2344 : vector<1x256xi32>
    %add3A_2346 = arith.addi %add3A_2339, %and3A_2345 : vector<1x256xi32>
    %shift_right_logical3A_2347 = arith.constant 16 : i32
    %shift_right_logical3A_2348 = vector.broadcast %shift_right_logical3A_2347 : i32 to vector<1x256xi32>
    %shift_right_logical3A_2349 = arith.shrui %add3A_2346, %shift_right_logical3A_2348 : vector<1x256xi32>
    %slice3A_2350 = vector.extract_strided_slice %add3A_1722 {offsets = [0, 9472], sizes = [1, 256], strides = [1, 1]} : vector<1x20480xf32> to vector<1x256xf32>
    %bitcast_convert_type3A_2351 = tpu.bitcast %slice3A_2350 : vector<1x256xf32> -> vector<1x256xi32>
    %add3A_2352 = arith.constant 32767 : i32
    %add3A_2353 = vector.broadcast %add3A_2352 : i32 to vector<1x256xi32>
    %add3A_2354 = arith.addi %bitcast_convert_type3A_2351, %add3A_2353 : vector<1x256xi32>
    %shift_right_logical3A_2355 = arith.constant 16 : i32
    %shift_right_logical3A_2356 = vector.broadcast %shift_right_logical3A_2355 : i32 to vector<1x256xi32>
    %shift_right_logical3A_2357 = arith.shrui %bitcast_convert_type3A_2351, %shift_right_logical3A_2356 : vector<1x256xi32>
    %and3A_2358 = arith.constant 1 : i32
    %and3A_2359 = vector.broadcast %and3A_2358 : i32 to vector<1x256xi32>
    %and3A_2360 = arith.andi %shift_right_logical3A_2357, %and3A_2359 : vector<1x256xi32>
    %add3A_2361 = arith.addi %add3A_2354, %and3A_2360 : vector<1x256xi32>
    %shift_right_logical3A_2362 = arith.constant 16 : i32
    %shift_right_logical3A_2363 = vector.broadcast %shift_right_logical3A_2362 : i32 to vector<1x256xi32>
    %shift_right_logical3A_2364 = arith.shrui %add3A_2361, %shift_right_logical3A_2363 : vector<1x256xi32>
    %shift_left3A_2365 = arith.constant 16 : i32
    %shift_left3A_2366 = vector.broadcast %shift_left3A_2365 : i32 to vector<1x256xi32>
    %shift_left3A_2367 = arith.shli %shift_right_logical3A_2364, %shift_left3A_2366 : vector<1x256xi32>
    %or3A_2368 = arith.ori %shift_right_logical3A_2349, %shift_left3A_2367 : vector<1x256xi32>
    %slice3A_2369 = vector.extract_strided_slice %add3A_1722 {offsets = [0, 9728], sizes = [1, 256], strides = [1, 1]} : vector<1x20480xf32> to vector<1x256xf32>
    %bitcast_convert_type3A_2370 = tpu.bitcast %slice3A_2369 : vector<1x256xf32> -> vector<1x256xi32>
    %add3A_2371 = arith.constant 32767 : i32
    %add3A_2372 = vector.broadcast %add3A_2371 : i32 to vector<1x256xi32>
    %add3A_2373 = arith.addi %bitcast_convert_type3A_2370, %add3A_2372 : vector<1x256xi32>
    %shift_right_logical3A_2374 = arith.constant 16 : i32
    %shift_right_logical3A_2375 = vector.broadcast %shift_right_logical3A_2374 : i32 to vector<1x256xi32>
    %shift_right_logical3A_2376 = arith.shrui %bitcast_convert_type3A_2370, %shift_right_logical3A_2375 : vector<1x256xi32>
    %and3A_2377 = arith.constant 1 : i32
    %and3A_2378 = vector.broadcast %and3A_2377 : i32 to vector<1x256xi32>
    %and3A_2379 = arith.andi %shift_right_logical3A_2376, %and3A_2378 : vector<1x256xi32>
    %add3A_2380 = arith.addi %add3A_2373, %and3A_2379 : vector<1x256xi32>
    %shift_right_logical3A_2381 = arith.constant 16 : i32
    %shift_right_logical3A_2382 = vector.broadcast %shift_right_logical3A_2381 : i32 to vector<1x256xi32>
    %shift_right_logical3A_2383 = arith.shrui %add3A_2380, %shift_right_logical3A_2382 : vector<1x256xi32>
    %slice3A_2384 = vector.extract_strided_slice %add3A_1722 {offsets = [0, 9984], sizes = [1, 256], strides = [1, 1]} : vector<1x20480xf32> to vector<1x256xf32>
    %bitcast_convert_type3A_2385 = tpu.bitcast %slice3A_2384 : vector<1x256xf32> -> vector<1x256xi32>
    %add3A_2386 = arith.constant 32767 : i32
    %add3A_2387 = vector.broadcast %add3A_2386 : i32 to vector<1x256xi32>
    %add3A_2388 = arith.addi %bitcast_convert_type3A_2385, %add3A_2387 : vector<1x256xi32>
    %shift_right_logical3A_2389 = arith.constant 16 : i32
    %shift_right_logical3A_2390 = vector.broadcast %shift_right_logical3A_2389 : i32 to vector<1x256xi32>
    %shift_right_logical3A_2391 = arith.shrui %bitcast_convert_type3A_2385, %shift_right_logical3A_2390 : vector<1x256xi32>
    %and3A_2392 = arith.constant 1 : i32
    %and3A_2393 = vector.broadcast %and3A_2392 : i32 to vector<1x256xi32>
    %and3A_2394 = arith.andi %shift_right_logical3A_2391, %and3A_2393 : vector<1x256xi32>
    %add3A_2395 = arith.addi %add3A_2388, %and3A_2394 : vector<1x256xi32>
    %shift_right_logical3A_2396 = arith.constant 16 : i32
    %shift_right_logical3A_2397 = vector.broadcast %shift_right_logical3A_2396 : i32 to vector<1x256xi32>
    %shift_right_logical3A_2398 = arith.shrui %add3A_2395, %shift_right_logical3A_2397 : vector<1x256xi32>
    %shift_left3A_2399 = arith.constant 16 : i32
    %shift_left3A_2400 = vector.broadcast %shift_left3A_2399 : i32 to vector<1x256xi32>
    %shift_left3A_2401 = arith.shli %shift_right_logical3A_2398, %shift_left3A_2400 : vector<1x256xi32>
    %or3A_2402 = arith.ori %shift_right_logical3A_2383, %shift_left3A_2401 : vector<1x256xi32>
    %slice3A_2403 = vector.extract_strided_slice %add3A_1722 {offsets = [0, 10240], sizes = [1, 256], strides = [1, 1]} : vector<1x20480xf32> to vector<1x256xf32>
    %bitcast_convert_type3A_2404 = tpu.bitcast %slice3A_2403 : vector<1x256xf32> -> vector<1x256xi32>
    %add3A_2405 = arith.constant 32767 : i32
    %add3A_2406 = vector.broadcast %add3A_2405 : i32 to vector<1x256xi32>
    %add3A_2407 = arith.addi %bitcast_convert_type3A_2404, %add3A_2406 : vector<1x256xi32>
    %shift_right_logical3A_2408 = arith.constant 16 : i32
    %shift_right_logical3A_2409 = vector.broadcast %shift_right_logical3A_2408 : i32 to vector<1x256xi32>
    %shift_right_logical3A_2410 = arith.shrui %bitcast_convert_type3A_2404, %shift_right_logical3A_2409 : vector<1x256xi32>
    %and3A_2411 = arith.constant 1 : i32
    %and3A_2412 = vector.broadcast %and3A_2411 : i32 to vector<1x256xi32>
    %and3A_2413 = arith.andi %shift_right_logical3A_2410, %and3A_2412 : vector<1x256xi32>
    %add3A_2414 = arith.addi %add3A_2407, %and3A_2413 : vector<1x256xi32>
    %shift_right_logical3A_2415 = arith.constant 16 : i32
    %shift_right_logical3A_2416 = vector.broadcast %shift_right_logical3A_2415 : i32 to vector<1x256xi32>
    %shift_right_logical3A_2417 = arith.shrui %add3A_2414, %shift_right_logical3A_2416 : vector<1x256xi32>
    %slice3A_2418 = vector.extract_strided_slice %add3A_1722 {offsets = [0, 10496], sizes = [1, 256], strides = [1, 1]} : vector<1x20480xf32> to vector<1x256xf32>
    %bitcast_convert_type3A_2419 = tpu.bitcast %slice3A_2418 : vector<1x256xf32> -> vector<1x256xi32>
    %add3A_2420 = arith.constant 32767 : i32
    %add3A_2421 = vector.broadcast %add3A_2420 : i32 to vector<1x256xi32>
    %add3A_2422 = arith.addi %bitcast_convert_type3A_2419, %add3A_2421 : vector<1x256xi32>
    %shift_right_logical3A_2423 = arith.constant 16 : i32
    %shift_right_logical3A_2424 = vector.broadcast %shift_right_logical3A_2423 : i32 to vector<1x256xi32>
    %shift_right_logical3A_2425 = arith.shrui %bitcast_convert_type3A_2419, %shift_right_logical3A_2424 : vector<1x256xi32>
    %and3A_2426 = arith.constant 1 : i32
    %and3A_2427 = vector.broadcast %and3A_2426 : i32 to vector<1x256xi32>
    %and3A_2428 = arith.andi %shift_right_logical3A_2425, %and3A_2427 : vector<1x256xi32>
    %add3A_2429 = arith.addi %add3A_2422, %and3A_2428 : vector<1x256xi32>
    %shift_right_logical3A_2430 = arith.constant 16 : i32
    %shift_right_logical3A_2431 = vector.broadcast %shift_right_logical3A_2430 : i32 to vector<1x256xi32>
    %shift_right_logical3A_2432 = arith.shrui %add3A_2429, %shift_right_logical3A_2431 : vector<1x256xi32>
    %shift_left3A_2433 = arith.constant 16 : i32
    %shift_left3A_2434 = vector.broadcast %shift_left3A_2433 : i32 to vector<1x256xi32>
    %shift_left3A_2435 = arith.shli %shift_right_logical3A_2432, %shift_left3A_2434 : vector<1x256xi32>
    %or3A_2436 = arith.ori %shift_right_logical3A_2417, %shift_left3A_2435 : vector<1x256xi32>
    %slice3A_2437 = vector.extract_strided_slice %add3A_1722 {offsets = [0, 10752], sizes = [1, 256], strides = [1, 1]} : vector<1x20480xf32> to vector<1x256xf32>
    %bitcast_convert_type3A_2438 = tpu.bitcast %slice3A_2437 : vector<1x256xf32> -> vector<1x256xi32>
    %add3A_2439 = arith.constant 32767 : i32
    %add3A_2440 = vector.broadcast %add3A_2439 : i32 to vector<1x256xi32>
    %add3A_2441 = arith.addi %bitcast_convert_type3A_2438, %add3A_2440 : vector<1x256xi32>
    %shift_right_logical3A_2442 = arith.constant 16 : i32
    %shift_right_logical3A_2443 = vector.broadcast %shift_right_logical3A_2442 : i32 to vector<1x256xi32>
    %shift_right_logical3A_2444 = arith.shrui %bitcast_convert_type3A_2438, %shift_right_logical3A_2443 : vector<1x256xi32>
    %and3A_2445 = arith.constant 1 : i32
    %and3A_2446 = vector.broadcast %and3A_2445 : i32 to vector<1x256xi32>
    %and3A_2447 = arith.andi %shift_right_logical3A_2444, %and3A_2446 : vector<1x256xi32>
    %add3A_2448 = arith.addi %add3A_2441, %and3A_2447 : vector<1x256xi32>
    %shift_right_logical3A_2449 = arith.constant 16 : i32
    %shift_right_logical3A_2450 = vector.broadcast %shift_right_logical3A_2449 : i32 to vector<1x256xi32>
    %shift_right_logical3A_2451 = arith.shrui %add3A_2448, %shift_right_logical3A_2450 : vector<1x256xi32>
    %slice3A_2452 = vector.extract_strided_slice %add3A_1722 {offsets = [0, 11008], sizes = [1, 256], strides = [1, 1]} : vector<1x20480xf32> to vector<1x256xf32>
    %bitcast_convert_type3A_2453 = tpu.bitcast %slice3A_2452 : vector<1x256xf32> -> vector<1x256xi32>
    %add3A_2454 = arith.constant 32767 : i32
    %add3A_2455 = vector.broadcast %add3A_2454 : i32 to vector<1x256xi32>
    %add3A_2456 = arith.addi %bitcast_convert_type3A_2453, %add3A_2455 : vector<1x256xi32>
    %shift_right_logical3A_2457 = arith.constant 16 : i32
    %shift_right_logical3A_2458 = vector.broadcast %shift_right_logical3A_2457 : i32 to vector<1x256xi32>
    %shift_right_logical3A_2459 = arith.shrui %bitcast_convert_type3A_2453, %shift_right_logical3A_2458 : vector<1x256xi32>
    %and3A_2460 = arith.constant 1 : i32
    %and3A_2461 = vector.broadcast %and3A_2460 : i32 to vector<1x256xi32>
    %and3A_2462 = arith.andi %shift_right_logical3A_2459, %and3A_2461 : vector<1x256xi32>
    %add3A_2463 = arith.addi %add3A_2456, %and3A_2462 : vector<1x256xi32>
    %shift_right_logical3A_2464 = arith.constant 16 : i32
    %shift_right_logical3A_2465 = vector.broadcast %shift_right_logical3A_2464 : i32 to vector<1x256xi32>
    %shift_right_logical3A_2466 = arith.shrui %add3A_2463, %shift_right_logical3A_2465 : vector<1x256xi32>
    %shift_left3A_2467 = arith.constant 16 : i32
    %shift_left3A_2468 = vector.broadcast %shift_left3A_2467 : i32 to vector<1x256xi32>
    %shift_left3A_2469 = arith.shli %shift_right_logical3A_2466, %shift_left3A_2468 : vector<1x256xi32>
    %or3A_2470 = arith.ori %shift_right_logical3A_2451, %shift_left3A_2469 : vector<1x256xi32>
    %slice3A_2471 = vector.extract_strided_slice %add3A_1722 {offsets = [0, 11264], sizes = [1, 256], strides = [1, 1]} : vector<1x20480xf32> to vector<1x256xf32>
    %bitcast_convert_type3A_2472 = tpu.bitcast %slice3A_2471 : vector<1x256xf32> -> vector<1x256xi32>
    %add3A_2473 = arith.constant 32767 : i32
    %add3A_2474 = vector.broadcast %add3A_2473 : i32 to vector<1x256xi32>
    %add3A_2475 = arith.addi %bitcast_convert_type3A_2472, %add3A_2474 : vector<1x256xi32>
    %shift_right_logical3A_2476 = arith.constant 16 : i32
    %shift_right_logical3A_2477 = vector.broadcast %shift_right_logical3A_2476 : i32 to vector<1x256xi32>
    %shift_right_logical3A_2478 = arith.shrui %bitcast_convert_type3A_2472, %shift_right_logical3A_2477 : vector<1x256xi32>
    %and3A_2479 = arith.constant 1 : i32
    %and3A_2480 = vector.broadcast %and3A_2479 : i32 to vector<1x256xi32>
    %and3A_2481 = arith.andi %shift_right_logical3A_2478, %and3A_2480 : vector<1x256xi32>
    %add3A_2482 = arith.addi %add3A_2475, %and3A_2481 : vector<1x256xi32>
    %shift_right_logical3A_2483 = arith.constant 16 : i32
    %shift_right_logical3A_2484 = vector.broadcast %shift_right_logical3A_2483 : i32 to vector<1x256xi32>
    %shift_right_logical3A_2485 = arith.shrui %add3A_2482, %shift_right_logical3A_2484 : vector<1x256xi32>
    %slice3A_2486 = vector.extract_strided_slice %add3A_1722 {offsets = [0, 11520], sizes = [1, 256], strides = [1, 1]} : vector<1x20480xf32> to vector<1x256xf32>
    %bitcast_convert_type3A_2487 = tpu.bitcast %slice3A_2486 : vector<1x256xf32> -> vector<1x256xi32>
    %add3A_2488 = arith.constant 32767 : i32
    %add3A_2489 = vector.broadcast %add3A_2488 : i32 to vector<1x256xi32>
    %add3A_2490 = arith.addi %bitcast_convert_type3A_2487, %add3A_2489 : vector<1x256xi32>
    %shift_right_logical3A_2491 = arith.constant 16 : i32
    %shift_right_logical3A_2492 = vector.broadcast %shift_right_logical3A_2491 : i32 to vector<1x256xi32>
    %shift_right_logical3A_2493 = arith.shrui %bitcast_convert_type3A_2487, %shift_right_logical3A_2492 : vector<1x256xi32>
    %and3A_2494 = arith.constant 1 : i32
    %and3A_2495 = vector.broadcast %and3A_2494 : i32 to vector<1x256xi32>
    %and3A_2496 = arith.andi %shift_right_logical3A_2493, %and3A_2495 : vector<1x256xi32>
    %add3A_2497 = arith.addi %add3A_2490, %and3A_2496 : vector<1x256xi32>
    %shift_right_logical3A_2498 = arith.constant 16 : i32
    %shift_right_logical3A_2499 = vector.broadcast %shift_right_logical3A_2498 : i32 to vector<1x256xi32>
    %shift_right_logical3A_2500 = arith.shrui %add3A_2497, %shift_right_logical3A_2499 : vector<1x256xi32>
    %shift_left3A_2501 = arith.constant 16 : i32
    %shift_left3A_2502 = vector.broadcast %shift_left3A_2501 : i32 to vector<1x256xi32>
    %shift_left3A_2503 = arith.shli %shift_right_logical3A_2500, %shift_left3A_2502 : vector<1x256xi32>
    %or3A_2504 = arith.ori %shift_right_logical3A_2485, %shift_left3A_2503 : vector<1x256xi32>
    %slice3A_2505 = vector.extract_strided_slice %add3A_1722 {offsets = [0, 11776], sizes = [1, 256], strides = [1, 1]} : vector<1x20480xf32> to vector<1x256xf32>
    %bitcast_convert_type3A_2506 = tpu.bitcast %slice3A_2505 : vector<1x256xf32> -> vector<1x256xi32>
    %add3A_2507 = arith.constant 32767 : i32
    %add3A_2508 = vector.broadcast %add3A_2507 : i32 to vector<1x256xi32>
    %add3A_2509 = arith.addi %bitcast_convert_type3A_2506, %add3A_2508 : vector<1x256xi32>
    %shift_right_logical3A_2510 = arith.constant 16 : i32
    %shift_right_logical3A_2511 = vector.broadcast %shift_right_logical3A_2510 : i32 to vector<1x256xi32>
    %shift_right_logical3A_2512 = arith.shrui %bitcast_convert_type3A_2506, %shift_right_logical3A_2511 : vector<1x256xi32>
    %and3A_2513 = arith.constant 1 : i32
    %and3A_2514 = vector.broadcast %and3A_2513 : i32 to vector<1x256xi32>
    %and3A_2515 = arith.andi %shift_right_logical3A_2512, %and3A_2514 : vector<1x256xi32>
    %add3A_2516 = arith.addi %add3A_2509, %and3A_2515 : vector<1x256xi32>
    %shift_right_logical3A_2517 = arith.constant 16 : i32
    %shift_right_logical3A_2518 = vector.broadcast %shift_right_logical3A_2517 : i32 to vector<1x256xi32>
    %shift_right_logical3A_2519 = arith.shrui %add3A_2516, %shift_right_logical3A_2518 : vector<1x256xi32>
    %slice3A_2520 = vector.extract_strided_slice %add3A_1722 {offsets = [0, 12032], sizes = [1, 256], strides = [1, 1]} : vector<1x20480xf32> to vector<1x256xf32>
    %bitcast_convert_type3A_2521 = tpu.bitcast %slice3A_2520 : vector<1x256xf32> -> vector<1x256xi32>
    %add3A_2522 = arith.constant 32767 : i32
    %add3A_2523 = vector.broadcast %add3A_2522 : i32 to vector<1x256xi32>
    %add3A_2524 = arith.addi %bitcast_convert_type3A_2521, %add3A_2523 : vector<1x256xi32>
    %shift_right_logical3A_2525 = arith.constant 16 : i32
    %shift_right_logical3A_2526 = vector.broadcast %shift_right_logical3A_2525 : i32 to vector<1x256xi32>
    %shift_right_logical3A_2527 = arith.shrui %bitcast_convert_type3A_2521, %shift_right_logical3A_2526 : vector<1x256xi32>
    %and3A_2528 = arith.constant 1 : i32
    %and3A_2529 = vector.broadcast %and3A_2528 : i32 to vector<1x256xi32>
    %and3A_2530 = arith.andi %shift_right_logical3A_2527, %and3A_2529 : vector<1x256xi32>
    %add3A_2531 = arith.addi %add3A_2524, %and3A_2530 : vector<1x256xi32>
    %shift_right_logical3A_2532 = arith.constant 16 : i32
    %shift_right_logical3A_2533 = vector.broadcast %shift_right_logical3A_2532 : i32 to vector<1x256xi32>
    %shift_right_logical3A_2534 = arith.shrui %add3A_2531, %shift_right_logical3A_2533 : vector<1x256xi32>
    %shift_left3A_2535 = arith.constant 16 : i32
    %shift_left3A_2536 = vector.broadcast %shift_left3A_2535 : i32 to vector<1x256xi32>
    %shift_left3A_2537 = arith.shli %shift_right_logical3A_2534, %shift_left3A_2536 : vector<1x256xi32>
    %or3A_2538 = arith.ori %shift_right_logical3A_2519, %shift_left3A_2537 : vector<1x256xi32>
    %slice3A_2539 = vector.extract_strided_slice %add3A_1722 {offsets = [0, 12288], sizes = [1, 256], strides = [1, 1]} : vector<1x20480xf32> to vector<1x256xf32>
    %bitcast_convert_type3A_2540 = tpu.bitcast %slice3A_2539 : vector<1x256xf32> -> vector<1x256xi32>
    %add3A_2541 = arith.constant 32767 : i32
    %add3A_2542 = vector.broadcast %add3A_2541 : i32 to vector<1x256xi32>
    %add3A_2543 = arith.addi %bitcast_convert_type3A_2540, %add3A_2542 : vector<1x256xi32>
    %shift_right_logical3A_2544 = arith.constant 16 : i32
    %shift_right_logical3A_2545 = vector.broadcast %shift_right_logical3A_2544 : i32 to vector<1x256xi32>
    %shift_right_logical3A_2546 = arith.shrui %bitcast_convert_type3A_2540, %shift_right_logical3A_2545 : vector<1x256xi32>
    %and3A_2547 = arith.constant 1 : i32
    %and3A_2548 = vector.broadcast %and3A_2547 : i32 to vector<1x256xi32>
    %and3A_2549 = arith.andi %shift_right_logical3A_2546, %and3A_2548 : vector<1x256xi32>
    %add3A_2550 = arith.addi %add3A_2543, %and3A_2549 : vector<1x256xi32>
    %shift_right_logical3A_2551 = arith.constant 16 : i32
    %shift_right_logical3A_2552 = vector.broadcast %shift_right_logical3A_2551 : i32 to vector<1x256xi32>
    %shift_right_logical3A_2553 = arith.shrui %add3A_2550, %shift_right_logical3A_2552 : vector<1x256xi32>
    %slice3A_2554 = vector.extract_strided_slice %add3A_1722 {offsets = [0, 12544], sizes = [1, 256], strides = [1, 1]} : vector<1x20480xf32> to vector<1x256xf32>
    %bitcast_convert_type3A_2555 = tpu.bitcast %slice3A_2554 : vector<1x256xf32> -> vector<1x256xi32>
    %add3A_2556 = arith.constant 32767 : i32
    %add3A_2557 = vector.broadcast %add3A_2556 : i32 to vector<1x256xi32>
    %add3A_2558 = arith.addi %bitcast_convert_type3A_2555, %add3A_2557 : vector<1x256xi32>
    %shift_right_logical3A_2559 = arith.constant 16 : i32
    %shift_right_logical3A_2560 = vector.broadcast %shift_right_logical3A_2559 : i32 to vector<1x256xi32>
    %shift_right_logical3A_2561 = arith.shrui %bitcast_convert_type3A_2555, %shift_right_logical3A_2560 : vector<1x256xi32>
    %and3A_2562 = arith.constant 1 : i32
    %and3A_2563 = vector.broadcast %and3A_2562 : i32 to vector<1x256xi32>
    %and3A_2564 = arith.andi %shift_right_logical3A_2561, %and3A_2563 : vector<1x256xi32>
    %add3A_2565 = arith.addi %add3A_2558, %and3A_2564 : vector<1x256xi32>
    %shift_right_logical3A_2566 = arith.constant 16 : i32
    %shift_right_logical3A_2567 = vector.broadcast %shift_right_logical3A_2566 : i32 to vector<1x256xi32>
    %shift_right_logical3A_2568 = arith.shrui %add3A_2565, %shift_right_logical3A_2567 : vector<1x256xi32>
    %shift_left3A_2569 = arith.constant 16 : i32
    %shift_left3A_2570 = vector.broadcast %shift_left3A_2569 : i32 to vector<1x256xi32>
    %shift_left3A_2571 = arith.shli %shift_right_logical3A_2568, %shift_left3A_2570 : vector<1x256xi32>
    %or3A_2572 = arith.ori %shift_right_logical3A_2553, %shift_left3A_2571 : vector<1x256xi32>
    %slice3A_2573 = vector.extract_strided_slice %add3A_1722 {offsets = [0, 12800], sizes = [1, 256], strides = [1, 1]} : vector<1x20480xf32> to vector<1x256xf32>
    %bitcast_convert_type3A_2574 = tpu.bitcast %slice3A_2573 : vector<1x256xf32> -> vector<1x256xi32>
    %add3A_2575 = arith.constant 32767 : i32
    %add3A_2576 = vector.broadcast %add3A_2575 : i32 to vector<1x256xi32>
    %add3A_2577 = arith.addi %bitcast_convert_type3A_2574, %add3A_2576 : vector<1x256xi32>
    %shift_right_logical3A_2578 = arith.constant 16 : i32
    %shift_right_logical3A_2579 = vector.broadcast %shift_right_logical3A_2578 : i32 to vector<1x256xi32>
    %shift_right_logical3A_2580 = arith.shrui %bitcast_convert_type3A_2574, %shift_right_logical3A_2579 : vector<1x256xi32>
    %and3A_2581 = arith.constant 1 : i32
    %and3A_2582 = vector.broadcast %and3A_2581 : i32 to vector<1x256xi32>
    %and3A_2583 = arith.andi %shift_right_logical3A_2580, %and3A_2582 : vector<1x256xi32>
    %add3A_2584 = arith.addi %add3A_2577, %and3A_2583 : vector<1x256xi32>
    %shift_right_logical3A_2585 = arith.constant 16 : i32
    %shift_right_logical3A_2586 = vector.broadcast %shift_right_logical3A_2585 : i32 to vector<1x256xi32>
    %shift_right_logical3A_2587 = arith.shrui %add3A_2584, %shift_right_logical3A_2586 : vector<1x256xi32>
    %slice3A_2588 = vector.extract_strided_slice %add3A_1722 {offsets = [0, 13056], sizes = [1, 256], strides = [1, 1]} : vector<1x20480xf32> to vector<1x256xf32>
    %bitcast_convert_type3A_2589 = tpu.bitcast %slice3A_2588 : vector<1x256xf32> -> vector<1x256xi32>
    %add3A_2590 = arith.constant 32767 : i32
    %add3A_2591 = vector.broadcast %add3A_2590 : i32 to vector<1x256xi32>
    %add3A_2592 = arith.addi %bitcast_convert_type3A_2589, %add3A_2591 : vector<1x256xi32>
    %shift_right_logical3A_2593 = arith.constant 16 : i32
    %shift_right_logical3A_2594 = vector.broadcast %shift_right_logical3A_2593 : i32 to vector<1x256xi32>
    %shift_right_logical3A_2595 = arith.shrui %bitcast_convert_type3A_2589, %shift_right_logical3A_2594 : vector<1x256xi32>
    %and3A_2596 = arith.constant 1 : i32
    %and3A_2597 = vector.broadcast %and3A_2596 : i32 to vector<1x256xi32>
    %and3A_2598 = arith.andi %shift_right_logical3A_2595, %and3A_2597 : vector<1x256xi32>
    %add3A_2599 = arith.addi %add3A_2592, %and3A_2598 : vector<1x256xi32>
    %shift_right_logical3A_2600 = arith.constant 16 : i32
    %shift_right_logical3A_2601 = vector.broadcast %shift_right_logical3A_2600 : i32 to vector<1x256xi32>
    %shift_right_logical3A_2602 = arith.shrui %add3A_2599, %shift_right_logical3A_2601 : vector<1x256xi32>
    %shift_left3A_2603 = arith.constant 16 : i32
    %shift_left3A_2604 = vector.broadcast %shift_left3A_2603 : i32 to vector<1x256xi32>
    %shift_left3A_2605 = arith.shli %shift_right_logical3A_2602, %shift_left3A_2604 : vector<1x256xi32>
    %or3A_2606 = arith.ori %shift_right_logical3A_2587, %shift_left3A_2605 : vector<1x256xi32>
    %slice3A_2607 = vector.extract_strided_slice %add3A_1722 {offsets = [0, 13312], sizes = [1, 256], strides = [1, 1]} : vector<1x20480xf32> to vector<1x256xf32>
    %bitcast_convert_type3A_2608 = tpu.bitcast %slice3A_2607 : vector<1x256xf32> -> vector<1x256xi32>
    %add3A_2609 = arith.constant 32767 : i32
    %add3A_2610 = vector.broadcast %add3A_2609 : i32 to vector<1x256xi32>
    %add3A_2611 = arith.addi %bitcast_convert_type3A_2608, %add3A_2610 : vector<1x256xi32>
    %shift_right_logical3A_2612 = arith.constant 16 : i32
    %shift_right_logical3A_2613 = vector.broadcast %shift_right_logical3A_2612 : i32 to vector<1x256xi32>
    %shift_right_logical3A_2614 = arith.shrui %bitcast_convert_type3A_2608, %shift_right_logical3A_2613 : vector<1x256xi32>
    %and3A_2615 = arith.constant 1 : i32
    %and3A_2616 = vector.broadcast %and3A_2615 : i32 to vector<1x256xi32>
    %and3A_2617 = arith.andi %shift_right_logical3A_2614, %and3A_2616 : vector<1x256xi32>
    %add3A_2618 = arith.addi %add3A_2611, %and3A_2617 : vector<1x256xi32>
    %shift_right_logical3A_2619 = arith.constant 16 : i32
    %shift_right_logical3A_2620 = vector.broadcast %shift_right_logical3A_2619 : i32 to vector<1x256xi32>
    %shift_right_logical3A_2621 = arith.shrui %add3A_2618, %shift_right_logical3A_2620 : vector<1x256xi32>
    %slice3A_2622 = vector.extract_strided_slice %add3A_1722 {offsets = [0, 13568], sizes = [1, 256], strides = [1, 1]} : vector<1x20480xf32> to vector<1x256xf32>
    %bitcast_convert_type3A_2623 = tpu.bitcast %slice3A_2622 : vector<1x256xf32> -> vector<1x256xi32>
    %add3A_2624 = arith.constant 32767 : i32
    %add3A_2625 = vector.broadcast %add3A_2624 : i32 to vector<1x256xi32>
    %add3A_2626 = arith.addi %bitcast_convert_type3A_2623, %add3A_2625 : vector<1x256xi32>
    %shift_right_logical3A_2627 = arith.constant 16 : i32
    %shift_right_logical3A_2628 = vector.broadcast %shift_right_logical3A_2627 : i32 to vector<1x256xi32>
    %shift_right_logical3A_2629 = arith.shrui %bitcast_convert_type3A_2623, %shift_right_logical3A_2628 : vector<1x256xi32>
    %and3A_2630 = arith.constant 1 : i32
    %and3A_2631 = vector.broadcast %and3A_2630 : i32 to vector<1x256xi32>
    %and3A_2632 = arith.andi %shift_right_logical3A_2629, %and3A_2631 : vector<1x256xi32>
    %add3A_2633 = arith.addi %add3A_2626, %and3A_2632 : vector<1x256xi32>
    %shift_right_logical3A_2634 = arith.constant 16 : i32
    %shift_right_logical3A_2635 = vector.broadcast %shift_right_logical3A_2634 : i32 to vector<1x256xi32>
    %shift_right_logical3A_2636 = arith.shrui %add3A_2633, %shift_right_logical3A_2635 : vector<1x256xi32>
    %shift_left3A_2637 = arith.constant 16 : i32
    %shift_left3A_2638 = vector.broadcast %shift_left3A_2637 : i32 to vector<1x256xi32>
    %shift_left3A_2639 = arith.shli %shift_right_logical3A_2636, %shift_left3A_2638 : vector<1x256xi32>
    %or3A_2640 = arith.ori %shift_right_logical3A_2621, %shift_left3A_2639 : vector<1x256xi32>
    %slice3A_2641 = vector.extract_strided_slice %add3A_1722 {offsets = [0, 13824], sizes = [1, 256], strides = [1, 1]} : vector<1x20480xf32> to vector<1x256xf32>
    %bitcast_convert_type3A_2642 = tpu.bitcast %slice3A_2641 : vector<1x256xf32> -> vector<1x256xi32>
    %add3A_2643 = arith.constant 32767 : i32
    %add3A_2644 = vector.broadcast %add3A_2643 : i32 to vector<1x256xi32>
    %add3A_2645 = arith.addi %bitcast_convert_type3A_2642, %add3A_2644 : vector<1x256xi32>
    %shift_right_logical3A_2646 = arith.constant 16 : i32
    %shift_right_logical3A_2647 = vector.broadcast %shift_right_logical3A_2646 : i32 to vector<1x256xi32>
    %shift_right_logical3A_2648 = arith.shrui %bitcast_convert_type3A_2642, %shift_right_logical3A_2647 : vector<1x256xi32>
    %and3A_2649 = arith.constant 1 : i32
    %and3A_2650 = vector.broadcast %and3A_2649 : i32 to vector<1x256xi32>
    %and3A_2651 = arith.andi %shift_right_logical3A_2648, %and3A_2650 : vector<1x256xi32>
    %add3A_2652 = arith.addi %add3A_2645, %and3A_2651 : vector<1x256xi32>
    %shift_right_logical3A_2653 = arith.constant 16 : i32
    %shift_right_logical3A_2654 = vector.broadcast %shift_right_logical3A_2653 : i32 to vector<1x256xi32>
    %shift_right_logical3A_2655 = arith.shrui %add3A_2652, %shift_right_logical3A_2654 : vector<1x256xi32>
    %slice3A_2656 = vector.extract_strided_slice %add3A_1722 {offsets = [0, 14080], sizes = [1, 256], strides = [1, 1]} : vector<1x20480xf32> to vector<1x256xf32>
    %bitcast_convert_type3A_2657 = tpu.bitcast %slice3A_2656 : vector<1x256xf32> -> vector<1x256xi32>
    %add3A_2658 = arith.constant 32767 : i32
    %add3A_2659 = vector.broadcast %add3A_2658 : i32 to vector<1x256xi32>
    %add3A_2660 = arith.addi %bitcast_convert_type3A_2657, %add3A_2659 : vector<1x256xi32>
    %shift_right_logical3A_2661 = arith.constant 16 : i32
    %shift_right_logical3A_2662 = vector.broadcast %shift_right_logical3A_2661 : i32 to vector<1x256xi32>
    %shift_right_logical3A_2663 = arith.shrui %bitcast_convert_type3A_2657, %shift_right_logical3A_2662 : vector<1x256xi32>
    %and3A_2664 = arith.constant 1 : i32
    %and3A_2665 = vector.broadcast %and3A_2664 : i32 to vector<1x256xi32>
    %and3A_2666 = arith.andi %shift_right_logical3A_2663, %and3A_2665 : vector<1x256xi32>
    %add3A_2667 = arith.addi %add3A_2660, %and3A_2666 : vector<1x256xi32>
    %shift_right_logical3A_2668 = arith.constant 16 : i32
    %shift_right_logical3A_2669 = vector.broadcast %shift_right_logical3A_2668 : i32 to vector<1x256xi32>
    %shift_right_logical3A_2670 = arith.shrui %add3A_2667, %shift_right_logical3A_2669 : vector<1x256xi32>
    %shift_left3A_2671 = arith.constant 16 : i32
    %shift_left3A_2672 = vector.broadcast %shift_left3A_2671 : i32 to vector<1x256xi32>
    %shift_left3A_2673 = arith.shli %shift_right_logical3A_2670, %shift_left3A_2672 : vector<1x256xi32>
    %or3A_2674 = arith.ori %shift_right_logical3A_2655, %shift_left3A_2673 : vector<1x256xi32>
    %slice3A_2675 = vector.extract_strided_slice %add3A_1722 {offsets = [0, 14336], sizes = [1, 256], strides = [1, 1]} : vector<1x20480xf32> to vector<1x256xf32>
    %bitcast_convert_type3A_2676 = tpu.bitcast %slice3A_2675 : vector<1x256xf32> -> vector<1x256xi32>
    %add3A_2677 = arith.constant 32767 : i32
    %add3A_2678 = vector.broadcast %add3A_2677 : i32 to vector<1x256xi32>
    %add3A_2679 = arith.addi %bitcast_convert_type3A_2676, %add3A_2678 : vector<1x256xi32>
    %shift_right_logical3A_2680 = arith.constant 16 : i32
    %shift_right_logical3A_2681 = vector.broadcast %shift_right_logical3A_2680 : i32 to vector<1x256xi32>
    %shift_right_logical3A_2682 = arith.shrui %bitcast_convert_type3A_2676, %shift_right_logical3A_2681 : vector<1x256xi32>
    %and3A_2683 = arith.constant 1 : i32
    %and3A_2684 = vector.broadcast %and3A_2683 : i32 to vector<1x256xi32>
    %and3A_2685 = arith.andi %shift_right_logical3A_2682, %and3A_2684 : vector<1x256xi32>
    %add3A_2686 = arith.addi %add3A_2679, %and3A_2685 : vector<1x256xi32>
    %shift_right_logical3A_2687 = arith.constant 16 : i32
    %shift_right_logical3A_2688 = vector.broadcast %shift_right_logical3A_2687 : i32 to vector<1x256xi32>
    %shift_right_logical3A_2689 = arith.shrui %add3A_2686, %shift_right_logical3A_2688 : vector<1x256xi32>
    %slice3A_2690 = vector.extract_strided_slice %add3A_1722 {offsets = [0, 14592], sizes = [1, 256], strides = [1, 1]} : vector<1x20480xf32> to vector<1x256xf32>
    %bitcast_convert_type3A_2691 = tpu.bitcast %slice3A_2690 : vector<1x256xf32> -> vector<1x256xi32>
    %add3A_2692 = arith.constant 32767 : i32
    %add3A_2693 = vector.broadcast %add3A_2692 : i32 to vector<1x256xi32>
    %add3A_2694 = arith.addi %bitcast_convert_type3A_2691, %add3A_2693 : vector<1x256xi32>
    %shift_right_logical3A_2695 = arith.constant 16 : i32
    %shift_right_logical3A_2696 = vector.broadcast %shift_right_logical3A_2695 : i32 to vector<1x256xi32>
    %shift_right_logical3A_2697 = arith.shrui %bitcast_convert_type3A_2691, %shift_right_logical3A_2696 : vector<1x256xi32>
    %and3A_2698 = arith.constant 1 : i32
    %and3A_2699 = vector.broadcast %and3A_2698 : i32 to vector<1x256xi32>
    %and3A_2700 = arith.andi %shift_right_logical3A_2697, %and3A_2699 : vector<1x256xi32>
    %add3A_2701 = arith.addi %add3A_2694, %and3A_2700 : vector<1x256xi32>
    %shift_right_logical3A_2702 = arith.constant 16 : i32
    %shift_right_logical3A_2703 = vector.broadcast %shift_right_logical3A_2702 : i32 to vector<1x256xi32>
    %shift_right_logical3A_2704 = arith.shrui %add3A_2701, %shift_right_logical3A_2703 : vector<1x256xi32>
    %shift_left3A_2705 = arith.constant 16 : i32
    %shift_left3A_2706 = vector.broadcast %shift_left3A_2705 : i32 to vector<1x256xi32>
    %shift_left3A_2707 = arith.shli %shift_right_logical3A_2704, %shift_left3A_2706 : vector<1x256xi32>
    %or3A_2708 = arith.ori %shift_right_logical3A_2689, %shift_left3A_2707 : vector<1x256xi32>
    %slice3A_2709 = vector.extract_strided_slice %add3A_1722 {offsets = [0, 14848], sizes = [1, 256], strides = [1, 1]} : vector<1x20480xf32> to vector<1x256xf32>
    %bitcast_convert_type3A_2710 = tpu.bitcast %slice3A_2709 : vector<1x256xf32> -> vector<1x256xi32>
    %add3A_2711 = arith.constant 32767 : i32
    %add3A_2712 = vector.broadcast %add3A_2711 : i32 to vector<1x256xi32>
    %add3A_2713 = arith.addi %bitcast_convert_type3A_2710, %add3A_2712 : vector<1x256xi32>
    %shift_right_logical3A_2714 = arith.constant 16 : i32
    %shift_right_logical3A_2715 = vector.broadcast %shift_right_logical3A_2714 : i32 to vector<1x256xi32>
    %shift_right_logical3A_2716 = arith.shrui %bitcast_convert_type3A_2710, %shift_right_logical3A_2715 : vector<1x256xi32>
    %and3A_2717 = arith.constant 1 : i32
    %and3A_2718 = vector.broadcast %and3A_2717 : i32 to vector<1x256xi32>
    %and3A_2719 = arith.andi %shift_right_logical3A_2716, %and3A_2718 : vector<1x256xi32>
    %add3A_2720 = arith.addi %add3A_2713, %and3A_2719 : vector<1x256xi32>
    %shift_right_logical3A_2721 = arith.constant 16 : i32
    %shift_right_logical3A_2722 = vector.broadcast %shift_right_logical3A_2721 : i32 to vector<1x256xi32>
    %shift_right_logical3A_2723 = arith.shrui %add3A_2720, %shift_right_logical3A_2722 : vector<1x256xi32>
    %slice3A_2724 = vector.extract_strided_slice %add3A_1722 {offsets = [0, 15104], sizes = [1, 256], strides = [1, 1]} : vector<1x20480xf32> to vector<1x256xf32>
    %bitcast_convert_type3A_2725 = tpu.bitcast %slice3A_2724 : vector<1x256xf32> -> vector<1x256xi32>
    %add3A_2726 = arith.constant 32767 : i32
    %add3A_2727 = vector.broadcast %add3A_2726 : i32 to vector<1x256xi32>
    %add3A_2728 = arith.addi %bitcast_convert_type3A_2725, %add3A_2727 : vector<1x256xi32>
    %shift_right_logical3A_2729 = arith.constant 16 : i32
    %shift_right_logical3A_2730 = vector.broadcast %shift_right_logical3A_2729 : i32 to vector<1x256xi32>
    %shift_right_logical3A_2731 = arith.shrui %bitcast_convert_type3A_2725, %shift_right_logical3A_2730 : vector<1x256xi32>
    %and3A_2732 = arith.constant 1 : i32
    %and3A_2733 = vector.broadcast %and3A_2732 : i32 to vector<1x256xi32>
    %and3A_2734 = arith.andi %shift_right_logical3A_2731, %and3A_2733 : vector<1x256xi32>
    %add3A_2735 = arith.addi %add3A_2728, %and3A_2734 : vector<1x256xi32>
    %shift_right_logical3A_2736 = arith.constant 16 : i32
    %shift_right_logical3A_2737 = vector.broadcast %shift_right_logical3A_2736 : i32 to vector<1x256xi32>
    %shift_right_logical3A_2738 = arith.shrui %add3A_2735, %shift_right_logical3A_2737 : vector<1x256xi32>
    %shift_left3A_2739 = arith.constant 16 : i32
    %shift_left3A_2740 = vector.broadcast %shift_left3A_2739 : i32 to vector<1x256xi32>
    %shift_left3A_2741 = arith.shli %shift_right_logical3A_2738, %shift_left3A_2740 : vector<1x256xi32>
    %or3A_2742 = arith.ori %shift_right_logical3A_2723, %shift_left3A_2741 : vector<1x256xi32>
    %slice3A_2743 = vector.extract_strided_slice %add3A_1722 {offsets = [0, 15360], sizes = [1, 256], strides = [1, 1]} : vector<1x20480xf32> to vector<1x256xf32>
    %bitcast_convert_type3A_2744 = tpu.bitcast %slice3A_2743 : vector<1x256xf32> -> vector<1x256xi32>
    %add3A_2745 = arith.constant 32767 : i32
    %add3A_2746 = vector.broadcast %add3A_2745 : i32 to vector<1x256xi32>
    %add3A_2747 = arith.addi %bitcast_convert_type3A_2744, %add3A_2746 : vector<1x256xi32>
    %shift_right_logical3A_2748 = arith.constant 16 : i32
    %shift_right_logical3A_2749 = vector.broadcast %shift_right_logical3A_2748 : i32 to vector<1x256xi32>
    %shift_right_logical3A_2750 = arith.shrui %bitcast_convert_type3A_2744, %shift_right_logical3A_2749 : vector<1x256xi32>
    %and3A_2751 = arith.constant 1 : i32
    %and3A_2752 = vector.broadcast %and3A_2751 : i32 to vector<1x256xi32>
    %and3A_2753 = arith.andi %shift_right_logical3A_2750, %and3A_2752 : vector<1x256xi32>
    %add3A_2754 = arith.addi %add3A_2747, %and3A_2753 : vector<1x256xi32>
    %shift_right_logical3A_2755 = arith.constant 16 : i32
    %shift_right_logical3A_2756 = vector.broadcast %shift_right_logical3A_2755 : i32 to vector<1x256xi32>
    %shift_right_logical3A_2757 = arith.shrui %add3A_2754, %shift_right_logical3A_2756 : vector<1x256xi32>
    %slice3A_2758 = vector.extract_strided_slice %add3A_1722 {offsets = [0, 15616], sizes = [1, 256], strides = [1, 1]} : vector<1x20480xf32> to vector<1x256xf32>
    %bitcast_convert_type3A_2759 = tpu.bitcast %slice3A_2758 : vector<1x256xf32> -> vector<1x256xi32>
    %add3A_2760 = arith.constant 32767 : i32
    %add3A_2761 = vector.broadcast %add3A_2760 : i32 to vector<1x256xi32>
    %add3A_2762 = arith.addi %bitcast_convert_type3A_2759, %add3A_2761 : vector<1x256xi32>
    %shift_right_logical3A_2763 = arith.constant 16 : i32
    %shift_right_logical3A_2764 = vector.broadcast %shift_right_logical3A_2763 : i32 to vector<1x256xi32>
    %shift_right_logical3A_2765 = arith.shrui %bitcast_convert_type3A_2759, %shift_right_logical3A_2764 : vector<1x256xi32>
    %and3A_2766 = arith.constant 1 : i32
    %and3A_2767 = vector.broadcast %and3A_2766 : i32 to vector<1x256xi32>
    %and3A_2768 = arith.andi %shift_right_logical3A_2765, %and3A_2767 : vector<1x256xi32>
    %add3A_2769 = arith.addi %add3A_2762, %and3A_2768 : vector<1x256xi32>
    %shift_right_logical3A_2770 = arith.constant 16 : i32
    %shift_right_logical3A_2771 = vector.broadcast %shift_right_logical3A_2770 : i32 to vector<1x256xi32>
    %shift_right_logical3A_2772 = arith.shrui %add3A_2769, %shift_right_logical3A_2771 : vector<1x256xi32>
    %shift_left3A_2773 = arith.constant 16 : i32
    %shift_left3A_2774 = vector.broadcast %shift_left3A_2773 : i32 to vector<1x256xi32>
    %shift_left3A_2775 = arith.shli %shift_right_logical3A_2772, %shift_left3A_2774 : vector<1x256xi32>
    %or3A_2776 = arith.ori %shift_right_logical3A_2757, %shift_left3A_2775 : vector<1x256xi32>
    %slice3A_2777 = vector.extract_strided_slice %add3A_1722 {offsets = [0, 15872], sizes = [1, 256], strides = [1, 1]} : vector<1x20480xf32> to vector<1x256xf32>
    %bitcast_convert_type3A_2778 = tpu.bitcast %slice3A_2777 : vector<1x256xf32> -> vector<1x256xi32>
    %add3A_2779 = arith.constant 32767 : i32
    %add3A_2780 = vector.broadcast %add3A_2779 : i32 to vector<1x256xi32>
    %add3A_2781 = arith.addi %bitcast_convert_type3A_2778, %add3A_2780 : vector<1x256xi32>
    %shift_right_logical3A_2782 = arith.constant 16 : i32
    %shift_right_logical3A_2783 = vector.broadcast %shift_right_logical3A_2782 : i32 to vector<1x256xi32>
    %shift_right_logical3A_2784 = arith.shrui %bitcast_convert_type3A_2778, %shift_right_logical3A_2783 : vector<1x256xi32>
    %and3A_2785 = arith.constant 1 : i32
    %and3A_2786 = vector.broadcast %and3A_2785 : i32 to vector<1x256xi32>
    %and3A_2787 = arith.andi %shift_right_logical3A_2784, %and3A_2786 : vector<1x256xi32>
    %add3A_2788 = arith.addi %add3A_2781, %and3A_2787 : vector<1x256xi32>
    %shift_right_logical3A_2789 = arith.constant 16 : i32
    %shift_right_logical3A_2790 = vector.broadcast %shift_right_logical3A_2789 : i32 to vector<1x256xi32>
    %shift_right_logical3A_2791 = arith.shrui %add3A_2788, %shift_right_logical3A_2790 : vector<1x256xi32>
    %slice3A_2792 = vector.extract_strided_slice %add3A_1722 {offsets = [0, 16128], sizes = [1, 256], strides = [1, 1]} : vector<1x20480xf32> to vector<1x256xf32>
    %bitcast_convert_type3A_2793 = tpu.bitcast %slice3A_2792 : vector<1x256xf32> -> vector<1x256xi32>
    %add3A_2794 = arith.constant 32767 : i32
    %add3A_2795 = vector.broadcast %add3A_2794 : i32 to vector<1x256xi32>
    %add3A_2796 = arith.addi %bitcast_convert_type3A_2793, %add3A_2795 : vector<1x256xi32>
    %shift_right_logical3A_2797 = arith.constant 16 : i32
    %shift_right_logical3A_2798 = vector.broadcast %shift_right_logical3A_2797 : i32 to vector<1x256xi32>
    %shift_right_logical3A_2799 = arith.shrui %bitcast_convert_type3A_2793, %shift_right_logical3A_2798 : vector<1x256xi32>
    %and3A_2800 = arith.constant 1 : i32
    %and3A_2801 = vector.broadcast %and3A_2800 : i32 to vector<1x256xi32>
    %and3A_2802 = arith.andi %shift_right_logical3A_2799, %and3A_2801 : vector<1x256xi32>
    %add3A_2803 = arith.addi %add3A_2796, %and3A_2802 : vector<1x256xi32>
    %shift_right_logical3A_2804 = arith.constant 16 : i32
    %shift_right_logical3A_2805 = vector.broadcast %shift_right_logical3A_2804 : i32 to vector<1x256xi32>
    %shift_right_logical3A_2806 = arith.shrui %add3A_2803, %shift_right_logical3A_2805 : vector<1x256xi32>
    %shift_left3A_2807 = arith.constant 16 : i32
    %shift_left3A_2808 = vector.broadcast %shift_left3A_2807 : i32 to vector<1x256xi32>
    %shift_left3A_2809 = arith.shli %shift_right_logical3A_2806, %shift_left3A_2808 : vector<1x256xi32>
    %or3A_2810 = arith.ori %shift_right_logical3A_2791, %shift_left3A_2809 : vector<1x256xi32>
    %slice3A_2811 = vector.extract_strided_slice %add3A_1722 {offsets = [0, 16384], sizes = [1, 256], strides = [1, 1]} : vector<1x20480xf32> to vector<1x256xf32>
    %bitcast_convert_type3A_2812 = tpu.bitcast %slice3A_2811 : vector<1x256xf32> -> vector<1x256xi32>
    %add3A_2813 = arith.constant 32767 : i32
    %add3A_2814 = vector.broadcast %add3A_2813 : i32 to vector<1x256xi32>
    %add3A_2815 = arith.addi %bitcast_convert_type3A_2812, %add3A_2814 : vector<1x256xi32>
    %shift_right_logical3A_2816 = arith.constant 16 : i32
    %shift_right_logical3A_2817 = vector.broadcast %shift_right_logical3A_2816 : i32 to vector<1x256xi32>
    %shift_right_logical3A_2818 = arith.shrui %bitcast_convert_type3A_2812, %shift_right_logical3A_2817 : vector<1x256xi32>
    %and3A_2819 = arith.constant 1 : i32
    %and3A_2820 = vector.broadcast %and3A_2819 : i32 to vector<1x256xi32>
    %and3A_2821 = arith.andi %shift_right_logical3A_2818, %and3A_2820 : vector<1x256xi32>
    %add3A_2822 = arith.addi %add3A_2815, %and3A_2821 : vector<1x256xi32>
    %shift_right_logical3A_2823 = arith.constant 16 : i32
    %shift_right_logical3A_2824 = vector.broadcast %shift_right_logical3A_2823 : i32 to vector<1x256xi32>
    %shift_right_logical3A_2825 = arith.shrui %add3A_2822, %shift_right_logical3A_2824 : vector<1x256xi32>
    %slice3A_2826 = vector.extract_strided_slice %add3A_1722 {offsets = [0, 16640], sizes = [1, 256], strides = [1, 1]} : vector<1x20480xf32> to vector<1x256xf32>
    %bitcast_convert_type3A_2827 = tpu.bitcast %slice3A_2826 : vector<1x256xf32> -> vector<1x256xi32>
    %add3A_2828 = arith.constant 32767 : i32
    %add3A_2829 = vector.broadcast %add3A_2828 : i32 to vector<1x256xi32>
    %add3A_2830 = arith.addi %bitcast_convert_type3A_2827, %add3A_2829 : vector<1x256xi32>
    %shift_right_logical3A_2831 = arith.constant 16 : i32
    %shift_right_logical3A_2832 = vector.broadcast %shift_right_logical3A_2831 : i32 to vector<1x256xi32>
    %shift_right_logical3A_2833 = arith.shrui %bitcast_convert_type3A_2827, %shift_right_logical3A_2832 : vector<1x256xi32>
    %and3A_2834 = arith.constant 1 : i32
    %and3A_2835 = vector.broadcast %and3A_2834 : i32 to vector<1x256xi32>
    %and3A_2836 = arith.andi %shift_right_logical3A_2833, %and3A_2835 : vector<1x256xi32>
    %add3A_2837 = arith.addi %add3A_2830, %and3A_2836 : vector<1x256xi32>
    %shift_right_logical3A_2838 = arith.constant 16 : i32
    %shift_right_logical3A_2839 = vector.broadcast %shift_right_logical3A_2838 : i32 to vector<1x256xi32>
    %shift_right_logical3A_2840 = arith.shrui %add3A_2837, %shift_right_logical3A_2839 : vector<1x256xi32>
    %shift_left3A_2841 = arith.constant 16 : i32
    %shift_left3A_2842 = vector.broadcast %shift_left3A_2841 : i32 to vector<1x256xi32>
    %shift_left3A_2843 = arith.shli %shift_right_logical3A_2840, %shift_left3A_2842 : vector<1x256xi32>
    %or3A_2844 = arith.ori %shift_right_logical3A_2825, %shift_left3A_2843 : vector<1x256xi32>
    %slice3A_2845 = vector.extract_strided_slice %add3A_1722 {offsets = [0, 16896], sizes = [1, 256], strides = [1, 1]} : vector<1x20480xf32> to vector<1x256xf32>
    %bitcast_convert_type3A_2846 = tpu.bitcast %slice3A_2845 : vector<1x256xf32> -> vector<1x256xi32>
    %add3A_2847 = arith.constant 32767 : i32
    %add3A_2848 = vector.broadcast %add3A_2847 : i32 to vector<1x256xi32>
    %add3A_2849 = arith.addi %bitcast_convert_type3A_2846, %add3A_2848 : vector<1x256xi32>
    %shift_right_logical3A_2850 = arith.constant 16 : i32
    %shift_right_logical3A_2851 = vector.broadcast %shift_right_logical3A_2850 : i32 to vector<1x256xi32>
    %shift_right_logical3A_2852 = arith.shrui %bitcast_convert_type3A_2846, %shift_right_logical3A_2851 : vector<1x256xi32>
    %and3A_2853 = arith.constant 1 : i32
    %and3A_2854 = vector.broadcast %and3A_2853 : i32 to vector<1x256xi32>
    %and3A_2855 = arith.andi %shift_right_logical3A_2852, %and3A_2854 : vector<1x256xi32>
    %add3A_2856 = arith.addi %add3A_2849, %and3A_2855 : vector<1x256xi32>
    %shift_right_logical3A_2857 = arith.constant 16 : i32
    %shift_right_logical3A_2858 = vector.broadcast %shift_right_logical3A_2857 : i32 to vector<1x256xi32>
    %shift_right_logical3A_2859 = arith.shrui %add3A_2856, %shift_right_logical3A_2858 : vector<1x256xi32>
    %slice3A_2860 = vector.extract_strided_slice %add3A_1722 {offsets = [0, 17152], sizes = [1, 256], strides = [1, 1]} : vector<1x20480xf32> to vector<1x256xf32>
    %bitcast_convert_type3A_2861 = tpu.bitcast %slice3A_2860 : vector<1x256xf32> -> vector<1x256xi32>
    %add3A_2862 = arith.constant 32767 : i32
    %add3A_2863 = vector.broadcast %add3A_2862 : i32 to vector<1x256xi32>
    %add3A_2864 = arith.addi %bitcast_convert_type3A_2861, %add3A_2863 : vector<1x256xi32>
    %shift_right_logical3A_2865 = arith.constant 16 : i32
    %shift_right_logical3A_2866 = vector.broadcast %shift_right_logical3A_2865 : i32 to vector<1x256xi32>
    %shift_right_logical3A_2867 = arith.shrui %bitcast_convert_type3A_2861, %shift_right_logical3A_2866 : vector<1x256xi32>
    %and3A_2868 = arith.constant 1 : i32
    %and3A_2869 = vector.broadcast %and3A_2868 : i32 to vector<1x256xi32>
    %and3A_2870 = arith.andi %shift_right_logical3A_2867, %and3A_2869 : vector<1x256xi32>
    %add3A_2871 = arith.addi %add3A_2864, %and3A_2870 : vector<1x256xi32>
    %shift_right_logical3A_2872 = arith.constant 16 : i32
    %shift_right_logical3A_2873 = vector.broadcast %shift_right_logical3A_2872 : i32 to vector<1x256xi32>
    %shift_right_logical3A_2874 = arith.shrui %add3A_2871, %shift_right_logical3A_2873 : vector<1x256xi32>
    %shift_left3A_2875 = arith.constant 16 : i32
    %shift_left3A_2876 = vector.broadcast %shift_left3A_2875 : i32 to vector<1x256xi32>
    %shift_left3A_2877 = arith.shli %shift_right_logical3A_2874, %shift_left3A_2876 : vector<1x256xi32>
    %or3A_2878 = arith.ori %shift_right_logical3A_2859, %shift_left3A_2877 : vector<1x256xi32>
    %slice3A_2879 = vector.extract_strided_slice %add3A_1722 {offsets = [0, 17408], sizes = [1, 256], strides = [1, 1]} : vector<1x20480xf32> to vector<1x256xf32>
    %bitcast_convert_type3A_2880 = tpu.bitcast %slice3A_2879 : vector<1x256xf32> -> vector<1x256xi32>
    %add3A_2881 = arith.constant 32767 : i32
    %add3A_2882 = vector.broadcast %add3A_2881 : i32 to vector<1x256xi32>
    %add3A_2883 = arith.addi %bitcast_convert_type3A_2880, %add3A_2882 : vector<1x256xi32>
    %shift_right_logical3A_2884 = arith.constant 16 : i32
    %shift_right_logical3A_2885 = vector.broadcast %shift_right_logical3A_2884 : i32 to vector<1x256xi32>
    %shift_right_logical3A_2886 = arith.shrui %bitcast_convert_type3A_2880, %shift_right_logical3A_2885 : vector<1x256xi32>
    %and3A_2887 = arith.constant 1 : i32
    %and3A_2888 = vector.broadcast %and3A_2887 : i32 to vector<1x256xi32>
    %and3A_2889 = arith.andi %shift_right_logical3A_2886, %and3A_2888 : vector<1x256xi32>
    %add3A_2890 = arith.addi %add3A_2883, %and3A_2889 : vector<1x256xi32>
    %shift_right_logical3A_2891 = arith.constant 16 : i32
    %shift_right_logical3A_2892 = vector.broadcast %shift_right_logical3A_2891 : i32 to vector<1x256xi32>
    %shift_right_logical3A_2893 = arith.shrui %add3A_2890, %shift_right_logical3A_2892 : vector<1x256xi32>
    %slice3A_2894 = vector.extract_strided_slice %add3A_1722 {offsets = [0, 17664], sizes = [1, 256], strides = [1, 1]} : vector<1x20480xf32> to vector<1x256xf32>
    %bitcast_convert_type3A_2895 = tpu.bitcast %slice3A_2894 : vector<1x256xf32> -> vector<1x256xi32>
    %add3A_2896 = arith.constant 32767 : i32
    %add3A_2897 = vector.broadcast %add3A_2896 : i32 to vector<1x256xi32>
    %add3A_2898 = arith.addi %bitcast_convert_type3A_2895, %add3A_2897 : vector<1x256xi32>
    %shift_right_logical3A_2899 = arith.constant 16 : i32
    %shift_right_logical3A_2900 = vector.broadcast %shift_right_logical3A_2899 : i32 to vector<1x256xi32>
    %shift_right_logical3A_2901 = arith.shrui %bitcast_convert_type3A_2895, %shift_right_logical3A_2900 : vector<1x256xi32>
    %and3A_2902 = arith.constant 1 : i32
    %and3A_2903 = vector.broadcast %and3A_2902 : i32 to vector<1x256xi32>
    %and3A_2904 = arith.andi %shift_right_logical3A_2901, %and3A_2903 : vector<1x256xi32>
    %add3A_2905 = arith.addi %add3A_2898, %and3A_2904 : vector<1x256xi32>
    %shift_right_logical3A_2906 = arith.constant 16 : i32
    %shift_right_logical3A_2907 = vector.broadcast %shift_right_logical3A_2906 : i32 to vector<1x256xi32>
    %shift_right_logical3A_2908 = arith.shrui %add3A_2905, %shift_right_logical3A_2907 : vector<1x256xi32>
    %shift_left3A_2909 = arith.constant 16 : i32
    %shift_left3A_2910 = vector.broadcast %shift_left3A_2909 : i32 to vector<1x256xi32>
    %shift_left3A_2911 = arith.shli %shift_right_logical3A_2908, %shift_left3A_2910 : vector<1x256xi32>
    %or3A_2912 = arith.ori %shift_right_logical3A_2893, %shift_left3A_2911 : vector<1x256xi32>
    %slice3A_2913 = vector.extract_strided_slice %add3A_1722 {offsets = [0, 17920], sizes = [1, 256], strides = [1, 1]} : vector<1x20480xf32> to vector<1x256xf32>
    %bitcast_convert_type3A_2914 = tpu.bitcast %slice3A_2913 : vector<1x256xf32> -> vector<1x256xi32>
    %add3A_2915 = arith.constant 32767 : i32
    %add3A_2916 = vector.broadcast %add3A_2915 : i32 to vector<1x256xi32>
    %add3A_2917 = arith.addi %bitcast_convert_type3A_2914, %add3A_2916 : vector<1x256xi32>
    %shift_right_logical3A_2918 = arith.constant 16 : i32
    %shift_right_logical3A_2919 = vector.broadcast %shift_right_logical3A_2918 : i32 to vector<1x256xi32>
    %shift_right_logical3A_2920 = arith.shrui %bitcast_convert_type3A_2914, %shift_right_logical3A_2919 : vector<1x256xi32>
    %and3A_2921 = arith.constant 1 : i32
    %and3A_2922 = vector.broadcast %and3A_2921 : i32 to vector<1x256xi32>
    %and3A_2923 = arith.andi %shift_right_logical3A_2920, %and3A_2922 : vector<1x256xi32>
    %add3A_2924 = arith.addi %add3A_2917, %and3A_2923 : vector<1x256xi32>
    %shift_right_logical3A_2925 = arith.constant 16 : i32
    %shift_right_logical3A_2926 = vector.broadcast %shift_right_logical3A_2925 : i32 to vector<1x256xi32>
    %shift_right_logical3A_2927 = arith.shrui %add3A_2924, %shift_right_logical3A_2926 : vector<1x256xi32>
    %slice3A_2928 = vector.extract_strided_slice %add3A_1722 {offsets = [0, 18176], sizes = [1, 256], strides = [1, 1]} : vector<1x20480xf32> to vector<1x256xf32>
    %bitcast_convert_type3A_2929 = tpu.bitcast %slice3A_2928 : vector<1x256xf32> -> vector<1x256xi32>
    %add3A_2930 = arith.constant 32767 : i32
    %add3A_2931 = vector.broadcast %add3A_2930 : i32 to vector<1x256xi32>
    %add3A_2932 = arith.addi %bitcast_convert_type3A_2929, %add3A_2931 : vector<1x256xi32>
    %shift_right_logical3A_2933 = arith.constant 16 : i32
    %shift_right_logical3A_2934 = vector.broadcast %shift_right_logical3A_2933 : i32 to vector<1x256xi32>
    %shift_right_logical3A_2935 = arith.shrui %bitcast_convert_type3A_2929, %shift_right_logical3A_2934 : vector<1x256xi32>
    %and3A_2936 = arith.constant 1 : i32
    %and3A_2937 = vector.broadcast %and3A_2936 : i32 to vector<1x256xi32>
    %and3A_2938 = arith.andi %shift_right_logical3A_2935, %and3A_2937 : vector<1x256xi32>
    %add3A_2939 = arith.addi %add3A_2932, %and3A_2938 : vector<1x256xi32>
    %shift_right_logical3A_2940 = arith.constant 16 : i32
    %shift_right_logical3A_2941 = vector.broadcast %shift_right_logical3A_2940 : i32 to vector<1x256xi32>
    %shift_right_logical3A_2942 = arith.shrui %add3A_2939, %shift_right_logical3A_2941 : vector<1x256xi32>
    %shift_left3A_2943 = arith.constant 16 : i32
    %shift_left3A_2944 = vector.broadcast %shift_left3A_2943 : i32 to vector<1x256xi32>
    %shift_left3A_2945 = arith.shli %shift_right_logical3A_2942, %shift_left3A_2944 : vector<1x256xi32>
    %or3A_2946 = arith.ori %shift_right_logical3A_2927, %shift_left3A_2945 : vector<1x256xi32>
    %slice3A_2947 = vector.extract_strided_slice %add3A_1722 {offsets = [0, 18432], sizes = [1, 256], strides = [1, 1]} : vector<1x20480xf32> to vector<1x256xf32>
    %bitcast_convert_type3A_2948 = tpu.bitcast %slice3A_2947 : vector<1x256xf32> -> vector<1x256xi32>
    %add3A_2949 = arith.constant 32767 : i32
    %add3A_2950 = vector.broadcast %add3A_2949 : i32 to vector<1x256xi32>
    %add3A_2951 = arith.addi %bitcast_convert_type3A_2948, %add3A_2950 : vector<1x256xi32>
    %shift_right_logical3A_2952 = arith.constant 16 : i32
    %shift_right_logical3A_2953 = vector.broadcast %shift_right_logical3A_2952 : i32 to vector<1x256xi32>
    %shift_right_logical3A_2954 = arith.shrui %bitcast_convert_type3A_2948, %shift_right_logical3A_2953 : vector<1x256xi32>
    %and3A_2955 = arith.constant 1 : i32
    %and3A_2956 = vector.broadcast %and3A_2955 : i32 to vector<1x256xi32>
    %and3A_2957 = arith.andi %shift_right_logical3A_2954, %and3A_2956 : vector<1x256xi32>
    %add3A_2958 = arith.addi %add3A_2951, %and3A_2957 : vector<1x256xi32>
    %shift_right_logical3A_2959 = arith.constant 16 : i32
    %shift_right_logical3A_2960 = vector.broadcast %shift_right_logical3A_2959 : i32 to vector<1x256xi32>
    %shift_right_logical3A_2961 = arith.shrui %add3A_2958, %shift_right_logical3A_2960 : vector<1x256xi32>
    %slice3A_2962 = vector.extract_strided_slice %add3A_1722 {offsets = [0, 18688], sizes = [1, 256], strides = [1, 1]} : vector<1x20480xf32> to vector<1x256xf32>
    %bitcast_convert_type3A_2963 = tpu.bitcast %slice3A_2962 : vector<1x256xf32> -> vector<1x256xi32>
    %add3A_2964 = arith.constant 32767 : i32
    %add3A_2965 = vector.broadcast %add3A_2964 : i32 to vector<1x256xi32>
    %add3A_2966 = arith.addi %bitcast_convert_type3A_2963, %add3A_2965 : vector<1x256xi32>
    %shift_right_logical3A_2967 = arith.constant 16 : i32
    %shift_right_logical3A_2968 = vector.broadcast %shift_right_logical3A_2967 : i32 to vector<1x256xi32>
    %shift_right_logical3A_2969 = arith.shrui %bitcast_convert_type3A_2963, %shift_right_logical3A_2968 : vector<1x256xi32>
    %and3A_2970 = arith.constant 1 : i32
    %and3A_2971 = vector.broadcast %and3A_2970 : i32 to vector<1x256xi32>
    %and3A_2972 = arith.andi %shift_right_logical3A_2969, %and3A_2971 : vector<1x256xi32>
    %add3A_2973 = arith.addi %add3A_2966, %and3A_2972 : vector<1x256xi32>
    %shift_right_logical3A_2974 = arith.constant 16 : i32
    %shift_right_logical3A_2975 = vector.broadcast %shift_right_logical3A_2974 : i32 to vector<1x256xi32>
    %shift_right_logical3A_2976 = arith.shrui %add3A_2973, %shift_right_logical3A_2975 : vector<1x256xi32>
    %shift_left3A_2977 = arith.constant 16 : i32
    %shift_left3A_2978 = vector.broadcast %shift_left3A_2977 : i32 to vector<1x256xi32>
    %shift_left3A_2979 = arith.shli %shift_right_logical3A_2976, %shift_left3A_2978 : vector<1x256xi32>
    %or3A_2980 = arith.ori %shift_right_logical3A_2961, %shift_left3A_2979 : vector<1x256xi32>
    %slice3A_2981 = vector.extract_strided_slice %add3A_1722 {offsets = [0, 18944], sizes = [1, 256], strides = [1, 1]} : vector<1x20480xf32> to vector<1x256xf32>
    %bitcast_convert_type3A_2982 = tpu.bitcast %slice3A_2981 : vector<1x256xf32> -> vector<1x256xi32>
    %add3A_2983 = arith.constant 32767 : i32
    %add3A_2984 = vector.broadcast %add3A_2983 : i32 to vector<1x256xi32>
    %add3A_2985 = arith.addi %bitcast_convert_type3A_2982, %add3A_2984 : vector<1x256xi32>
    %shift_right_logical3A_2986 = arith.constant 16 : i32
    %shift_right_logical3A_2987 = vector.broadcast %shift_right_logical3A_2986 : i32 to vector<1x256xi32>
    %shift_right_logical3A_2988 = arith.shrui %bitcast_convert_type3A_2982, %shift_right_logical3A_2987 : vector<1x256xi32>
    %and3A_2989 = arith.constant 1 : i32
    %and3A_2990 = vector.broadcast %and3A_2989 : i32 to vector<1x256xi32>
    %and3A_2991 = arith.andi %shift_right_logical3A_2988, %and3A_2990 : vector<1x256xi32>
    %add3A_2992 = arith.addi %add3A_2985, %and3A_2991 : vector<1x256xi32>
    %shift_right_logical3A_2993 = arith.constant 16 : i32
    %shift_right_logical3A_2994 = vector.broadcast %shift_right_logical3A_2993 : i32 to vector<1x256xi32>
    %shift_right_logical3A_2995 = arith.shrui %add3A_2992, %shift_right_logical3A_2994 : vector<1x256xi32>
    %slice3A_2996 = vector.extract_strided_slice %add3A_1722 {offsets = [0, 19200], sizes = [1, 256], strides = [1, 1]} : vector<1x20480xf32> to vector<1x256xf32>
    %bitcast_convert_type3A_2997 = tpu.bitcast %slice3A_2996 : vector<1x256xf32> -> vector<1x256xi32>
    %add3A_2998 = arith.constant 32767 : i32
    %add3A_2999 = vector.broadcast %add3A_2998 : i32 to vector<1x256xi32>
    %add3A_3000 = arith.addi %bitcast_convert_type3A_2997, %add3A_2999 : vector<1x256xi32>
    %shift_right_logical3A_3001 = arith.constant 16 : i32
    %shift_right_logical3A_3002 = vector.broadcast %shift_right_logical3A_3001 : i32 to vector<1x256xi32>
    %shift_right_logical3A_3003 = arith.shrui %bitcast_convert_type3A_2997, %shift_right_logical3A_3002 : vector<1x256xi32>
    %and3A_3004 = arith.constant 1 : i32
    %and3A_3005 = vector.broadcast %and3A_3004 : i32 to vector<1x256xi32>
    %and3A_3006 = arith.andi %shift_right_logical3A_3003, %and3A_3005 : vector<1x256xi32>
    %add3A_3007 = arith.addi %add3A_3000, %and3A_3006 : vector<1x256xi32>
    %shift_right_logical3A_3008 = arith.constant 16 : i32
    %shift_right_logical3A_3009 = vector.broadcast %shift_right_logical3A_3008 : i32 to vector<1x256xi32>
    %shift_right_logical3A_3010 = arith.shrui %add3A_3007, %shift_right_logical3A_3009 : vector<1x256xi32>
    %shift_left3A_3011 = arith.constant 16 : i32
    %shift_left3A_3012 = vector.broadcast %shift_left3A_3011 : i32 to vector<1x256xi32>
    %shift_left3A_3013 = arith.shli %shift_right_logical3A_3010, %shift_left3A_3012 : vector<1x256xi32>
    %or3A_3014 = arith.ori %shift_right_logical3A_2995, %shift_left3A_3013 : vector<1x256xi32>
    %slice3A_3015 = vector.extract_strided_slice %add3A_1722 {offsets = [0, 19456], sizes = [1, 256], strides = [1, 1]} : vector<1x20480xf32> to vector<1x256xf32>
    %bitcast_convert_type3A_3016 = tpu.bitcast %slice3A_3015 : vector<1x256xf32> -> vector<1x256xi32>
    %add3A_3017 = arith.constant 32767 : i32
    %add3A_3018 = vector.broadcast %add3A_3017 : i32 to vector<1x256xi32>
    %add3A_3019 = arith.addi %bitcast_convert_type3A_3016, %add3A_3018 : vector<1x256xi32>
    %shift_right_logical3A_3020 = arith.constant 16 : i32
    %shift_right_logical3A_3021 = vector.broadcast %shift_right_logical3A_3020 : i32 to vector<1x256xi32>
    %shift_right_logical3A_3022 = arith.shrui %bitcast_convert_type3A_3016, %shift_right_logical3A_3021 : vector<1x256xi32>
    %and3A_3023 = arith.constant 1 : i32
    %and3A_3024 = vector.broadcast %and3A_3023 : i32 to vector<1x256xi32>
    %and3A_3025 = arith.andi %shift_right_logical3A_3022, %and3A_3024 : vector<1x256xi32>
    %add3A_3026 = arith.addi %add3A_3019, %and3A_3025 : vector<1x256xi32>
    %shift_right_logical3A_3027 = arith.constant 16 : i32
    %shift_right_logical3A_3028 = vector.broadcast %shift_right_logical3A_3027 : i32 to vector<1x256xi32>
    %shift_right_logical3A_3029 = arith.shrui %add3A_3026, %shift_right_logical3A_3028 : vector<1x256xi32>
    %slice3A_3030 = vector.extract_strided_slice %add3A_1722 {offsets = [0, 19712], sizes = [1, 256], strides = [1, 1]} : vector<1x20480xf32> to vector<1x256xf32>
    %bitcast_convert_type3A_3031 = tpu.bitcast %slice3A_3030 : vector<1x256xf32> -> vector<1x256xi32>
    %add3A_3032 = arith.constant 32767 : i32
    %add3A_3033 = vector.broadcast %add3A_3032 : i32 to vector<1x256xi32>
    %add3A_3034 = arith.addi %bitcast_convert_type3A_3031, %add3A_3033 : vector<1x256xi32>
    %shift_right_logical3A_3035 = arith.constant 16 : i32
    %shift_right_logical3A_3036 = vector.broadcast %shift_right_logical3A_3035 : i32 to vector<1x256xi32>
    %shift_right_logical3A_3037 = arith.shrui %bitcast_convert_type3A_3031, %shift_right_logical3A_3036 : vector<1x256xi32>
    %and3A_3038 = arith.constant 1 : i32
    %and3A_3039 = vector.broadcast %and3A_3038 : i32 to vector<1x256xi32>
    %and3A_3040 = arith.andi %shift_right_logical3A_3037, %and3A_3039 : vector<1x256xi32>
    %add3A_3041 = arith.addi %add3A_3034, %and3A_3040 : vector<1x256xi32>
    %shift_right_logical3A_3042 = arith.constant 16 : i32
    %shift_right_logical3A_3043 = vector.broadcast %shift_right_logical3A_3042 : i32 to vector<1x256xi32>
    %shift_right_logical3A_3044 = arith.shrui %add3A_3041, %shift_right_logical3A_3043 : vector<1x256xi32>
    %shift_left3A_3045 = arith.constant 16 : i32
    %shift_left3A_3046 = vector.broadcast %shift_left3A_3045 : i32 to vector<1x256xi32>
    %shift_left3A_3047 = arith.shli %shift_right_logical3A_3044, %shift_left3A_3046 : vector<1x256xi32>
    %or3A_3048 = arith.ori %shift_right_logical3A_3029, %shift_left3A_3047 : vector<1x256xi32>
    %slice3A_3049 = vector.extract_strided_slice %add3A_1722 {offsets = [0, 19968], sizes = [1, 256], strides = [1, 1]} : vector<1x20480xf32> to vector<1x256xf32>
    %bitcast_convert_type3A_3050 = tpu.bitcast %slice3A_3049 : vector<1x256xf32> -> vector<1x256xi32>
    %add3A_3051 = arith.constant 32767 : i32
    %add3A_3052 = vector.broadcast %add3A_3051 : i32 to vector<1x256xi32>
    %add3A_3053 = arith.addi %bitcast_convert_type3A_3050, %add3A_3052 : vector<1x256xi32>
    %shift_right_logical3A_3054 = arith.constant 16 : i32
    %shift_right_logical3A_3055 = vector.broadcast %shift_right_logical3A_3054 : i32 to vector<1x256xi32>
    %shift_right_logical3A_3056 = arith.shrui %bitcast_convert_type3A_3050, %shift_right_logical3A_3055 : vector<1x256xi32>
    %and3A_3057 = arith.constant 1 : i32
    %and3A_3058 = vector.broadcast %and3A_3057 : i32 to vector<1x256xi32>
    %and3A_3059 = arith.andi %shift_right_logical3A_3056, %and3A_3058 : vector<1x256xi32>
    %add3A_3060 = arith.addi %add3A_3053, %and3A_3059 : vector<1x256xi32>
    %shift_right_logical3A_3061 = arith.constant 16 : i32
    %shift_right_logical3A_3062 = vector.broadcast %shift_right_logical3A_3061 : i32 to vector<1x256xi32>
    %shift_right_logical3A_3063 = arith.shrui %add3A_3060, %shift_right_logical3A_3062 : vector<1x256xi32>
    %slice3A_3064 = vector.extract_strided_slice %add3A_1722 {offsets = [0, 20224], sizes = [1, 256], strides = [1, 1]} : vector<1x20480xf32> to vector<1x256xf32>
    %bitcast_convert_type3A_3065 = tpu.bitcast %slice3A_3064 : vector<1x256xf32> -> vector<1x256xi32>
    %add3A_3066 = arith.constant 32767 : i32
    %add3A_3067 = vector.broadcast %add3A_3066 : i32 to vector<1x256xi32>
    %add3A_3068 = arith.addi %bitcast_convert_type3A_3065, %add3A_3067 : vector<1x256xi32>
    %shift_right_logical3A_3069 = arith.constant 16 : i32
    %shift_right_logical3A_3070 = vector.broadcast %shift_right_logical3A_3069 : i32 to vector<1x256xi32>
    %shift_right_logical3A_3071 = arith.shrui %bitcast_convert_type3A_3065, %shift_right_logical3A_3070 : vector<1x256xi32>
    %and3A_3072 = arith.constant 1 : i32
    %and3A_3073 = vector.broadcast %and3A_3072 : i32 to vector<1x256xi32>
    %and3A_3074 = arith.andi %shift_right_logical3A_3071, %and3A_3073 : vector<1x256xi32>
    %add3A_3075 = arith.addi %add3A_3068, %and3A_3074 : vector<1x256xi32>
    %shift_right_logical3A_3076 = arith.constant 16 : i32
    %shift_right_logical3A_3077 = vector.broadcast %shift_right_logical3A_3076 : i32 to vector<1x256xi32>
    %shift_right_logical3A_3078 = arith.shrui %add3A_3075, %shift_right_logical3A_3077 : vector<1x256xi32>
    %shift_left3A_3079 = arith.constant 16 : i32
    %shift_left3A_3080 = vector.broadcast %shift_left3A_3079 : i32 to vector<1x256xi32>
    %shift_left3A_3081 = arith.shli %shift_right_logical3A_3078, %shift_left3A_3080 : vector<1x256xi32>
    %or3A_3082 = arith.ori %shift_right_logical3A_3063, %shift_left3A_3081 : vector<1x256xi32>
    %concatenate3A_3083 = tpu.concatenate %or3A_1756, %or3A_1790, %or3A_1824, %or3A_1858, %or3A_1892, %or3A_1926, %or3A_1960, %or3A_1994, %or3A_2028, %or3A_2062, %or3A_2096, %or3A_2130, %or3A_2164, %or3A_2198, %or3A_2232, %or3A_2266, %or3A_2300, %or3A_2334, %or3A_2368, %or3A_2402, %or3A_2436, %or3A_2470, %or3A_2504, %or3A_2538, %or3A_2572, %or3A_2606, %or3A_2640, %or3A_2674, %or3A_2708, %or3A_2742, %or3A_2776, %or3A_2810, %or3A_2844, %or3A_2878, %or3A_2912, %or3A_2946, %or3A_2980, %or3A_3014, %or3A_3048, %or3A_3082 in 0 : vector<1x256xi32>, vector<1x256xi32>, vector<1x256xi32>, vector<1x256xi32>, vector<1x256xi32>, vector<1x256xi32>, vector<1x256xi32>, vector<1x256xi32>, vector<1x256xi32>, vector<1x256xi32>, vector<1x256xi32>, vector<1x256xi32>, vector<1x256xi32>, vector<1x256xi32>, vector<1x256xi32>, vector<1x256xi32>, vector<1x256xi32>, vector<1x256xi32>, vector<1x256xi32>, vector<1x256xi32>, vector<1x256xi32>, vector<1x256xi32>, vector<1x256xi32>, vector<1x256xi32>, vector<1x256xi32>, vector<1x256xi32>, vector<1x256xi32>, vector<1x256xi32>, vector<1x256xi32>, vector<1x256xi32>, vector<1x256xi32>, vector<1x256xi32>, vector<1x256xi32>, vector<1x256xi32>, vector<1x256xi32>, vector<1x256xi32>, vector<1x256xi32>, vector<1x256xi32>, vector<1x256xi32>, vector<1x256xi32> -> vector<40x256xi32>
    %swap3A_3084 = arith.constant 0 : index
    %swap3A_3085 = arith.constant 0 : index
    %swap3A_3086 = vector.load %arg10[%swap3A_3084, %swap3A_3085] : memref<40x256xi32, #tpu.memory_space<vmem>>, vector<40x256xi32>
    tpu.vector_store %arg10[%swap3A_3084, %swap3A_3085], %concatenate3A_3083 {strides = array<i32>} : memref<40x256xi32, #tpu.memory_space<vmem>>, vector<40x256xi32>,
    return
  }
  func.func @transform_0(%arg0: i32) -> (i32, i32) {
    %min3A = arith.constant 4 : i32
    %min3A_0 = arith.minsi %arg0, %min3A : i32
    %c0_i32 = arith.constant 0 : i32
    %c0_i32_1 = arith.constant 0 : i32
    return %c0_i32, %min3A_0 : i32, i32
  }
  func.func @transform_1(%arg0: i32) -> (i32, i32) {
    %min3A = arith.constant 4 : i32
    %min3A_0 = arith.minsi %arg0, %min3A : i32
    %c0_i32 = arith.constant 0 : i32
    %c0_i32_1 = arith.constant 0 : i32
    return %c0_i32, %min3A_0 : i32, i32
  }
  func.func @transform_2(%arg0: i32) -> (i32, i32) {
    %c0_i32 = arith.constant 0 : i32
    %c0_i32_0 = arith.constant 0 : i32
    %c0_i32_1 = arith.constant 0 : i32
    return %c0_i32, %c0_i32_0 : i32, i32
  }
  func.func @transform_3(%arg0: i32) -> i32 {
    %c0_i32 = arith.constant 0 : i32
    %c0_i32_0 = arith.constant 0 : i32
    return %c0_i32 : i32
  }
  func.func @transform_4(%arg0: i32) -> (i32, i32) {
    %c0_i32 = arith.constant 0 : i32
    %c0_i32_0 = arith.constant 0 : i32
    %c0_i32_1 = arith.constant 0 : i32
    return %c0_i32, %c0_i32_0 : i32, i32
  }
  func.func @transform_5(%arg0: i32) -> i32 {
    %c0_i32 = arith.constant 0 : i32
    %c0_i32_0 = arith.constant 0 : i32
    return %c0_i32 : i32
  }
  func.func @transform_6(%arg0: i32) -> (i32, i32) {
    %c0_i32 = arith.constant 0 : i32
    %c0_i32_0 = arith.constant 0 : i32
    %c0_i32_1 = arith.constant 0 : i32
    return %c0_i32, %c0_i32_0 : i32, i32
  }
  func.func @transform_7(%arg0: i32) -> i32 {
    %c0_i32 = arith.constant 0 : i32
    %c0_i32_0 = arith.constant 0 : i32
    return %c0_i32 : i32
  }
  func.func @transform_8(%arg0: i32) -> (i32, i32) {
    %c0_i32 = arith.constant 0 : i32
    %c0_i32_0 = arith.constant 0 : i32
    return %arg0, %c0_i32 : i32, i32
  }
  func.func @transform_9(%arg0: i32) -> (i32, i32) {
    %c0_i32 = arith.constant 0 : i32
    %c0_i32_0 = arith.constant 0 : i32
    return %arg0, %c0_i32 : i32, i32
  }
}

</mosaic_0001>

<sc_bundles>
// kernel: kernel.4.cloned.1.call-start
scs
__scs_entry_jumppad:
0x0: {  	(pc) =	sbr.rel $0x88, $3  }
0x1: {  	(tag) =	ssettag $0x0;
	lr =	simm.s32 $0x1  }
0x2: {  	[smem:$0x3F97] =	sst lr;
	_ =	strace $0xD0000000  }
0x3: {  	_ = 	snop  }
0x4: {  	_ = 	snop  }
0x5: {  	_ = 	snop  }
0x6: {  	_ = 	snop  }
0x7: {  	_ = 	snop  }
__scs_overlays_trampoline_lowered:
0x8: {  	[smem:$0x3FA6] =	sst s0  }
0x9: {  	[smem:$0x3FA7] =	sst s1  }
0xa: {  	[smem:$0x3FA8] =	sst s2  }
0xb: {  	[smem:$0x3FA9] =	sst s3  }
0xc: {  	[smem:$0x3FAA] =	sst s4  }
0xd: {  	[smem:$0x3FAB] =	sst s5  }
0xe: {  	[smem:$0x3FAC] =	sst s6  }
0xf: {  	[smem:$0x3FAD] =	sst s7  }
0x10: {  	[smem:$0x3FAE] =	sst s8  }
0x11: {  	[smem:$0x3FAF] =	sst s9;
	s0 =	simm.s32 @!p0 $0x0  }
0x12: {  	s1 =	sld [smem:$0x3F95];
	s0 =	simm.s32 @p0 $0x1  }
0x13: {  	[smem:$0x3FB0] =	sst s0;
	s0 =	simm.s32 @!p1 $0x0  }
0x14: {  	s2 =	sld [smem:$0x3F94];
	s0 =	simm.s32 @p1 $0x1  }
0x15: {  	[smem:$0x3FB1] =	sst s0;
	s0 =	simm.s32 @!p2 $0x0  }
0x16: {  	s3 =	sld [smem:$0x3FDB];
	s0 =	simm.s32 @p2 $0x1  }
0x17: {  	s4 =	simm.s32 $0x1BF5;
	[smem:$0x3FB3] =	sst s0  }
0x18: {  	s0 =	sld [smem:$0x3F96];
	_ =	swait.ge [sflag:s4], $0x0  }
0x19: {  	s7 =	sld [smem:$0x3F97]  }
0x1a: {  	s8 =	sadd.s32 $0xFFFFE003, lr  }
0x1b: {  	s9 =	sadd.s32 $0xFFFFFEF7, lr;
	s5 =	simm.s32 $0xFFFFFFFF;
	p2 =	slt.u32 s8, $0xFFFFF086  }
0x1c: {  	p1 =	slt.u32 s9, $0xF7A;
	s5 =	simm.s32 @!p2 $0x0  }
0x1d: {  	s5 =	simm.s32 @p1 $0x1;
	p0 =	seq.s32 s7, s2  }
0x1e: {  	s7 =	smul.u32 @!p0 $0xF7A, s2;
	p2 =	seq.s32 @!p0 s5, $0x0  }
0x1f: {  	s9 =	smul.u32 $0xF7A, s1;
	s8 =	simm.s32 @!p0 $0x1BF5;
	p2 =	por !p2, p0  }
0x20: {  	[sflag:s8] =	ssyncset.s32 @!p0 $0xFFFFF086;
	s6 =	sadd.s32 @!p0 s3, s7;
	s7 =	simm.s32 @!p0 $0x108  }
0x21: {  	s3 =	sadd.s32 s3, s9;
	s6 =	sadd.s32 @!p0 $0x88, s6;
	s7 =	simm.s32 @p2 $0x1082  }
0x22: {  	[simem:s7], [sflag:s8] =	dma.local @!p0 [hbm:s6], $0xF7A  }
0x23: {  	s9 =	sor.u32 $0xD0000000, s2;
	s6 =	simm.s32 $0x108;
	_ =	swait.ge @!p0 [sflag:s8], $0x0  }
0x24: {  	s3 =	sadd.s32 $0x88, s3;
	s6 =	simm.s32 @!p1 $0x1082;
	[sflag:s4] =	ssyncset.s32 $0xFFFFF086  }
0x25: {  	[simem:s6], [sflag:s4] =	dma.local [hbm:s3], $0xF7A  }
0x26: {  	[smem:$0x3F97] =	sst s1;
	(tag) =	ssettag s2;
	_ =	strace s9  }
0x27: {  	s1 =	sld [smem:$0x3FA7]  }
0x28: {  	s2 =	sld [smem:$0x3FA8]  }
0x29: {  	s4 =	sld [smem:$0x3FAA]  }
0x2a: {  	p0 =	seq.s32 s5, $0x0;
	s5 =	sld [smem:$0x3FAB]  }
0x2b: {  	s6 =	sld [smem:$0x3FAC]  }
0x2c: {  	s7 =	sld [smem:$0x3FAD]  }
0x2d: {  	s3 =	simm.s32 $0x108;
	s8 =	sld [smem:$0x3FAE]  }
0x2e: {  	s3 =	simm.s32 @!p0 $0x1082;
	s9 =	sld [smem:$0x3FAF]  }
0x2f: {  	lr =	sadd.s32 s0, s3;
	s0 =	sld [smem:$0x3FA6]  }
0x30: {  	s3 =	sld [smem:$0x3FA9]  }
0x31: {  	[smem:$0x3FB2] =	sst s10  }
0x32: {  	s10 =	sld [smem:$0x3FB0];
	_ =	sdelay $0x3  }
0x33: {  	p0 =	seq.s32 s10, $0x1;
	s10 =	sld [smem:$0x3FB2];
	_ =	sdelay $0x3  }
0x34: {  	[smem:$0x3FB2] =	sst s10  }
0x35: {  	s10 =	sld [smem:$0x3FB1];
	_ =	sdelay $0x3  }
0x36: {  	p1 =	seq.s32 s10, $0x1;
	s10 =	sld [smem:$0x3FB2];
	_ =	sdelay $0x3  }
0x37: {  	[smem:$0x3FB2] =	sst s10  }
0x38: {  	s10 =	sld [smem:$0x3FB3]  }
0x39: {  	_ = 	snop;
	(pc) =	sbr.ind lr, $3  }
0x3a: {  	_ = 	snop  }
0x3b: {  	_ = 	snop  }
0x3c: {  	p2 =	seq.s32 s10, $0x1;
	s10 =	sld [smem:$0x3FB2]  }
0x3d: {  	_ =	shalt  }
0x3e: {  	_ =	shalt  }
0x3f: {  	_ =	shalt  }
0x40: {  	_ =	shalt  }
0x41: {  	_ =	shalt  }
0x42: {  	_ =	shalt  }
0x43: {  	_ =	shalt  }
0x44: {  	_ =	shalt  }
0x45: {  	_ =	shalt  }
0x46: {  	_ =	shalt  }
0x47: {  	_ =	shalt  }
0x48: {  	_ =	shalt  }
0x49: {  	_ =	shalt  }
0x4a: {  	_ =	shalt  }
0x4b: {  	_ =	shalt  }
0x4c: {  	_ =	shalt  }
0x4d: {  	_ =	shalt  }
0x4e: {  	_ =	shalt  }
0x4f: {  	_ =	shalt  }
0x50: {  	_ =	shalt  }
0x51: {  	_ =	shalt  }
0x52: {  	_ =	shalt  }
0x53: {  	_ =	shalt  }
0x54: {  	_ =	shalt  }
0x55: {  	_ =	shalt  }
0x56: {  	_ =	shalt  }
0x57: {  	_ =	shalt  }
0x58: {  	_ =	shalt  }
0x59: {  	_ =	shalt  }
0x5a: {  	_ =	shalt  }
0x5b: {  	_ =	shalt  }
0x5c: {  	_ =	shalt  }
0x5d: {  	_ =	shalt  }
0x5e: {  	_ =	shalt  }
0x5f: {  	_ =	shalt  }
0x60: {  	_ =	shalt  }
0x61: {  	_ =	shalt  }
0x62: {  	_ =	shalt  }
0x63: {  	_ =	shalt  }
0x64: {  	_ =	shalt  }
0x65: {  	_ =	shalt  }
0x66: {  	_ =	shalt  }
0x67: {  	_ =	shalt  }
0x68: {  	_ =	shalt  }
0x69: {  	_ =	shalt  }
0x6a: {  	_ =	shalt  }
0x6b: {  	_ =	shalt  }
0x6c: {  	_ =	shalt  }
0x6d: {  	_ =	shalt  }
0x6e: {  	_ =	shalt  }
0x6f: {  	_ =	shalt  }
0x70: {  	_ =	shalt  }
0x71: {  	_ =	shalt  }
0x72: {  	_ =	shalt  }
0x73: {  	_ =	shalt  }
0x74: {  	_ =	shalt  }
0x75: {  	_ =	shalt  }
0x76: {  	_ =	shalt  }
0x77: {  	_ =	shalt  }
0x78: {  	_ =	shalt  }
0x79: {  	_ =	shalt  }
0x7a: {  	_ =	shalt  }
0x7b: {  	_ =	shalt  }
0x7c: {  	_ =	shalt  }
0x7d: {  	_ =	shalt  }
0x7e: {  	_ =	shalt  }
0x7f: {  	_ =	shalt  }
0x80: {  	_ =	shalt  }
0x81: {  	_ =	shalt  }
0x82: {  	_ =	shalt  }
0x83: {  	_ =	shalt  }
0x84: {  	_ =	shalt  }
0x85: {  	_ =	shalt  }
0x86: {  	_ =	shalt  }
0x87: {  	_ =	shalt  }
.Lfunc_end0:
.L_simem_size_0:
called_computation_lowered:
.L_overlay_start_0:
0x88: {  	s2 =	sld [smem:$0x3FD9]  }
0x89: {  	s3 =	sld [smem:$0x3FFE];
	_ =	sdelay $0x1  }
0x8a: {  	s1 =	srdreg.scid  }
0x8b: {  	s0 =	sand.u32 $0x1, s1  }
0x8c: {  	s17 =	sshll.u32 s0, $0xA;
	s2 =	sadd.s32 s3, s2  }
0x8d: {  	s2 =	sadd.s32 s2, s17  }
0x8e: {  	[smem:$0x3FBE] =	sst s2  }
0x8f: {  	_ = 	snop  }
0x90: {  	s2 =	sld [smem:$0x3FC7]  }
0x91: {  	s18 =	sld [smem:$0x3FC6]  }
0x92: {  	s4 =	sld [smem:$0x3FD0];
	(tm) =	ssettm $0x1  }
0x93: {  	s5 =	sld [smem:$0x3FFB];
	_ =	sdelay $0x3  }
0x94: {  	_ =	strace s5  }
0x95: {  	s5 =	sld [smem:$0x3FFC];
	_ =	sdelay $0x3  }
0x96: {  	_ =	strace s5  }
0x97: {  	s5 =	sld [smem:$0x3FFD];
	_ =	sdelay $0x3  }
0x98: {  	_ =	strace s5  }
0x99: {  	_ =	strace $0x8FFFFFFF  }
0x9a: {  	s19 =	sld [smem:$0x3FDB];
	_ =	sdelay $0x1  }
0x9b: {  	s6 =	simm.s32 $_scs_section_size  }
0x9c: {  	s7 =	simm.s32 $_size__tile_overlayer_lowered;
	s8 =	simm.s32 $_tile_overlayer_lowered  }
0x9d: {  	s22 =	simm.s32 $0x1BFF;
	s21 =	sshll.u32 s8, $0x1;
	s5 =	sadd.s32 s6, s19  }
0x9e: {  	s9 =	simm.s32 $0x0;
	s20 =	sshll.u32 s7, $0x1;
	s7 =	sadd.s32 s21, s5  }
0x9f: {  	[timem:s9], [sflag:s22] =	dma.local [hbm:s7], s20  }
0xa0: {  	_ =	swait.ge [sflag:s22], s20  }
0xa1: {  	s6 =	ssub.s32 $0x0, s20;
	[sflag:s22] =	ssyncset.done $0x0  }
0xa2: {  	[sflag:s22] =	ssyncadd.s32 s6;
	_ =	sdelay $0x1  }
0xa3: {  	s23 =	simm.s32 $0x1B8B  }
0xa4: {  	_ =	swait.ge [sflag:s23], $0x1  }
0xa5: {  	[sflag:s23] =	ssyncset.done $0x0  }
0xa6: {  	s25 =	simm.s32 $0x1B8E;
	s24 =	sld [smem:$0x3FFE];
	[sflag:s23] =	ssyncadd.s32 $0xFFFFFFFF  }
0xa7: {  	s26 =	simm.s32 $execute0_lowered;
	[smem:$0x3FD2] =	sst s25  }
0xa8: {  	s7 =	sshll.u32 s26, $0x1;
	_ =	strace $0x80000046;
	[dreg:$0x1] =	wrdreg $0xFFFFFFFF  }
0xa9: {  	s28 =	simm.s32 $_size_execute0_lowered;
	s5 =	sadd.s32 s5, s7;
	[dreg:$0x0] =	wrdreg $0x0  }
0xaa: {  	s7 =	sshll.u32 s28, $0x1;
	[dreg:$0x2] =	wrdreg s5  }
0xab: {  	[dreg:$0x3] =	wrdreg s7  }
0xac: {  	[dreg:$0x4] =	wrdreg $0xC0  }
0xad: {  	_ =	task [dreg:s9], $0x5FFFF  }
0xae: {  	[dreg:$0x1] =	wrdreg $0xFFFFFFFF  }
0xaf: {  	[dreg:$0x0] =	wrdreg $0x60  }
0xb0: {  	[dreg:$0x2] =	wrdreg s24  }
0xb1: {  	[dreg:$0x3] =	wrdreg s2  }
0xb2: {  	[dreg:$0x4] =	wrdreg s18  }
0xb3: {  	[dreg:$0x5] =	wrdreg s4  }
0xb4: {  	[dreg:$0x6] =	wrdreg $0x9  }
0xb5: {  	_ =	task.clear_ibuf [dreg:s9], $0x7FFFF;
	_ =	strace $0x90000046  }
0xb6: {  	s29 =	simm.s32 $0x9;
	_ =	strace $0x80000048  }
0xb7: {  	_ =	swait.ge [sflag:s29], $0x1  }
0xb8: {  	[sflag:s29] =	ssyncadd.s32 $0xFFFFFFFF  }
0xb9: {  	_ =	strace $0x90000048  }
0xba: {  	_ =	sfence  }
0xbb: {  	s30 =	sld [smem:$0x0];
	_ =	sdelay $0x2  }
0xbc: {  	s31 =	sshll.u32 s1, $0xD;
	s1 =	sshrl.u32 s1, $0x2  }
0xbd: {  	s3 =	sand.u32 $0x4000, s31;
	s1 =	sadd.s32 s1, s30  }
0xbe: {  	s0 =	sor.u32 s3, s0;
	s1 =	sshll.u32 s1, $0x11  }
0xbf: {  	s0 =	sor.u32 s1, s0  }
0xc0: {  	s0 =	sadd.s32 $0x8F2B, s0  }
0xc1: {  	[sflag:s0] =	ssyncadd.remote.s32 $0x1  }
0xc2: {  	_ =	sfence.sel $0xFFFF  }
0xc3: {  	[dreg:$0x0] =	wrdreg $0xFFFFFFFF;
	(pc) =	sbr.abs _section_cstart, $3  }
0xc4: {  	[dreg:$0x1] =	wrdreg $0xFFFFFFFF  }
0xc5: {  	_ =	task.clear_ibuf [dreg:s9], $0x2FFFF;
	_ =	strace $0x9FFFFFFF  }
0xc6: {  	(tm) =	ssettm $0x7FFFFFFF  }
0xc7: {  	_ =	shalt  }
tec
execute0_lowered:
.L_overlay_start_1:
0x0: {  	(tag) =	ssettag $0x1  }
0x1: {  	s0 =	rddreg [dreg:$0x0]  }
0x2: {  	s1 =	rddreg [dreg:$0x1]  }
0x3: {  	s3 =	rddreg [dreg:$0x2]  }
0x4: {  	s4 =	rddreg [dreg:$0x3]  }
0x5: {  	s2 =	srdreg.scid;
	s8 =	stileid.u32  }
0x6: {  	s5 =	simm.s32 $0x0;
	s17 =	simm.s32 $0x5;
	s18 =	simm.s32 $0xC800  }
0x7: {  	s19 =	simm.s32 $0x19000;
	s20 =	simm.s32 $0x1B000;
	s23 =	simm.s32 $0x1  }
0x8: {  	s28 =	simm.s32 $0x2;
	s29 =	simm.s32 $0x1E000;
	s30 =	simm.s32 $0x0  }
0x9: {  	s2 =	sand.u32 $0x1, s2;
	s6 =	sshll.u32 s8, $0x1;
	[smem:$0x7FF] =	sst s5  }
0xa: {  	s7 =	sadd.s32 $0x1800, s0;
	s0 =	sadd.s32 $0x3200, s0;
	p0 =	slt.u32 s8, $0x5  }
0xb: {  	s6 =	sor.u32 s2, s6;
	_ =	strace $0x80000047;
	[dreg:$0x5] =	wrdreg s7  }
0xc: {  	[dreg:$0x6] =	wrdreg s0;
	s25 =	ssub.s32 $0x2, s2;
	s24 =	smul.u32 $0xC3, s6  }
0xd: {  	s26 =	smin.u32 s6, $0xA;
	s6 =	simm.s32 $0x600;
	s31 =	sshrl.u32 s25, $0x1  }
0xe: {  	s6 =	simm.s32 @!p0 $0x5F8;
	s0 =	ssub.s32 s25, s31;
	s25 =	simm.s32 $0x3  }
.Ltmp0:
0xf: {  	s2 =	sadd.s32 s26, s24;
	s16 =	smax.u32 s0, $0x1;
	(pc) =	sbr.rel .LBB2_1-.Ltmp0, $4  }
0x10: {  	s24 =	simm.s32 $0x1D000;
	s8 =	sshll.u32 s2, $0x3;
	s2 =	sshll.u32 s2, $0x7  }
0x11: {  	s26 =	simm.s32 $0x4;
	s9 =	sadd.s32 s8, s6;
	s10 =	sadd.s32 s1, s2  }
0x12: {  	s11 =	sadd.s32 s3, s2;
	s2 =	sadd.s32 $0x200, s2;
	s14 =	sadd.s32 $0x40, s8  }
0x13: {  	s15 =	sadd.s32 $0x60, s8;
	s12 =	sadd.s32 s1, s2;
	s13 =	sadd.s32 s3, s2  }
.LBB2_10:
0x14: {  	s30 =	sadd.s32 $0x1, s30  }
0x15: {  	_ =	swait.ge [sflag:s25], $0x1000;
	p0 =	sne.s32 s30, s16  }
.Ltmp1:
0x16: {  	[sflag:s25] =	ssyncset.done $0x0;
	(pc) =	sbr.rel @!p0 .LBB2_11-.Ltmp1, $4  }
0x17: {  	[sflag:s25] =	ssyncadd.s32 $0xFFFFF000  }
0x18: {  	_ =	swait.ge [sflag:s26], $0x1000  }
0x19: {  	[sflag:s26] =	ssyncset.done $0x0  }
0x1a: {  	[sflag:s26] =	ssyncadd.s32 $0xFFFFF000  }
.LBB2_1:
0x1b: {  	s0 =	rddreg [dreg:$0x5]  }
0x1c: {  	[tilespmem:s5], [sflag:$0x5] =	stream.linear.gather [hbm4b:s0+s5], $0xC800, $0x38;
	[tilespmem:$0x1F000] =	vst v63  }
0x1d: {  	_ =	swait.ge [sflag:s17], $0xC800  }
0x1e: {  	[sflag:s17] =	ssyncset.done $0x0  }
0x1f: {  	s7 =	rddreg [dreg:$0x6];
	[sflag:s17] =	ssyncadd.s32 $0xFFFF3800  }
0x20: {  	[tilespmem:s18], [sflag:$0x5] =	stream.linear.gather [hbm4b:s7+s5], $0xC800, $0x38;
	[tilespmem:$0x1F000] =	vst v63  }
0x21: {  	_ =	swait.ge [sflag:s17], $0xC800  }
0x22: {  	[sflag:s17] =	ssyncset.done $0x0  }
0x23: {  	[sflag:s17] =	ssyncadd.s32 $0xFFFF3800  }
0x24: {  	[tilespmem:s19], [sflag:$0x1] =	stream.linear.gather [hbm4b:s10+s5], $0x1000, $0x38;
	[tilespmem:$0x1F000] =	vst v63  }
0x25: {  	_ = 	snop  }
0x26: {  	[tilespmem:s20], [sflag:$0x1] =	stream.linear.gather [hbm4b:s11+s5], $0x1000, $0x38;
	[tilespmem:$0x1F000] =	vst v63  }
.Ltmp2:
0x27: {  	_ = 	snop;
	(pc) =	sbr.rel .LBB2_2-.Ltmp2, $4  }
0x28: {  	s21 =	simm.s32 $0x1A000  }
0x29: {  	[tilespmem:s21], [sflag:$0x2] =	stream.linear.gather [hbm4b:s12+s5], $0x1000, $0x38;
	[tilespmem:$0x1F000] =	vst v63  }
0x2a: {  	s22 =	simm.s32 $0x1C000;
	s31 =	simm.s32 $0x0  }
0x2b: {  	[tilespmem:s22], [sflag:$0x2] =	stream.linear.gather [hbm4b:s13+s5], $0x1000, $0x38;
	[tilespmem:$0x1F000] =	vst v63  }
.LBB2_9:
0x2c: {  	s31 =	sadd.s32 $0x1, s31  }
0x2d: {  	p0 =	sne.s32 s31, $0x19  }
.Ltmp3:
0x2e: {  	_ = 	snop;
	(pc) =	sbr.rel @!p0 .LBB2_10-.Ltmp3, $1  }
0x2f: {  	_ =	sdelay $0x3  }
.LBB2_2:
0x30: {  	_ =	swait.ge [sflag:s23], $0x1000  }
0x31: {  	[sflag:s23] =	ssyncset.done $0x0  }
0x32: {  	[sflag:s23] =	ssyncadd.s32 $0xFFFFF000  }
0x33: {  	_ =	swait.ge [sflag:s23], $0x1000  }
0x34: {  	p0 =	seq.s32 s31, $0x0;
	[sflag:s23] =	ssyncset.done $0x0  }
0x35: {  	s0 =	simm.s32 @!p0 $0x3;
	[sflag:s23] =	ssyncadd.s32 $0xFFFFF000  }
0x36: {  	_ =	swait.ge @!p0 [sflag:s0], $0x1000  }
0x37: {  	[sflag:s0] =	ssyncset.done @!p0 $0x0  }
0x38: {  	s2 =	simm.s32 $0x0;
	[sflag:s0] =	ssyncadd.s32 @!p0 $0xFFFFF000  }
0x39: {  	v0 =	vld [tilespmem:s2+$0x19000]  }
0x3a: {  	v1 =	vld [tilespmem:s2+$0x1B000]  }
0x3b: {  	s6 =	simm.s32 $0x80;
	v28 =	vld [tilespmem:s2+$0x1B050]  }
0x3c: {  	v29 =	vld [tilespmem:s6+$0x19000];
	_ =	sdelay $0x1  }
0x3d: {  	v2 =	vand.u32 $0x7F, v0;
	v3 =	vshra.s32 v0, $0x9;
	v4 =	vshll.u32 v0, $0x3  }
0x3e: {  	v5 =	vand.u32 $0x7F, v1;
	v6 =	vshra.s32 v1, $0x9;
	v7 =	vshll.u32 v1, $0x3  }
0x3f: {  	v0 =	vshrl.u32 v0, $0x4;
	v1 =	vshrl.u32 v1, $0x4;
	v50 =	vand.u32 $0x7F, v28  }
0x40: {  	v51 =	vshra.s32 v28, $0x9;
	v52 =	vshll.u32 v28, $0x3;
	v55 =	vand.u32 $0x7F, v29  }
0x41: {  	v30 =	vld [tilespmem:s6+$0x1B000];
	v56 =	vshra.s32 v29, $0x9;
	v8 =	vshll.u32 v3, $0x8;
	v3 =	vshll.u32 v3, $0x7  }
0x42: {  	v9 =	vshll.u32 v6, $0x7;
	v4 =	vand.u32 $0x400, v4;
	v6 =	vshll.u32 v6, $0x8  }
0x43: {  	v7 =	vand.u32 $0x400, v7;
	v8 =	vand.u32 $0xFFFFF800, v8;
	v2 =	vor.u32 v2, v4;
	v4 =	vld [tilespmem:s2+$0x19010]  }
0x44: {  	v3 =	vand.u32 $0x380, v3;
	v5 =	vor.u32 v5, v7;
	v7 =	vld [tilespmem:s2+$0x1B010];
	v2 =	vor.u32 v8, v2  }
0x45: {  	v57 =	vshll.u32 v29, $0x3;
	v6 =	vand.u32 $0xFFFFF800, v6;
	v2 =	vor.u32 v3, v2  }
0x46: {  	v58 =	vand.u32 $0x7F, v30;
	v5 =	vor.u32 v6, v5;
	v3 =	vand.u32 $0x380, v9  }
0x47: {  	v59 =	vshll.u32 v30, $0x3;
	v0 =	vand.u32 $0x10, v0;
	v3 =	vor.u32 v3, v5  }
0x48: {  	v1 =	vand.u32 $0x10, v1;
	v54 =	vshll.u32 v51, $0x7;
	v63 =	vand.u32 $0x400, v59  }
0x49: {  	v5 =	vand.u32 $0x7F, v4;
	v6 =	vand.u32 $0x7F, v7;
	v11 =	vshll.u32 v7, $0x3  }
0x4a: {  	v8 =	vshra.s32 v4, $0x9;
	v9 =	vshll.u32 v4, $0x3;
	v11 =	vand.u32 $0x400, v11;
	v2 =	vld.idx.msk [tilespmem:v2+s5+$0x0], $0xffff  }
0x4b: {  	v10 =	vshra.s32 v7, $0x9;
	v4 =	vshrl.u32 v4, $0x4;
	v6 =	vor.u32 v6, v11;
	v11 =	vld [tilespmem:s2+$0x1B020]  }
0x4c: {  	v12 =	vshll.u32 v8, $0x7;
	v8 =	vshll.u32 v8, $0x8;
	v9 =	vand.u32 $0x400, v9;
	v3 =	vld.idx.msk [tilespmem:v3+s18+$0x0], $0xffff  }
0x4d: {  	v13 =	vshll.u32 v10, $0x7;
	v8 =	vand.u32 $0xFFFFF800, v8;
	v5 =	vor.u32 v5, v9  }
0x4e: {  	v10 =	vshll.u32 v10, $0x8;
	v4 =	vand.u32 $0x10, v4;
	v5 =	vor.u32 v8, v5;
	v8 =	vld [tilespmem:s2+$0x19020]  }
0x4f: {  	v12 =	vand.u32 $0x380, v12;
	v13 =	vand.u32 $0x380, v13;
	v10 =	vand.u32 $0xFFFFF800, v10  }
0x50: {  	v9 =	vld [tilespmem:s2+$0x19070];
	v0 =	vshrl.u32 v2, v0;
	v2 =	vor.u32 v12, v5;
	v5 =	vor.u32 v10, v6  }
0x51: {  	v10 =	vand.u32 $0x7F, v11;
	v1 =	vshrl.u32 v3, v1;
	v0 =	vshll.u32 v0, $0x10  }
0x52: {  	v3 =	vor.u32 v13, v5;
	v5 =	vshrl.u32 v7, $0x4;
	v1 =	vshll.u32 v1, $0x10  }
0x53: {  	v6 =	vand.u32 $0x7F, v8;
	v13 =	vshll.u32 v11, $0x3;
	v1 =	vadd.f32 v1, v0  }
0x54: {  	v7 =	vshll.u32 v8, $0x3;
	v5 =	vand.u32 $0x10, v5;
	v13 =	vand.u32 $0x400, v13  }
0x55: {  	v7 =	vand.u32 $0x400, v7;
	v0 =	vshrl.u32 v9, $0x4;
	v10 =	vor.u32 v10, v13;
	v13 =	vld [tilespmem:s2+$0x1B030];
	[tilespmem:s2+$0x1D000] =	vst v1  }
0x56: {  	v6 =	vor.u32 v6, v7;
	v1 =	vshra.s32 v8, $0x9;
	v8 =	vshrl.u32 v8, $0x4;
	v12 =	vld.idx.msk [tilespmem:v2+s5+$0x0], $0xffff  }
0x57: {  	v2 =	vshra.s32 v11, $0x9;
	v3 =	vld.idx.msk [tilespmem:v3+s18+$0x0], $0xffff;
	v14 =	vshll.u32 v1, $0x7;
	v1 =	vshll.u32 v1, $0x8  }
0x58: {  	v11 =	vshrl.u32 v11, $0x4;
	v8 =	vand.u32 $0x10, v8;
	v15 =	vshll.u32 v2, $0x7  }
0x59: {  	v2 =	vshll.u32 v2, $0x8;
	v1 =	vand.u32 $0xFFFFF800, v1;
	v14 =	vand.u32 $0x380, v14  }
0x5a: {  	v16 =	vld [tilespmem:s2+$0x1B070];
	v11 =	vand.u32 $0x10, v11;
	v7 =	vand.u32 $0xFFFFF800, v2;
	v1 =	vor.u32 v1, v6  }
0x5b: {  	v17 =	vld [tilespmem:s2+$0x19060];
	v6 =	vand.u32 $0x380, v15;
	v19 =	vand.u32 $0x7F, v13;
	v7 =	vor.u32 v7, v10  }
0x5c: {  	v10 =	vld [tilespmem:s2+$0x19030];
	v4 =	vshrl.u32 v12, v4;
	v3 =	vshrl.u32 v3, v5;
	v12 =	vor.u32 v14, v1  }
0x5d: {  	v7 =	vor.u32 v6, v7;
	v1 =	vshll.u32 v4, $0x10;
	v3 =	vshll.u32 v3, $0x10  }
0x5e: {  	v20 =	vshra.s32 v13, $0x9;
	v21 =	vshll.u32 v13, $0x3;
	v14 =	vadd.f32 v3, v1  }
0x5f: {  	v23 =	vshll.u32 v20, $0x7;
	v20 =	vshll.u32 v20, $0x8;
	v21 =	vand.u32 $0x400, v21  }
0x60: {  	v2 =	vld [tilespmem:s2+$0x1B060];
	v6 =	vand.u32 $0x7F, v9;
	v19 =	vor.u32 v19, v21;
	v21 =	vshra.s32 v16, $0x9;
	[tilespmem:s2+$0x1D010] =	vst v14  }
0x61: {  	v5 =	vand.u32 $0x7F, v16;
	v4 =	vshrl.u32 v17, $0x4;
	v18 =	vshll.u32 v10, $0x3;
	v12 =	vld.idx.msk [tilespmem:v12+s5+$0x0], $0xffff  }
0x62: {  	v1 =	vshrl.u32 v16, $0x4;
	v15 =	vand.u32 $0x7F, v10;
	v18 =	vand.u32 $0x400, v18;
	v7 =	vld.idx.msk [tilespmem:v7+s18+$0x0], $0xffff  }
0x63: {  	v14 =	vshra.s32 v10, $0x9;
	v15 =	vor.u32 v15, v18;
	v18 =	vand.u32 $0xFFFFF800, v20  }
0x64: {  	v22 =	vshll.u32 v14, $0x7;
	v14 =	vshll.u32 v14, $0x8;
	v18 =	vor.u32 v18, v19;
	v19 =	vld [tilespmem:s2+$0x19040]  }
0x65: {  	v3 =	vshrl.u32 v2, $0x4;
	v16 =	vshll.u32 v16, $0x3;
	v14 =	vand.u32 $0xFFFFF800, v14  }
0x66: {  	v22 =	vand.u32 $0x380, v22;
	v14 =	vor.u32 v14, v15;
	v15 =	vand.u32 $0x380, v23  }
0x67: {  	v8 =	vshrl.u32 v12, v8;
	v7 =	vshrl.u32 v7, v11;
	v11 =	vor.u32 v22, v14  }
0x68: {  	v12 =	vld [tilespmem:s2+$0x1B040];
	v14 =	vor.u32 v15, v18;
	v8 =	vshll.u32 v8, $0x10;
	v7 =	vshll.u32 v7, $0x10  }
0x69: {  	v15 =	vshll.u32 v9, $0x3;
	v22 =	vshll.u32 v19, $0x3;
	v7 =	vadd.f32 v7, v8  }
0x6a: {  	v8 =	vshra.s32 v9, $0x9;
	v9 =	vshrl.u32 v10, $0x4;
	v10 =	vshrl.u32 v13, $0x4  }
0x6b: {  	v13 =	vand.u32 $0x7F, v19;
	v22 =	vand.u32 $0x400, v22;
	v9 =	vand.u32 $0x10, v9;
	[tilespmem:s2+$0x1D020] =	vst v7  }
0x6c: {  	v10 =	vand.u32 $0x10, v10;
	v13 =	vor.u32 v13, v22;
	v7 =	vshra.s32 v19, $0x9;
	v11 =	vld.idx.msk [tilespmem:v11+s5+$0x0], $0xffff  }
0x6d: {  	v23 =	vand.u32 $0x7F, v12;
	v24 =	vshra.s32 v12, $0x9;
	v25 =	vshll.u32 v12, $0x3;
	v14 =	vld.idx.msk [tilespmem:v14+s18+$0x0], $0xffff  }
0x6e: {  	v26 =	vshll.u32 v7, $0x7;
	v7 =	vshll.u32 v7, $0x8;
	v27 =	vshll.u32 v24, $0x7  }
0x6f: {  	v20 =	vld [tilespmem:s2+$0x19050];
	v24 =	vshll.u32 v24, $0x8;
	v7 =	vand.u32 $0xFFFFF800, v7;
	v25 =	vand.u32 $0x400, v25  }
0x70: {  	v26 =	vand.u32 $0x380, v26;
	v22 =	vand.u32 $0xFFFFF800, v24;
	v23 =	vor.u32 v23, v25  }
0x71: {  	v7 =	vor.u32 v7, v13;
	v13 =	vand.u32 $0x380, v27;
	v22 =	vor.u32 v22, v23  }
0x72: {  	v7 =	vor.u32 v26, v7;
	v9 =	vshrl.u32 v11, v9;
	v10 =	vshrl.u32 v14, v10  }
0x73: {  	v11 =	vor.u32 v13, v22;
	v9 =	vshll.u32 v9, $0x10;
	v10 =	vshll.u32 v10, $0x10  }
0x74: {  	v18 =	vshrl.u32 v20, $0x4;
	v12 =	vshrl.u32 v12, $0x4;
	v9 =	vadd.f32 v10, v9  }
0x75: {  	v4 =	vand.u32 $0x10, v4;
	v18 =	vand.u32 $0x10, v18;
	v12 =	vand.u32 $0x10, v12  }
0x76: {  	v25 =	vshll.u32 v51, $0x8;
	v23 =	vand.u32 $0x7F, v2;
	v26 =	vand.u32 $0x400, v52;
	[tilespmem:s2+$0x1D030] =	vst v9  }
0x77: {  	v24 =	vor.u32 v50, v26;
	v13 =	vshrl.u32 v28, $0x4;
	v14 =	vand.u32 $0x7F, v17;
	v7 =	vld.idx.msk [tilespmem:v7+s5+$0x0], $0xffff  }
0x78: {  	v10 =	vshrl.u32 v19, $0x4;
	v19 =	vand.u32 $0x7F, v20;
	v9 =	vshra.s32 v20, $0x9;
	v11 =	vld.idx.msk [tilespmem:v11+s18+$0x0], $0xffff  }
0x79: {  	v20 =	vshll.u32 v20, $0x3;
	v53 =	vshll.u32 v9, $0x7;
	v9 =	vshll.u32 v9, $0x8  }
0x7a: {  	v10 =	vand.u32 $0x10, v10;
	v20 =	vand.u32 $0x400, v20;
	v9 =	vand.u32 $0xFFFFF800, v9  }
0x7b: {  	v27 =	vand.u32 $0x380, v53;
	v19 =	vor.u32 v19, v20;
	v20 =	vand.u32 $0xFFFFF800, v25  }
0x7c: {  	v9 =	vor.u32 v9, v19;
	v19 =	vand.u32 $0x380, v54;
	v20 =	vor.u32 v20, v24  }
0x7d: {  	v7 =	vshrl.u32 v7, v10;
	v10 =	vshrl.u32 v11, v12;
	v11 =	vor.u32 v27, v9  }
0x7e: {  	v12 =	vor.u32 v19, v20;
	v7 =	vshll.u32 v7, $0x10;
	v9 =	vshll.u32 v10, $0x10  }
0x7f: {  	v22 =	vshra.s32 v17, $0x9;
	v17 =	vshll.u32 v17, $0x3;
	v7 =	vadd.f32 v9, v7  }
0x80: {  	v60 =	vshll.u32 v22, $0x7;
	v22 =	vshll.u32 v22, $0x8;
	v17 =	vand.u32 $0x400, v17  }
0x81: {  	v13 =	vand.u32 $0x10, v13;
	v22 =	vand.u32 $0xFFFFF800, v22;
	v14 =	vor.u32 v14, v17;
	[tilespmem:s2+$0x1D040] =	vst v7  }
0x82: {  	v14 =	vor.u32 v22, v14;
	v22 =	vshll.u32 v56, $0x7;
	v19 =	vshra.s32 v2, $0x9;
	v11 =	vld.idx.msk [tilespmem:v11+s5+$0x0], $0xffff  }
0x83: {  	v20 =	vshll.u32 v2, $0x3;
	v2 =	vand.u32 $0x10, v3;
	v3 =	vshll.u32 v8, $0x7;
	v12 =	vld.idx.msk [tilespmem:v12+s18+$0x0], $0xffff  }
0x84: {  	v8 =	vshll.u32 v8, $0x8;
	v10 =	vshrl.u32 v29, $0x4;
	v61 =	vshll.u32 v19, $0x7  }
0x85: {  	v19 =	vshll.u32 v19, $0x8;
	v29 =	vand.u32 $0x380, v60;
	v20 =	vand.u32 $0x400, v20  }
0x86: {  	v9 =	vshrl.u32 v30, $0x4;
	v17 =	vand.u32 $0xFFFFF800, v19;
	v19 =	vor.u32 v23, v20  }
0x87: {  	v20 =	vand.u32 $0x380, v61;
	v23 =	vand.u32 $0x400, v57;
	v17 =	vor.u32 v17, v19  }
0x88: {  	v11 =	vshrl.u32 v11, v18;
	v12 =	vshrl.u32 v12, v13;
	v13 =	vor.u32 v29, v14  }
0x89: {  	v14 =	vor.u32 v20, v17;
	v11 =	vshll.u32 v11, $0x10;
	v12 =	vshll.u32 v12, $0x10  }
0x8a: {  	v19 =	vshll.u32 v21, $0x8;
	v7 =	vshra.s32 v30, $0x9;
	v11 =	vadd.f32 v12, v11  }
0x8b: {  	v62 =	vshll.u32 v7, $0x8;
	v18 =	vand.u32 $0x400, v15;
	v20 =	vand.u32 $0x400, v16  }
0x8c: {  	v17 =	vshll.u32 v7, $0x7;
	v15 =	vand.u32 $0xFFFFF800, v8;
	v7 =	vand.u32 $0x380, v3;
	[tilespmem:s2+$0x1D050] =	vst v11  }
0x8d: {  	v16 =	vor.u32 v6, v18;
	v18 =	vor.u32 v55, v23;
	v12 =	vshll.u32 v21, $0x7;
	v11 =	vld.idx.msk [tilespmem:v13+s5+$0x0], $0xffff  }
0x8e: {  	s0 =	sshll.u32 s31, $0x6;
	v21 =	vshll.u32 v56, $0x8;
	v3 =	vand.u32 $0x380, v12;
	v12 =	vand.u32 $0xFFFFF800, v19;
	v8 =	vld.idx.msk [tilespmem:v14+s18+$0x0], $0xffff  }
0x8f: {  	s7 =	sadd.s32 s8, s0;
	v6 =	vld [tilespmem:s6+$0x19010];
	v13 =	vor.u32 v5, v20;
	v14 =	vand.u32 $0xFFFFF800, v21;
	v5 =	vand.u32 $0x380, v22  }
0x90: {  	s21 =	sshll.u32 s31, $0x1;
	s22 =	smin.u32 s7, s9;
	s7 =	simm.s32 $0x400;
	v20 =	vor.u32 v58, v63;
	v19 =	vor.u32 v14, v18;
	v18 =	vand.u32 $0xFFFFF800, v62;
	v14 =	vld [tilespmem:s6+$0x1B010]  }
.LBB2_3:
0x91: {  	p1 =	sne.s32 s7, $0x3E00;
	v5 =	vor.u32 v5, v19;
	v17 =	vand.u32 $0x380, v17;
	v18 =	vor.u32 v18, v20  }
0x92: {  	v15 =	vor.u32 v15, v16;
	v12 =	vor.u32 v12, v13;
	v17 =	vor.u32 v17, v18  }
0x93: {  	v4 =	vshrl.u32 v11, v4;
	v2 =	vshrl.u32 v8, v2;
	v7 =	vor.u32 v7, v15  }
0x94: {  	v4 =	vshll.u32 v4, $0x10;
	v3 =	vor.u32 v3, v12;
	v2 =	vshll.u32 v2, $0x10  }
0x95: {  	v8 =	vand.u32 $0x7F, v6;
	v2 =	vadd.f32 v2, v4;
	v11 =	vand.u32 $0x7F, v14  }
0x96: {  	v12 =	vshll.u32 v6, $0x3;
	v13 =	vshra.s32 v14, $0x9;
	v4 =	vld.idx.msk [tilespmem:v5+s5+$0x0], $0xffff;
	v5 =	vshra.s32 v6, $0x9  }
0x97: {  	v0 =	vand.u32 $0x10, v0;
	v1 =	vand.u32 $0x10, v1;
	v16 =	vshll.u32 v14, $0x3;
	v15 =	vld.idx.msk [tilespmem:v17+s18+$0x0], $0xffff;
	[tilespmem:s2+$0x1D060] =	vst v2  }
0x98: {  	v9 =	vand.u32 $0x10, v9;
	v2 =	vand.u32 $0x10, v10;
	v10 =	vshll.u32 v5, $0x7;
	v17 =	vld.idx.msk [tilespmem:v7+s5+$0x0], $0xffff  }
0x99: {  	v5 =	vshll.u32 v5, $0x8;
	v7 =	vand.u32 $0x400, v12;
	v12 =	vshll.u32 v13, $0x7;
	v3 =	vld.idx.msk [tilespmem:v3+s18+$0x0], $0xffff  }
0x9a: {  	v16 =	vand.u32 $0x400, v16;
	v10 =	vand.u32 $0x380, v10;
	v13 =	vshll.u32 v13, $0x8  }
0x9b: {  	v5 =	vand.u32 $0xFFFFF800, v5;
	v7 =	vor.u32 v8, v7;
	v8 =	vand.u32 $0x380, v12  }
0x9c: {  	v11 =	vor.u32 v11, v16;
	v12 =	vand.u32 $0xFFFFF800, v13;
	v5 =	vor.u32 v5, v7;
	v7 =	vld [tilespmem:s6+$0x19070]  }
0x9d: {  	v2 =	vshrl.u32 v4, v2;
	v4 =	vor.u32 v10, v5;
	v5 =	vor.u32 v12, v11;
	v10 =	vld [tilespmem:s6+$0x19020]  }
0x9e: {  	v2 =	vshll.u32 v2, $0x10;
	v9 =	vshrl.u32 v15, v9;
	v5 =	vor.u32 v8, v5;
	v8 =	vld [tilespmem:s6+$0x1B020]  }
0x9f: {  	v9 =	vshll.u32 v9, $0x10;
	v0 =	vshrl.u32 v17, v0;
	v1 =	vshrl.u32 v3, v1  }
0xa0: {  	v2 =	vadd.f32 v9, v2;
	v3 =	vshll.u32 v0, $0x10;
	v1 =	vshll.u32 v1, $0x10  }
0xa1: {  	v1 =	vadd.f32 v1, v3;
	v0 =	vshrl.u32 v7, $0x4  }
0xa2: {  	v3 =	vshrl.u32 v14, $0x4;
	[tilespmem:s6+$0x1D000] =	vst v2;
	v2 =	vshrl.u32 v6, $0x4;
	v6 =	vand.u32 $0x7F, v10  }
0xa3: {  	v9 =	vshra.s32 v10, $0x9;
	v11 =	vshll.u32 v10, $0x3;
	v4 =	vld.idx.msk [tilespmem:v4+s5+$0x0], $0xffff;
	v12 =	vand.u32 $0x7F, v8;
	[tilespmem:s2+$0x1D070] =	vst v1;
	s2 =	smov.u32 s6  }
0xa4: {  	v13 =	vshll.u32 v8, $0x3;
	v1 =	vld.idx.msk [tilespmem:v5+s18+$0x0], $0xffff;
	v5 =	vand.u32 $0x10, v2;
	v2 =	vshra.s32 v8, $0x9  }
0xa5: {  	v3 =	vand.u32 $0x10, v3;
	v14 =	vshll.u32 v9, $0x7;
	v15 =	vshll.u32 v2, $0x7  }
0xa6: {  	v9 =	vshll.u32 v9, $0x8;
	v11 =	vand.u32 $0x400, v11;
	v2 =	vshll.u32 v2, $0x8;
	v16 =	vld [tilespmem:s2+$0x1B070]  }
0xa7: {  	v17 =	vand.u32 $0xFFFFF800, v9;
	v14 =	vand.u32 $0x380, v14;
	v13 =	vand.u32 $0x400, v13;
	v9 =	vld [tilespmem:s2+$0x19060]  }
0xa8: {  	v6 =	vor.u32 v6, v11;
	v12 =	vor.u32 v12, v13;
	v11 =	vand.u32 $0xFFFFF800, v2;
	v2 =	vld [tilespmem:s2+$0x1B060]  }
0xa9: {  	v6 =	vor.u32 v17, v6;
	v13 =	vand.u32 $0x380, v15;
	v11 =	vor.u32 v11, v12;
	v15 =	vld [tilespmem:s2+$0x19030]  }
0xaa: {  	v12 =	vor.u32 v14, v6;
	v4 =	vshrl.u32 v4, v5;
	v1 =	vshrl.u32 v1, v3;
	v14 =	vld [tilespmem:s2+$0x1B030]  }
0xab: {  	v11 =	vor.u32 v13, v11;
	v3 =	vshll.u32 v4, $0x10;
	v1 =	vshll.u32 v1, $0x10  }
0xac: {  	v13 =	vadd.f32 v1, v3;
	v1 =	vshrl.u32 v16, $0x4;
	v4 =	vshrl.u32 v9, $0x4  }
0xad: {  	v6 =	vand.u32 $0x7F, v7;
	v5 =	vand.u32 $0x7F, v16;
	v3 =	vshrl.u32 v2, $0x4  }
0xae: {  	v10 =	vshrl.u32 v10, $0x4;
	v8 =	vshrl.u32 v8, $0x4;
	[tilespmem:s2+$0x1D010] =	vst v13;
	v13 =	vand.u32 $0x7F, v15  }
0xaf: {  	v17 =	vshra.s32 v15, $0x9;
	v18 =	vshll.u32 v15, $0x3;
	v12 =	vld.idx.msk [tilespmem:v12+s5+$0x0], $0xffff;
	v19 =	vand.u32 $0x7F, v14  }
0xb0: {  	v10 =	vand.u32 $0x10, v10;
	v20 =	vshra.s32 v14, $0x9;
	v21 =	vshll.u32 v14, $0x3;
	v11 =	vld.idx.msk [tilespmem:v11+s18+$0x0], $0xffff  }
0xb1: {  	v8 =	vand.u32 $0x10, v8;
	v22 =	vshll.u32 v17, $0x7;
	v23 =	vshll.u32 v20, $0x7  }
0xb2: {  	v17 =	vshll.u32 v17, $0x8;
	v18 =	vand.u32 $0x400, v18;
	v20 =	vshll.u32 v20, $0x8  }
0xb3: {  	v17 =	vand.u32 $0xFFFFF800, v17;
	v22 =	vand.u32 $0x380, v22;
	v21 =	vand.u32 $0x400, v21  }
0xb4: {  	v13 =	vor.u32 v13, v18;
	v18 =	vand.u32 $0xFFFFF800, v20;
	v19 =	vor.u32 v19, v21;
	v20 =	vld [tilespmem:s2+$0x19050]  }
0xb5: {  	v13 =	vor.u32 v17, v13;
	v17 =	vand.u32 $0x380, v23;
	v18 =	vor.u32 v18, v19;
	v19 =	vld [tilespmem:s2+$0x19040]  }
0xb6: {  	v13 =	vor.u32 v22, v13;
	v10 =	vshrl.u32 v12, v10;
	v8 =	vshrl.u32 v11, v8;
	v21 =	vld [tilespmem:s2+$0x1B040]  }
0xb7: {  	v17 =	vor.u32 v17, v18;
	v10 =	vshll.u32 v10, $0x10;
	v8 =	vshll.u32 v8, $0x10  }
0xb8: {  	v10 =	vadd.f32 v8, v10;
	v8 =	vshra.s32 v7, $0x9;
	v7 =	vshll.u32 v7, $0x3  }
0xb9: {  	v12 =	vshll.u32 v16, $0x3;
	v11 =	vshra.s32 v16, $0x9;
	v18 =	vshrl.u32 v20, $0x4  }
0xba: {  	v14 =	vshrl.u32 v14, $0x4;
	[tilespmem:s2+$0x1D020] =	vst v10;
	v10 =	vshrl.u32 v15, $0x4;
	v15 =	vand.u32 $0x7F, v19  }
0xbb: {  	v16 =	vshra.s32 v19, $0x9;
	v22 =	vshll.u32 v19, $0x3;
	v13 =	vld.idx.msk [tilespmem:v13+s5+$0x0], $0xffff;
	v23 =	vand.u32 $0x7F, v21  }
0xbc: {  	v10 =	vand.u32 $0x10, v10;
	v24 =	vshra.s32 v21, $0x9;
	v25 =	vshll.u32 v21, $0x3;
	v17 =	vld.idx.msk [tilespmem:v17+s18+$0x0], $0xffff  }
0xbd: {  	v14 =	vand.u32 $0x10, v14;
	v26 =	vshll.u32 v16, $0x7;
	v27 =	vshll.u32 v24, $0x7  }
0xbe: {  	v16 =	vshll.u32 v16, $0x8;
	v22 =	vand.u32 $0x400, v22;
	v24 =	vshll.u32 v24, $0x8  }
0xbf: {  	v16 =	vand.u32 $0xFFFFF800, v16;
	v26 =	vand.u32 $0x380, v26;
	v25 =	vand.u32 $0x400, v25;
	v28 =	vld [tilespmem:s2+$0x1B050]  }
0xc0: {  	v15 =	vor.u32 v15, v22;
	v22 =	vand.u32 $0xFFFFF800, v24;
	v23 =	vor.u32 v23, v25  }
0xc1: {  	v15 =	vor.u32 v16, v15;
	v16 =	vand.u32 $0x380, v27;
	v22 =	vor.u32 v22, v23  }
0xc2: {  	v10 =	vshrl.u32 v13, v10;
	v13 =	vshrl.u32 v17, v14;
	v14 =	vor.u32 v26, v15  }
0xc3: {  	v10 =	vshll.u32 v10, $0x10;
	v15 =	vor.u32 v16, v22;
	v13 =	vshll.u32 v13, $0x10  }
0xc4: {  	v16 =	vand.u32 $0x7F, v9;
	v10 =	vadd.f32 v13, v10;
	v13 =	vshrl.u32 v28, $0x4  }
0xc5: {  	v23 =	vand.u32 $0x7F, v2;
	v17 =	vshra.s32 v9, $0x9;
	v22 =	vshll.u32 v9, $0x3  }
0xc6: {  	v9 =	vshrl.u32 v19, $0x4;
	v19 =	vand.u32 $0x7F, v20;
	[tilespmem:s2+$0x1D030] =	vst v10;
	v10 =	vshrl.u32 v21, $0x4  }
0xc7: {  	v24 =	vand.u32 $0x7F, v28;
	v21 =	vshra.s32 v20, $0x9;
	v20 =	vshll.u32 v20, $0x3;
	v14 =	vld.idx.msk [tilespmem:v14+s5+$0x0], $0xffff  }
0xc8: {  	v9 =	vand.u32 $0x10, v9;
	v25 =	vshra.s32 v28, $0x9;
	v26 =	vshll.u32 v28, $0x3;
	v15 =	vld.idx.msk [tilespmem:v15+s18+$0x0], $0xffff  }
0xc9: {  	v28 =	vshll.u32 v25, $0x7;
	v10 =	vand.u32 $0x10, v10;
	v27 =	vshll.u32 v21, $0x7  }
0xca: {  	s6 =	sshra.s32 s7, $0x2;
	v25 =	vshll.u32 v25, $0x8;
	v21 =	vshll.u32 v21, $0x8;
	v20 =	vand.u32 $0x400, v20  }
0xcb: {  	v26 =	vand.u32 $0x400, v26;
	v21 =	vand.u32 $0xFFFFF800, v21;
	v27 =	vand.u32 $0x380, v27;
	v29 =	vld [tilespmem:s6+$0x19000]  }
0xcc: {  	v24 =	vor.u32 v24, v26;
	v19 =	vor.u32 v19, v20;
	v20 =	vand.u32 $0xFFFFF800, v25;
	v30 =	vld [tilespmem:s6+$0x1B000]  }
0xcd: {  	v19 =	vor.u32 v21, v19;
	v21 =	vand.u32 $0x380, v28;
	v20 =	vor.u32 v20, v24  }
0xce: {  	v9 =	vshrl.u32 v14, v9;
	v14 =	vor.u32 v27, v19;
	v10 =	vshrl.u32 v15, v10  }
0xcf: {  	v9 =	vshll.u32 v9, $0x10;
	v15 =	vor.u32 v21, v20;
	v10 =	vshll.u32 v10, $0x10  }
0xd0: {  	v20 =	vshra.s32 v2, $0x9;
	v21 =	vshll.u32 v2, $0x3;
	v19 =	vadd.f32 v10, v9  }
0xd1: {  	v24 =	vand.u32 $0x7F, v29;
	v10 =	vshrl.u32 v29, $0x4;
	v9 =	vshrl.u32 v30, $0x4  }
0xd2: {  	v25 =	vshra.s32 v29, $0x9;
	v26 =	vshll.u32 v29, $0x3;
	v27 =	vand.u32 $0x7F, v30;
	[tilespmem:s2+$0x1D040] =	vst v19  }
0xd3: {  	v4 =	vand.u32 $0x10, v4;
	v28 =	vshll.u32 v30, $0x3;
	v19 =	vshra.s32 v30, $0x9;
	v14 =	vld.idx.msk [tilespmem:v14+s5+$0x0], $0xffff  }
0xd4: {  	v18 =	vand.u32 $0x10, v18;
	v2 =	vand.u32 $0x10, v3;
	v3 =	vshll.u32 v8, $0x7;
	v15 =	vld.idx.msk [tilespmem:v15+s18+$0x0], $0xffff  }
0xd5: {  	v13 =	vand.u32 $0x10, v13;
	v29 =	vshll.u32 v17, $0x7;
	v30 =	vshll.u32 v20, $0x7  }
0xd6: {  	v22 =	vand.u32 $0x400, v22;
	v17 =	vshll.u32 v17, $0x8;
	v20 =	vshll.u32 v20, $0x8  }
0xd7: {  	v21 =	vand.u32 $0x400, v21;
	v17 =	vand.u32 $0xFFFFF800, v17;
	v29 =	vand.u32 $0x380, v29  }
0xd8: {  	v16 =	vor.u32 v16, v22;
	v21 =	vor.u32 v23, v21;
	v20 =	vand.u32 $0xFFFFF800, v20  }
0xd9: {  	v16 =	vor.u32 v17, v16;
	v17 =	vand.u32 $0x380, v30;
	v20 =	vor.u32 v20, v21  }
0xda: {  	v14 =	vshrl.u32 v14, v18;
	v13 =	vshrl.u32 v15, v13;
	v15 =	vor.u32 v29, v16  }
0xdb: {  	v14 =	vshll.u32 v14, $0x10;
	v16 =	vor.u32 v17, v20;
	v13 =	vshll.u32 v13, $0x10  }
0xdc: {  	v18 =	vshll.u32 v11, $0x7;
	v13 =	vadd.f32 v13, v14;
	v14 =	vshll.u32 v8, $0x8  }
0xdd: {  	v22 =	vand.u32 $0x400, v12;
	v21 =	vshll.u32 v11, $0x8;
	v20 =	vand.u32 $0x400, v7  }
0xde: {  	v23 =	vshll.u32 v25, $0x8;
	v25 =	vshll.u32 v25, $0x7;
	v17 =	vshll.u32 v19, $0x7;
	[tilespmem:s2+$0x1D050] =	vst v13  }
.Ltmp4:
0xdf: {  	v26 =	vand.u32 $0x400, v26;
	v28 =	vand.u32 $0x400, v28;
	v29 =	vshll.u32 v19, $0x8;
	v11 =	vld.idx.msk [tilespmem:v15+s5+$0x0], $0xffff;
	(pc) =	sbr.rel @p1 .LBB2_3-.Ltmp4, $4  }
0xe0: {  	v7 =	vand.u32 $0x380, v3;
	v3 =	vand.u32 $0x380, v18;
	v15 =	vand.u32 $0xFFFFF800, v14;
	v8 =	vld.idx.msk [tilespmem:v16+s18+$0x0], $0xffff  }
0xe1: {  	v12 =	vand.u32 $0xFFFFF800, v21;
	v13 =	vor.u32 v5, v22;
	v16 =	vor.u32 v6, v20  }
0xe2: {  	v18 =	vor.u32 v24, v26;
	v5 =	vand.u32 $0x380, v25;
	v14 =	vand.u32 $0xFFFFF800, v23;
	v6 =	vld [tilespmem:s6+$0x19010]  }
0xe3: {  	s7 =	sadd.s32 $0x200, s7;
	v19 =	vor.u32 v14, v18;
	v18 =	vand.u32 $0xFFFFF800, v29;
	v20 =	vor.u32 v27, v28;
	v14 =	vld [tilespmem:s6+$0x1B010]  }
0xe4: {  	v5 =	vor.u32 v5, v19;
	v17 =	vand.u32 $0x380, v17;
	v18 =	vor.u32 v18, v20  }
0xe5: {  	v17 =	vor.u32 v17, v18;
	_ =	sdelay $0x1  }
0xe6: {  	v10 =	vand.u32 $0x10, v10  }
0xe7: {  	v9 =	vand.u32 $0x10, v9;
	v32 =	vand.u32 $0x7F, v6;
	v34 =	vshra.s32 v6, $0x9  }
0xe8: {  	v21 =	vshll.u32 v6, $0x3;
	v33 =	vand.u32 $0x7F, v14;
	v22 =	vshra.s32 v14, $0x9;
	v5 =	vld.idx.msk [tilespmem:v5+s5+$0x0], $0xffff  }
0xe9: {  	v23 =	vshll.u32 v14, $0x3;
	v24 =	vshll.u32 v34, $0x7;
	v20 =	vshll.u32 v34, $0x8;
	v17 =	vld.idx.msk [tilespmem:v17+s18+$0x0], $0xffff  }
0xea: {  	v21 =	vand.u32 $0x400, v21;
	v25 =	vshll.u32 v22, $0x7;
	v24 =	vand.u32 $0x380, v24  }
0xeb: {  	v22 =	vshll.u32 v22, $0x8;
	v20 =	vand.u32 $0xFFFFF800, v20;
	v18 =	vor.u32 v32, v21  }
0xec: {  	v35 =	vand.u32 $0x400, v23;
	v36 =	vand.u32 $0x380, v25;
	v18 =	vor.u32 v20, v18  }
0xed: {  	v37 =	vld [tilespmem:s6+$0x19020];
	v22 =	vand.u32 $0xFFFFF800, v22;
	v19 =	vor.u32 v33, v35;
	v39 =	vor.u32 v24, v18  }
0xee: {  	v38 =	vld [tilespmem:s6+$0x1B020];
	v40 =	vor.u32 v22, v19;
	v5 =	vshrl.u32 v5, v10;
	v9 =	vshrl.u32 v17, v9  }
0xef: {  	v41 =	vor.u32 v36, v40;
	v5 =	vshll.u32 v5, $0x10;
	v9 =	vshll.u32 v9, $0x10  }
0xf0: {  	v42 =	vshrl.u32 v6, $0x4;
	v9 =	vadd.f32 v9, v5  }
0xf1: {  	v43 =	vshrl.u32 v14, $0x4;
	v6 =	vand.u32 $0x10, v42  }
0xf2: {  	v44 =	vand.u32 $0x7F, v37;
	v45 =	vshra.s32 v37, $0x9;
	v46 =	vshll.u32 v37, $0x3;
	[tilespmem:s6+$0x1D000] =	vst v9  }
0xf3: {  	v47 =	vand.u32 $0x7F, v38;
	v48 =	vshra.s32 v38, $0x9;
	v49 =	vshll.u32 v38, $0x3;
	v10 =	vld.idx.msk [tilespmem:v39+s5+$0x0], $0xffff  }
0xf4: {  	v14 =	vand.u32 $0x10, v43;
	v50 =	vshll.u32 v45, $0x7;
	v26 =	vshll.u32 v48, $0x7;
	v17 =	vld.idx.msk [tilespmem:v41+s18+$0x0], $0xffff  }
0xf5: {  	v23 =	vshll.u32 v48, $0x8;
	v19 =	vand.u32 $0x400, v46;
	v25 =	vand.u32 $0x380, v50  }
0xf6: {  	v24 =	vand.u32 $0x400, v49;
	v51 =	vand.u32 $0xFFFFF800, v23;
	v9 =	vshll.u32 v45, $0x8  }
0xf7: {  	v52 =	vld [tilespmem:s6+$0x19030];
	v18 =	vor.u32 v44, v19;
	v22 =	vor.u32 v47, v24;
	v9 =	vand.u32 $0xFFFFF800, v9  }
0xf8: {  	v54 =	vld [tilespmem:s6+$0x1B030];
	v53 =	vand.u32 $0x380, v26;
	v19 =	vor.u32 v51, v22;
	v9 =	vor.u32 v9, v18  }
0xf9: {  	v55 =	vor.u32 v25, v9;
	v10 =	vshrl.u32 v10, v6;
	v14 =	vshrl.u32 v17, v14  }
0xfa: {  	v18 =	vor.u32 v53, v19;
	v10 =	vshll.u32 v10, $0x10;
	v14 =	vshll.u32 v14, $0x10  }
0xfb: {  	v15 =	vor.u32 v15, v16;
	v14 =	vadd.f32 v14, v10  }
0xfc: {  	v56 =	vshrl.u32 v37, $0x4;
	v57 =	vshrl.u32 v38, $0x4;
	v58 =	vand.u32 $0x7F, v52  }
0xfd: {  	v59 =	vshra.s32 v52, $0x9;
	v60 =	vshll.u32 v52, $0x3;
	v61 =	vand.u32 $0x7F, v54;
	[tilespmem:s6+$0x1D010] =	vst v14  }
0xfe: {  	v62 =	vshra.s32 v54, $0x9;
	v63 =	vshll.u32 v54, $0x3;
	v16 =	vand.u32 $0x10, v56;
	v17 =	vld.idx.msk [tilespmem:v55+s5+$0x0], $0xffff  }
0xff: {  	v27 =	vshll.u32 v59, $0x7;
	v28 =	vshll.u32 v62, $0x7;
	v21 =	vand.u32 $0x400, v60;
	v18 =	vld.idx.msk [tilespmem:v18+s18+$0x0], $0xffff  }
0x100: {  	v27 =	vand.u32 $0x380, v27;
	v26 =	vand.u32 $0x400, v63;
	v20 =	vor.u32 v58, v21  }
0x101: {  	v34 =	vld [tilespmem:s6+$0x1B040];
	v33 =	vand.u32 $0x380, v28;
	v25 =	vshll.u32 v62, $0x8;
	v14 =	vshll.u32 v59, $0x8  }
0x102: {  	v32 =	vld [tilespmem:s6+$0x19040];
	v24 =	vor.u32 v61, v26;
	v31 =	vand.u32 $0xFFFFF800, v25;
	v14 =	vand.u32 $0xFFFFF800, v14  }
0x103: {  	v19 =	vand.u32 $0x10, v57;
	v21 =	vor.u32 v31, v24;
	v14 =	vor.u32 v14, v20  }
0x104: {  	v14 =	vor.u32 v27, v14;
	v16 =	vshrl.u32 v17, v16;
	v35 =	vshrl.u32 v18, v19  }
0x105: {  	v36 =	vor.u32 v33, v21;
	v16 =	vshll.u32 v16, $0x10;
	v17 =	vshll.u32 v35, $0x10  }
0x106: {  	v12 =	vor.u32 v12, v13;
	v4 =	vshrl.u32 v11, v4;
	v37 =	vadd.f32 v17, v16  }
0x107: {  	v40 =	vshrl.u32 v54, $0x4;
	v44 =	vand.u32 $0x7F, v34;
	v42 =	vshra.s32 v32, $0x9  }
0x108: {  	v46 =	vshll.u32 v34, $0x3;
	v43 =	vshll.u32 v32, $0x3;
	v11 =	vshll.u32 v42, $0x8;
	[tilespmem:s6+$0x1D020] =	vst v37  }
0x109: {  	v23 =	vand.u32 $0x400, v46;
	v47 =	vshll.u32 v42, $0x7;
	v11 =	vand.u32 $0xFFFFF800, v11;
	v14 =	vld.idx.msk [tilespmem:v14+s5+$0x0], $0xffff  }
0x10a: {  	v26 =	vand.u32 $0x380, v47;
	v45 =	vshra.s32 v34, $0x9;
	v39 =	vshrl.u32 v52, $0x4;
	v18 =	vld.idx.msk [tilespmem:v36+s18+$0x0], $0xffff  }
0x10b: {  	v41 =	vand.u32 $0x7F, v32;
	v48 =	vshll.u32 v45, $0x7;
	v22 =	vshll.u32 v45, $0x8  }
0x10c: {  	v49 =	vand.u32 $0xFFFFF800, v22;
	v21 =	vor.u32 v44, v23;
	v20 =	vand.u32 $0x400, v43  }
0x10d: {  	v38 =	vld [tilespmem:s6+$0x19050];
	v51 =	vand.u32 $0x380, v48;
	v19 =	vor.u32 v41, v20;
	v20 =	vor.u32 v49, v21  }
0x10e: {  	v50 =	vld [tilespmem:s6+$0x1B050];
	v11 =	vor.u32 v11, v19;
	v16 =	vand.u32 $0x10, v39;
	v17 =	vand.u32 $0x10, v40  }
0x10f: {  	v11 =	vor.u32 v26, v11;
	v14 =	vshrl.u32 v14, v16;
	v52 =	vshrl.u32 v18, v17  }
0x110: {  	v53 =	vor.u32 v51, v20;
	v14 =	vshll.u32 v14, $0x10;
	v16 =	vshll.u32 v52, $0x10  }
0x111: {  	v2 =	vshrl.u32 v8, v2;
	v56 =	vshrl.u32 v34, $0x4;
	v54 =	vadd.f32 v16, v14  }
0x112: {  	v7 =	vor.u32 v7, v15;
	v58 =	vshra.s32 v38, $0x9;
	v15 =	vand.u32 $0x10, v56  }
0x113: {  	v63 =	vshll.u32 v58, $0x7;
	v8 =	vshll.u32 v58, $0x8;
	v61 =	vshra.s32 v50, $0x9;
	[tilespmem:s6+$0x1D030] =	vst v54  }
0x114: {  	v60 =	vand.u32 $0x7F, v50;
	v8 =	vand.u32 $0xFFFFF800, v8;
	v28 =	vshll.u32 v61, $0x7;
	v11 =	vld.idx.msk [tilespmem:v11+s5+$0x0], $0xffff  }
0x115: {  	v30 =	vand.u32 $0x380, v28;
	v57 =	vand.u32 $0x7F, v38;
	v62 =	vshll.u32 v50, $0x3;
	v17 =	vld.idx.msk [tilespmem:v53+s18+$0x0], $0xffff  }
0x116: {  	v23 =	vand.u32 $0x380, v63;
	v59 =	vshll.u32 v38, $0x3;
	v55 =	vshrl.u32 v32, $0x4  }
0x117: {  	v21 =	vand.u32 $0x400, v62;
	v20 =	vshll.u32 v61, $0x8;
	v18 =	vand.u32 $0x400, v59  }
0x118: {  	v10 =	vld [tilespmem:s6+$0x1B060];
	v19 =	vor.u32 v60, v21;
	v29 =	vand.u32 $0xFFFFF800, v20;
	v16 =	vor.u32 v57, v18  }
0x119: {  	v9 =	vld [tilespmem:s6+$0x19060];
	v14 =	vand.u32 $0x10, v55;
	v18 =	vor.u32 v29, v19;
	v8 =	vor.u32 v8, v16  }
0x11a: {  	v8 =	vor.u32 v23, v8;
	v11 =	vshrl.u32 v11, v14;
	v31 =	vshrl.u32 v17, v15  }
0x11b: {  	v32 =	vor.u32 v30, v18;
	v11 =	vshll.u32 v11, $0x10;
	v14 =	vshll.u32 v31, $0x10  }
0x11c: {  	v4 =	vshll.u32 v4, $0x10;
	v13 =	vshrl.u32 v38, $0x4;
	v11 =	vadd.f32 v14, v11  }
0x11d: {  	v2 =	vshll.u32 v2, $0x10;
	v13 =	vand.u32 $0x10, v13;
	v38 =	vshra.s32 v10, $0x9  }
0x11e: {  	v33 =	vshrl.u32 v50, $0x4;
	v41 =	vshll.u32 v38, $0x7;
	v35 =	vshra.s32 v9, $0x9;
	[tilespmem:s6+$0x1D040] =	vst v11  }
0x11f: {  	v34 =	vand.u32 $0x7F, v9;
	v43 =	vand.u32 $0x380, v41;
	v40 =	vshll.u32 v35, $0x7;
	v8 =	vld.idx.msk [tilespmem:v8+s5+$0x0], $0xffff  }
0x120: {  	v39 =	vshll.u32 v10, $0x3;
	v21 =	vand.u32 $0x380, v40;
	v36 =	vshll.u32 v9, $0x3;
	v15 =	vld.idx.msk [tilespmem:v32+s18+$0x0], $0xffff  }
0x121: {  	v20 =	vand.u32 $0x400, v39;
	v18 =	vand.u32 $0x400, v36;
	v17 =	vshll.u32 v35, $0x8  }
0x122: {  	v37 =	vand.u32 $0x7F, v10;
	v16 =	vor.u32 v34, v18;
	v17 =	vand.u32 $0xFFFFF800, v17  }
0x123: {  	v6 =	vld [tilespmem:s6+$0x1B070];
	v42 =	vor.u32 v37, v20;
	v16 =	vor.u32 v17, v16;
	v11 =	vshll.u32 v38, $0x8  }
0x124: {  	v5 =	vld [tilespmem:s6+$0x19070];
	v14 =	vand.u32 $0x10, v33;
	v45 =	vor.u32 v21, v16;
	v11 =	vand.u32 $0xFFFFF800, v11  }
0x125: {  	v11 =	vor.u32 v11, v42;
	v8 =	vshrl.u32 v8, v13;
	v44 =	vshrl.u32 v15, v14  }
0x126: {  	v11 =	vor.u32 v43, v11;
	v8 =	vshll.u32 v8, $0x10;
	v13 =	vshll.u32 v44, $0x10  }
0x127: {  	v3 =	vor.u32 v3, v12;
	v2 =	vadd.f32 v2, v4;
	v46 =	vadd.f32 v13, v8  }
0x128: {  	v47 =	vshrl.u32 v9, $0x4;
	v50 =	vand.u32 $0x7F, v6;
	v48 =	vshrl.u32 v10, $0x4  }
0x129: {  	v49 =	vand.u32 $0x7F, v5;
	v51 =	vshra.s32 v5, $0x9;
	v9 =	vand.u32 $0x10, v48;
	[tilespmem:s6+$0x1D050] =	vst v46  }
0x12a: {  	v52 =	vshll.u32 v5, $0x3;
	v55 =	vshll.u32 v51, $0x7;
	v53 =	vshra.s32 v6, $0x9;
	v14 =	vld.idx.msk [tilespmem:v45+s5+$0x0], $0xffff  }
0x12b: {  	v54 =	vshll.u32 v6, $0x3;
	v56 =	vshll.u32 v53, $0x7;
	v4 =	vshll.u32 v53, $0x8;
	v11 =	vld.idx.msk [tilespmem:v11+s18+$0x0], $0xffff  }
0x12c: {  	v4 =	vand.u32 $0xFFFFF800, v4;
	v57 =	vand.u32 $0x380, v56;
	v17 =	vand.u32 $0x380, v55  }
0x12d: {  	v16 =	vand.u32 $0x400, v54;
	v15 =	vand.u32 $0x400, v52;
	v13 =	vshll.u32 v51, $0x8  }
0x12e: {  	v12 =	vor.u32 v50, v16;
	v10 =	vor.u32 v49, v15;
	v13 =	vand.u32 $0xFFFFF800, v13  }
0x12f: {  	v4 =	vor.u32 v4, v12;
	v8 =	vand.u32 $0x10, v47;
	v10 =	vor.u32 v13, v10  }
0x130: {  	v10 =	vor.u32 v17, v10;
	v8 =	vshrl.u32 v14, v8;
	v9 =	vshrl.u32 v11, v9  }
0x131: {  	v4 =	vor.u32 v57, v4;
	v8 =	vshll.u32 v8, $0x10;
	v9 =	vshll.u32 v9, $0x10  }
0x132: {  	[tilespmem:s2+$0x1D060] =	vst v2;
	v58 =	vadd.f32 v9, v8  }
0x133: {  	v7 =	vld.idx.msk [tilespmem:v7+s5+$0x0], $0xffff  }
0x134: {  	v3 =	vld.idx.msk [tilespmem:v3+s18+$0x0], $0xffff;
	[tilespmem:s6+$0x1D060] =	vst v58  }
0x135: {  	v2 =	vld.idx.msk [tilespmem:v10+s5+$0x0], $0xffff  }
0x136: {  	v4 =	vld.idx.msk [tilespmem:v4+s18+$0x0], $0xffff  }
0x137: {  	v0 =	vand.u32 $0x10, v0  }
0x138: {  	v1 =	vand.u32 $0x10, v1;
	v0 =	vshrl.u32 v7, v0  }
0x139: {  	v1 =	vshrl.u32 v3, v1;
	v60 =	vshrl.u32 v6, $0x4;
	v59 =	vshrl.u32 v5, $0x4  }
0x13a: {  	v0 =	vshll.u32 v0, $0x10;
	v3 =	vand.u32 $0x10, v59;
	v5 =	vand.u32 $0x10, v60  }
0x13b: {  	p1 =	seq.s32 s31, $0x18;
	v1 =	vshll.u32 v1, $0x10;
	v2 =	vshrl.u32 v2, v3;
	v61 =	vshrl.u32 v4, v5  }
.Ltmp5:
0x13c: {  	v0 =	vadd.f32 v1, v0;
	v62 =	vshll.u32 v2, $0x10;
	v63 =	vshll.u32 v61, $0x10;
	(pc) =	sbr.rel @p1 .LBB2_10-.Ltmp5, $4  }
0x13d: {  	v1 =	vadd.f32 v63, v62  }
0x13e: {  	s22 =	sshll.u32 s22, $0x4;
	[tilespmem:s2+$0x1D070] =	vst v0  }
0x13f: {  	s2 =	sadd.s32 s4, s22;
	[tilespmem:s6+$0x1D070] =	vst v1  }
0x140: {  	[hbm4b:s2+s5] =	stream.linear.scatter [tilespmem:s24], [sflag:$0x3], $0x1000, $0x38;
	[tilespmem:$0x1F000] =	vst v63  }
0x141: {  	s2 =	sadd.s32 s0, s14;
	s7 =	sor.u32 $0x1, s21  }
0x142: {  	s2 =	smin.u32 s2, s9;
	p1 =	sgt.u32 s7, $0x30  }
.Ltmp6:
0x143: {  	s2 =	sshll.u32 s2, $0x4;
	(pc) =	sbr.rel @p1 .LBB2_9-.Ltmp6, $4  }
0x144: {  	s6 =	sadd.s32 s1, s2  }
0x145: {  	[tilespmem:s19], [sflag:$0x1] =	stream.linear.gather [hbm4b:s6+s5], $0x1000, $0x38;
	[tilespmem:$0x1F000] =	vst v63  }
0x146: {  	s2 =	sadd.s32 s3, s2  }
0x147: {  	[tilespmem:s20], [sflag:$0x1] =	stream.linear.gather [hbm4b:s2+s5], $0x1000, $0x38;
	[tilespmem:$0x1F000] =	vst v63  }
0x148: {  	_ =	swait.ge [sflag:s28], $0x1000  }
0x149: {  	[sflag:s28] =	ssyncset.done $0x0  }
0x14a: {  	[sflag:s28] =	ssyncadd.s32 $0xFFFFF000  }
0x14b: {  	_ =	swait.ge [sflag:s28], $0x1000  }
0x14c: {  	[sflag:s28] =	ssyncset.done $0x0  }
0x14d: {  	s2 =	simm.s32 @!p0 $0x4;
	[sflag:s28] =	ssyncadd.s32 $0xFFFFF000  }
0x14e: {  	_ =	swait.ge @!p0 [sflag:s2], $0x1000  }
0x14f: {  	[sflag:s2] =	ssyncset.done @!p0 $0x0  }
0x150: {  	[sflag:s2] =	ssyncadd.s32 @!p0 $0xFFFFF000;
	s2 =	simm.s32 $0x0  }
0x151: {  	v0 =	vld [tilespmem:s2+$0x1A000]  }
0x152: {  	v1 =	vld [tilespmem:s2+$0x1C000]  }
0x153: {  	s6 =	simm.s32 $0x80;
	v28 =	vld [tilespmem:s2+$0x1C050]  }
0x154: {  	v29 =	vld [tilespmem:s6+$0x1A000];
	_ =	sdelay $0x1  }
0x155: {  	v2 =	vand.u32 $0x7F, v0;
	v3 =	vshra.s32 v0, $0x9;
	v4 =	vshll.u32 v0, $0x3  }
0x156: {  	v5 =	vand.u32 $0x7F, v1;
	v6 =	vshra.s32 v1, $0x9;
	v7 =	vshll.u32 v1, $0x3  }
0x157: {  	v0 =	vshrl.u32 v0, $0x4;
	v1 =	vshrl.u32 v1, $0x4;
	v50 =	vand.u32 $0x7F, v28  }
0x158: {  	v51 =	vshra.s32 v28, $0x9;
	v52 =	vshll.u32 v28, $0x3;
	v55 =	vand.u32 $0x7F, v29  }
0x159: {  	v30 =	vld [tilespmem:s6+$0x1C000];
	v56 =	vshra.s32 v29, $0x9;
	v8 =	vshll.u32 v3, $0x8;
	v3 =	vshll.u32 v3, $0x7  }
0x15a: {  	v9 =	vshll.u32 v6, $0x7;
	v4 =	vand.u32 $0x400, v4;
	v6 =	vshll.u32 v6, $0x8  }
0x15b: {  	v7 =	vand.u32 $0x400, v7;
	v8 =	vand.u32 $0xFFFFF800, v8;
	v2 =	vor.u32 v2, v4;
	v4 =	vld [tilespmem:s2+$0x1A010]  }
0x15c: {  	v3 =	vand.u32 $0x380, v3;
	v5 =	vor.u32 v5, v7;
	v7 =	vld [tilespmem:s2+$0x1C010];
	v2 =	vor.u32 v8, v2  }
0x15d: {  	v57 =	vshll.u32 v29, $0x3;
	v6 =	vand.u32 $0xFFFFF800, v6;
	v2 =	vor.u32 v3, v2  }
0x15e: {  	v58 =	vand.u32 $0x7F, v30;
	v5 =	vor.u32 v6, v5;
	v3 =	vand.u32 $0x380, v9  }
0x15f: {  	v59 =	vshll.u32 v30, $0x3;
	v0 =	vand.u32 $0x10, v0;
	v3 =	vor.u32 v3, v5  }
0x160: {  	v1 =	vand.u32 $0x10, v1;
	v54 =	vshll.u32 v51, $0x7;
	v63 =	vand.u32 $0x400, v59  }
0x161: {  	v5 =	vand.u32 $0x7F, v4;
	v6 =	vand.u32 $0x7F, v7;
	v11 =	vshll.u32 v7, $0x3  }
0x162: {  	v8 =	vshra.s32 v4, $0x9;
	v9 =	vshll.u32 v4, $0x3;
	v11 =	vand.u32 $0x400, v11;
	v2 =	vld.idx.msk [tilespmem:v2+s5+$0x0], $0xffff  }
0x163: {  	v10 =	vshra.s32 v7, $0x9;
	v4 =	vshrl.u32 v4, $0x4;
	v6 =	vor.u32 v6, v11;
	v11 =	vld [tilespmem:s2+$0x1C020]  }
0x164: {  	v12 =	vshll.u32 v8, $0x7;
	v8 =	vshll.u32 v8, $0x8;
	v9 =	vand.u32 $0x400, v9;
	v3 =	vld.idx.msk [tilespmem:v3+s18+$0x0], $0xffff  }
0x165: {  	v13 =	vshll.u32 v10, $0x7;
	v8 =	vand.u32 $0xFFFFF800, v8;
	v5 =	vor.u32 v5, v9  }
0x166: {  	v10 =	vshll.u32 v10, $0x8;
	v4 =	vand.u32 $0x10, v4;
	v5 =	vor.u32 v8, v5;
	v8 =	vld [tilespmem:s2+$0x1A020]  }
0x167: {  	v12 =	vand.u32 $0x380, v12;
	v13 =	vand.u32 $0x380, v13;
	v10 =	vand.u32 $0xFFFFF800, v10  }
0x168: {  	v9 =	vld [tilespmem:s2+$0x1A070];
	v0 =	vshrl.u32 v2, v0;
	v2 =	vor.u32 v12, v5;
	v5 =	vor.u32 v10, v6  }
0x169: {  	v10 =	vand.u32 $0x7F, v11;
	v1 =	vshrl.u32 v3, v1;
	v0 =	vshll.u32 v0, $0x10  }
0x16a: {  	v3 =	vor.u32 v13, v5;
	v5 =	vshrl.u32 v7, $0x4;
	v1 =	vshll.u32 v1, $0x10  }
0x16b: {  	v6 =	vand.u32 $0x7F, v8;
	v13 =	vshll.u32 v11, $0x3;
	v1 =	vadd.f32 v1, v0  }
0x16c: {  	v7 =	vshll.u32 v8, $0x3;
	v5 =	vand.u32 $0x10, v5;
	v13 =	vand.u32 $0x400, v13  }
0x16d: {  	v7 =	vand.u32 $0x400, v7;
	v0 =	vshrl.u32 v9, $0x4;
	v10 =	vor.u32 v10, v13;
	v13 =	vld [tilespmem:s2+$0x1C030];
	[tilespmem:s2+$0x1E000] =	vst v1  }
0x16e: {  	v6 =	vor.u32 v6, v7;
	v1 =	vshra.s32 v8, $0x9;
	v8 =	vshrl.u32 v8, $0x4;
	v12 =	vld.idx.msk [tilespmem:v2+s5+$0x0], $0xffff  }
0x16f: {  	v2 =	vshra.s32 v11, $0x9;
	v3 =	vld.idx.msk [tilespmem:v3+s18+$0x0], $0xffff;
	v14 =	vshll.u32 v1, $0x7;
	v1 =	vshll.u32 v1, $0x8  }
0x170: {  	v11 =	vshrl.u32 v11, $0x4;
	v8 =	vand.u32 $0x10, v8;
	v15 =	vshll.u32 v2, $0x7  }
0x171: {  	v2 =	vshll.u32 v2, $0x8;
	v1 =	vand.u32 $0xFFFFF800, v1;
	v14 =	vand.u32 $0x380, v14  }
0x172: {  	v16 =	vld [tilespmem:s2+$0x1C070];
	v11 =	vand.u32 $0x10, v11;
	v7 =	vand.u32 $0xFFFFF800, v2;
	v1 =	vor.u32 v1, v6  }
0x173: {  	v17 =	vld [tilespmem:s2+$0x1A060];
	v6 =	vand.u32 $0x380, v15;
	v19 =	vand.u32 $0x7F, v13;
	v7 =	vor.u32 v7, v10  }
0x174: {  	v10 =	vld [tilespmem:s2+$0x1A030];
	v4 =	vshrl.u32 v12, v4;
	v3 =	vshrl.u32 v3, v5;
	v12 =	vor.u32 v14, v1  }
0x175: {  	v7 =	vor.u32 v6, v7;
	v1 =	vshll.u32 v4, $0x10;
	v3 =	vshll.u32 v3, $0x10  }
0x176: {  	v20 =	vshra.s32 v13, $0x9;
	v21 =	vshll.u32 v13, $0x3;
	v14 =	vadd.f32 v3, v1  }
0x177: {  	v23 =	vshll.u32 v20, $0x7;
	v20 =	vshll.u32 v20, $0x8;
	v21 =	vand.u32 $0x400, v21  }
0x178: {  	v2 =	vld [tilespmem:s2+$0x1C060];
	v6 =	vand.u32 $0x7F, v9;
	v19 =	vor.u32 v19, v21;
	v21 =	vshra.s32 v16, $0x9;
	[tilespmem:s2+$0x1E010] =	vst v14  }
0x179: {  	v5 =	vand.u32 $0x7F, v16;
	v4 =	vshrl.u32 v17, $0x4;
	v18 =	vshll.u32 v10, $0x3;
	v12 =	vld.idx.msk [tilespmem:v12+s5+$0x0], $0xffff  }
0x17a: {  	v1 =	vshrl.u32 v16, $0x4;
	v15 =	vand.u32 $0x7F, v10;
	v18 =	vand.u32 $0x400, v18;
	v7 =	vld.idx.msk [tilespmem:v7+s18+$0x0], $0xffff  }
0x17b: {  	v14 =	vshra.s32 v10, $0x9;
	v15 =	vor.u32 v15, v18;
	v18 =	vand.u32 $0xFFFFF800, v20  }
0x17c: {  	v22 =	vshll.u32 v14, $0x7;
	v14 =	vshll.u32 v14, $0x8;
	v18 =	vor.u32 v18, v19;
	v19 =	vld [tilespmem:s2+$0x1A040]  }
0x17d: {  	v3 =	vshrl.u32 v2, $0x4;
	v16 =	vshll.u32 v16, $0x3;
	v14 =	vand.u32 $0xFFFFF800, v14  }
0x17e: {  	v22 =	vand.u32 $0x380, v22;
	v14 =	vor.u32 v14, v15;
	v15 =	vand.u32 $0x380, v23  }
0x17f: {  	v8 =	vshrl.u32 v12, v8;
	v7 =	vshrl.u32 v7, v11;
	v11 =	vor.u32 v22, v14  }
0x180: {  	v12 =	vld [tilespmem:s2+$0x1C040];
	v14 =	vor.u32 v15, v18;
	v8 =	vshll.u32 v8, $0x10;
	v7 =	vshll.u32 v7, $0x10  }
0x181: {  	v15 =	vshll.u32 v9, $0x3;
	v22 =	vshll.u32 v19, $0x3;
	v7 =	vadd.f32 v7, v8  }
0x182: {  	v8 =	vshra.s32 v9, $0x9;
	v9 =	vshrl.u32 v10, $0x4;
	v10 =	vshrl.u32 v13, $0x4  }
0x183: {  	v13 =	vand.u32 $0x7F, v19;
	v22 =	vand.u32 $0x400, v22;
	v9 =	vand.u32 $0x10, v9;
	[tilespmem:s2+$0x1E020] =	vst v7  }
0x184: {  	v10 =	vand.u32 $0x10, v10;
	v13 =	vor.u32 v13, v22;
	v7 =	vshra.s32 v19, $0x9;
	v11 =	vld.idx.msk [tilespmem:v11+s5+$0x0], $0xffff  }
0x185: {  	v23 =	vand.u32 $0x7F, v12;
	v24 =	vshra.s32 v12, $0x9;
	v25 =	vshll.u32 v12, $0x3;
	v14 =	vld.idx.msk [tilespmem:v14+s18+$0x0], $0xffff  }
0x186: {  	v26 =	vshll.u32 v7, $0x7;
	v7 =	vshll.u32 v7, $0x8;
	v27 =	vshll.u32 v24, $0x7  }
0x187: {  	v20 =	vld [tilespmem:s2+$0x1A050];
	v24 =	vshll.u32 v24, $0x8;
	v7 =	vand.u32 $0xFFFFF800, v7;
	v25 =	vand.u32 $0x400, v25  }
0x188: {  	v26 =	vand.u32 $0x380, v26;
	v22 =	vand.u32 $0xFFFFF800, v24;
	v23 =	vor.u32 v23, v25  }
0x189: {  	v7 =	vor.u32 v7, v13;
	v13 =	vand.u32 $0x380, v27;
	v22 =	vor.u32 v22, v23  }
0x18a: {  	v7 =	vor.u32 v26, v7;
	v9 =	vshrl.u32 v11, v9;
	v10 =	vshrl.u32 v14, v10  }
0x18b: {  	v11 =	vor.u32 v13, v22;
	v9 =	vshll.u32 v9, $0x10;
	v10 =	vshll.u32 v10, $0x10  }
0x18c: {  	v18 =	vshrl.u32 v20, $0x4;
	v12 =	vshrl.u32 v12, $0x4;
	v9 =	vadd.f32 v10, v9  }
0x18d: {  	v4 =	vand.u32 $0x10, v4;
	v18 =	vand.u32 $0x10, v18;
	v12 =	vand.u32 $0x10, v12  }
0x18e: {  	v25 =	vshll.u32 v51, $0x8;
	v23 =	vand.u32 $0x7F, v2;
	v26 =	vand.u32 $0x400, v52;
	[tilespmem:s2+$0x1E030] =	vst v9  }
0x18f: {  	v24 =	vor.u32 v50, v26;
	v13 =	vshrl.u32 v28, $0x4;
	v14 =	vand.u32 $0x7F, v17;
	v7 =	vld.idx.msk [tilespmem:v7+s5+$0x0], $0xffff  }
0x190: {  	v10 =	vshrl.u32 v19, $0x4;
	v19 =	vand.u32 $0x7F, v20;
	v9 =	vshra.s32 v20, $0x9;
	v11 =	vld.idx.msk [tilespmem:v11+s18+$0x0], $0xffff  }
0x191: {  	v20 =	vshll.u32 v20, $0x3;
	v53 =	vshll.u32 v9, $0x7;
	v9 =	vshll.u32 v9, $0x8  }
0x192: {  	v10 =	vand.u32 $0x10, v10;
	v20 =	vand.u32 $0x400, v20;
	v9 =	vand.u32 $0xFFFFF800, v9  }
0x193: {  	v27 =	vand.u32 $0x380, v53;
	v19 =	vor.u32 v19, v20;
	v20 =	vand.u32 $0xFFFFF800, v25  }
0x194: {  	v9 =	vor.u32 v9, v19;
	v19 =	vand.u32 $0x380, v54;
	v20 =	vor.u32 v20, v24  }
0x195: {  	v7 =	vshrl.u32 v7, v10;
	v10 =	vshrl.u32 v11, v12;
	v11 =	vor.u32 v27, v9  }
0x196: {  	v12 =	vor.u32 v19, v20;
	v7 =	vshll.u32 v7, $0x10;
	v9 =	vshll.u32 v10, $0x10  }
0x197: {  	v22 =	vshra.s32 v17, $0x9;
	v17 =	vshll.u32 v17, $0x3;
	v7 =	vadd.f32 v9, v7  }
0x198: {  	v60 =	vshll.u32 v22, $0x7;
	v22 =	vshll.u32 v22, $0x8;
	v17 =	vand.u32 $0x400, v17  }
0x199: {  	v13 =	vand.u32 $0x10, v13;
	v22 =	vand.u32 $0xFFFFF800, v22;
	v14 =	vor.u32 v14, v17;
	[tilespmem:s2+$0x1E040] =	vst v7  }
0x19a: {  	v14 =	vor.u32 v22, v14;
	v22 =	vshll.u32 v56, $0x7;
	v19 =	vshra.s32 v2, $0x9;
	v11 =	vld.idx.msk [tilespmem:v11+s5+$0x0], $0xffff  }
0x19b: {  	v20 =	vshll.u32 v2, $0x3;
	v2 =	vand.u32 $0x10, v3;
	v3 =	vshll.u32 v8, $0x7;
	v12 =	vld.idx.msk [tilespmem:v12+s18+$0x0], $0xffff  }
0x19c: {  	v8 =	vshll.u32 v8, $0x8;
	v10 =	vshrl.u32 v29, $0x4;
	v61 =	vshll.u32 v19, $0x7  }
0x19d: {  	v19 =	vshll.u32 v19, $0x8;
	v29 =	vand.u32 $0x380, v60;
	v20 =	vand.u32 $0x400, v20  }
0x19e: {  	v9 =	vshrl.u32 v30, $0x4;
	v17 =	vand.u32 $0xFFFFF800, v19;
	v19 =	vor.u32 v23, v20  }
0x19f: {  	v20 =	vand.u32 $0x380, v61;
	v23 =	vand.u32 $0x400, v57;
	v17 =	vor.u32 v17, v19  }
0x1a0: {  	v11 =	vshrl.u32 v11, v18;
	v12 =	vshrl.u32 v12, v13;
	v13 =	vor.u32 v29, v14  }
0x1a1: {  	v14 =	vor.u32 v20, v17;
	v11 =	vshll.u32 v11, $0x10;
	v12 =	vshll.u32 v12, $0x10  }
0x1a2: {  	v19 =	vshll.u32 v21, $0x8;
	v7 =	vshra.s32 v30, $0x9;
	v11 =	vadd.f32 v12, v11  }
0x1a3: {  	v62 =	vshll.u32 v7, $0x8;
	v18 =	vand.u32 $0x400, v15;
	v20 =	vand.u32 $0x400, v16  }
0x1a4: {  	v17 =	vshll.u32 v7, $0x7;
	v15 =	vand.u32 $0xFFFFF800, v8;
	v7 =	vand.u32 $0x380, v3;
	[tilespmem:s2+$0x1E050] =	vst v11  }
0x1a5: {  	v16 =	vor.u32 v6, v18;
	v18 =	vor.u32 v55, v23;
	v12 =	vshll.u32 v21, $0x7;
	v11 =	vld.idx.msk [tilespmem:v13+s5+$0x0], $0xffff  }
0x1a6: {  	s7 =	sshll.u32 s7, $0x5;
	v21 =	vshll.u32 v56, $0x8;
	v3 =	vand.u32 $0x380, v12;
	v12 =	vand.u32 $0xFFFFF800, v19;
	v8 =	vld.idx.msk [tilespmem:v14+s18+$0x0], $0xffff  }
0x1a7: {  	s7 =	sadd.s32 s8, s7;
	v6 =	vld [tilespmem:s6+$0x1A010];
	v13 =	vor.u32 v5, v20;
	v14 =	vand.u32 $0xFFFFF800, v21;
	v5 =	vand.u32 $0x380, v22  }
0x1a8: {  	s21 =	smin.u32 s7, s9;
	s7 =	simm.s32 $0x400;
	v20 =	vor.u32 v58, v63;
	v19 =	vor.u32 v14, v18;
	v18 =	vand.u32 $0xFFFFF800, v62;
	v14 =	vld [tilespmem:s6+$0x1C010]  }
.LBB2_7:
0x1a9: {  	p0 =	sne.s32 s7, $0x3E00;
	v5 =	vor.u32 v5, v19;
	v17 =	vand.u32 $0x380, v17;
	v18 =	vor.u32 v18, v20  }
0x1aa: {  	v15 =	vor.u32 v15, v16;
	v12 =	vor.u32 v12, v13;
	v17 =	vor.u32 v17, v18  }
0x1ab: {  	v4 =	vshrl.u32 v11, v4;
	v2 =	vshrl.u32 v8, v2;
	v7 =	vor.u32 v7, v15  }
0x1ac: {  	v4 =	vshll.u32 v4, $0x10;
	v3 =	vor.u32 v3, v12;
	v2 =	vshll.u32 v2, $0x10  }
0x1ad: {  	v8 =	vand.u32 $0x7F, v6;
	v2 =	vadd.f32 v2, v4;
	v11 =	vand.u32 $0x7F, v14  }
0x1ae: {  	v12 =	vshll.u32 v6, $0x3;
	v13 =	vshra.s32 v14, $0x9;
	v4 =	vld.idx.msk [tilespmem:v5+s5+$0x0], $0xffff;
	v5 =	vshra.s32 v6, $0x9  }
0x1af: {  	v0 =	vand.u32 $0x10, v0;
	v1 =	vand.u32 $0x10, v1;
	v16 =	vshll.u32 v14, $0x3;
	v15 =	vld.idx.msk [tilespmem:v17+s18+$0x0], $0xffff;
	[tilespmem:s2+$0x1E060] =	vst v2  }
0x1b0: {  	v9 =	vand.u32 $0x10, v9;
	v2 =	vand.u32 $0x10, v10;
	v10 =	vshll.u32 v5, $0x7;
	v17 =	vld.idx.msk [tilespmem:v7+s5+$0x0], $0xffff  }
0x1b1: {  	v5 =	vshll.u32 v5, $0x8;
	v7 =	vand.u32 $0x400, v12;
	v12 =	vshll.u32 v13, $0x7;
	v3 =	vld.idx.msk [tilespmem:v3+s18+$0x0], $0xffff  }
0x1b2: {  	v16 =	vand.u32 $0x400, v16;
	v10 =	vand.u32 $0x380, v10;
	v13 =	vshll.u32 v13, $0x8  }
0x1b3: {  	v5 =	vand.u32 $0xFFFFF800, v5;
	v7 =	vor.u32 v8, v7;
	v8 =	vand.u32 $0x380, v12  }
0x1b4: {  	v11 =	vor.u32 v11, v16;
	v12 =	vand.u32 $0xFFFFF800, v13;
	v5 =	vor.u32 v5, v7;
	v7 =	vld [tilespmem:s6+$0x1A070]  }
0x1b5: {  	v2 =	vshrl.u32 v4, v2;
	v4 =	vor.u32 v10, v5;
	v5 =	vor.u32 v12, v11;
	v10 =	vld [tilespmem:s6+$0x1A020]  }
0x1b6: {  	v2 =	vshll.u32 v2, $0x10;
	v9 =	vshrl.u32 v15, v9;
	v5 =	vor.u32 v8, v5;
	v8 =	vld [tilespmem:s6+$0x1C020]  }
0x1b7: {  	v9 =	vshll.u32 v9, $0x10;
	v0 =	vshrl.u32 v17, v0;
	v1 =	vshrl.u32 v3, v1  }
0x1b8: {  	v2 =	vadd.f32 v9, v2;
	v3 =	vshll.u32 v0, $0x10;
	v1 =	vshll.u32 v1, $0x10  }
0x1b9: {  	v1 =	vadd.f32 v1, v3;
	v0 =	vshrl.u32 v7, $0x4  }
0x1ba: {  	v3 =	vshrl.u32 v14, $0x4;
	[tilespmem:s6+$0x1E000] =	vst v2;
	v2 =	vshrl.u32 v6, $0x4;
	v6 =	vand.u32 $0x7F, v10  }
0x1bb: {  	v9 =	vshra.s32 v10, $0x9;
	v11 =	vshll.u32 v10, $0x3;
	v4 =	vld.idx.msk [tilespmem:v4+s5+$0x0], $0xffff;
	v12 =	vand.u32 $0x7F, v8;
	[tilespmem:s2+$0x1E070] =	vst v1;
	s2 =	smov.u32 s6  }
0x1bc: {  	v13 =	vshll.u32 v8, $0x3;
	v1 =	vld.idx.msk [tilespmem:v5+s18+$0x0], $0xffff;
	v5 =	vand.u32 $0x10, v2;
	v2 =	vshra.s32 v8, $0x9  }
0x1bd: {  	v3 =	vand.u32 $0x10, v3;
	v14 =	vshll.u32 v9, $0x7;
	v15 =	vshll.u32 v2, $0x7  }
0x1be: {  	v9 =	vshll.u32 v9, $0x8;
	v11 =	vand.u32 $0x400, v11;
	v2 =	vshll.u32 v2, $0x8;
	v16 =	vld [tilespmem:s2+$0x1C070]  }
0x1bf: {  	v17 =	vand.u32 $0xFFFFF800, v9;
	v14 =	vand.u32 $0x380, v14;
	v13 =	vand.u32 $0x400, v13;
	v9 =	vld [tilespmem:s2+$0x1A060]  }
0x1c0: {  	v6 =	vor.u32 v6, v11;
	v12 =	vor.u32 v12, v13;
	v11 =	vand.u32 $0xFFFFF800, v2;
	v2 =	vld [tilespmem:s2+$0x1C060]  }
0x1c1: {  	v6 =	vor.u32 v17, v6;
	v13 =	vand.u32 $0x380, v15;
	v11 =	vor.u32 v11, v12;
	v15 =	vld [tilespmem:s2+$0x1A030]  }
0x1c2: {  	v12 =	vor.u32 v14, v6;
	v4 =	vshrl.u32 v4, v5;
	v1 =	vshrl.u32 v1, v3;
	v14 =	vld [tilespmem:s2+$0x1C030]  }
0x1c3: {  	v11 =	vor.u32 v13, v11;
	v3 =	vshll.u32 v4, $0x10;
	v1 =	vshll.u32 v1, $0x10  }
0x1c4: {  	v13 =	vadd.f32 v1, v3;
	v1 =	vshrl.u32 v16, $0x4;
	v4 =	vshrl.u32 v9, $0x4  }
0x1c5: {  	v6 =	vand.u32 $0x7F, v7;
	v5 =	vand.u32 $0x7F, v16;
	v3 =	vshrl.u32 v2, $0x4  }
0x1c6: {  	v10 =	vshrl.u32 v10, $0x4;
	v8 =	vshrl.u32 v8, $0x4;
	[tilespmem:s2+$0x1E010] =	vst v13;
	v13 =	vand.u32 $0x7F, v15  }
0x1c7: {  	v17 =	vshra.s32 v15, $0x9;
	v18 =	vshll.u32 v15, $0x3;
	v12 =	vld.idx.msk [tilespmem:v12+s5+$0x0], $0xffff;
	v19 =	vand.u32 $0x7F, v14  }
0x1c8: {  	v10 =	vand.u32 $0x10, v10;
	v20 =	vshra.s32 v14, $0x9;
	v21 =	vshll.u32 v14, $0x3;
	v11 =	vld.idx.msk [tilespmem:v11+s18+$0x0], $0xffff  }
0x1c9: {  	v8 =	vand.u32 $0x10, v8;
	v22 =	vshll.u32 v17, $0x7;
	v23 =	vshll.u32 v20, $0x7  }
0x1ca: {  	v17 =	vshll.u32 v17, $0x8;
	v18 =	vand.u32 $0x400, v18;
	v20 =	vshll.u32 v20, $0x8  }
0x1cb: {  	v17 =	vand.u32 $0xFFFFF800, v17;
	v22 =	vand.u32 $0x380, v22;
	v21 =	vand.u32 $0x400, v21  }
0x1cc: {  	v13 =	vor.u32 v13, v18;
	v18 =	vand.u32 $0xFFFFF800, v20;
	v19 =	vor.u32 v19, v21;
	v20 =	vld [tilespmem:s2+$0x1A050]  }
0x1cd: {  	v13 =	vor.u32 v17, v13;
	v17 =	vand.u32 $0x380, v23;
	v18 =	vor.u32 v18, v19;
	v19 =	vld [tilespmem:s2+$0x1A040]  }
0x1ce: {  	v13 =	vor.u32 v22, v13;
	v10 =	vshrl.u32 v12, v10;
	v8 =	vshrl.u32 v11, v8;
	v21 =	vld [tilespmem:s2+$0x1C040]  }
0x1cf: {  	v17 =	vor.u32 v17, v18;
	v10 =	vshll.u32 v10, $0x10;
	v8 =	vshll.u32 v8, $0x10  }
0x1d0: {  	v10 =	vadd.f32 v8, v10;
	v8 =	vshra.s32 v7, $0x9;
	v7 =	vshll.u32 v7, $0x3  }
0x1d1: {  	v12 =	vshll.u32 v16, $0x3;
	v11 =	vshra.s32 v16, $0x9;
	v18 =	vshrl.u32 v20, $0x4  }
0x1d2: {  	v14 =	vshrl.u32 v14, $0x4;
	[tilespmem:s2+$0x1E020] =	vst v10;
	v10 =	vshrl.u32 v15, $0x4;
	v15 =	vand.u32 $0x7F, v19  }
0x1d3: {  	v16 =	vshra.s32 v19, $0x9;
	v22 =	vshll.u32 v19, $0x3;
	v13 =	vld.idx.msk [tilespmem:v13+s5+$0x0], $0xffff;
	v23 =	vand.u32 $0x7F, v21  }
0x1d4: {  	v10 =	vand.u32 $0x10, v10;
	v24 =	vshra.s32 v21, $0x9;
	v25 =	vshll.u32 v21, $0x3;
	v17 =	vld.idx.msk [tilespmem:v17+s18+$0x0], $0xffff  }
0x1d5: {  	v14 =	vand.u32 $0x10, v14;
	v26 =	vshll.u32 v16, $0x7;
	v27 =	vshll.u32 v24, $0x7  }
0x1d6: {  	v16 =	vshll.u32 v16, $0x8;
	v22 =	vand.u32 $0x400, v22;
	v24 =	vshll.u32 v24, $0x8  }
0x1d7: {  	v16 =	vand.u32 $0xFFFFF800, v16;
	v26 =	vand.u32 $0x380, v26;
	v25 =	vand.u32 $0x400, v25;
	v28 =	vld [tilespmem:s2+$0x1C050]  }
0x1d8: {  	v15 =	vor.u32 v15, v22;
	v22 =	vand.u32 $0xFFFFF800, v24;
	v23 =	vor.u32 v23, v25  }
0x1d9: {  	v15 =	vor.u32 v16, v15;
	v16 =	vand.u32 $0x380, v27;
	v22 =	vor.u32 v22, v23  }
0x1da: {  	v10 =	vshrl.u32 v13, v10;
	v13 =	vshrl.u32 v17, v14;
	v14 =	vor.u32 v26, v15  }
0x1db: {  	v10 =	vshll.u32 v10, $0x10;
	v15 =	vor.u32 v16, v22;
	v13 =	vshll.u32 v13, $0x10  }
0x1dc: {  	v16 =	vand.u32 $0x7F, v9;
	v10 =	vadd.f32 v13, v10;
	v13 =	vshrl.u32 v28, $0x4  }
0x1dd: {  	v23 =	vand.u32 $0x7F, v2;
	v17 =	vshra.s32 v9, $0x9;
	v22 =	vshll.u32 v9, $0x3  }
0x1de: {  	v9 =	vshrl.u32 v19, $0x4;
	v19 =	vand.u32 $0x7F, v20;
	[tilespmem:s2+$0x1E030] =	vst v10;
	v10 =	vshrl.u32 v21, $0x4  }
0x1df: {  	v24 =	vand.u32 $0x7F, v28;
	v21 =	vshra.s32 v20, $0x9;
	v20 =	vshll.u32 v20, $0x3;
	v14 =	vld.idx.msk [tilespmem:v14+s5+$0x0], $0xffff  }
0x1e0: {  	v9 =	vand.u32 $0x10, v9;
	v25 =	vshra.s32 v28, $0x9;
	v26 =	vshll.u32 v28, $0x3;
	v15 =	vld.idx.msk [tilespmem:v15+s18+$0x0], $0xffff  }
0x1e1: {  	v28 =	vshll.u32 v25, $0x7;
	v10 =	vand.u32 $0x10, v10;
	v27 =	vshll.u32 v21, $0x7  }
0x1e2: {  	s6 =	sshra.s32 s7, $0x2;
	v25 =	vshll.u32 v25, $0x8;
	v21 =	vshll.u32 v21, $0x8;
	v20 =	vand.u32 $0x400, v20  }
0x1e3: {  	v26 =	vand.u32 $0x400, v26;
	v21 =	vand.u32 $0xFFFFF800, v21;
	v27 =	vand.u32 $0x380, v27;
	v29 =	vld [tilespmem:s6+$0x1A000]  }
0x1e4: {  	v24 =	vor.u32 v24, v26;
	v19 =	vor.u32 v19, v20;
	v20 =	vand.u32 $0xFFFFF800, v25;
	v30 =	vld [tilespmem:s6+$0x1C000]  }
0x1e5: {  	v19 =	vor.u32 v21, v19;
	v21 =	vand.u32 $0x380, v28;
	v20 =	vor.u32 v20, v24  }
0x1e6: {  	v9 =	vshrl.u32 v14, v9;
	v14 =	vor.u32 v27, v19;
	v10 =	vshrl.u32 v15, v10  }
0x1e7: {  	v9 =	vshll.u32 v9, $0x10;
	v15 =	vor.u32 v21, v20;
	v10 =	vshll.u32 v10, $0x10  }
0x1e8: {  	v20 =	vshra.s32 v2, $0x9;
	v21 =	vshll.u32 v2, $0x3;
	v19 =	vadd.f32 v10, v9  }
0x1e9: {  	v24 =	vand.u32 $0x7F, v29;
	v10 =	vshrl.u32 v29, $0x4;
	v9 =	vshrl.u32 v30, $0x4  }
0x1ea: {  	v25 =	vshra.s32 v29, $0x9;
	v26 =	vshll.u32 v29, $0x3;
	v27 =	vand.u32 $0x7F, v30;
	[tilespmem:s2+$0x1E040] =	vst v19  }
0x1eb: {  	v4 =	vand.u32 $0x10, v4;
	v28 =	vshll.u32 v30, $0x3;
	v19 =	vshra.s32 v30, $0x9;
	v14 =	vld.idx.msk [tilespmem:v14+s5+$0x0], $0xffff  }
0x1ec: {  	v18 =	vand.u32 $0x10, v18;
	v2 =	vand.u32 $0x10, v3;
	v3 =	vshll.u32 v8, $0x7;
	v15 =	vld.idx.msk [tilespmem:v15+s18+$0x0], $0xffff  }
0x1ed: {  	v13 =	vand.u32 $0x10, v13;
	v29 =	vshll.u32 v17, $0x7;
	v30 =	vshll.u32 v20, $0x7  }
0x1ee: {  	v22 =	vand.u32 $0x400, v22;
	v17 =	vshll.u32 v17, $0x8;
	v20 =	vshll.u32 v20, $0x8  }
0x1ef: {  	v21 =	vand.u32 $0x400, v21;
	v17 =	vand.u32 $0xFFFFF800, v17;
	v29 =	vand.u32 $0x380, v29  }
0x1f0: {  	v16 =	vor.u32 v16, v22;
	v21 =	vor.u32 v23, v21;
	v20 =	vand.u32 $0xFFFFF800, v20  }
0x1f1: {  	v16 =	vor.u32 v17, v16;
	v17 =	vand.u32 $0x380, v30;
	v20 =	vor.u32 v20, v21  }
0x1f2: {  	v14 =	vshrl.u32 v14, v18;
	v13 =	vshrl.u32 v15, v13;
	v15 =	vor.u32 v29, v16  }
0x1f3: {  	v14 =	vshll.u32 v14, $0x10;
	v16 =	vor.u32 v17, v20;
	v13 =	vshll.u32 v13, $0x10  }
0x1f4: {  	v18 =	vshll.u32 v11, $0x7;
	v13 =	vadd.f32 v13, v14;
	v14 =	vshll.u32 v8, $0x8  }
0x1f5: {  	v22 =	vand.u32 $0x400, v12;
	v21 =	vshll.u32 v11, $0x8;
	v20 =	vand.u32 $0x400, v7  }
0x1f6: {  	v23 =	vshll.u32 v25, $0x8;
	v25 =	vshll.u32 v25, $0x7;
	v17 =	vshll.u32 v19, $0x7;
	[tilespmem:s2+$0x1E050] =	vst v13  }
.Ltmp7:
0x1f7: {  	v26 =	vand.u32 $0x400, v26;
	v28 =	vand.u32 $0x400, v28;
	v29 =	vshll.u32 v19, $0x8;
	v11 =	vld.idx.msk [tilespmem:v15+s5+$0x0], $0xffff;
	(pc) =	sbr.rel @p0 .LBB2_7-.Ltmp7, $4  }
0x1f8: {  	v7 =	vand.u32 $0x380, v3;
	v3 =	vand.u32 $0x380, v18;
	v15 =	vand.u32 $0xFFFFF800, v14;
	v8 =	vld.idx.msk [tilespmem:v16+s18+$0x0], $0xffff  }
0x1f9: {  	v12 =	vand.u32 $0xFFFFF800, v21;
	v13 =	vor.u32 v5, v22;
	v16 =	vor.u32 v6, v20  }
0x1fa: {  	v18 =	vor.u32 v24, v26;
	v5 =	vand.u32 $0x380, v25;
	v14 =	vand.u32 $0xFFFFF800, v23;
	v6 =	vld [tilespmem:s6+$0x1A010]  }
0x1fb: {  	s7 =	sadd.s32 $0x200, s7;
	v19 =	vor.u32 v14, v18;
	v18 =	vand.u32 $0xFFFFF800, v29;
	v20 =	vor.u32 v27, v28;
	v14 =	vld [tilespmem:s6+$0x1C010]  }
0x1fc: {  	v5 =	vor.u32 v5, v19;
	v17 =	vand.u32 $0x380, v17;
	v18 =	vor.u32 v18, v20  }
0x1fd: {  	v17 =	vor.u32 v17, v18;
	_ =	sdelay $0x1  }
0x1fe: {  	v10 =	vand.u32 $0x10, v10  }
0x1ff: {  	v9 =	vand.u32 $0x10, v9;
	v32 =	vand.u32 $0x7F, v6;
	v34 =	vshra.s32 v6, $0x9  }
0x200: {  	v21 =	vshll.u32 v6, $0x3;
	v33 =	vand.u32 $0x7F, v14;
	v22 =	vshra.s32 v14, $0x9;
	v5 =	vld.idx.msk [tilespmem:v5+s5+$0x0], $0xffff  }
0x201: {  	v23 =	vshll.u32 v14, $0x3;
	v24 =	vshll.u32 v34, $0x7;
	v20 =	vshll.u32 v34, $0x8;
	v17 =	vld.idx.msk [tilespmem:v17+s18+$0x0], $0xffff  }
0x202: {  	v21 =	vand.u32 $0x400, v21;
	v25 =	vshll.u32 v22, $0x7;
	v24 =	vand.u32 $0x380, v24  }
0x203: {  	v22 =	vshll.u32 v22, $0x8;
	v20 =	vand.u32 $0xFFFFF800, v20;
	v18 =	vor.u32 v32, v21  }
0x204: {  	v35 =	vand.u32 $0x400, v23;
	v36 =	vand.u32 $0x380, v25;
	v18 =	vor.u32 v20, v18  }
0x205: {  	v37 =	vld [tilespmem:s6+$0x1A020];
	v22 =	vand.u32 $0xFFFFF800, v22;
	v19 =	vor.u32 v33, v35;
	v39 =	vor.u32 v24, v18  }
0x206: {  	v38 =	vld [tilespmem:s6+$0x1C020];
	v40 =	vor.u32 v22, v19;
	v5 =	vshrl.u32 v5, v10;
	v9 =	vshrl.u32 v17, v9  }
0x207: {  	v41 =	vor.u32 v36, v40;
	v5 =	vshll.u32 v5, $0x10;
	v9 =	vshll.u32 v9, $0x10  }
0x208: {  	v42 =	vshrl.u32 v6, $0x4;
	v9 =	vadd.f32 v9, v5  }
0x209: {  	v43 =	vshrl.u32 v14, $0x4;
	v6 =	vand.u32 $0x10, v42  }
0x20a: {  	v44 =	vand.u32 $0x7F, v37;
	v45 =	vshra.s32 v37, $0x9;
	v46 =	vshll.u32 v37, $0x3;
	[tilespmem:s6+$0x1E000] =	vst v9  }
0x20b: {  	v47 =	vand.u32 $0x7F, v38;
	v48 =	vshra.s32 v38, $0x9;
	v49 =	vshll.u32 v38, $0x3;
	v10 =	vld.idx.msk [tilespmem:v39+s5+$0x0], $0xffff  }
0x20c: {  	v14 =	vand.u32 $0x10, v43;
	v50 =	vshll.u32 v45, $0x7;
	v26 =	vshll.u32 v48, $0x7;
	v17 =	vld.idx.msk [tilespmem:v41+s18+$0x0], $0xffff  }
0x20d: {  	v23 =	vshll.u32 v48, $0x8;
	v19 =	vand.u32 $0x400, v46;
	v25 =	vand.u32 $0x380, v50  }
0x20e: {  	v24 =	vand.u32 $0x400, v49;
	v51 =	vand.u32 $0xFFFFF800, v23;
	v9 =	vshll.u32 v45, $0x8  }
0x20f: {  	v52 =	vld [tilespmem:s6+$0x1A030];
	v18 =	vor.u32 v44, v19;
	v22 =	vor.u32 v47, v24;
	v9 =	vand.u32 $0xFFFFF800, v9  }
0x210: {  	v54 =	vld [tilespmem:s6+$0x1C030];
	v53 =	vand.u32 $0x380, v26;
	v19 =	vor.u32 v51, v22;
	v9 =	vor.u32 v9, v18  }
0x211: {  	v55 =	vor.u32 v25, v9;
	v10 =	vshrl.u32 v10, v6;
	v14 =	vshrl.u32 v17, v14  }
0x212: {  	v18 =	vor.u32 v53, v19;
	v10 =	vshll.u32 v10, $0x10;
	v14 =	vshll.u32 v14, $0x10  }
0x213: {  	v15 =	vor.u32 v15, v16;
	v14 =	vadd.f32 v14, v10  }
0x214: {  	v56 =	vshrl.u32 v37, $0x4;
	v57 =	vshrl.u32 v38, $0x4;
	v58 =	vand.u32 $0x7F, v52  }
0x215: {  	v59 =	vshra.s32 v52, $0x9;
	v60 =	vshll.u32 v52, $0x3;
	v61 =	vand.u32 $0x7F, v54;
	[tilespmem:s6+$0x1E010] =	vst v14  }
0x216: {  	v62 =	vshra.s32 v54, $0x9;
	v63 =	vshll.u32 v54, $0x3;
	v16 =	vand.u32 $0x10, v56;
	v17 =	vld.idx.msk [tilespmem:v55+s5+$0x0], $0xffff  }
0x217: {  	v27 =	vshll.u32 v59, $0x7;
	v28 =	vshll.u32 v62, $0x7;
	v21 =	vand.u32 $0x400, v60;
	v18 =	vld.idx.msk [tilespmem:v18+s18+$0x0], $0xffff  }
0x218: {  	v27 =	vand.u32 $0x380, v27;
	v26 =	vand.u32 $0x400, v63;
	v20 =	vor.u32 v58, v21  }
0x219: {  	v34 =	vld [tilespmem:s6+$0x1C040];
	v33 =	vand.u32 $0x380, v28;
	v25 =	vshll.u32 v62, $0x8;
	v14 =	vshll.u32 v59, $0x8  }
0x21a: {  	v32 =	vld [tilespmem:s6+$0x1A040];
	v24 =	vor.u32 v61, v26;
	v31 =	vand.u32 $0xFFFFF800, v25;
	v14 =	vand.u32 $0xFFFFF800, v14  }
0x21b: {  	v19 =	vand.u32 $0x10, v57;
	v21 =	vor.u32 v31, v24;
	v14 =	vor.u32 v14, v20  }
0x21c: {  	v14 =	vor.u32 v27, v14;
	v16 =	vshrl.u32 v17, v16;
	v35 =	vshrl.u32 v18, v19  }
0x21d: {  	v36 =	vor.u32 v33, v21;
	v16 =	vshll.u32 v16, $0x10;
	v17 =	vshll.u32 v35, $0x10  }
0x21e: {  	v12 =	vor.u32 v12, v13;
	v4 =	vshrl.u32 v11, v4;
	v37 =	vadd.f32 v17, v16  }
0x21f: {  	v40 =	vshrl.u32 v54, $0x4;
	v44 =	vand.u32 $0x7F, v34;
	v42 =	vshra.s32 v32, $0x9  }
0x220: {  	v46 =	vshll.u32 v34, $0x3;
	v43 =	vshll.u32 v32, $0x3;
	v11 =	vshll.u32 v42, $0x8;
	[tilespmem:s6+$0x1E020] =	vst v37  }
0x221: {  	v23 =	vand.u32 $0x400, v46;
	v47 =	vshll.u32 v42, $0x7;
	v11 =	vand.u32 $0xFFFFF800, v11;
	v14 =	vld.idx.msk [tilespmem:v14+s5+$0x0], $0xffff  }
0x222: {  	v26 =	vand.u32 $0x380, v47;
	v45 =	vshra.s32 v34, $0x9;
	v39 =	vshrl.u32 v52, $0x4;
	v18 =	vld.idx.msk [tilespmem:v36+s18+$0x0], $0xffff  }
0x223: {  	v41 =	vand.u32 $0x7F, v32;
	v48 =	vshll.u32 v45, $0x7;
	v22 =	vshll.u32 v45, $0x8  }
0x224: {  	v49 =	vand.u32 $0xFFFFF800, v22;
	v21 =	vor.u32 v44, v23;
	v20 =	vand.u32 $0x400, v43  }
0x225: {  	v38 =	vld [tilespmem:s6+$0x1A050];
	v51 =	vand.u32 $0x380, v48;
	v19 =	vor.u32 v41, v20;
	v20 =	vor.u32 v49, v21  }
0x226: {  	v50 =	vld [tilespmem:s6+$0x1C050];
	v11 =	vor.u32 v11, v19;
	v16 =	vand.u32 $0x10, v39;
	v17 =	vand.u32 $0x10, v40  }
0x227: {  	v11 =	vor.u32 v26, v11;
	v14 =	vshrl.u32 v14, v16;
	v52 =	vshrl.u32 v18, v17  }
0x228: {  	v53 =	vor.u32 v51, v20;
	v14 =	vshll.u32 v14, $0x10;
	v16 =	vshll.u32 v52, $0x10  }
0x229: {  	v2 =	vshrl.u32 v8, v2;
	v56 =	vshrl.u32 v34, $0x4;
	v54 =	vadd.f32 v16, v14  }
0x22a: {  	v7 =	vor.u32 v7, v15;
	v58 =	vshra.s32 v38, $0x9;
	v15 =	vand.u32 $0x10, v56  }
0x22b: {  	v63 =	vshll.u32 v58, $0x7;
	v8 =	vshll.u32 v58, $0x8;
	v61 =	vshra.s32 v50, $0x9;
	[tilespmem:s6+$0x1E030] =	vst v54  }
0x22c: {  	v60 =	vand.u32 $0x7F, v50;
	v8 =	vand.u32 $0xFFFFF800, v8;
	v28 =	vshll.u32 v61, $0x7;
	v11 =	vld.idx.msk [tilespmem:v11+s5+$0x0], $0xffff  }
0x22d: {  	v30 =	vand.u32 $0x380, v28;
	v57 =	vand.u32 $0x7F, v38;
	v62 =	vshll.u32 v50, $0x3;
	v17 =	vld.idx.msk [tilespmem:v53+s18+$0x0], $0xffff  }
0x22e: {  	v23 =	vand.u32 $0x380, v63;
	v59 =	vshll.u32 v38, $0x3;
	v55 =	vshrl.u32 v32, $0x4  }
0x22f: {  	v21 =	vand.u32 $0x400, v62;
	v20 =	vshll.u32 v61, $0x8;
	v18 =	vand.u32 $0x400, v59  }
0x230: {  	v10 =	vld [tilespmem:s6+$0x1C060];
	v19 =	vor.u32 v60, v21;
	v29 =	vand.u32 $0xFFFFF800, v20;
	v16 =	vor.u32 v57, v18  }
0x231: {  	v9 =	vld [tilespmem:s6+$0x1A060];
	v14 =	vand.u32 $0x10, v55;
	v18 =	vor.u32 v29, v19;
	v8 =	vor.u32 v8, v16  }
0x232: {  	v8 =	vor.u32 v23, v8;
	v11 =	vshrl.u32 v11, v14;
	v31 =	vshrl.u32 v17, v15  }
0x233: {  	v32 =	vor.u32 v30, v18;
	v11 =	vshll.u32 v11, $0x10;
	v14 =	vshll.u32 v31, $0x10  }
0x234: {  	v4 =	vshll.u32 v4, $0x10;
	v13 =	vshrl.u32 v38, $0x4;
	v11 =	vadd.f32 v14, v11  }
0x235: {  	v2 =	vshll.u32 v2, $0x10;
	v13 =	vand.u32 $0x10, v13;
	v38 =	vshra.s32 v10, $0x9  }
0x236: {  	v33 =	vshrl.u32 v50, $0x4;
	v41 =	vshll.u32 v38, $0x7;
	v35 =	vshra.s32 v9, $0x9;
	[tilespmem:s6+$0x1E040] =	vst v11  }
0x237: {  	v34 =	vand.u32 $0x7F, v9;
	v43 =	vand.u32 $0x380, v41;
	v40 =	vshll.u32 v35, $0x7;
	v8 =	vld.idx.msk [tilespmem:v8+s5+$0x0], $0xffff  }
0x238: {  	v39 =	vshll.u32 v10, $0x3;
	v21 =	vand.u32 $0x380, v40;
	v36 =	vshll.u32 v9, $0x3;
	v15 =	vld.idx.msk [tilespmem:v32+s18+$0x0], $0xffff  }
0x239: {  	v20 =	vand.u32 $0x400, v39;
	v18 =	vand.u32 $0x400, v36;
	v17 =	vshll.u32 v35, $0x8  }
0x23a: {  	v37 =	vand.u32 $0x7F, v10;
	v16 =	vor.u32 v34, v18;
	v17 =	vand.u32 $0xFFFFF800, v17  }
0x23b: {  	v6 =	vld [tilespmem:s6+$0x1C070];
	v42 =	vor.u32 v37, v20;
	v16 =	vor.u32 v17, v16;
	v11 =	vshll.u32 v38, $0x8  }
0x23c: {  	v5 =	vld [tilespmem:s6+$0x1A070];
	v14 =	vand.u32 $0x10, v33;
	v45 =	vor.u32 v21, v16;
	v11 =	vand.u32 $0xFFFFF800, v11  }
0x23d: {  	v11 =	vor.u32 v11, v42;
	v8 =	vshrl.u32 v8, v13;
	v44 =	vshrl.u32 v15, v14  }
0x23e: {  	v11 =	vor.u32 v43, v11;
	v8 =	vshll.u32 v8, $0x10;
	v13 =	vshll.u32 v44, $0x10  }
0x23f: {  	v3 =	vor.u32 v3, v12;
	v2 =	vadd.f32 v2, v4;
	v46 =	vadd.f32 v13, v8  }
0x240: {  	v47 =	vshrl.u32 v9, $0x4;
	v50 =	vand.u32 $0x7F, v6;
	v48 =	vshrl.u32 v10, $0x4  }
0x241: {  	v49 =	vand.u32 $0x7F, v5;
	v51 =	vshra.s32 v5, $0x9;
	v9 =	vand.u32 $0x10, v48;
	[tilespmem:s6+$0x1E050] =	vst v46  }
0x242: {  	v52 =	vshll.u32 v5, $0x3;
	v55 =	vshll.u32 v51, $0x7;
	v53 =	vshra.s32 v6, $0x9;
	v14 =	vld.idx.msk [tilespmem:v45+s5+$0x0], $0xffff  }
0x243: {  	v54 =	vshll.u32 v6, $0x3;
	v56 =	vshll.u32 v53, $0x7;
	v4 =	vshll.u32 v53, $0x8;
	v11 =	vld.idx.msk [tilespmem:v11+s18+$0x0], $0xffff  }
0x244: {  	v4 =	vand.u32 $0xFFFFF800, v4;
	v57 =	vand.u32 $0x380, v56;
	v17 =	vand.u32 $0x380, v55  }
0x245: {  	v16 =	vand.u32 $0x400, v54;
	v15 =	vand.u32 $0x400, v52;
	v13 =	vshll.u32 v51, $0x8  }
0x246: {  	v12 =	vor.u32 v50, v16;
	v10 =	vor.u32 v49, v15;
	v13 =	vand.u32 $0xFFFFF800, v13  }
0x247: {  	v4 =	vor.u32 v4, v12;
	v8 =	vand.u32 $0x10, v47;
	v10 =	vor.u32 v13, v10  }
0x248: {  	v10 =	vor.u32 v17, v10;
	v8 =	vshrl.u32 v14, v8;
	v9 =	vshrl.u32 v11, v9  }
0x249: {  	v4 =	vor.u32 v57, v4;
	v8 =	vshll.u32 v8, $0x10;
	v9 =	vshll.u32 v9, $0x10  }
0x24a: {  	[tilespmem:s2+$0x1E060] =	vst v2;
	v58 =	vadd.f32 v9, v8  }
0x24b: {  	v7 =	vld.idx.msk [tilespmem:v7+s5+$0x0], $0xffff  }
0x24c: {  	v3 =	vld.idx.msk [tilespmem:v3+s18+$0x0], $0xffff;
	[tilespmem:s6+$0x1E060] =	vst v58  }
0x24d: {  	v2 =	vld.idx.msk [tilespmem:v10+s5+$0x0], $0xffff  }
0x24e: {  	v4 =	vld.idx.msk [tilespmem:v4+s18+$0x0], $0xffff  }
0x24f: {  	v0 =	vand.u32 $0x10, v0  }
0x250: {  	v1 =	vand.u32 $0x10, v1;
	v0 =	vshrl.u32 v7, v0  }
0x251: {  	v1 =	vshrl.u32 v3, v1;
	v60 =	vshrl.u32 v6, $0x4;
	v59 =	vshrl.u32 v5, $0x4  }
0x252: {  	v0 =	vshll.u32 v0, $0x10;
	v3 =	vand.u32 $0x10, v59;
	v5 =	vand.u32 $0x10, v60  }
0x253: {  	v1 =	vshll.u32 v1, $0x10;
	v2 =	vshrl.u32 v2, v3;
	v61 =	vshrl.u32 v4, v5  }
0x254: {  	v0 =	vadd.f32 v1, v0;
	v62 =	vshll.u32 v2, $0x10;
	v63 =	vshll.u32 v61, $0x10  }
0x255: {  	p0 =	sgt.u32 s31, $0x16;
	v1 =	vadd.f32 v63, v62  }
0x256: {  	s22 =	sshll.u32 s21, $0x4;
	s0 =	sadd.s32 @!p0 s0, s15;
	[tilespmem:s2+$0x1E070] =	vst v0  }
0x257: {  	s0 =	smin.u32 @!p0 s0, s9;
	s2 =	sadd.s32 s4, s22;
	[tilespmem:s6+$0x1E070] =	vst v1  }
0x258: {  	[hbm4b:s2+s5] =	stream.linear.scatter [tilespmem:s29], [sflag:$0x4], $0x1000, $0x38;
	[tilespmem:$0x1F000] =	vst v63  }
.Ltmp8:
0x259: {  	s0 =	sshll.u32 @!p0 s0, $0x4;
	(pc) =	sbr.rel .LBB2_9-.Ltmp8, $4  }
0x25a: {  	s7 =	simm.s32 @!p0 $0x1A000;
	s6 =	simm.s32 @!p0 $0x0;
	s2 =	sadd.s32 @!p0 s1, s0  }
0x25b: {  	[tilespmem:s7], [sflag:$0x2] =	stream.linear.gather @!p0 [hbm4b:s2+s6], $0x1000, $0x38;
	[tilespmem:$0x1F000] =	vst v63  }
0x25c: {  	s0 =	sadd.s32 @!p0 s3, s0;
	s2 =	simm.s32 @!p0 $0x1C000  }
0x25d: {  	[tilespmem:s2], [sflag:$0x2] =	stream.linear.gather @!p0 [hbm4b:s0+s6], $0x1000, $0x38;
	[tilespmem:$0x1F000] =	vst v63  }
.LBB2_11:
0x25e: {  	_ =	sfence.sel $0x180000  }
0x25f: {  	[bflag:$0x0] =	sbarrier.arrive $0xFFFF  }
0x260: {  	_ =	strace $0x90000047  }
0x261: {  	s0 =	stileid.u32;
	[bflag:$0x2] =	sbarrier.arrive $0xFFFF  }
0x262: {  	p0 =	sne.s32 s0, $0x0;
	s0 =	rddreg [dreg:$0x4]  }
0x263: {  	s0 =	sadd.s32 @!p0 $0x100000, s0  }
0x264: {  	[sflag:s0] =	ssyncadd.tile.s32 @!p0 $0x1;
	_ =	shalt  }
.Lfunc_end2:
_tile_overlayer_lowered:
.L_overlay_start_2:
0x265: {  	(tag) =	ssettag $0x2  }
0x266: {  	s0 =	rddreg [dreg:$0x0];
	s2 =	stileid.u32  }
0x267: {  	s1 =	rddreg [dreg:$0x1];
	p0 =	sne.s32 s2, $0x0  }
0x268: {  	s3 =	rddreg [dreg:$0x2];
	[bflag:$0x3] =	sbarrier.arrive $0xFFFF;
	s2 =	simm.s32 @!p0 $0x1C05  }
0x269: {  	[timem:s3], [sflag:s2] =	dma.local @!p0 [hbm:s0], s1  }
0x26a: {  	s0 =	simm.s32 @!p0 $0x5  }
0x26b: {  	_ =	swait.ge @!p0 [sflag:s0], s1  }
0x26c: {  	s1 =	ssub.s32 @!p0 $0x0, s1;
	[sflag:s0] =	ssyncset.done @!p0 $0x0  }
0x26d: {  	[sflag:s0] =	ssyncadd.s32 @!p0 s1  }
0x26e: {  	[bflag:$0x3] =	sbarrier.arrive $0xFFFF  }
0x26f: {  	_ =	shalt  }

</sc_bundles>
